<compile_context>
chip_gen: v7x
topology: tpu7x:2x2x1
jax: 0.10.2.dev20260603
libtpu: 0.0.44.dev20260713+nightly
codegen_flags: <defaults>
</compile_context>

<pallas_src>
import dataclasses
import functools

import jax
import jax.numpy as jnp
from jax import lax
from jax.experimental import pallas as pl
from jax.experimental.pallas import tpu as pltpu
from jax.experimental.pallas import tpu_sc as plsc

NUM_LEVELS = 32
LEVEL_DIM = 2
LOG2_HASHMAP = 19
T = 2 ** LOG2_HASHMAP
P1 = 2654435761
P2 = 805459861
N_POINTS = 262144

NUM_CORES = 2
NUM_SUBCORES = 16
NUM_WORKERS = NUM_CORES * NUM_SUBCORES
PTS_PER_WORKER = N_POINTS // NUM_WORKERS
CHUNK = 512
NCHUNKS = PTS_PER_WORKER // CHUNK
ROWS = 8 * CHUNK
LANES = 16
NBLK = NUM_LEVELS * T // 8
NBLK8 = NUM_LEVELS * T // 4

MLP_BLOCK = 2048


def _mesh_and_params():
    mesh = plsc.VectorSubcoreMesh(
        core_axis_name="c", subcore_axis_name="s",
        num_cores=NUM_CORES, num_subcores=NUM_SUBCORES)
    cp = pltpu.CompilerParams()
    if "needs_layout_passes" in pltpu.CompilerParams.__dataclass_fields__:
        cp = dataclasses.replace(cp, needs_layout_passes=False)
    cp = dataclasses.replace(cp, use_tc_tiling_on_sc=False)
    return mesh, cp


REL_ROWS = 1024


def _sc_relayout(tabn):
    mesh, cp = _mesh_and_params()
    per_tile = NBLK // NUM_WORKERS
    nchunks = per_tile // REL_ROWS

    @functools.partial(
        pl.kernel,
        out_type=jax.ShapeDtypeStruct((NBLK8, 8), jnp.float32),
        mesh=mesh,
        scratch_types=[
            pltpu.VMEM((REL_ROWS, 16), jnp.float32),
            pltpu.VMEM((REL_ROWS, 16), jnp.float32),
            pltpu.VMEM((REL_ROWS * 2, 8), jnp.float32),
            pltpu.VMEM((REL_ROWS * 2, 8), jnp.float32),
            pltpu.SemaphoreType.DMA,
            pltpu.SemaphoreType.DMA,
            pltpu.SemaphoreType.DMA,
            pltpu.SemaphoreType.DMA,
        ],
        compiler_params=cp,
    )
    def rel_kernel(tn_hbm, ti_hbm, nbuf0, nbuf1, ibuf0, ibuf1, isem0, isem1,
                   osem0, osem1):
        cid = lax.axis_index("c")
        sid = lax.axis_index("s")
        wid = sid * NUM_CORES + cid
        base_w = wid * per_tile
        lanes = lax.iota(jnp.int32, LANES)
        row_off = lanes >> 2
        lane_off = (lanes * 2) & 7
        nbufs = (nbuf0, nbuf1)
        ibufs = (ibuf0, ibuf1)
        isems = (isem0, isem1)
        osems = (osem0, osem1)

        def src(c):
            return tn_hbm.at[pl.ds(base_w + c * REL_ROWS, REL_ROWS)]

        def dst(c):
            return ti_hbm.at[pl.ds((base_w + c * REL_ROWS) * 2,
                                   REL_ROWS * 2)]

        pltpu.async_copy(src(0), nbuf0, isem0)

        @pl.loop(0, nchunks // 2)
        def _chunk(cc):
            for par in range(2):
                c = cc * 2 + par
                nbuf, ibuf = nbufs[par], ibufs[par]

                @pl.when(c + 1 <= nchunks - 1)
                def _():
                    pltpu.async_copy(src(c + 1), nbufs[1 - par],
                                     isems[1 - par])

                pltpu.make_async_copy(src(c), nbuf, isems[par]).wait()

                @pl.when(c >= 2)
                def _():
                    pltpu.make_async_copy(ibuf, dst(c), osems[par]).wait()

                @pl.loop(0, REL_ROWS // 16)
                def _grp(g):
                    for f in range(2):
                        for k in range(8):
                            v = nbuf[g * 16 + f * 8 + k, :]
                            plsc.store_scatter(
                                ibuf,
                                [g * 32 + 4 * k + row_off, lane_off + f], v)

                pltpu.async_copy(ibuf, dst(c), osems[par])

        for par in range(2):
            pltpu.make_async_copy(ibufs[par], dst(nchunks - 2 + par),
                                  osems[par]).wait()

    return rel_kernel(tabn)


def _sc_encode(xt, tabflat):
    mesh, cp = _mesh_and_params()

    @functools.partial(
        pl.kernel,
        out_type=jax.ShapeDtypeStruct((NUM_LEVELS * LEVEL_DIM, N_POINTS),
                                      jnp.float32),
        mesh=mesh,
        scratch_types=[
            pltpu.VMEM((3, CHUNK), jnp.float32),
            pltpu.VMEM((ROWS,), jnp.int32),
            pltpu.VMEM((ROWS,), jnp.int32),
            pltpu.VMEM((ROWS,), jnp.int32),
            pltpu.VMEM((ROWS,), jnp.int32),
            pltpu.VMEM((ROWS,), jnp.float32),
            pltpu.VMEM((ROWS,), jnp.float32),
            pltpu.VMEM((ROWS, 8), jnp.float32),
            pltpu.VMEM((ROWS, 8), jnp.float32),
            pltpu.VMEM((LEVEL_DIM, CHUNK), jnp.float32),
            pltpu.VMEM((LEVEL_DIM, CHUNK), jnp.float32),
            pltpu.SemaphoreType.DMA,
            pltpu.SemaphoreType.DMA,
            pltpu.SemaphoreType.DMA,
            pltpu.SemaphoreType.DMA,
        ],
        compiler_params=cp,
    )
    def enc_kernel(xt_hbm, tab_hbm, enc_hbm, xyz, idxb0, idxb1, laneb0,
                   laneb1, wb0, wb1, gb0, gb1, encst0, encst1, gsem0, gsem1,
                   esem0, esem1):
        cid = lax.axis_index("c")
        sid = lax.axis_index("s")
        wid = sid * NUM_CORES + cid
        base_w = wid * PTS_PER_WORKER
        lanes = lax.iota(jnp.int32, LANES)
        idxbs = (idxb0, idxb1)
        lanebs = (laneb0, laneb1)
        wbs = (wb0, wb1)
        gbs = (gb0, gb1)
        encsts = (encst0, encst1)
        gsems = (gsem0, gsem1)
        esems = (esem0, esem1)

        def hash_fire(l, par):
            idxb, laneb, wb, gb = idxbs[par], lanebs[par], wbs[par], gbs[par]
            lt8 = l * (T // 4)
            scale = lax.bitcast_convert_type(
                jnp.full((LANES,), (l + 127) << 23, jnp.int32), jnp.float32)
            @plsc.parallel_loop(0, CHUNK, step=LANES)
            def _grp(p):
                xv = xyz[0, pl.ds(p, LANES)]
                yv = xyz[1, pl.ds(p, LANES)]
                zv = xyz[2, pl.ds(p, LANES)]
                px = xv * scale
                py = yv * scale
                pz = zv * scale
                ix = px.astype(jnp.uint32)
                iy = py.astype(jnp.uint32)
                iz = pz.astype(jnp.uint32)
                fx = px - ix.astype(jnp.float32)
                fy = py - iy.astype(jnp.float32)
                fz = pz - iz.astype(jnp.float32)
                one = jnp.float32(1.0)
                wxs = (one - fx, fx)
                wys = (one - fy, fy)
                wzs = (one - fz, fz)
                hx = (ix, ix + jnp.uint32(1))
                hy0 = iy * jnp.uint32(P1)
                hys = (hy0, hy0 + jnp.uint32(P1))
                hz0 = iz * jnp.uint32(P2)
                hzs = (hz0, hz0 + jnp.uint32(P2))
                for corner in range(8):
                    bx = corner & 1
                    by = (corner >> 1) & 1
                    bz = (corner >> 2) & 1
                    h = hx[bx] ^ hys[by] ^ hzs[bz]
                    hm = lax.bitcast_convert_type(
                        h & jnp.uint32(T - 1), jnp.int32)
                    w = (wxs[bx] * wys[by]) * wzs[bz]
                    row = corner * CHUNK + p
                    idxb[pl.ds(row, LANES)] = (hm >> 2) + lt8
                    laneb[pl.ds(row, LANES)] = (hm & 3) * 2
                    wb[pl.ds(row, LANES)] = w

            pltpu.async_copy(tab_hbm.at[idxb], gb, gsems[par])

        def acc_write(l, par, base):
            idxb, laneb, wb, gb = idxbs[par], lanebs[par], wbs[par], gbs[par]
            encst = encsts[par]
            enc_dst = enc_hbm.at[pl.ds(l * LEVEL_DIM, LEVEL_DIM),
                                 pl.ds(base, CHUNK)]
            @pl.when(l >= 2)
            def _():
                pltpu.make_async_copy(encst, enc_dst, esems[par]).wait()

            pltpu.make_async_copy(tab_hbm.at[idxb], gb, gsems[par]).wait()

            @plsc.parallel_loop(0, CHUNK, step=LANES)
            def _acc(p):
                acc0 = jnp.zeros((LANES,), jnp.float32)
                acc1 = jnp.zeros((LANES,), jnp.float32)
                for corner in range(8):
                    row = corner * CHUNK + p
                    rows = row + lanes
                    w = wb[pl.ds(row, LANES)]
                    lv = laneb[pl.ds(row, LANES)]
                    g0 = plsc.load_gather(gb, [rows, lv])
                    g1 = plsc.load_gather(gb, [rows, lv + 1])
                    acc0 = acc0 + w * g0
                    acc1 = acc1 + w * g1
                encst[0, pl.ds(p, LANES)] = acc0
                encst[1, pl.ds(p, LANES)] = acc1

            pltpu.async_copy(encst, enc_dst, esems[par])

        @pl.loop(0, NCHUNKS)
        def _chunk(ci):
            base = base_w + ci * CHUNK
            pltpu.sync_copy(xt_hbm.at[pl.ds(0, 3), pl.ds(base, CHUNK)], xyz)
            hash_fire(jnp.int32(0), 0)

            @pl.loop(0, NUM_LEVELS // 2)
            def _lp(lp):
                l0 = lp * 2
                hash_fire(l0 + 1, 1)
                acc_write(l0, 0, base)

                @pl.when(lp <= NUM_LEVELS // 2 - 2)
                def _():
                    hash_fire(l0 + 2, 0)

                acc_write(l0 + 1, 1, base)

            for par in range(2):
                l_last = NUM_LEVELS - 2 + par
                enc_dst = enc_hbm.at[pl.ds(l_last * LEVEL_DIM, LEVEL_DIM),
                                     pl.ds(base, CHUNK)]
                pltpu.make_async_copy(encsts[par], enc_dst,
                                      esems[par]).wait()

    return enc_kernel(xt, tabflat)


def _mlp_body(enc_ref, w0_ref, b0_ref, w1_ref, b1_ref, w2_ref, b2_ref,
              out_ref):
    e = enc_ref[...]
    dn = (((0,), (0,)), ((), ()))
    h0 = lax.dot_general(w0_ref[...], e, dn,
                         preferred_element_type=jnp.float32) + b0_ref[...]
    h0 = jnp.maximum(h0, 0.0)
    h1 = lax.dot_general(w1_ref[...], h0, dn,
                         preferred_element_type=jnp.float32) + b1_ref[...]
    h1 = jnp.maximum(h1, 0.0)
    out_ref[...] = lax.dot_general(w2_ref[...], h1, dn,
                                   preferred_element_type=jnp.float32) \
        + b2_ref[...]


def _tc_mlp(enc, W0, b0, W1, b1, W2, b2):
    n = enc.shape[1]
    grid = (n // MLP_BLOCK,)
    return pl.pallas_call(
        _mlp_body,
        grid=grid,
        in_specs=[
            pl.BlockSpec((enc.shape[0], MLP_BLOCK), lambda i: (0, i)),
            pl.BlockSpec(W0.shape, lambda i: (0, 0)),
            pl.BlockSpec((128, 1), lambda i: (0, 0)),
            pl.BlockSpec(W1.shape, lambda i: (0, 0)),
            pl.BlockSpec((128, 1), lambda i: (0, 0)),
            pl.BlockSpec(W2.shape, lambda i: (0, 0)),
            pl.BlockSpec((1, 1), lambda i: (0, 0)),
        ],
        out_specs=pl.BlockSpec((1, MLP_BLOCK), lambda i: (0, i)),
        out_shape=jax.ShapeDtypeStruct((1, n), jnp.float32),
    )(enc, W0, b0.reshape(128, 1), W1, b1.reshape(128, 1), W2,
      b2.reshape(1, 1))


@jax.jit
def kernel(x, table, W0, b0, W1, b1, W2, b2):
    xt = x.T
    tabn = (table.reshape(NUM_LEVELS, T // 128, 128, LEVEL_DIM)
            .transpose(0, 1, 3, 2).reshape(NBLK, 16))
    tabflat = _sc_relayout(tabn)
    enc = _sc_encode(xt, tabflat)
    out = _tc_mlp(enc, W0, b0, W1, b1, W2, b2)
    return out.reshape(-1, 1)

# --- scband reference (transcript-rebuilt; emitter-appended) ---
"""Pipeline reference for scband-hash-mlpmodel-74629351735872 (READ-ONLY COPY).

The authoritative reference and input builder live on the scoring server;
editing this copy changes nothing except your own understanding.
"""

import jax, jax.numpy as jnp
import numpy as np

NUM_LEVELS = 32
LEVEL_DIM = 2
BASE_RES = 1.0
PER_LEVEL_SCALE = 2.0
LOG2_HASHMAP = 19
T = 2 ** LOG2_HASHMAP
PRIMES = np.array([1, 2654435761, 805459861], dtype=np.uint32)
N_POINTS = 262144


def hash_encode(x, table):
    # instant-NGP style multiresolution hash grid, 3D, trilinear interp
    outs = []
    n = x.shape[0]
    for l in range(NUM_LEVELS):
        scale = BASE_RES * (PER_LEVEL_SCALE ** l)
        pos = x * scale
        pos_floor = jnp.floor(pos)
        frac = pos - pos_floor
        pos0 = pos_floor.astype(jnp.uint32)
        feat = jnp.zeros((n, LEVEL_DIM), dtype=x.dtype)
        for corner in range(8):
            offs = np.array([(corner >> d) & 1 for d in range(3)], dtype=np.uint32)
            coord = pos0 + jnp.asarray(offs, dtype=jnp.uint32)[None, :]
            h = (coord[:, 0] * jnp.uint32(PRIMES[0])) ^ (coord[:, 1] * jnp.uint32(PRIMES[1])) ^ (coord[:, 2] * jnp.uint32(PRIMES[2]))
            idx = (h % jnp.uint32(T)).astype(jnp.int32)
            w = jnp.prod(jnp.where(jnp.asarray(offs, dtype=jnp.float32)[None, :] == 1.0, frac, 1.0 - frac), axis=1)
            feat = feat + w[:, None] * jnp.take(table[l], idx, axis=0)
        outs.append(feat)
    return jnp.concatenate(outs, axis=-1)


def setup_inputs(seed: int = 0) -> dict:
    key = jax.random.key(seed)
    k1, k2, k3, k4, k5 = jax.random.split(key, 5)
    x = jax.random.uniform(k1, (N_POINTS, 3), dtype=jnp.float32)
    table = jax.random.uniform(k2, (NUM_LEVELS, T, LEVEL_DIM), minval=-1e-4, maxval=1e-4, dtype=jnp.float32)
    in_dim = NUM_LEVELS * LEVEL_DIM  # 64
    W0 = jax.random.normal(k3, (in_dim, 128), dtype=jnp.float32) * (1.0 / np.sqrt(in_dim))
    b0 = jnp.zeros((128,), dtype=jnp.float32)
    W1 = jax.random.normal(k4, (128, 128), dtype=jnp.float32) * (1.0 / np.sqrt(128))
    b1 = jnp.zeros((128,), dtype=jnp.float32)
    W2 = jax.random.normal(k5, (128, 1), dtype=jnp.float32) * (1.0 / np.sqrt(128))
    b2 = jnp.zeros((1,), dtype=jnp.float32)
    return {"x": x, "table": table, "W0": W0, "b0": b0, "W1": W1, "b1": b1, "W2": W2, "b2": b2}


def reference(x, table, W0, b0, W1, b1, W2, b2):
    enc = hash_encode(x, table)
    h = jax.nn.relu(enc @ W0 + b0)
    h = jax.nn.relu(h @ W1 + b1)
    out = h @ W2 + b2
    return out

if __name__ == "__main__":
    import jax
    _d = setup_inputs()
    print(jax.jit(kernel)(*tuple(_d.values())))

</pallas_src>

<mosaic_0001>
#map = affine_map<(d0, d1) -> (0, 0)>
module attributes {stable_mosaic.version = 14 : i64} {
  func.func @rel_kernel(%arg0: i32, %arg1: i32, %arg2: memref<2097152x16xf32, #tpu.memory_space<hbm>>, %arg3: memref<4194304x8xf32, #tpu.memory_space<hbm>>, %arg4: memref<1024x16xf32, #tpu.memory_space<vmem>>, %arg5: memref<1024x16xf32, #tpu.memory_space<vmem>>, %arg6: memref<2048x8xf32, #tpu.memory_space<vmem>>, %arg7: memref<2048x8xf32, #tpu.memory_space<vmem>>, %arg8: memref<!tpu.dma_semaphore, #tpu.memory_space<semaphore_mem>>, %arg9: memref<!tpu.dma_semaphore, #tpu.memory_space<semaphore_mem>>, %arg10: memref<!tpu.dma_semaphore, #tpu.memory_space<semaphore_mem>>, %arg11: memref<!tpu.dma_semaphore, #tpu.memory_space<semaphore_mem>>) attributes {dimension_semantics = [#tpu.dimension_semantics<core_parallel>, #tpu.dimension_semantics<subcore_parallel>], iteration_bounds = array<i64: 2, 16>, scalar_prefetch = 0 : i64, scratch_operands = 8 : i64, tpu.core_type = #tpu.core_type<sc_vector_subcore>, window_params = [{transform_indices = #map}, {transform_indices = #map}]} {
    %mul3A = arith.constant 2 : i32
    %mul3A_0 = arith.muli %arg1, %mul3A : i32
    %add3A = arith.addi %mul3A_0, %arg0 : i32
    %mul3A_1 = arith.constant 65536 : i32
    %mul3A_2 = arith.muli %add3A, %mul3A_1 : i32
    %iota3A = tpu.iota {dimensions = array<i32: 0>} : vector<16xi32>
    %shift_right_arithmetic3A = arith.constant 2 : i32
    %shift_right_arithmetic3A_3 = vector.broadcast %shift_right_arithmetic3A : i32 to vector<16xi32>
    %shift_right_arithmetic3A_4 = arith.shrsi %iota3A, %shift_right_arithmetic3A_3 : vector<16xi32>
    %mul3A_5 = arith.constant 2 : i32
    %mul3A_6 = vector.broadcast %mul3A_5 : i32 to vector<16xi32>
    %mul3A_7 = arith.muli %iota3A, %mul3A_6 : vector<16xi32>
    %and3A = arith.constant 7 : i32
    %and3A_8 = vector.broadcast %and3A : i32 to vector<16xi32>
    %and3A_9 = arith.andi %mul3A_7, %and3A_8 : vector<16xi32>
    %add3A_10 = arith.constant 0 : i32
    %add3A_11 = arith.addi %mul3A_2, %add3A_10 : i32
    %dma_start3A = arith.constant 0 : i32
    %dma_start3A_12 = tpu.memref_slice %arg2[%add3A_11, %dma_start3A] : memref<2097152x16xf32, #tpu.memory_space<hbm>> -> memref<1024x16xf32, #tpu.memory_space<hbm>>
    %dma_start3A_13 = arith.constant 0 : i32
    %dma_start3A_14 = tpu.memref_slice %arg2[%add3A_11, %dma_start3A_13] : memref<2097152x16xf32, #tpu.memory_space<hbm>> -> memref<1024x16xf32, #tpu.memory_space<hbm>>
    tpu.enqueue_dma source(%dma_start3A_14 : memref<1024x16xf32, #tpu.memory_space<hbm>>) target(%arg4 : memref<1024x16xf32, #tpu.memory_space<vmem>>) target_semaphore(%arg8 : memref<!tpu.dma_semaphore, #tpu.memory_space<semaphore_mem>>)
    %scan3A = arith.constant 0 : i32
    %scan3A_15 = arith.constant 32 : i32
    %scan3A_16 = arith.addi %scan3A, %scan3A_15 : i32
    %scan3A_17 = arith.constant 1 : i32
    scf.for %scan3A_34 = %scan3A to %scan3A_16 step %scan3A_17  : i32 {
      %mul3A_35 = arith.constant 1 : i32
      %mul3A_36 = arith.muli %scan3A_34, %mul3A_35 : i32
      %add3A_37 = arith.constant 0 : i32
      %add3A_38 = arith.addi %add3A_37, %mul3A_36 : i32
      %mul3A_39 = arith.constant 2 : i32
      %mul3A_40 = arith.muli %add3A_38, %mul3A_39 : i32
      %add3A_41 = arith.constant 0 : i32
      %add3A_42 = arith.addi %mul3A_40, %add3A_41 : i32
      %add3A_43 = arith.constant 1 : i32
      %add3A_44 = arith.addi %add3A_42, %add3A_43 : i32
      %le3A = arith.constant 63 : i32
      %le3A_45 = arith.cmpi sle, %add3A_44, %le3A : i32
      %convert_element_type3A = arith.extui %le3A_45 : i1 to i32
      %cond3A = arith.constant 0 : i32
      %cond3A_46 = arith.cmpi ne, %convert_element_type3A, %cond3A : i32
      scf.if %cond3A_46 {
        %add3A_109 = arith.constant 1 : i32
        %add3A_110 = arith.addi %add3A_42, %add3A_109 : i32
        %mul3A_111 = arith.constant 1024 : i32
        %mul3A_112 = arith.muli %add3A_110, %mul3A_111 : i32
        %add3A_113 = arith.addi %mul3A_2, %mul3A_112 : i32
        %dma_start3A_114 = arith.constant 0 : i32
        %dma_start3A_115 = tpu.memref_slice %arg2[%add3A_113, %dma_start3A_114] : memref<2097152x16xf32, #tpu.memory_space<hbm>> -> memref<1024x16xf32, #tpu.memory_space<hbm>>
        %dma_start3A_116 = arith.constant 0 : i32
        %dma_start3A_117 = tpu.memref_slice %arg2[%add3A_113, %dma_start3A_116] : memref<2097152x16xf32, #tpu.memory_space<hbm>> -> memref<1024x16xf32, #tpu.memory_space<hbm>>
        tpu.enqueue_dma source(%dma_start3A_117 : memref<1024x16xf32, #tpu.memory_space<hbm>>) target(%arg5 : memref<1024x16xf32, #tpu.memory_space<vmem>>) target_semaphore(%arg9 : memref<!tpu.dma_semaphore, #tpu.memory_space<semaphore_mem>>)
      } else {
      }
      %mul3A_47 = arith.constant 1024 : i32
      %mul3A_48 = arith.muli %add3A_42, %mul3A_47 : i32
      %add3A_49 = arith.addi %mul3A_2, %mul3A_48 : i32
      %dma_wait3A_50 = arith.constant 0 : i32
      %dma_wait3A_51 = tpu.memref_slice %arg2[%add3A_49, %dma_wait3A_50] : memref<2097152x16xf32, #tpu.memory_space<hbm>> -> memref<1024x16xf32, #tpu.memory_space<hbm>>
      %dma_wait3A_52 = arith.constant 0 : i32
      %dma_wait3A_53 = tpu.memref_slice %arg2[%add3A_49, %dma_wait3A_52] : memref<2097152x16xf32, #tpu.memory_space<hbm>> -> memref<1024x16xf32, #tpu.memory_space<hbm>>
      tpu.wait_dma2 semaphore(%arg8 : memref<!tpu.dma_semaphore, #tpu.memory_space<semaphore_mem>>) src(%dma_wait3A_53 : memref<1024x16xf32, #tpu.memory_space<hbm>>) dst(%arg4 : memref<1024x16xf32, #tpu.memory_space<vmem>>)
      %ge3A = arith.constant 2 : i32
      %ge3A_54 = arith.cmpi sge, %add3A_42, %ge3A : i32
      %convert_element_type3A_55 = arith.extui %ge3A_54 : i1 to i32
      %cond3A_56 = arith.constant 0 : i32
      %cond3A_57 = arith.cmpi ne, %convert_element_type3A_55, %cond3A_56 : i32
      scf.if %cond3A_57 {
        %mul3A_109 = arith.constant 1024 : i32
        %mul3A_110 = arith.muli %add3A_42, %mul3A_109 : i32
        %add3A_111 = arith.addi %mul3A_2, %mul3A_110 : i32
        %mul3A_112 = arith.constant 2 : i32
        %mul3A_113 = arith.muli %add3A_111, %mul3A_112 : i32
        %dma_wait3A_114 = arith.constant 0 : i32
        %dma_wait3A_115 = tpu.memref_slice %arg3[%mul3A_113, %dma_wait3A_114] : memref<4194304x8xf32, #tpu.memory_space<hbm>> -> memref<2048x8xf32, #tpu.memory_space<hbm>>
        %dma_wait3A_116 = arith.constant 0 : i32
        %dma_wait3A_117 = tpu.memref_slice %arg3[%mul3A_113, %dma_wait3A_116] : memref<4194304x8xf32, #tpu.memory_space<hbm>> -> memref<2048x8xf32, #tpu.memory_space<hbm>>
        tpu.wait_dma2 semaphore(%arg10 : memref<!tpu.dma_semaphore, #tpu.memory_space<semaphore_mem>>) src(%arg6 : memref<2048x8xf32, #tpu.memory_space<vmem>>) dst(%dma_wait3A_117 : memref<2048x8xf32, #tpu.memory_space<hbm>>)
      } else {
      }
      %scan3A_58 = arith.constant 0 : i32
      %scan3A_59 = arith.constant 64 : i32
      %scan3A_60 = arith.addi %scan3A_58, %scan3A_59 : i32
      %scan3A_61 = arith.constant 1 : i32
      scf.for %scan3A_109 = %scan3A_58 to %scan3A_60 step %scan3A_61  : i32 {
        %mul3A_110 = arith.constant 1 : i32
        %mul3A_111 = arith.muli %scan3A_109, %mul3A_110 : i32
        %add3A_112 = arith.constant 0 : i32
        %add3A_113 = arith.addi %add3A_112, %mul3A_111 : i32
        %mul3A_114 = arith.constant 16 : i32
        %mul3A_115 = arith.muli %add3A_113, %mul3A_114 : i32
        %add3A_116 = arith.constant 0 : i32
        %add3A_117 = arith.addi %mul3A_115, %add3A_116 : i32
        %add3A_118 = arith.constant 0 : i32
        %add3A_119 = arith.addi %add3A_117, %add3A_118 : i32
        %get3A = arith.index_cast %add3A_119 : i32 to index
        %get3A_120 = arith.constant 0 : index
        %get3A_121 = tpu.vector_load %arg4[%get3A, %get3A_120] {strides = array<i32>} : memref<1024x16xf32, #tpu.memory_space<vmem>>, vector<16xf32>,
        %mul3A_122 = arith.constant 32 : i32
        %mul3A_123 = arith.muli %add3A_113, %mul3A_122 : i32
        %add3A_124 = arith.constant 0 : i32
        %add3A_125 = arith.addi %mul3A_123, %add3A_124 : i32
        %add3A_126 = vector.broadcast %add3A_125 : i32 to vector<16xi32>
        %add3A_127 = arith.addi %add3A_126, %shift_right_arithmetic3A_4 : vector<16xi32>
        %add3A_128 = arith.constant 0 : i32
        %add3A_129 = vector.broadcast %add3A_128 : i32 to vector<16xi32>
        %add3A_130 = arith.addi %and3A_9, %add3A_129 : vector<16xi32>
        tpu.vector_store_idx %arg6[%add3A_127, %add3A_130], %get3A_121 : memref<2048x8xf32, #tpu.memory_space<vmem>>[vector<16xi32>, vector<16xi32>], vector<16xf32>,
        %mul3A_131 = arith.constant 16 : i32
        %mul3A_132 = arith.muli %add3A_113, %mul3A_131 : i32
        %add3A_133 = arith.constant 0 : i32
        %add3A_134 = arith.addi %mul3A_132, %add3A_133 : i32
        %add3A_135 = arith.constant 1 : i32
        %add3A_136 = arith.addi %add3A_134, %add3A_135 : i32
        %get3A_137 = arith.index_cast %add3A_136 : i32 to index
        %get3A_138 = arith.constant 0 : index
        %get3A_139 = tpu.vector_load %arg4[%get3A_137, %get3A_138] {strides = array<i32>} : memref<1024x16xf32, #tpu.memory_space<vmem>>, vector<16xf32>,
        %mul3A_140 = arith.constant 32 : i32
        %mul3A_141 = arith.muli %add3A_113, %mul3A_140 : i32
        %add3A_142 = arith.constant 4 : i32
        %add3A_143 = arith.addi %mul3A_141, %add3A_142 : i32
        %add3A_144 = vector.broadcast %add3A_143 : i32 to vector<16xi32>
        %add3A_145 = arith.addi %add3A_144, %shift_right_arithmetic3A_4 : vector<16xi32>
        %add3A_146 = arith.constant 0 : i32
        %add3A_147 = vector.broadcast %add3A_146 : i32 to vector<16xi32>
        %add3A_148 = arith.addi %and3A_9, %add3A_147 : vector<16xi32>
        tpu.vector_store_idx %arg6[%add3A_145, %add3A_148], %get3A_139 : memref<2048x8xf32, #tpu.memory_space<vmem>>[vector<16xi32>, vector<16xi32>], vector<16xf32>,
        %mul3A_149 = arith.constant 16 : i32
        %mul3A_150 = arith.muli %add3A_113, %mul3A_149 : i32
        %add3A_151 = arith.constant 0 : i32
        %add3A_152 = arith.addi %mul3A_150, %add3A_151 : i32
        %add3A_153 = arith.constant 2 : i32
        %add3A_154 = arith.addi %add3A_152, %add3A_153 : i32
        %get3A_155 = arith.index_cast %add3A_154 : i32 to index
        %get3A_156 = arith.constant 0 : index
        %get3A_157 = tpu.vector_load %arg4[%get3A_155, %get3A_156] {strides = array<i32>} : memref<1024x16xf32, #tpu.memory_space<vmem>>, vector<16xf32>,
        %mul3A_158 = arith.constant 32 : i32
        %mul3A_159 = arith.muli %add3A_113, %mul3A_158 : i32
        %add3A_160 = arith.constant 8 : i32
        %add3A_161 = arith.addi %mul3A_159, %add3A_160 : i32
        %add3A_162 = vector.broadcast %add3A_161 : i32 to vector<16xi32>
        %add3A_163 = arith.addi %add3A_162, %shift_right_arithmetic3A_4 : vector<16xi32>
        %add3A_164 = arith.constant 0 : i32
        %add3A_165 = vector.broadcast %add3A_164 : i32 to vector<16xi32>
        %add3A_166 = arith.addi %and3A_9, %add3A_165 : vector<16xi32>
        tpu.vector_store_idx %arg6[%add3A_163, %add3A_166], %get3A_157 : memref<2048x8xf32, #tpu.memory_space<vmem>>[vector<16xi32>, vector<16xi32>], vector<16xf32>,
        %mul3A_167 = arith.constant 16 : i32
        %mul3A_168 = arith.muli %add3A_113, %mul3A_167 : i32
        %add3A_169 = arith.constant 0 : i32
        %add3A_170 = arith.addi %mul3A_168, %add3A_169 : i32
        %add3A_171 = arith.constant 3 : i32
        %add3A_172 = arith.addi %add3A_170, %add3A_171 : i32
        %get3A_173 = arith.index_cast %add3A_172 : i32 to index
        %get3A_174 = arith.constant 0 : index
        %get3A_175 = tpu.vector_load %arg4[%get3A_173, %get3A_174] {strides = array<i32>} : memref<1024x16xf32, #tpu.memory_space<vmem>>, vector<16xf32>,
        %mul3A_176 = arith.constant 32 : i32
        %mul3A_177 = arith.muli %add3A_113, %mul3A_176 : i32
        %add3A_178 = arith.constant 12 : i32
        %add3A_179 = arith.addi %mul3A_177, %add3A_178 : i32
        %add3A_180 = vector.broadcast %add3A_179 : i32 to vector<16xi32>
        %add3A_181 = arith.addi %add3A_180, %shift_right_arithmetic3A_4 : vector<16xi32>
        %add3A_182 = arith.constant 0 : i32
        %add3A_183 = vector.broadcast %add3A_182 : i32 to vector<16xi32>
        %add3A_184 = arith.addi %and3A_9, %add3A_183 : vector<16xi32>
        tpu.vector_store_idx %arg6[%add3A_181, %add3A_184], %get3A_175 : memref<2048x8xf32, #tpu.memory_space<vmem>>[vector<16xi32>, vector<16xi32>], vector<16xf32>,
        %mul3A_185 = arith.constant 16 : i32
        %mul3A_186 = arith.muli %add3A_113, %mul3A_185 : i32
        %add3A_187 = arith.constant 0 : i32
        %add3A_188 = arith.addi %mul3A_186, %add3A_187 : i32
        %add3A_189 = arith.constant 4 : i32
        %add3A_190 = arith.addi %add3A_188, %add3A_189 : i32
        %get3A_191 = arith.index_cast %add3A_190 : i32 to index
        %get3A_192 = arith.constant 0 : index
        %get3A_193 = tpu.vector_load %arg4[%get3A_191, %get3A_192] {strides = array<i32>} : memref<1024x16xf32, #tpu.memory_space<vmem>>, vector<16xf32>,
        %mul3A_194 = arith.constant 32 : i32
        %mul3A_195 = arith.muli %add3A_113, %mul3A_194 : i32
        %add3A_196 = arith.constant 16 : i32
        %add3A_197 = arith.addi %mul3A_195, %add3A_196 : i32
        %add3A_198 = vector.broadcast %add3A_197 : i32 to vector<16xi32>
        %add3A_199 = arith.addi %add3A_198, %shift_right_arithmetic3A_4 : vector<16xi32>
        %add3A_200 = arith.constant 0 : i32
        %add3A_201 = vector.broadcast %add3A_200 : i32 to vector<16xi32>
        %add3A_202 = arith.addi %and3A_9, %add3A_201 : vector<16xi32>
        tpu.vector_store_idx %arg6[%add3A_199, %add3A_202], %get3A_193 : memref<2048x8xf32, #tpu.memory_space<vmem>>[vector<16xi32>, vector<16xi32>], vector<16xf32>,
        %mul3A_203 = arith.constant 16 : i32
        %mul3A_204 = arith.muli %add3A_113, %mul3A_203 : i32
        %add3A_205 = arith.constant 0 : i32
        %add3A_206 = arith.addi %mul3A_204, %add3A_205 : i32
        %add3A_207 = arith.constant 5 : i32
        %add3A_208 = arith.addi %add3A_206, %add3A_207 : i32
        %get3A_209 = arith.index_cast %add3A_208 : i32 to index
        %get3A_210 = arith.constant 0 : index
        %get3A_211 = tpu.vector_load %arg4[%get3A_209, %get3A_210] {strides = array<i32>} : memref<1024x16xf32, #tpu.memory_space<vmem>>, vector<16xf32>,
        %mul3A_212 = arith.constant 32 : i32
        %mul3A_213 = arith.muli %add3A_113, %mul3A_212 : i32
        %add3A_214 = arith.constant 20 : i32
        %add3A_215 = arith.addi %mul3A_213, %add3A_214 : i32
        %add3A_216 = vector.broadcast %add3A_215 : i32 to vector<16xi32>
        %add3A_217 = arith.addi %add3A_216, %shift_right_arithmetic3A_4 : vector<16xi32>
        %add3A_218 = arith.constant 0 : i32
        %add3A_219 = vector.broadcast %add3A_218 : i32 to vector<16xi32>
        %add3A_220 = arith.addi %and3A_9, %add3A_219 : vector<16xi32>
        tpu.vector_store_idx %arg6[%add3A_217, %add3A_220], %get3A_211 : memref<2048x8xf32, #tpu.memory_space<vmem>>[vector<16xi32>, vector<16xi32>], vector<16xf32>,
        %mul3A_221 = arith.constant 16 : i32
        %mul3A_222 = arith.muli %add3A_113, %mul3A_221 : i32
        %add3A_223 = arith.constant 0 : i32
        %add3A_224 = arith.addi %mul3A_222, %add3A_223 : i32
        %add3A_225 = arith.constant 6 : i32
        %add3A_226 = arith.addi %add3A_224, %add3A_225 : i32
        %get3A_227 = arith.index_cast %add3A_226 : i32 to index
        %get3A_228 = arith.constant 0 : index
        %get3A_229 = tpu.vector_load %arg4[%get3A_227, %get3A_228] {strides = array<i32>} : memref<1024x16xf32, #tpu.memory_space<vmem>>, vector<16xf32>,
        %mul3A_230 = arith.constant 32 : i32
        %mul3A_231 = arith.muli %add3A_113, %mul3A_230 : i32
        %add3A_232 = arith.constant 24 : i32
        %add3A_233 = arith.addi %mul3A_231, %add3A_232 : i32
        %add3A_234 = vector.broadcast %add3A_233 : i32 to vector<16xi32>
        %add3A_235 = arith.addi %add3A_234, %shift_right_arithmetic3A_4 : vector<16xi32>
        %add3A_236 = arith.constant 0 : i32
        %add3A_237 = vector.broadcast %add3A_236 : i32 to vector<16xi32>
        %add3A_238 = arith.addi %and3A_9, %add3A_237 : vector<16xi32>
        tpu.vector_store_idx %arg6[%add3A_235, %add3A_238], %get3A_229 : memref<2048x8xf32, #tpu.memory_space<vmem>>[vector<16xi32>, vector<16xi32>], vector<16xf32>,
        %mul3A_239 = arith.constant 16 : i32
        %mul3A_240 = arith.muli %add3A_113, %mul3A_239 : i32
        %add3A_241 = arith.constant 0 : i32
        %add3A_242 = arith.addi %mul3A_240, %add3A_241 : i32
        %add3A_243 = arith.constant 7 : i32
        %add3A_244 = arith.addi %add3A_242, %add3A_243 : i32
        %get3A_245 = arith.index_cast %add3A_244 : i32 to index
        %get3A_246 = arith.constant 0 : index
        %get3A_247 = tpu.vector_load %arg4[%get3A_245, %get3A_246] {strides = array<i32>} : memref<1024x16xf32, #tpu.memory_space<vmem>>, vector<16xf32>,
        %mul3A_248 = arith.constant 32 : i32
        %mul3A_249 = arith.muli %add3A_113, %mul3A_248 : i32
        %add3A_250 = arith.constant 28 : i32
        %add3A_251 = arith.addi %mul3A_249, %add3A_250 : i32
        %add3A_252 = vector.broadcast %add3A_251 : i32 to vector<16xi32>
        %add3A_253 = arith.addi %add3A_252, %shift_right_arithmetic3A_4 : vector<16xi32>
        %add3A_254 = arith.constant 0 : i32
        %add3A_255 = vector.broadcast %add3A_254 : i32 to vector<16xi32>
        %add3A_256 = arith.addi %and3A_9, %add3A_255 : vector<16xi32>
        tpu.vector_store_idx %arg6[%add3A_253, %add3A_256], %get3A_247 : memref<2048x8xf32, #tpu.memory_space<vmem>>[vector<16xi32>, vector<16xi32>], vector<16xf32>,
        %mul3A_257 = arith.constant 16 : i32
        %mul3A_258 = arith.muli %add3A_113, %mul3A_257 : i32
        %add3A_259 = arith.constant 8 : i32
        %add3A_260 = arith.addi %mul3A_258, %add3A_259 : i32
        %add3A_261 = arith.constant 0 : i32
        %add3A_262 = arith.addi %add3A_260, %add3A_261 : i32
        %get3A_263 = arith.index_cast %add3A_262 : i32 to index
        %get3A_264 = arith.constant 0 : index
        %get3A_265 = tpu.vector_load %arg4[%get3A_263, %get3A_264] {strides = array<i32>} : memref<1024x16xf32, #tpu.memory_space<vmem>>, vector<16xf32>,
        %mul3A_266 = arith.constant 32 : i32
        %mul3A_267 = arith.muli %add3A_113, %mul3A_266 : i32
        %add3A_268 = arith.constant 0 : i32
        %add3A_269 = arith.addi %mul3A_267, %add3A_268 : i32
        %add3A_270 = vector.broadcast %add3A_269 : i32 to vector<16xi32>
        %add3A_271 = arith.addi %add3A_270, %shift_right_arithmetic3A_4 : vector<16xi32>
        %add3A_272 = arith.constant 1 : i32
        %add3A_273 = vector.broadcast %add3A_272 : i32 to vector<16xi32>
        %add3A_274 = arith.addi %and3A_9, %add3A_273 : vector<16xi32>
        tpu.vector_store_idx %arg6[%add3A_271, %add3A_274], %get3A_265 : memref<2048x8xf32, #tpu.memory_space<vmem>>[vector<16xi32>, vector<16xi32>], vector<16xf32>,
        %mul3A_275 = arith.constant 16 : i32
        %mul3A_276 = arith.muli %add3A_113, %mul3A_275 : i32
        %add3A_277 = arith.constant 8 : i32
        %add3A_278 = arith.addi %mul3A_276, %add3A_277 : i32
        %add3A_279 = arith.constant 1 : i32
        %add3A_280 = arith.addi %add3A_278, %add3A_279 : i32
        %get3A_281 = arith.index_cast %add3A_280 : i32 to index
        %get3A_282 = arith.constant 0 : index
        %get3A_283 = tpu.vector_load %arg4[%get3A_281, %get3A_282] {strides = array<i32>} : memref<1024x16xf32, #tpu.memory_space<vmem>>, vector<16xf32>,
        %mul3A_284 = arith.constant 32 : i32
        %mul3A_285 = arith.muli %add3A_113, %mul3A_284 : i32
        %add3A_286 = arith.constant 4 : i32
        %add3A_287 = arith.addi %mul3A_285, %add3A_286 : i32
        %add3A_288 = vector.broadcast %add3A_287 : i32 to vector<16xi32>
        %add3A_289 = arith.addi %add3A_288, %shift_right_arithmetic3A_4 : vector<16xi32>
        %add3A_290 = arith.constant 1 : i32
        %add3A_291 = vector.broadcast %add3A_290 : i32 to vector<16xi32>
        %add3A_292 = arith.addi %and3A_9, %add3A_291 : vector<16xi32>
        tpu.vector_store_idx %arg6[%add3A_289, %add3A_292], %get3A_283 : memref<2048x8xf32, #tpu.memory_space<vmem>>[vector<16xi32>, vector<16xi32>], vector<16xf32>,
        %mul3A_293 = arith.constant 16 : i32
        %mul3A_294 = arith.muli %add3A_113, %mul3A_293 : i32
        %add3A_295 = arith.constant 8 : i32
        %add3A_296 = arith.addi %mul3A_294, %add3A_295 : i32
        %add3A_297 = arith.constant 2 : i32
        %add3A_298 = arith.addi %add3A_296, %add3A_297 : i32
        %get3A_299 = arith.index_cast %add3A_298 : i32 to index
        %get3A_300 = arith.constant 0 : index
        %get3A_301 = tpu.vector_load %arg4[%get3A_299, %get3A_300] {strides = array<i32>} : memref<1024x16xf32, #tpu.memory_space<vmem>>, vector<16xf32>,
        %mul3A_302 = arith.constant 32 : i32
        %mul3A_303 = arith.muli %add3A_113, %mul3A_302 : i32
        %add3A_304 = arith.constant 8 : i32
        %add3A_305 = arith.addi %mul3A_303, %add3A_304 : i32
        %add3A_306 = vector.broadcast %add3A_305 : i32 to vector<16xi32>
        %add3A_307 = arith.addi %add3A_306, %shift_right_arithmetic3A_4 : vector<16xi32>
        %add3A_308 = arith.constant 1 : i32
        %add3A_309 = vector.broadcast %add3A_308 : i32 to vector<16xi32>
        %add3A_310 = arith.addi %and3A_9, %add3A_309 : vector<16xi32>
        tpu.vector_store_idx %arg6[%add3A_307, %add3A_310], %get3A_301 : memref<2048x8xf32, #tpu.memory_space<vmem>>[vector<16xi32>, vector<16xi32>], vector<16xf32>,
        %mul3A_311 = arith.constant 16 : i32
        %mul3A_312 = arith.muli %add3A_113, %mul3A_311 : i32
        %add3A_313 = arith.constant 8 : i32
        %add3A_314 = arith.addi %mul3A_312, %add3A_313 : i32
        %add3A_315 = arith.constant 3 : i32
        %add3A_316 = arith.addi %add3A_314, %add3A_315 : i32
        %get3A_317 = arith.index_cast %add3A_316 : i32 to index
        %get3A_318 = arith.constant 0 : index
        %get3A_319 = tpu.vector_load %arg4[%get3A_317, %get3A_318] {strides = array<i32>} : memref<1024x16xf32, #tpu.memory_space<vmem>>, vector<16xf32>,
        %mul3A_320 = arith.constant 32 : i32
        %mul3A_321 = arith.muli %add3A_113, %mul3A_320 : i32
        %add3A_322 = arith.constant 12 : i32
        %add3A_323 = arith.addi %mul3A_321, %add3A_322 : i32
        %add3A_324 = vector.broadcast %add3A_323 : i32 to vector<16xi32>
        %add3A_325 = arith.addi %add3A_324, %shift_right_arithmetic3A_4 : vector<16xi32>
        %add3A_326 = arith.constant 1 : i32
        %add3A_327 = vector.broadcast %add3A_326 : i32 to vector<16xi32>
        %add3A_328 = arith.addi %and3A_9, %add3A_327 : vector<16xi32>
        tpu.vector_store_idx %arg6[%add3A_325, %add3A_328], %get3A_319 : memref<2048x8xf32, #tpu.memory_space<vmem>>[vector<16xi32>, vector<16xi32>], vector<16xf32>,
        %mul3A_329 = arith.constant 16 : i32
        %mul3A_330 = arith.muli %add3A_113, %mul3A_329 : i32
        %add3A_331 = arith.constant 8 : i32
        %add3A_332 = arith.addi %mul3A_330, %add3A_331 : i32
        %add3A_333 = arith.constant 4 : i32
        %add3A_334 = arith.addi %add3A_332, %add3A_333 : i32
        %get3A_335 = arith.index_cast %add3A_334 : i32 to index
        %get3A_336 = arith.constant 0 : index
        %get3A_337 = tpu.vector_load %arg4[%get3A_335, %get3A_336] {strides = array<i32>} : memref<1024x16xf32, #tpu.memory_space<vmem>>, vector<16xf32>,
        %mul3A_338 = arith.constant 32 : i32
        %mul3A_339 = arith.muli %add3A_113, %mul3A_338 : i32
        %add3A_340 = arith.constant 16 : i32
        %add3A_341 = arith.addi %mul3A_339, %add3A_340 : i32
        %add3A_342 = vector.broadcast %add3A_341 : i32 to vector<16xi32>
        %add3A_343 = arith.addi %add3A_342, %shift_right_arithmetic3A_4 : vector<16xi32>
        %add3A_344 = arith.constant 1 : i32
        %add3A_345 = vector.broadcast %add3A_344 : i32 to vector<16xi32>
        %add3A_346 = arith.addi %and3A_9, %add3A_345 : vector<16xi32>
        tpu.vector_store_idx %arg6[%add3A_343, %add3A_346], %get3A_337 : memref<2048x8xf32, #tpu.memory_space<vmem>>[vector<16xi32>, vector<16xi32>], vector<16xf32>,
        %mul3A_347 = arith.constant 16 : i32
        %mul3A_348 = arith.muli %add3A_113, %mul3A_347 : i32
        %add3A_349 = arith.constant 8 : i32
        %add3A_350 = arith.addi %mul3A_348, %add3A_349 : i32
        %add3A_351 = arith.constant 5 : i32
        %add3A_352 = arith.addi %add3A_350, %add3A_351 : i32
        %get3A_353 = arith.index_cast %add3A_352 : i32 to index
        %get3A_354 = arith.constant 0 : index
        %get3A_355 = tpu.vector_load %arg4[%get3A_353, %get3A_354] {strides = array<i32>} : memref<1024x16xf32, #tpu.memory_space<vmem>>, vector<16xf32>,
        %mul3A_356 = arith.constant 32 : i32
        %mul3A_357 = arith.muli %add3A_113, %mul3A_356 : i32
        %add3A_358 = arith.constant 20 : i32
        %add3A_359 = arith.addi %mul3A_357, %add3A_358 : i32
        %add3A_360 = vector.broadcast %add3A_359 : i32 to vector<16xi32>
        %add3A_361 = arith.addi %add3A_360, %shift_right_arithmetic3A_4 : vector<16xi32>
        %add3A_362 = arith.constant 1 : i32
        %add3A_363 = vector.broadcast %add3A_362 : i32 to vector<16xi32>
        %add3A_364 = arith.addi %and3A_9, %add3A_363 : vector<16xi32>
        tpu.vector_store_idx %arg6[%add3A_361, %add3A_364], %get3A_355 : memref<2048x8xf32, #tpu.memory_space<vmem>>[vector<16xi32>, vector<16xi32>], vector<16xf32>,
        %mul3A_365 = arith.constant 16 : i32
        %mul3A_366 = arith.muli %add3A_113, %mul3A_365 : i32
        %add3A_367 = arith.constant 8 : i32
        %add3A_368 = arith.addi %mul3A_366, %add3A_367 : i32
        %add3A_369 = arith.constant 6 : i32
        %add3A_370 = arith.addi %add3A_368, %add3A_369 : i32
        %get3A_371 = arith.index_cast %add3A_370 : i32 to index
        %get3A_372 = arith.constant 0 : index
        %get3A_373 = tpu.vector_load %arg4[%get3A_371, %get3A_372] {strides = array<i32>} : memref<1024x16xf32, #tpu.memory_space<vmem>>, vector<16xf32>,
        %mul3A_374 = arith.constant 32 : i32
        %mul3A_375 = arith.muli %add3A_113, %mul3A_374 : i32
        %add3A_376 = arith.constant 24 : i32
        %add3A_377 = arith.addi %mul3A_375, %add3A_376 : i32
        %add3A_378 = vector.broadcast %add3A_377 : i32 to vector<16xi32>
        %add3A_379 = arith.addi %add3A_378, %shift_right_arithmetic3A_4 : vector<16xi32>
        %add3A_380 = arith.constant 1 : i32
        %add3A_381 = vector.broadcast %add3A_380 : i32 to vector<16xi32>
        %add3A_382 = arith.addi %and3A_9, %add3A_381 : vector<16xi32>
        tpu.vector_store_idx %arg6[%add3A_379, %add3A_382], %get3A_373 : memref<2048x8xf32, #tpu.memory_space<vmem>>[vector<16xi32>, vector<16xi32>], vector<16xf32>,
        %mul3A_383 = arith.constant 16 : i32
        %mul3A_384 = arith.muli %add3A_113, %mul3A_383 : i32
        %add3A_385 = arith.constant 8 : i32
        %add3A_386 = arith.addi %mul3A_384, %add3A_385 : i32
        %add3A_387 = arith.constant 7 : i32
        %add3A_388 = arith.addi %add3A_386, %add3A_387 : i32
        %get3A_389 = arith.index_cast %add3A_388 : i32 to index
        %get3A_390 = arith.constant 0 : index
        %get3A_391 = tpu.vector_load %arg4[%get3A_389, %get3A_390] {strides = array<i32>} : memref<1024x16xf32, #tpu.memory_space<vmem>>, vector<16xf32>,
        %mul3A_392 = arith.constant 32 : i32
        %mul3A_393 = arith.muli %add3A_113, %mul3A_392 : i32
        %add3A_394 = arith.constant 28 : i32
        %add3A_395 = arith.addi %mul3A_393, %add3A_394 : i32
        %add3A_396 = vector.broadcast %add3A_395 : i32 to vector<16xi32>
        %add3A_397 = arith.addi %add3A_396, %shift_right_arithmetic3A_4 : vector<16xi32>
        %add3A_398 = arith.constant 1 : i32
        %add3A_399 = vector.broadcast %add3A_398 : i32 to vector<16xi32>
        %add3A_400 = arith.addi %and3A_9, %add3A_399 : vector<16xi32>
        tpu.vector_store_idx %arg6[%add3A_397, %add3A_400], %get3A_391 : memref<2048x8xf32, #tpu.memory_space<vmem>>[vector<16xi32>, vector<16xi32>], vector<16xf32>,
      }
      %scan3A_62 = arith.constant 64 : i32
      %mul3A_63 = arith.constant 1024 : i32
      %mul3A_64 = arith.muli %add3A_42, %mul3A_63 : i32
      %add3A_65 = arith.addi %mul3A_2, %mul3A_64 : i32
      %mul3A_66 = arith.constant 2 : i32
      %mul3A_67 = arith.muli %add3A_65, %mul3A_66 : i32
      %dma_start3A_68 = arith.constant 0 : i32
      %dma_start3A_69 = tpu.memref_slice %arg3[%mul3A_67, %dma_start3A_68] : memref<4194304x8xf32, #tpu.memory_space<hbm>> -> memref<2048x8xf32, #tpu.memory_space<hbm>>
      %dma_start3A_70 = arith.constant 0 : i32
      %dma_start3A_71 = tpu.memref_slice %arg3[%mul3A_67, %dma_start3A_70] : memref<4194304x8xf32, #tpu.memory_space<hbm>> -> memref<2048x8xf32, #tpu.memory_space<hbm>>
      tpu.enqueue_dma source(%arg6 : memref<2048x8xf32, #tpu.memory_space<vmem>>) target(%dma_start3A_71 : memref<2048x8xf32, #tpu.memory_space<hbm>>) target_semaphore(%arg10 : memref<!tpu.dma_semaphore, #tpu.memory_space<semaphore_mem>>)
      %mul3A_72 = arith.constant 2 : i32
      %mul3A_73 = arith.muli %add3A_38, %mul3A_72 : i32
      %add3A_74 = arith.constant 1 : i32
      %add3A_75 = arith.addi %mul3A_73, %add3A_74 : i32
      %add3A_76 = arith.constant 1 : i32
      %add3A_77 = arith.addi %add3A_75, %add3A_76 : i32
      %le3A_78 = arith.constant 63 : i32
      %le3A_79 = arith.cmpi sle, %add3A_77, %le3A_78 : i32
      %convert_element_type3A_80 = arith.extui %le3A_79 : i1 to i32
      %cond3A_81 = arith.constant 0 : i32
      %cond3A_82 = arith.cmpi ne, %convert_element_type3A_80, %cond3A_81 : i32
      scf.if %cond3A_82 {
        %add3A_109 = arith.constant 1 : i32
        %add3A_110 = arith.addi %add3A_75, %add3A_109 : i32
        %mul3A_111 = arith.constant 1024 : i32
        %mul3A_112 = arith.muli %add3A_110, %mul3A_111 : i32
        %add3A_113 = arith.addi %mul3A_2, %mul3A_112 : i32
        %dma_start3A_114 = arith.constant 0 : i32
        %dma_start3A_115 = tpu.memref_slice %arg2[%add3A_113, %dma_start3A_114] : memref<2097152x16xf32, #tpu.memory_space<hbm>> -> memref<1024x16xf32, #tpu.memory_space<hbm>>
        %dma_start3A_116 = arith.constant 0 : i32
        %dma_start3A_117 = tpu.memref_slice %arg2[%add3A_113, %dma_start3A_116] : memref<2097152x16xf32, #tpu.memory_space<hbm>> -> memref<1024x16xf32, #tpu.memory_space<hbm>>
        tpu.enqueue_dma source(%dma_start3A_117 : memref<1024x16xf32, #tpu.memory_space<hbm>>) target(%arg4 : memref<1024x16xf32, #tpu.memory_space<vmem>>) target_semaphore(%arg8 : memref<!tpu.dma_semaphore, #tpu.memory_space<semaphore_mem>>)
      } else {
      }
      %mul3A_83 = arith.constant 1024 : i32
      %mul3A_84 = arith.muli %add3A_75, %mul3A_83 : i32
      %add3A_85 = arith.addi %mul3A_2, %mul3A_84 : i32
      %dma_wait3A_86 = arith.constant 0 : i32
      %dma_wait3A_87 = tpu.memref_slice %arg2[%add3A_85, %dma_wait3A_86] : memref<2097152x16xf32, #tpu.memory_space<hbm>> -> memref<1024x16xf32, #tpu.memory_space<hbm>>
      %dma_wait3A_88 = arith.constant 0 : i32
      %dma_wait3A_89 = tpu.memref_slice %arg2[%add3A_85, %dma_wait3A_88] : memref<2097152x16xf32, #tpu.memory_space<hbm>> -> memref<1024x16xf32, #tpu.memory_space<hbm>>
      tpu.wait_dma2 semaphore(%arg9 : memref<!tpu.dma_semaphore, #tpu.memory_space<semaphore_mem>>) src(%dma_wait3A_89 : memref<1024x16xf32, #tpu.memory_space<hbm>>) dst(%arg5 : memref<1024x16xf32, #tpu.memory_space<vmem>>)
      %ge3A_90 = arith.constant 2 : i32
      %ge3A_91 = arith.cmpi sge, %add3A_75, %ge3A_90 : i32
      %convert_element_type3A_92 = arith.extui %ge3A_91 : i1 to i32
      %cond3A_93 = arith.constant 0 : i32
      %cond3A_94 = arith.cmpi ne, %convert_element_type3A_92, %cond3A_93 : i32
      scf.if %cond3A_94 {
        %mul3A_109 = arith.constant 1024 : i32
        %mul3A_110 = arith.muli %add3A_75, %mul3A_109 : i32
        %add3A_111 = arith.addi %mul3A_2, %mul3A_110 : i32
        %mul3A_112 = arith.constant 2 : i32
        %mul3A_113 = arith.muli %add3A_111, %mul3A_112 : i32
        %dma_wait3A_114 = arith.constant 0 : i32
        %dma_wait3A_115 = tpu.memref_slice %arg3[%mul3A_113, %dma_wait3A_114] : memref<4194304x8xf32, #tpu.memory_space<hbm>> -> memref<2048x8xf32, #tpu.memory_space<hbm>>
        %dma_wait3A_116 = arith.constant 0 : i32
        %dma_wait3A_117 = tpu.memref_slice %arg3[%mul3A_113, %dma_wait3A_116] : memref<4194304x8xf32, #tpu.memory_space<hbm>> -> memref<2048x8xf32, #tpu.memory_space<hbm>>
        tpu.wait_dma2 semaphore(%arg11 : memref<!tpu.dma_semaphore, #tpu.memory_space<semaphore_mem>>) src(%arg7 : memref<2048x8xf32, #tpu.memory_space<vmem>>) dst(%dma_wait3A_117 : memref<2048x8xf32, #tpu.memory_space<hbm>>)
      } else {
      }
      %scan3A_95 = arith.constant 0 : i32
      %scan3A_96 = arith.constant 64 : i32
      %scan3A_97 = arith.addi %scan3A_95, %scan3A_96 : i32
      %scan3A_98 = arith.constant 1 : i32
      scf.for %scan3A_109 = %scan3A_95 to %scan3A_97 step %scan3A_98  : i32 {
        %mul3A_110 = arith.constant 1 : i32
        %mul3A_111 = arith.muli %scan3A_109, %mul3A_110 : i32
        %add3A_112 = arith.constant 0 : i32
        %add3A_113 = arith.addi %add3A_112, %mul3A_111 : i32
        %mul3A_114 = arith.constant 16 : i32
        %mul3A_115 = arith.muli %add3A_113, %mul3A_114 : i32
        %add3A_116 = arith.constant 0 : i32
        %add3A_117 = arith.addi %mul3A_115, %add3A_116 : i32
        %add3A_118 = arith.constant 0 : i32
        %add3A_119 = arith.addi %add3A_117, %add3A_118 : i32
        %get3A = arith.index_cast %add3A_119 : i32 to index
        %get3A_120 = arith.constant 0 : index
        %get3A_121 = tpu.vector_load %arg5[%get3A, %get3A_120] {strides = array<i32>} : memref<1024x16xf32, #tpu.memory_space<vmem>>, vector<16xf32>,
        %mul3A_122 = arith.constant 32 : i32
        %mul3A_123 = arith.muli %add3A_113, %mul3A_122 : i32
        %add3A_124 = arith.constant 0 : i32
        %add3A_125 = arith.addi %mul3A_123, %add3A_124 : i32
        %add3A_126 = vector.broadcast %add3A_125 : i32 to vector<16xi32>
        %add3A_127 = arith.addi %add3A_126, %shift_right_arithmetic3A_4 : vector<16xi32>
        %add3A_128 = arith.constant 0 : i32
        %add3A_129 = vector.broadcast %add3A_128 : i32 to vector<16xi32>
        %add3A_130 = arith.addi %and3A_9, %add3A_129 : vector<16xi32>
        tpu.vector_store_idx %arg7[%add3A_127, %add3A_130], %get3A_121 : memref<2048x8xf32, #tpu.memory_space<vmem>>[vector<16xi32>, vector<16xi32>], vector<16xf32>,
        %mul3A_131 = arith.constant 16 : i32
        %mul3A_132 = arith.muli %add3A_113, %mul3A_131 : i32
        %add3A_133 = arith.constant 0 : i32
        %add3A_134 = arith.addi %mul3A_132, %add3A_133 : i32
        %add3A_135 = arith.constant 1 : i32
        %add3A_136 = arith.addi %add3A_134, %add3A_135 : i32
        %get3A_137 = arith.index_cast %add3A_136 : i32 to index
        %get3A_138 = arith.constant 0 : index
        %get3A_139 = tpu.vector_load %arg5[%get3A_137, %get3A_138] {strides = array<i32>} : memref<1024x16xf32, #tpu.memory_space<vmem>>, vector<16xf32>,
        %mul3A_140 = arith.constant 32 : i32
        %mul3A_141 = arith.muli %add3A_113, %mul3A_140 : i32
        %add3A_142 = arith.constant 4 : i32
        %add3A_143 = arith.addi %mul3A_141, %add3A_142 : i32
        %add3A_144 = vector.broadcast %add3A_143 : i32 to vector<16xi32>
        %add3A_145 = arith.addi %add3A_144, %shift_right_arithmetic3A_4 : vector<16xi32>
        %add3A_146 = arith.constant 0 : i32
        %add3A_147 = vector.broadcast %add3A_146 : i32 to vector<16xi32>
        %add3A_148 = arith.addi %and3A_9, %add3A_147 : vector<16xi32>
        tpu.vector_store_idx %arg7[%add3A_145, %add3A_148], %get3A_139 : memref<2048x8xf32, #tpu.memory_space<vmem>>[vector<16xi32>, vector<16xi32>], vector<16xf32>,
        %mul3A_149 = arith.constant 16 : i32
        %mul3A_150 = arith.muli %add3A_113, %mul3A_149 : i32
        %add3A_151 = arith.constant 0 : i32
        %add3A_152 = arith.addi %mul3A_150, %add3A_151 : i32
        %add3A_153 = arith.constant 2 : i32
        %add3A_154 = arith.addi %add3A_152, %add3A_153 : i32
        %get3A_155 = arith.index_cast %add3A_154 : i32 to index
        %get3A_156 = arith.constant 0 : index
        %get3A_157 = tpu.vector_load %arg5[%get3A_155, %get3A_156] {strides = array<i32>} : memref<1024x16xf32, #tpu.memory_space<vmem>>, vector<16xf32>,
        %mul3A_158 = arith.constant 32 : i32
        %mul3A_159 = arith.muli %add3A_113, %mul3A_158 : i32
        %add3A_160 = arith.constant 8 : i32
        %add3A_161 = arith.addi %mul3A_159, %add3A_160 : i32
        %add3A_162 = vector.broadcast %add3A_161 : i32 to vector<16xi32>
        %add3A_163 = arith.addi %add3A_162, %shift_right_arithmetic3A_4 : vector<16xi32>
        %add3A_164 = arith.constant 0 : i32
        %add3A_165 = vector.broadcast %add3A_164 : i32 to vector<16xi32>
        %add3A_166 = arith.addi %and3A_9, %add3A_165 : vector<16xi32>
        tpu.vector_store_idx %arg7[%add3A_163, %add3A_166], %get3A_157 : memref<2048x8xf32, #tpu.memory_space<vmem>>[vector<16xi32>, vector<16xi32>], vector<16xf32>,
        %mul3A_167 = arith.constant 16 : i32
        %mul3A_168 = arith.muli %add3A_113, %mul3A_167 : i32
        %add3A_169 = arith.constant 0 : i32
        %add3A_170 = arith.addi %mul3A_168, %add3A_169 : i32
        %add3A_171 = arith.constant 3 : i32
        %add3A_172 = arith.addi %add3A_170, %add3A_171 : i32
        %get3A_173 = arith.index_cast %add3A_172 : i32 to index
        %get3A_174 = arith.constant 0 : index
        %get3A_175 = tpu.vector_load %arg5[%get3A_173, %get3A_174] {strides = array<i32>} : memref<1024x16xf32, #tpu.memory_space<vmem>>, vector<16xf32>,
        %mul3A_176 = arith.constant 32 : i32
        %mul3A_177 = arith.muli %add3A_113, %mul3A_176 : i32
        %add3A_178 = arith.constant 12 : i32
        %add3A_179 = arith.addi %mul3A_177, %add3A_178 : i32
        %add3A_180 = vector.broadcast %add3A_179 : i32 to vector<16xi32>
        %add3A_181 = arith.addi %add3A_180, %shift_right_arithmetic3A_4 : vector<16xi32>
        %add3A_182 = arith.constant 0 : i32
        %add3A_183 = vector.broadcast %add3A_182 : i32 to vector<16xi32>
        %add3A_184 = arith.addi %and3A_9, %add3A_183 : vector<16xi32>
        tpu.vector_store_idx %arg7[%add3A_181, %add3A_184], %get3A_175 : memref<2048x8xf32, #tpu.memory_space<vmem>>[vector<16xi32>, vector<16xi32>], vector<16xf32>,
        %mul3A_185 = arith.constant 16 : i32
        %mul3A_186 = arith.muli %add3A_113, %mul3A_185 : i32
        %add3A_187 = arith.constant 0 : i32
        %add3A_188 = arith.addi %mul3A_186, %add3A_187 : i32
        %add3A_189 = arith.constant 4 : i32
        %add3A_190 = arith.addi %add3A_188, %add3A_189 : i32
        %get3A_191 = arith.index_cast %add3A_190 : i32 to index
        %get3A_192 = arith.constant 0 : index
        %get3A_193 = tpu.vector_load %arg5[%get3A_191, %get3A_192] {strides = array<i32>} : memref<1024x16xf32, #tpu.memory_space<vmem>>, vector<16xf32>,
        %mul3A_194 = arith.constant 32 : i32
        %mul3A_195 = arith.muli %add3A_113, %mul3A_194 : i32
        %add3A_196 = arith.constant 16 : i32
        %add3A_197 = arith.addi %mul3A_195, %add3A_196 : i32
        %add3A_198 = vector.broadcast %add3A_197 : i32 to vector<16xi32>
        %add3A_199 = arith.addi %add3A_198, %shift_right_arithmetic3A_4 : vector<16xi32>
        %add3A_200 = arith.constant 0 : i32
        %add3A_201 = vector.broadcast %add3A_200 : i32 to vector<16xi32>
        %add3A_202 = arith.addi %and3A_9, %add3A_201 : vector<16xi32>
        tpu.vector_store_idx %arg7[%add3A_199, %add3A_202], %get3A_193 : memref<2048x8xf32, #tpu.memory_space<vmem>>[vector<16xi32>, vector<16xi32>], vector<16xf32>,
        %mul3A_203 = arith.constant 16 : i32
        %mul3A_204 = arith.muli %add3A_113, %mul3A_203 : i32
        %add3A_205 = arith.constant 0 : i32
        %add3A_206 = arith.addi %mul3A_204, %add3A_205 : i32
        %add3A_207 = arith.constant 5 : i32
        %add3A_208 = arith.addi %add3A_206, %add3A_207 : i32
        %get3A_209 = arith.index_cast %add3A_208 : i32 to index
        %get3A_210 = arith.constant 0 : index
        %get3A_211 = tpu.vector_load %arg5[%get3A_209, %get3A_210] {strides = array<i32>} : memref<1024x16xf32, #tpu.memory_space<vmem>>, vector<16xf32>,
        %mul3A_212 = arith.constant 32 : i32
        %mul3A_213 = arith.muli %add3A_113, %mul3A_212 : i32
        %add3A_214 = arith.constant 20 : i32
        %add3A_215 = arith.addi %mul3A_213, %add3A_214 : i32
        %add3A_216 = vector.broadcast %add3A_215 : i32 to vector<16xi32>
        %add3A_217 = arith.addi %add3A_216, %shift_right_arithmetic3A_4 : vector<16xi32>
        %add3A_218 = arith.constant 0 : i32
        %add3A_219 = vector.broadcast %add3A_218 : i32 to vector<16xi32>
        %add3A_220 = arith.addi %and3A_9, %add3A_219 : vector<16xi32>
        tpu.vector_store_idx %arg7[%add3A_217, %add3A_220], %get3A_211 : memref<2048x8xf32, #tpu.memory_space<vmem>>[vector<16xi32>, vector<16xi32>], vector<16xf32>,
        %mul3A_221 = arith.constant 16 : i32
        %mul3A_222 = arith.muli %add3A_113, %mul3A_221 : i32
        %add3A_223 = arith.constant 0 : i32
        %add3A_224 = arith.addi %mul3A_222, %add3A_223 : i32
        %add3A_225 = arith.constant 6 : i32
        %add3A_226 = arith.addi %add3A_224, %add3A_225 : i32
        %get3A_227 = arith.index_cast %add3A_226 : i32 to index
        %get3A_228 = arith.constant 0 : index
        %get3A_229 = tpu.vector_load %arg5[%get3A_227, %get3A_228] {strides = array<i32>} : memref<1024x16xf32, #tpu.memory_space<vmem>>, vector<16xf32>,
        %mul3A_230 = arith.constant 32 : i32
        %mul3A_231 = arith.muli %add3A_113, %mul3A_230 : i32
        %add3A_232 = arith.constant 24 : i32
        %add3A_233 = arith.addi %mul3A_231, %add3A_232 : i32
        %add3A_234 = vector.broadcast %add3A_233 : i32 to vector<16xi32>
        %add3A_235 = arith.addi %add3A_234, %shift_right_arithmetic3A_4 : vector<16xi32>
        %add3A_236 = arith.constant 0 : i32
        %add3A_237 = vector.broadcast %add3A_236 : i32 to vector<16xi32>
        %add3A_238 = arith.addi %and3A_9, %add3A_237 : vector<16xi32>
        tpu.vector_store_idx %arg7[%add3A_235, %add3A_238], %get3A_229 : memref<2048x8xf32, #tpu.memory_space<vmem>>[vector<16xi32>, vector<16xi32>], vector<16xf32>,
        %mul3A_239 = arith.constant 16 : i32
        %mul3A_240 = arith.muli %add3A_113, %mul3A_239 : i32
        %add3A_241 = arith.constant 0 : i32
        %add3A_242 = arith.addi %mul3A_240, %add3A_241 : i32
        %add3A_243 = arith.constant 7 : i32
        %add3A_244 = arith.addi %add3A_242, %add3A_243 : i32
        %get3A_245 = arith.index_cast %add3A_244 : i32 to index
        %get3A_246 = arith.constant 0 : index
        %get3A_247 = tpu.vector_load %arg5[%get3A_245, %get3A_246] {strides = array<i32>} : memref<1024x16xf32, #tpu.memory_space<vmem>>, vector<16xf32>,
        %mul3A_248 = arith.constant 32 : i32
        %mul3A_249 = arith.muli %add3A_113, %mul3A_248 : i32
        %add3A_250 = arith.constant 28 : i32
        %add3A_251 = arith.addi %mul3A_249, %add3A_250 : i32
        %add3A_252 = vector.broadcast %add3A_251 : i32 to vector<16xi32>
        %add3A_253 = arith.addi %add3A_252, %shift_right_arithmetic3A_4 : vector<16xi32>
        %add3A_254 = arith.constant 0 : i32
        %add3A_255 = vector.broadcast %add3A_254 : i32 to vector<16xi32>
        %add3A_256 = arith.addi %and3A_9, %add3A_255 : vector<16xi32>
        tpu.vector_store_idx %arg7[%add3A_253, %add3A_256], %get3A_247 : memref<2048x8xf32, #tpu.memory_space<vmem>>[vector<16xi32>, vector<16xi32>], vector<16xf32>,
        %mul3A_257 = arith.constant 16 : i32
        %mul3A_258 = arith.muli %add3A_113, %mul3A_257 : i32
        %add3A_259 = arith.constant 8 : i32
        %add3A_260 = arith.addi %mul3A_258, %add3A_259 : i32
        %add3A_261 = arith.constant 0 : i32
        %add3A_262 = arith.addi %add3A_260, %add3A_261 : i32
        %get3A_263 = arith.index_cast %add3A_262 : i32 to index
        %get3A_264 = arith.constant 0 : index
        %get3A_265 = tpu.vector_load %arg5[%get3A_263, %get3A_264] {strides = array<i32>} : memref<1024x16xf32, #tpu.memory_space<vmem>>, vector<16xf32>,
        %mul3A_266 = arith.constant 32 : i32
        %mul3A_267 = arith.muli %add3A_113, %mul3A_266 : i32
        %add3A_268 = arith.constant 0 : i32
        %add3A_269 = arith.addi %mul3A_267, %add3A_268 : i32
        %add3A_270 = vector.broadcast %add3A_269 : i32 to vector<16xi32>
        %add3A_271 = arith.addi %add3A_270, %shift_right_arithmetic3A_4 : vector<16xi32>
        %add3A_272 = arith.constant 1 : i32
        %add3A_273 = vector.broadcast %add3A_272 : i32 to vector<16xi32>
        %add3A_274 = arith.addi %and3A_9, %add3A_273 : vector<16xi32>
        tpu.vector_store_idx %arg7[%add3A_271, %add3A_274], %get3A_265 : memref<2048x8xf32, #tpu.memory_space<vmem>>[vector<16xi32>, vector<16xi32>], vector<16xf32>,
        %mul3A_275 = arith.constant 16 : i32
        %mul3A_276 = arith.muli %add3A_113, %mul3A_275 : i32
        %add3A_277 = arith.constant 8 : i32
        %add3A_278 = arith.addi %mul3A_276, %add3A_277 : i32
        %add3A_279 = arith.constant 1 : i32
        %add3A_280 = arith.addi %add3A_278, %add3A_279 : i32
        %get3A_281 = arith.index_cast %add3A_280 : i32 to index
        %get3A_282 = arith.constant 0 : index
        %get3A_283 = tpu.vector_load %arg5[%get3A_281, %get3A_282] {strides = array<i32>} : memref<1024x16xf32, #tpu.memory_space<vmem>>, vector<16xf32>,
        %mul3A_284 = arith.constant 32 : i32
        %mul3A_285 = arith.muli %add3A_113, %mul3A_284 : i32
        %add3A_286 = arith.constant 4 : i32
        %add3A_287 = arith.addi %mul3A_285, %add3A_286 : i32
        %add3A_288 = vector.broadcast %add3A_287 : i32 to vector<16xi32>
        %add3A_289 = arith.addi %add3A_288, %shift_right_arithmetic3A_4 : vector<16xi32>
        %add3A_290 = arith.constant 1 : i32
        %add3A_291 = vector.broadcast %add3A_290 : i32 to vector<16xi32>
        %add3A_292 = arith.addi %and3A_9, %add3A_291 : vector<16xi32>
        tpu.vector_store_idx %arg7[%add3A_289, %add3A_292], %get3A_283 : memref<2048x8xf32, #tpu.memory_space<vmem>>[vector<16xi32>, vector<16xi32>], vector<16xf32>,
        %mul3A_293 = arith.constant 16 : i32
        %mul3A_294 = arith.muli %add3A_113, %mul3A_293 : i32
        %add3A_295 = arith.constant 8 : i32
        %add3A_296 = arith.addi %mul3A_294, %add3A_295 : i32
        %add3A_297 = arith.constant 2 : i32
        %add3A_298 = arith.addi %add3A_296, %add3A_297 : i32
        %get3A_299 = arith.index_cast %add3A_298 : i32 to index
        %get3A_300 = arith.constant 0 : index
        %get3A_301 = tpu.vector_load %arg5[%get3A_299, %get3A_300] {strides = array<i32>} : memref<1024x16xf32, #tpu.memory_space<vmem>>, vector<16xf32>,
        %mul3A_302 = arith.constant 32 : i32
        %mul3A_303 = arith.muli %add3A_113, %mul3A_302 : i32
        %add3A_304 = arith.constant 8 : i32
        %add3A_305 = arith.addi %mul3A_303, %add3A_304 : i32
        %add3A_306 = vector.broadcast %add3A_305 : i32 to vector<16xi32>
        %add3A_307 = arith.addi %add3A_306, %shift_right_arithmetic3A_4 : vector<16xi32>
        %add3A_308 = arith.constant 1 : i32
        %add3A_309 = vector.broadcast %add3A_308 : i32 to vector<16xi32>
        %add3A_310 = arith.addi %and3A_9, %add3A_309 : vector<16xi32>
        tpu.vector_store_idx %arg7[%add3A_307, %add3A_310], %get3A_301 : memref<2048x8xf32, #tpu.memory_space<vmem>>[vector<16xi32>, vector<16xi32>], vector<16xf32>,
        %mul3A_311 = arith.constant 16 : i32
        %mul3A_312 = arith.muli %add3A_113, %mul3A_311 : i32
        %add3A_313 = arith.constant 8 : i32
        %add3A_314 = arith.addi %mul3A_312, %add3A_313 : i32
        %add3A_315 = arith.constant 3 : i32
        %add3A_316 = arith.addi %add3A_314, %add3A_315 : i32
        %get3A_317 = arith.index_cast %add3A_316 : i32 to index
        %get3A_318 = arith.constant 0 : index
        %get3A_319 = tpu.vector_load %arg5[%get3A_317, %get3A_318] {strides = array<i32>} : memref<1024x16xf32, #tpu.memory_space<vmem>>, vector<16xf32>,
        %mul3A_320 = arith.constant 32 : i32
        %mul3A_321 = arith.muli %add3A_113, %mul3A_320 : i32
        %add3A_322 = arith.constant 12 : i32
        %add3A_323 = arith.addi %mul3A_321, %add3A_322 : i32
        %add3A_324 = vector.broadcast %add3A_323 : i32 to vector<16xi32>
        %add3A_325 = arith.addi %add3A_324, %shift_right_arithmetic3A_4 : vector<16xi32>
        %add3A_326 = arith.constant 1 : i32
        %add3A_327 = vector.broadcast %add3A_326 : i32 to vector<16xi32>
        %add3A_328 = arith.addi %and3A_9, %add3A_327 : vector<16xi32>
        tpu.vector_store_idx %arg7[%add3A_325, %add3A_328], %get3A_319 : memref<2048x8xf32, #tpu.memory_space<vmem>>[vector<16xi32>, vector<16xi32>], vector<16xf32>,
        %mul3A_329 = arith.constant 16 : i32
        %mul3A_330 = arith.muli %add3A_113, %mul3A_329 : i32
        %add3A_331 = arith.constant 8 : i32
        %add3A_332 = arith.addi %mul3A_330, %add3A_331 : i32
        %add3A_333 = arith.constant 4 : i32
        %add3A_334 = arith.addi %add3A_332, %add3A_333 : i32
        %get3A_335 = arith.index_cast %add3A_334 : i32 to index
        %get3A_336 = arith.constant 0 : index
        %get3A_337 = tpu.vector_load %arg5[%get3A_335, %get3A_336] {strides = array<i32>} : memref<1024x16xf32, #tpu.memory_space<vmem>>, vector<16xf32>,
        %mul3A_338 = arith.constant 32 : i32
        %mul3A_339 = arith.muli %add3A_113, %mul3A_338 : i32
        %add3A_340 = arith.constant 16 : i32
        %add3A_341 = arith.addi %mul3A_339, %add3A_340 : i32
        %add3A_342 = vector.broadcast %add3A_341 : i32 to vector<16xi32>
        %add3A_343 = arith.addi %add3A_342, %shift_right_arithmetic3A_4 : vector<16xi32>
        %add3A_344 = arith.constant 1 : i32
        %add3A_345 = vector.broadcast %add3A_344 : i32 to vector<16xi32>
        %add3A_346 = arith.addi %and3A_9, %add3A_345 : vector<16xi32>
        tpu.vector_store_idx %arg7[%add3A_343, %add3A_346], %get3A_337 : memref<2048x8xf32, #tpu.memory_space<vmem>>[vector<16xi32>, vector<16xi32>], vector<16xf32>,
        %mul3A_347 = arith.constant 16 : i32
        %mul3A_348 = arith.muli %add3A_113, %mul3A_347 : i32
        %add3A_349 = arith.constant 8 : i32
        %add3A_350 = arith.addi %mul3A_348, %add3A_349 : i32
        %add3A_351 = arith.constant 5 : i32
        %add3A_352 = arith.addi %add3A_350, %add3A_351 : i32
        %get3A_353 = arith.index_cast %add3A_352 : i32 to index
        %get3A_354 = arith.constant 0 : index
        %get3A_355 = tpu.vector_load %arg5[%get3A_353, %get3A_354] {strides = array<i32>} : memref<1024x16xf32, #tpu.memory_space<vmem>>, vector<16xf32>,
        %mul3A_356 = arith.constant 32 : i32
        %mul3A_357 = arith.muli %add3A_113, %mul3A_356 : i32
        %add3A_358 = arith.constant 20 : i32
        %add3A_359 = arith.addi %mul3A_357, %add3A_358 : i32
        %add3A_360 = vector.broadcast %add3A_359 : i32 to vector<16xi32>
        %add3A_361 = arith.addi %add3A_360, %shift_right_arithmetic3A_4 : vector<16xi32>
        %add3A_362 = arith.constant 1 : i32
        %add3A_363 = vector.broadcast %add3A_362 : i32 to vector<16xi32>
        %add3A_364 = arith.addi %and3A_9, %add3A_363 : vector<16xi32>
        tpu.vector_store_idx %arg7[%add3A_361, %add3A_364], %get3A_355 : memref<2048x8xf32, #tpu.memory_space<vmem>>[vector<16xi32>, vector<16xi32>], vector<16xf32>,
        %mul3A_365 = arith.constant 16 : i32
        %mul3A_366 = arith.muli %add3A_113, %mul3A_365 : i32
        %add3A_367 = arith.constant 8 : i32
        %add3A_368 = arith.addi %mul3A_366, %add3A_367 : i32
        %add3A_369 = arith.constant 6 : i32
        %add3A_370 = arith.addi %add3A_368, %add3A_369 : i32
        %get3A_371 = arith.index_cast %add3A_370 : i32 to index
        %get3A_372 = arith.constant 0 : index
        %get3A_373 = tpu.vector_load %arg5[%get3A_371, %get3A_372] {strides = array<i32>} : memref<1024x16xf32, #tpu.memory_space<vmem>>, vector<16xf32>,
        %mul3A_374 = arith.constant 32 : i32
        %mul3A_375 = arith.muli %add3A_113, %mul3A_374 : i32
        %add3A_376 = arith.constant 24 : i32
        %add3A_377 = arith.addi %mul3A_375, %add3A_376 : i32
        %add3A_378 = vector.broadcast %add3A_377 : i32 to vector<16xi32>
        %add3A_379 = arith.addi %add3A_378, %shift_right_arithmetic3A_4 : vector<16xi32>
        %add3A_380 = arith.constant 1 : i32
        %add3A_381 = vector.broadcast %add3A_380 : i32 to vector<16xi32>
        %add3A_382 = arith.addi %and3A_9, %add3A_381 : vector<16xi32>
        tpu.vector_store_idx %arg7[%add3A_379, %add3A_382], %get3A_373 : memref<2048x8xf32, #tpu.memory_space<vmem>>[vector<16xi32>, vector<16xi32>], vector<16xf32>,
        %mul3A_383 = arith.constant 16 : i32
        %mul3A_384 = arith.muli %add3A_113, %mul3A_383 : i32
        %add3A_385 = arith.constant 8 : i32
        %add3A_386 = arith.addi %mul3A_384, %add3A_385 : i32
        %add3A_387 = arith.constant 7 : i32
        %add3A_388 = arith.addi %add3A_386, %add3A_387 : i32
        %get3A_389 = arith.index_cast %add3A_388 : i32 to index
        %get3A_390 = arith.constant 0 : index
        %get3A_391 = tpu.vector_load %arg5[%get3A_389, %get3A_390] {strides = array<i32>} : memref<1024x16xf32, #tpu.memory_space<vmem>>, vector<16xf32>,
        %mul3A_392 = arith.constant 32 : i32
        %mul3A_393 = arith.muli %add3A_113, %mul3A_392 : i32
        %add3A_394 = arith.constant 28 : i32
        %add3A_395 = arith.addi %mul3A_393, %add3A_394 : i32
        %add3A_396 = vector.broadcast %add3A_395 : i32 to vector<16xi32>
        %add3A_397 = arith.addi %add3A_396, %shift_right_arithmetic3A_4 : vector<16xi32>
        %add3A_398 = arith.constant 1 : i32
        %add3A_399 = vector.broadcast %add3A_398 : i32 to vector<16xi32>
        %add3A_400 = arith.addi %and3A_9, %add3A_399 : vector<16xi32>
        tpu.vector_store_idx %arg7[%add3A_397, %add3A_400], %get3A_391 : memref<2048x8xf32, #tpu.memory_space<vmem>>[vector<16xi32>, vector<16xi32>], vector<16xf32>,
      }
      %scan3A_99 = arith.constant 64 : i32
      %mul3A_100 = arith.constant 1024 : i32
      %mul3A_101 = arith.muli %add3A_75, %mul3A_100 : i32
      %add3A_102 = arith.addi %mul3A_2, %mul3A_101 : i32
      %mul3A_103 = arith.constant 2 : i32
      %mul3A_104 = arith.muli %add3A_102, %mul3A_103 : i32
      %dma_start3A_105 = arith.constant 0 : i32
      %dma_start3A_106 = tpu.memref_slice %arg3[%mul3A_104, %dma_start3A_105] : memref<4194304x8xf32, #tpu.memory_space<hbm>> -> memref<2048x8xf32, #tpu.memory_space<hbm>>
      %dma_start3A_107 = arith.constant 0 : i32
      %dma_start3A_108 = tpu.memref_slice %arg3[%mul3A_104, %dma_start3A_107] : memref<4194304x8xf32, #tpu.memory_space<hbm>> -> memref<2048x8xf32, #tpu.memory_space<hbm>>
      tpu.enqueue_dma source(%arg7 : memref<2048x8xf32, #tpu.memory_space<vmem>>) target(%dma_start3A_108 : memref<2048x8xf32, #tpu.memory_space<hbm>>) target_semaphore(%arg11 : memref<!tpu.dma_semaphore, #tpu.memory_space<semaphore_mem>>)
    }
    %scan3A_18 = arith.constant 32 : i32
    %add3A_19 = arith.constant 63488 : i32
    %add3A_20 = arith.addi %mul3A_2, %add3A_19 : i32
    %mul3A_21 = arith.constant 2 : i32
    %mul3A_22 = arith.muli %add3A_20, %mul3A_21 : i32
    %dma_wait3A = arith.constant 0 : i32
    %dma_wait3A_23 = tpu.memref_slice %arg3[%mul3A_22, %dma_wait3A] : memref<4194304x8xf32, #tpu.memory_space<hbm>> -> memref<2048x8xf32, #tpu.memory_space<hbm>>
    %dma_wait3A_24 = arith.constant 0 : i32
    %dma_wait3A_25 = tpu.memref_slice %arg3[%mul3A_22, %dma_wait3A_24] : memref<4194304x8xf32, #tpu.memory_space<hbm>> -> memref<2048x8xf32, #tpu.memory_space<hbm>>
    tpu.wait_dma2 semaphore(%arg10 : memref<!tpu.dma_semaphore, #tpu.memory_space<semaphore_mem>>) src(%arg6 : memref<2048x8xf32, #tpu.memory_space<vmem>>) dst(%dma_wait3A_25 : memref<2048x8xf32, #tpu.memory_space<hbm>>)
    %add3A_26 = arith.constant 64512 : i32
    %add3A_27 = arith.addi %mul3A_2, %add3A_26 : i32
    %mul3A_28 = arith.constant 2 : i32
    %mul3A_29 = arith.muli %add3A_27, %mul3A_28 : i32
    %dma_wait3A_30 = arith.constant 0 : i32
    %dma_wait3A_31 = tpu.memref_slice %arg3[%mul3A_29, %dma_wait3A_30] : memref<4194304x8xf32, #tpu.memory_space<hbm>> -> memref<2048x8xf32, #tpu.memory_space<hbm>>
    %dma_wait3A_32 = arith.constant 0 : i32
    %dma_wait3A_33 = tpu.memref_slice %arg3[%mul3A_29, %dma_wait3A_32] : memref<4194304x8xf32, #tpu.memory_space<hbm>> -> memref<2048x8xf32, #tpu.memory_space<hbm>>
    tpu.wait_dma2 semaphore(%arg11 : memref<!tpu.dma_semaphore, #tpu.memory_space<semaphore_mem>>) src(%arg7 : memref<2048x8xf32, #tpu.memory_space<vmem>>) dst(%dma_wait3A_33 : memref<2048x8xf32, #tpu.memory_space<hbm>>)
    return
  }
}

#map = affine_map<(d0, d1) -> (0, 0)>
module attributes {stable_mosaic.version = 14 : i64} {
  func.func @enc_kernel(%arg0: i32, %arg1: i32, %arg2: memref<3x262144xf32, #tpu.memory_space<hbm>>, %arg3: memref<4194304x8xf32, #tpu.memory_space<hbm>>, %arg4: memref<64x262144xf32, #tpu.memory_space<hbm>>, %arg5: memref<3x512xf32, #tpu.memory_space<vmem>>, %arg6: memref<4096xi32, #tpu.memory_space<vmem>>, %arg7: memref<4096xi32, #tpu.memory_space<vmem>>, %arg8: memref<4096xi32, #tpu.memory_space<vmem>>, %arg9: memref<4096xi32, #tpu.memory_space<vmem>>, %arg10: memref<4096xf32, #tpu.memory_space<vmem>>, %arg11: memref<4096xf32, #tpu.memory_space<vmem>>, %arg12: memref<4096x8xf32, #tpu.memory_space<vmem>>, %arg13: memref<4096x8xf32, #tpu.memory_space<vmem>>, %arg14: memref<2x512xf32, #tpu.memory_space<vmem>>, %arg15: memref<2x512xf32, #tpu.memory_space<vmem>>, %arg16: memref<!tpu.dma_semaphore, #tpu.memory_space<semaphore_mem>>, %arg17: memref<!tpu.dma_semaphore, #tpu.memory_space<semaphore_mem>>, %arg18: memref<!tpu.dma_semaphore, #tpu.memory_space<semaphore_mem>>, %arg19: memref<!tpu.dma_semaphore, #tpu.memory_space<semaphore_mem>>) attributes {dimension_semantics = [#tpu.dimension_semantics<core_parallel>, #tpu.dimension_semantics<subcore_parallel>], iteration_bounds = array<i64: 2, 16>, scalar_prefetch = 0 : i64, scratch_operands = 15 : i64, tpu.core_type = #tpu.core_type<sc_vector_subcore>, window_params = [{transform_indices = #map}, {transform_indices = #map}, {transform_indices = #map}]} {
    %mul3A = arith.constant 2 : i32
    %mul3A_0 = arith.muli %arg1, %mul3A : i32
    %add3A = arith.addi %mul3A_0, %arg0 : i32
    %mul3A_1 = arith.constant 8192 : i32
    %mul3A_2 = arith.muli %add3A, %mul3A_1 : i32
    %iota3A = tpu.iota {dimensions = array<i32: 0>} : vector<16xi32>
    %scan3A = arith.constant 0 : i32
    %scan3A_3 = arith.constant 16 : i32
    %scan3A_4 = arith.addi %scan3A, %scan3A_3 : i32
    %scan3A_5 = arith.constant 1 : i32
    scf.for %scan3A_7 = %scan3A to %scan3A_4 step %scan3A_5  : i32 {
      %mul3A_8 = arith.constant 1 : i32
      %mul3A_9 = arith.muli %scan3A_7, %mul3A_8 : i32
      %add3A_10 = arith.constant 0 : i32
      %add3A_11 = arith.addi %add3A_10, %mul3A_9 : i32
      %mul3A_12 = arith.constant 512 : i32
      %mul3A_13 = arith.muli %add3A_11, %mul3A_12 : i32
      %add3A_14 = arith.addi %mul3A_2, %mul3A_13 : i32
      "tpu.region"() ({
        %run_scoped3A = tpu.sem_alloc : memref<!tpu.dma_semaphore, #tpu.memory_space<semaphore_mem>>
        %dma_start3A_38 = arith.constant 0 : i32
        %dma_start3A_39 = tpu.memref_slice %arg2[%dma_start3A_38, %add3A_14] : memref<3x262144xf32, #tpu.memory_space<hbm>> -> memref<3x512xf32, #tpu.memory_space<hbm>>
        %dma_start3A_40 = arith.constant 0 : i32
        %dma_start3A_41 = tpu.memref_slice %arg2[%dma_start3A_40, %add3A_14] : memref<3x262144xf32, #tpu.memory_space<hbm>> -> memref<3x512xf32, #tpu.memory_space<hbm>>
        tpu.enqueue_dma source(%dma_start3A_41 : memref<3x512xf32, #tpu.memory_space<hbm>>) target(%arg5 : memref<3x512xf32, #tpu.memory_space<vmem>>) target_semaphore(%run_scoped3A : memref<!tpu.dma_semaphore, #tpu.memory_space<semaphore_mem>>)
        %dma_wait3A_42 = arith.constant 0 : i32
        %dma_wait3A_43 = tpu.memref_slice %arg2[%dma_wait3A_42, %add3A_14] : memref<3x262144xf32, #tpu.memory_space<hbm>> -> memref<3x512xf32, #tpu.memory_space<hbm>>
        %dma_wait3A_44 = arith.constant 0 : i32
        %dma_wait3A_45 = tpu.memref_slice %arg2[%dma_wait3A_44, %add3A_14] : memref<3x262144xf32, #tpu.memory_space<hbm>> -> memref<3x512xf32, #tpu.memory_space<hbm>>
        tpu.wait_dma2 semaphore(%run_scoped3A : memref<!tpu.dma_semaphore, #tpu.memory_space<semaphore_mem>>) src(%dma_wait3A_45 : memref<3x512xf32, #tpu.memory_space<hbm>>) dst(%arg5 : memref<3x512xf32, #tpu.memory_space<vmem>>)
        tpu.yield
      }) : () -> ()
      %mul3A_15 = arith.constant 0 : i32
      %mul3A_16 = arith.constant 131072 : i32
      %mul3A_17 = arith.muli %mul3A_15, %mul3A_16 : i32
      %add3A_18 = arith.constant 0 : i32
      %add3A_19 = arith.constant 127 : i32
      %add3A_20 = arith.addi %add3A_18, %add3A_19 : i32
      %shift_left3A = arith.constant 23 : i32
      %shift_left3A_21 = arith.shli %add3A_20, %shift_left3A : i32
      %broadcast_in_dim3A = vector.broadcast %shift_left3A_21 : i32 to vector<16xi32>
      %bitcast_convert_type3A = tpu.bitcast %broadcast_in_dim3A : vector<16xi32> -> vector<16xf32>
      %parallel_loop3A = arith.constant 0 : i32
      %parallel_loop3A_22 = arith.constant 512 : i32
      %parallel_loop3A_23 = arith.constant 16 : i32
      scf.for %parallel_loop3A_38 = %parallel_loop3A to %parallel_loop3A_22 step %parallel_loop3A_23  : i32 {
        %parallel_loop3A_39 = arith.constant 0 : i32
        %parallel_loop3A_40 = arith.index_cast %parallel_loop3A_39 : i32 to index
        %parallel_loop3A_41 = arith.index_cast %parallel_loop3A_38 : i32 to index
        %parallel_loop3A_42 = tpu.vector_load %arg5[%parallel_loop3A_40, %parallel_loop3A_41] {strides = array<i32>} : memref<3x512xf32, #tpu.memory_space<vmem>>, vector<16xf32>,
        %parallel_loop3A_43 = arith.constant 1 : i32
        %parallel_loop3A_44 = arith.index_cast %parallel_loop3A_43 : i32 to index
        %parallel_loop3A_45 = arith.index_cast %parallel_loop3A_38 : i32 to index
        %parallel_loop3A_46 = tpu.vector_load %arg5[%parallel_loop3A_44, %parallel_loop3A_45] {strides = array<i32>} : memref<3x512xf32, #tpu.memory_space<vmem>>, vector<16xf32>,
        %parallel_loop3A_47 = arith.constant 2 : i32
        %parallel_loop3A_48 = arith.index_cast %parallel_loop3A_47 : i32 to index
        %parallel_loop3A_49 = arith.index_cast %parallel_loop3A_38 : i32 to index
        %parallel_loop3A_50 = tpu.vector_load %arg5[%parallel_loop3A_48, %parallel_loop3A_49] {strides = array<i32>} : memref<3x512xf32, #tpu.memory_space<vmem>>, vector<16xf32>,
        %parallel_loop3A_51 = arith.mulf %parallel_loop3A_42, %bitcast_convert_type3A : vector<16xf32>
        %parallel_loop3A_52 = arith.mulf %parallel_loop3A_46, %bitcast_convert_type3A : vector<16xf32>
        %parallel_loop3A_53 = arith.mulf %parallel_loop3A_50, %bitcast_convert_type3A : vector<16xf32>
        %parallel_loop3A_54 = arith.fptoui %parallel_loop3A_51 : vector<16xf32> to vector<16xi32>
        %parallel_loop3A_55 = arith.fptoui %parallel_loop3A_52 : vector<16xf32> to vector<16xi32>
        %parallel_loop3A_56 = arith.fptoui %parallel_loop3A_53 : vector<16xf32> to vector<16xi32>
        %parallel_loop3A_57 = arith.uitofp %parallel_loop3A_54 : vector<16xi32> to vector<16xf32>
        %parallel_loop3A_58 = arith.subf %parallel_loop3A_51, %parallel_loop3A_57 : vector<16xf32>
        %parallel_loop3A_59 = arith.uitofp %parallel_loop3A_55 : vector<16xi32> to vector<16xf32>
        %parallel_loop3A_60 = arith.subf %parallel_loop3A_52, %parallel_loop3A_59 : vector<16xf32>
        %parallel_loop3A_61 = arith.uitofp %parallel_loop3A_56 : vector<16xi32> to vector<16xf32>
        %parallel_loop3A_62 = arith.subf %parallel_loop3A_53, %parallel_loop3A_61 : vector<16xf32>
        %parallel_loop3A_63 = arith.constant 1.000000e+00 : f32
        %parallel_loop3A_64 = vector.broadcast %parallel_loop3A_63 : f32 to vector<16xf32>
        %parallel_loop3A_65 = arith.subf %parallel_loop3A_64, %parallel_loop3A_58 : vector<16xf32>
        %parallel_loop3A_66 = arith.constant 1.000000e+00 : f32
        %parallel_loop3A_67 = vector.broadcast %parallel_loop3A_66 : f32 to vector<16xf32>
        %parallel_loop3A_68 = arith.subf %parallel_loop3A_67, %parallel_loop3A_60 : vector<16xf32>
        %parallel_loop3A_69 = arith.constant 1.000000e+00 : f32
        %parallel_loop3A_70 = vector.broadcast %parallel_loop3A_69 : f32 to vector<16xf32>
        %parallel_loop3A_71 = arith.subf %parallel_loop3A_70, %parallel_loop3A_62 : vector<16xf32>
        %parallel_loop3A_72 = arith.constant 1 : i32
        %parallel_loop3A_73 = vector.broadcast %parallel_loop3A_72 : i32 to vector<16xi32>
        %parallel_loop3A_74 = arith.addi %parallel_loop3A_54, %parallel_loop3A_73 : vector<16xi32>
        %parallel_loop3A_75 = arith.constant -1640531535 : i32
        %parallel_loop3A_76 = vector.broadcast %parallel_loop3A_75 : i32 to vector<16xi32>
        %parallel_loop3A_77 = arith.muli %parallel_loop3A_55, %parallel_loop3A_76 : vector<16xi32>
        %parallel_loop3A_78 = arith.constant -1640531535 : i32
        %parallel_loop3A_79 = vector.broadcast %parallel_loop3A_78 : i32 to vector<16xi32>
        %parallel_loop3A_80 = arith.addi %parallel_loop3A_77, %parallel_loop3A_79 : vector<16xi32>
        %parallel_loop3A_81 = arith.constant 805459861 : i32
        %parallel_loop3A_82 = vector.broadcast %parallel_loop3A_81 : i32 to vector<16xi32>
        %parallel_loop3A_83 = arith.muli %parallel_loop3A_56, %parallel_loop3A_82 : vector<16xi32>
        %parallel_loop3A_84 = arith.constant 805459861 : i32
        %parallel_loop3A_85 = vector.broadcast %parallel_loop3A_84 : i32 to vector<16xi32>
        %parallel_loop3A_86 = arith.addi %parallel_loop3A_83, %parallel_loop3A_85 : vector<16xi32>
        %parallel_loop3A_87 = arith.xori %parallel_loop3A_54, %parallel_loop3A_77 : vector<16xi32>
        %parallel_loop3A_88 = arith.xori %parallel_loop3A_87, %parallel_loop3A_83 : vector<16xi32>
        %parallel_loop3A_89 = arith.constant 524287 : i32
        %parallel_loop3A_90 = vector.broadcast %parallel_loop3A_89 : i32 to vector<16xi32>
        %parallel_loop3A_91 = arith.andi %parallel_loop3A_88, %parallel_loop3A_90 : vector<16xi32>
        %parallel_loop3A_92 = tpu.bitcast %parallel_loop3A_91 : vector<16xi32> -> vector<16xi32>
        %parallel_loop3A_93 = arith.mulf %parallel_loop3A_65, %parallel_loop3A_68 : vector<16xf32>
        %parallel_loop3A_94 = arith.mulf %parallel_loop3A_93, %parallel_loop3A_71 : vector<16xf32>
        %parallel_loop3A_95 = arith.constant 0 : i32
        %parallel_loop3A_96 = arith.addi %parallel_loop3A_95, %parallel_loop3A_38 : i32
        %parallel_loop3A_97 = arith.constant 2 : i32
        %parallel_loop3A_98 = vector.broadcast %parallel_loop3A_97 : i32 to vector<16xi32>
        %parallel_loop3A_99 = arith.shrsi %parallel_loop3A_92, %parallel_loop3A_98 : vector<16xi32>
        %parallel_loop3A_100 = vector.broadcast %mul3A_17 : i32 to vector<16xi32>
        %parallel_loop3A_101 = arith.addi %parallel_loop3A_99, %parallel_loop3A_100 : vector<16xi32>
        %parallel_loop3A_102 = arith.index_cast %parallel_loop3A_96 : i32 to index
        %parallel_loop3A_103 = tpu.vector_load %arg6[%parallel_loop3A_102] {strides = array<i32>} : memref<4096xi32, #tpu.memory_space<vmem>>, vector<16xi32>,
        tpu.vector_store %arg6[%parallel_loop3A_102], %parallel_loop3A_101 {strides = array<i32>} : memref<4096xi32, #tpu.memory_space<vmem>>, vector<16xi32>,
        %parallel_loop3A_104 = arith.constant 3 : i32
        %parallel_loop3A_105 = vector.broadcast %parallel_loop3A_104 : i32 to vector<16xi32>
        %parallel_loop3A_106 = arith.andi %parallel_loop3A_92, %parallel_loop3A_105 : vector<16xi32>
        %parallel_loop3A_107 = arith.constant 2 : i32
        %parallel_loop3A_108 = vector.broadcast %parallel_loop3A_107 : i32 to vector<16xi32>
        %parallel_loop3A_109 = arith.muli %parallel_loop3A_106, %parallel_loop3A_108 : vector<16xi32>
        %parallel_loop3A_110 = arith.index_cast %parallel_loop3A_96 : i32 to index
        %parallel_loop3A_111 = tpu.vector_load %arg8[%parallel_loop3A_110] {strides = array<i32>} : memref<4096xi32, #tpu.memory_space<vmem>>, vector<16xi32>,
        tpu.vector_store %arg8[%parallel_loop3A_110], %parallel_loop3A_109 {strides = array<i32>} : memref<4096xi32, #tpu.memory_space<vmem>>, vector<16xi32>,
        %parallel_loop3A_112 = arith.index_cast %parallel_loop3A_96 : i32 to index
        %parallel_loop3A_113 = tpu.vector_load %arg10[%parallel_loop3A_112] {strides = array<i32>} : memref<4096xf32, #tpu.memory_space<vmem>>, vector<16xf32>,
        tpu.vector_store %arg10[%parallel_loop3A_112], %parallel_loop3A_94 {strides = array<i32>} : memref<4096xf32, #tpu.memory_space<vmem>>, vector<16xf32>,
        %parallel_loop3A_114 = arith.xori %parallel_loop3A_74, %parallel_loop3A_77 : vector<16xi32>
        %parallel_loop3A_115 = arith.xori %parallel_loop3A_114, %parallel_loop3A_83 : vector<16xi32>
        %parallel_loop3A_116 = arith.constant 524287 : i32
        %parallel_loop3A_117 = vector.broadcast %parallel_loop3A_116 : i32 to vector<16xi32>
        %parallel_loop3A_118 = arith.andi %parallel_loop3A_115, %parallel_loop3A_117 : vector<16xi32>
        %parallel_loop3A_119 = tpu.bitcast %parallel_loop3A_118 : vector<16xi32> -> vector<16xi32>
        %parallel_loop3A_120 = arith.mulf %parallel_loop3A_58, %parallel_loop3A_68 : vector<16xf32>
        %parallel_loop3A_121 = arith.mulf %parallel_loop3A_120, %parallel_loop3A_71 : vector<16xf32>
        %parallel_loop3A_122 = arith.constant 512 : i32
        %parallel_loop3A_123 = arith.addi %parallel_loop3A_122, %parallel_loop3A_38 : i32
        %parallel_loop3A_124 = arith.constant 2 : i32
        %parallel_loop3A_125 = vector.broadcast %parallel_loop3A_124 : i32 to vector<16xi32>
        %parallel_loop3A_126 = arith.shrsi %parallel_loop3A_119, %parallel_loop3A_125 : vector<16xi32>
        %parallel_loop3A_127 = vector.broadcast %mul3A_17 : i32 to vector<16xi32>
        %parallel_loop3A_128 = arith.addi %parallel_loop3A_126, %parallel_loop3A_127 : vector<16xi32>
        %parallel_loop3A_129 = arith.index_cast %parallel_loop3A_123 : i32 to index
        %parallel_loop3A_130 = tpu.vector_load %arg6[%parallel_loop3A_129] {strides = array<i32>} : memref<4096xi32, #tpu.memory_space<vmem>>, vector<16xi32>,
        tpu.vector_store %arg6[%parallel_loop3A_129], %parallel_loop3A_128 {strides = array<i32>} : memref<4096xi32, #tpu.memory_space<vmem>>, vector<16xi32>,
        %parallel_loop3A_131 = arith.constant 3 : i32
        %parallel_loop3A_132 = vector.broadcast %parallel_loop3A_131 : i32 to vector<16xi32>
        %parallel_loop3A_133 = arith.andi %parallel_loop3A_119, %parallel_loop3A_132 : vector<16xi32>
        %parallel_loop3A_134 = arith.constant 2 : i32
        %parallel_loop3A_135 = vector.broadcast %parallel_loop3A_134 : i32 to vector<16xi32>
        %parallel_loop3A_136 = arith.muli %parallel_loop3A_133, %parallel_loop3A_135 : vector<16xi32>
        %parallel_loop3A_137 = arith.index_cast %parallel_loop3A_123 : i32 to index
        %parallel_loop3A_138 = tpu.vector_load %arg8[%parallel_loop3A_137] {strides = array<i32>} : memref<4096xi32, #tpu.memory_space<vmem>>, vector<16xi32>,
        tpu.vector_store %arg8[%parallel_loop3A_137], %parallel_loop3A_136 {strides = array<i32>} : memref<4096xi32, #tpu.memory_space<vmem>>, vector<16xi32>,
        %parallel_loop3A_139 = arith.index_cast %parallel_loop3A_123 : i32 to index
        %parallel_loop3A_140 = tpu.vector_load %arg10[%parallel_loop3A_139] {strides = array<i32>} : memref<4096xf32, #tpu.memory_space<vmem>>, vector<16xf32>,
        tpu.vector_store %arg10[%parallel_loop3A_139], %parallel_loop3A_121 {strides = array<i32>} : memref<4096xf32, #tpu.memory_space<vmem>>, vector<16xf32>,
        %parallel_loop3A_141 = arith.xori %parallel_loop3A_54, %parallel_loop3A_80 : vector<16xi32>
        %parallel_loop3A_142 = arith.xori %parallel_loop3A_141, %parallel_loop3A_83 : vector<16xi32>
        %parallel_loop3A_143 = arith.constant 524287 : i32
        %parallel_loop3A_144 = vector.broadcast %parallel_loop3A_143 : i32 to vector<16xi32>
        %parallel_loop3A_145 = arith.andi %parallel_loop3A_142, %parallel_loop3A_144 : vector<16xi32>
        %parallel_loop3A_146 = tpu.bitcast %parallel_loop3A_145 : vector<16xi32> -> vector<16xi32>
        %parallel_loop3A_147 = arith.mulf %parallel_loop3A_65, %parallel_loop3A_60 : vector<16xf32>
        %parallel_loop3A_148 = arith.mulf %parallel_loop3A_147, %parallel_loop3A_71 : vector<16xf32>
        %parallel_loop3A_149 = arith.constant 1024 : i32
        %parallel_loop3A_150 = arith.addi %parallel_loop3A_149, %parallel_loop3A_38 : i32
        %parallel_loop3A_151 = arith.constant 2 : i32
        %parallel_loop3A_152 = vector.broadcast %parallel_loop3A_151 : i32 to vector<16xi32>
        %parallel_loop3A_153 = arith.shrsi %parallel_loop3A_146, %parallel_loop3A_152 : vector<16xi32>
        %parallel_loop3A_154 = vector.broadcast %mul3A_17 : i32 to vector<16xi32>
        %parallel_loop3A_155 = arith.addi %parallel_loop3A_153, %parallel_loop3A_154 : vector<16xi32>
        %parallel_loop3A_156 = arith.index_cast %parallel_loop3A_150 : i32 to index
        %parallel_loop3A_157 = tpu.vector_load %arg6[%parallel_loop3A_156] {strides = array<i32>} : memref<4096xi32, #tpu.memory_space<vmem>>, vector<16xi32>,
        tpu.vector_store %arg6[%parallel_loop3A_156], %parallel_loop3A_155 {strides = array<i32>} : memref<4096xi32, #tpu.memory_space<vmem>>, vector<16xi32>,
        %parallel_loop3A_158 = arith.constant 3 : i32
        %parallel_loop3A_159 = vector.broadcast %parallel_loop3A_158 : i32 to vector<16xi32>
        %parallel_loop3A_160 = arith.andi %parallel_loop3A_146, %parallel_loop3A_159 : vector<16xi32>
        %parallel_loop3A_161 = arith.constant 2 : i32
        %parallel_loop3A_162 = vector.broadcast %parallel_loop3A_161 : i32 to vector<16xi32>
        %parallel_loop3A_163 = arith.muli %parallel_loop3A_160, %parallel_loop3A_162 : vector<16xi32>
        %parallel_loop3A_164 = arith.index_cast %parallel_loop3A_150 : i32 to index
        %parallel_loop3A_165 = tpu.vector_load %arg8[%parallel_loop3A_164] {strides = array<i32>} : memref<4096xi32, #tpu.memory_space<vmem>>, vector<16xi32>,
        tpu.vector_store %arg8[%parallel_loop3A_164], %parallel_loop3A_163 {strides = array<i32>} : memref<4096xi32, #tpu.memory_space<vmem>>, vector<16xi32>,
        %parallel_loop3A_166 = arith.index_cast %parallel_loop3A_150 : i32 to index
        %parallel_loop3A_167 = tpu.vector_load %arg10[%parallel_loop3A_166] {strides = array<i32>} : memref<4096xf32, #tpu.memory_space<vmem>>, vector<16xf32>,
        tpu.vector_store %arg10[%parallel_loop3A_166], %parallel_loop3A_148 {strides = array<i32>} : memref<4096xf32, #tpu.memory_space<vmem>>, vector<16xf32>,
        %parallel_loop3A_168 = arith.xori %parallel_loop3A_74, %parallel_loop3A_80 : vector<16xi32>
        %parallel_loop3A_169 = arith.xori %parallel_loop3A_168, %parallel_loop3A_83 : vector<16xi32>
        %parallel_loop3A_170 = arith.constant 524287 : i32
        %parallel_loop3A_171 = vector.broadcast %parallel_loop3A_170 : i32 to vector<16xi32>
        %parallel_loop3A_172 = arith.andi %parallel_loop3A_169, %parallel_loop3A_171 : vector<16xi32>
        %parallel_loop3A_173 = tpu.bitcast %parallel_loop3A_172 : vector<16xi32> -> vector<16xi32>
        %parallel_loop3A_174 = arith.mulf %parallel_loop3A_58, %parallel_loop3A_60 : vector<16xf32>
        %parallel_loop3A_175 = arith.mulf %parallel_loop3A_174, %parallel_loop3A_71 : vector<16xf32>
        %parallel_loop3A_176 = arith.constant 1536 : i32
        %parallel_loop3A_177 = arith.addi %parallel_loop3A_176, %parallel_loop3A_38 : i32
        %parallel_loop3A_178 = arith.constant 2 : i32
        %parallel_loop3A_179 = vector.broadcast %parallel_loop3A_178 : i32 to vector<16xi32>
        %parallel_loop3A_180 = arith.shrsi %parallel_loop3A_173, %parallel_loop3A_179 : vector<16xi32>
        %parallel_loop3A_181 = vector.broadcast %mul3A_17 : i32 to vector<16xi32>
        %parallel_loop3A_182 = arith.addi %parallel_loop3A_180, %parallel_loop3A_181 : vector<16xi32>
        %parallel_loop3A_183 = arith.index_cast %parallel_loop3A_177 : i32 to index
        %parallel_loop3A_184 = tpu.vector_load %arg6[%parallel_loop3A_183] {strides = array<i32>} : memref<4096xi32, #tpu.memory_space<vmem>>, vector<16xi32>,
        tpu.vector_store %arg6[%parallel_loop3A_183], %parallel_loop3A_182 {strides = array<i32>} : memref<4096xi32, #tpu.memory_space<vmem>>, vector<16xi32>,
        %parallel_loop3A_185 = arith.constant 3 : i32
        %parallel_loop3A_186 = vector.broadcast %parallel_loop3A_185 : i32 to vector<16xi32>
        %parallel_loop3A_187 = arith.andi %parallel_loop3A_173, %parallel_loop3A_186 : vector<16xi32>
        %parallel_loop3A_188 = arith.constant 2 : i32
        %parallel_loop3A_189 = vector.broadcast %parallel_loop3A_188 : i32 to vector<16xi32>
        %parallel_loop3A_190 = arith.muli %parallel_loop3A_187, %parallel_loop3A_189 : vector<16xi32>
        %parallel_loop3A_191 = arith.index_cast %parallel_loop3A_177 : i32 to index
        %parallel_loop3A_192 = tpu.vector_load %arg8[%parallel_loop3A_191] {strides = array<i32>} : memref<4096xi32, #tpu.memory_space<vmem>>, vector<16xi32>,
        tpu.vector_store %arg8[%parallel_loop3A_191], %parallel_loop3A_190 {strides = array<i32>} : memref<4096xi32, #tpu.memory_space<vmem>>, vector<16xi32>,
        %parallel_loop3A_193 = arith.index_cast %parallel_loop3A_177 : i32 to index
        %parallel_loop3A_194 = tpu.vector_load %arg10[%parallel_loop3A_193] {strides = array<i32>} : memref<4096xf32, #tpu.memory_space<vmem>>, vector<16xf32>,
        tpu.vector_store %arg10[%parallel_loop3A_193], %parallel_loop3A_175 {strides = array<i32>} : memref<4096xf32, #tpu.memory_space<vmem>>, vector<16xf32>,
        %parallel_loop3A_195 = arith.xori %parallel_loop3A_54, %parallel_loop3A_77 : vector<16xi32>
        %parallel_loop3A_196 = arith.xori %parallel_loop3A_195, %parallel_loop3A_86 : vector<16xi32>
        %parallel_loop3A_197 = arith.constant 524287 : i32
        %parallel_loop3A_198 = vector.broadcast %parallel_loop3A_197 : i32 to vector<16xi32>
        %parallel_loop3A_199 = arith.andi %parallel_loop3A_196, %parallel_loop3A_198 : vector<16xi32>
        %parallel_loop3A_200 = tpu.bitcast %parallel_loop3A_199 : vector<16xi32> -> vector<16xi32>
        %parallel_loop3A_201 = arith.mulf %parallel_loop3A_65, %parallel_loop3A_68 : vector<16xf32>
        %parallel_loop3A_202 = arith.mulf %parallel_loop3A_201, %parallel_loop3A_62 : vector<16xf32>
        %parallel_loop3A_203 = arith.constant 2048 : i32
        %parallel_loop3A_204 = arith.addi %parallel_loop3A_203, %parallel_loop3A_38 : i32
        %parallel_loop3A_205 = arith.constant 2 : i32
        %parallel_loop3A_206 = vector.broadcast %parallel_loop3A_205 : i32 to vector<16xi32>
        %parallel_loop3A_207 = arith.shrsi %parallel_loop3A_200, %parallel_loop3A_206 : vector<16xi32>
        %parallel_loop3A_208 = vector.broadcast %mul3A_17 : i32 to vector<16xi32>
        %parallel_loop3A_209 = arith.addi %parallel_loop3A_207, %parallel_loop3A_208 : vector<16xi32>
        %parallel_loop3A_210 = arith.index_cast %parallel_loop3A_204 : i32 to index
        %parallel_loop3A_211 = tpu.vector_load %arg6[%parallel_loop3A_210] {strides = array<i32>} : memref<4096xi32, #tpu.memory_space<vmem>>, vector<16xi32>,
        tpu.vector_store %arg6[%parallel_loop3A_210], %parallel_loop3A_209 {strides = array<i32>} : memref<4096xi32, #tpu.memory_space<vmem>>, vector<16xi32>,
        %parallel_loop3A_212 = arith.constant 3 : i32
        %parallel_loop3A_213 = vector.broadcast %parallel_loop3A_212 : i32 to vector<16xi32>
        %parallel_loop3A_214 = arith.andi %parallel_loop3A_200, %parallel_loop3A_213 : vector<16xi32>
        %parallel_loop3A_215 = arith.constant 2 : i32
        %parallel_loop3A_216 = vector.broadcast %parallel_loop3A_215 : i32 to vector<16xi32>
        %parallel_loop3A_217 = arith.muli %parallel_loop3A_214, %parallel_loop3A_216 : vector<16xi32>
        %parallel_loop3A_218 = arith.index_cast %parallel_loop3A_204 : i32 to index
        %parallel_loop3A_219 = tpu.vector_load %arg8[%parallel_loop3A_218] {strides = array<i32>} : memref<4096xi32, #tpu.memory_space<vmem>>, vector<16xi32>,
        tpu.vector_store %arg8[%parallel_loop3A_218], %parallel_loop3A_217 {strides = array<i32>} : memref<4096xi32, #tpu.memory_space<vmem>>, vector<16xi32>,
        %parallel_loop3A_220 = arith.index_cast %parallel_loop3A_204 : i32 to index
        %parallel_loop3A_221 = tpu.vector_load %arg10[%parallel_loop3A_220] {strides = array<i32>} : memref<4096xf32, #tpu.memory_space<vmem>>, vector<16xf32>,
        tpu.vector_store %arg10[%parallel_loop3A_220], %parallel_loop3A_202 {strides = array<i32>} : memref<4096xf32, #tpu.memory_space<vmem>>, vector<16xf32>,
        %parallel_loop3A_222 = arith.xori %parallel_loop3A_74, %parallel_loop3A_77 : vector<16xi32>
        %parallel_loop3A_223 = arith.xori %parallel_loop3A_222, %parallel_loop3A_86 : vector<16xi32>
        %parallel_loop3A_224 = arith.constant 524287 : i32
        %parallel_loop3A_225 = vector.broadcast %parallel_loop3A_224 : i32 to vector<16xi32>
        %parallel_loop3A_226 = arith.andi %parallel_loop3A_223, %parallel_loop3A_225 : vector<16xi32>
        %parallel_loop3A_227 = tpu.bitcast %parallel_loop3A_226 : vector<16xi32> -> vector<16xi32>
        %parallel_loop3A_228 = arith.mulf %parallel_loop3A_58, %parallel_loop3A_68 : vector<16xf32>
        %parallel_loop3A_229 = arith.mulf %parallel_loop3A_228, %parallel_loop3A_62 : vector<16xf32>
        %parallel_loop3A_230 = arith.constant 2560 : i32
        %parallel_loop3A_231 = arith.addi %parallel_loop3A_230, %parallel_loop3A_38 : i32
        %parallel_loop3A_232 = arith.constant 2 : i32
        %parallel_loop3A_233 = vector.broadcast %parallel_loop3A_232 : i32 to vector<16xi32>
        %parallel_loop3A_234 = arith.shrsi %parallel_loop3A_227, %parallel_loop3A_233 : vector<16xi32>
        %parallel_loop3A_235 = vector.broadcast %mul3A_17 : i32 to vector<16xi32>
        %parallel_loop3A_236 = arith.addi %parallel_loop3A_234, %parallel_loop3A_235 : vector<16xi32>
        %parallel_loop3A_237 = arith.index_cast %parallel_loop3A_231 : i32 to index
        %parallel_loop3A_238 = tpu.vector_load %arg6[%parallel_loop3A_237] {strides = array<i32>} : memref<4096xi32, #tpu.memory_space<vmem>>, vector<16xi32>,
        tpu.vector_store %arg6[%parallel_loop3A_237], %parallel_loop3A_236 {strides = array<i32>} : memref<4096xi32, #tpu.memory_space<vmem>>, vector<16xi32>,
        %parallel_loop3A_239 = arith.constant 3 : i32
        %parallel_loop3A_240 = vector.broadcast %parallel_loop3A_239 : i32 to vector<16xi32>
        %parallel_loop3A_241 = arith.andi %parallel_loop3A_227, %parallel_loop3A_240 : vector<16xi32>
        %parallel_loop3A_242 = arith.constant 2 : i32
        %parallel_loop3A_243 = vector.broadcast %parallel_loop3A_242 : i32 to vector<16xi32>
        %parallel_loop3A_244 = arith.muli %parallel_loop3A_241, %parallel_loop3A_243 : vector<16xi32>
        %parallel_loop3A_245 = arith.index_cast %parallel_loop3A_231 : i32 to index
        %parallel_loop3A_246 = tpu.vector_load %arg8[%parallel_loop3A_245] {strides = array<i32>} : memref<4096xi32, #tpu.memory_space<vmem>>, vector<16xi32>,
        tpu.vector_store %arg8[%parallel_loop3A_245], %parallel_loop3A_244 {strides = array<i32>} : memref<4096xi32, #tpu.memory_space<vmem>>, vector<16xi32>,
        %parallel_loop3A_247 = arith.index_cast %parallel_loop3A_231 : i32 to index
        %parallel_loop3A_248 = tpu.vector_load %arg10[%parallel_loop3A_247] {strides = array<i32>} : memref<4096xf32, #tpu.memory_space<vmem>>, vector<16xf32>,
        tpu.vector_store %arg10[%parallel_loop3A_247], %parallel_loop3A_229 {strides = array<i32>} : memref<4096xf32, #tpu.memory_space<vmem>>, vector<16xf32>,
        %parallel_loop3A_249 = arith.xori %parallel_loop3A_54, %parallel_loop3A_80 : vector<16xi32>
        %parallel_loop3A_250 = arith.xori %parallel_loop3A_249, %parallel_loop3A_86 : vector<16xi32>
        %parallel_loop3A_251 = arith.constant 524287 : i32
        %parallel_loop3A_252 = vector.broadcast %parallel_loop3A_251 : i32 to vector<16xi32>
        %parallel_loop3A_253 = arith.andi %parallel_loop3A_250, %parallel_loop3A_252 : vector<16xi32>
        %parallel_loop3A_254 = tpu.bitcast %parallel_loop3A_253 : vector<16xi32> -> vector<16xi32>
        %parallel_loop3A_255 = arith.mulf %parallel_loop3A_65, %parallel_loop3A_60 : vector<16xf32>
        %parallel_loop3A_256 = arith.mulf %parallel_loop3A_255, %parallel_loop3A_62 : vector<16xf32>
        %parallel_loop3A_257 = arith.constant 3072 : i32
        %parallel_loop3A_258 = arith.addi %parallel_loop3A_257, %parallel_loop3A_38 : i32
        %parallel_loop3A_259 = arith.constant 2 : i32
        %parallel_loop3A_260 = vector.broadcast %parallel_loop3A_259 : i32 to vector<16xi32>
        %parallel_loop3A_261 = arith.shrsi %parallel_loop3A_254, %parallel_loop3A_260 : vector<16xi32>
        %parallel_loop3A_262 = vector.broadcast %mul3A_17 : i32 to vector<16xi32>
        %parallel_loop3A_263 = arith.addi %parallel_loop3A_261, %parallel_loop3A_262 : vector<16xi32>
        %parallel_loop3A_264 = arith.index_cast %parallel_loop3A_258 : i32 to index
        %parallel_loop3A_265 = tpu.vector_load %arg6[%parallel_loop3A_264] {strides = array<i32>} : memref<4096xi32, #tpu.memory_space<vmem>>, vector<16xi32>,
        tpu.vector_store %arg6[%parallel_loop3A_264], %parallel_loop3A_263 {strides = array<i32>} : memref<4096xi32, #tpu.memory_space<vmem>>, vector<16xi32>,
        %parallel_loop3A_266 = arith.constant 3 : i32
        %parallel_loop3A_267 = vector.broadcast %parallel_loop3A_266 : i32 to vector<16xi32>
        %parallel_loop3A_268 = arith.andi %parallel_loop3A_254, %parallel_loop3A_267 : vector<16xi32>
        %parallel_loop3A_269 = arith.constant 2 : i32
        %parallel_loop3A_270 = vector.broadcast %parallel_loop3A_269 : i32 to vector<16xi32>
        %parallel_loop3A_271 = arith.muli %parallel_loop3A_268, %parallel_loop3A_270 : vector<16xi32>
        %parallel_loop3A_272 = arith.index_cast %parallel_loop3A_258 : i32 to index
        %parallel_loop3A_273 = tpu.vector_load %arg8[%parallel_loop3A_272] {strides = array<i32>} : memref<4096xi32, #tpu.memory_space<vmem>>, vector<16xi32>,
        tpu.vector_store %arg8[%parallel_loop3A_272], %parallel_loop3A_271 {strides = array<i32>} : memref<4096xi32, #tpu.memory_space<vmem>>, vector<16xi32>,
        %parallel_loop3A_274 = arith.index_cast %parallel_loop3A_258 : i32 to index
        %parallel_loop3A_275 = tpu.vector_load %arg10[%parallel_loop3A_274] {strides = array<i32>} : memref<4096xf32, #tpu.memory_space<vmem>>, vector<16xf32>,
        tpu.vector_store %arg10[%parallel_loop3A_274], %parallel_loop3A_256 {strides = array<i32>} : memref<4096xf32, #tpu.memory_space<vmem>>, vector<16xf32>,
        %parallel_loop3A_276 = arith.xori %parallel_loop3A_74, %parallel_loop3A_80 : vector<16xi32>
        %parallel_loop3A_277 = arith.xori %parallel_loop3A_276, %parallel_loop3A_86 : vector<16xi32>
        %parallel_loop3A_278 = arith.constant 524287 : i32
        %parallel_loop3A_279 = vector.broadcast %parallel_loop3A_278 : i32 to vector<16xi32>
        %parallel_loop3A_280 = arith.andi %parallel_loop3A_277, %parallel_loop3A_279 : vector<16xi32>
        %parallel_loop3A_281 = tpu.bitcast %parallel_loop3A_280 : vector<16xi32> -> vector<16xi32>
        %parallel_loop3A_282 = arith.mulf %parallel_loop3A_58, %parallel_loop3A_60 : vector<16xf32>
        %parallel_loop3A_283 = arith.mulf %parallel_loop3A_282, %parallel_loop3A_62 : vector<16xf32>
        %parallel_loop3A_284 = arith.constant 3584 : i32
        %parallel_loop3A_285 = arith.addi %parallel_loop3A_284, %parallel_loop3A_38 : i32
        %parallel_loop3A_286 = arith.constant 2 : i32
        %parallel_loop3A_287 = vector.broadcast %parallel_loop3A_286 : i32 to vector<16xi32>
        %parallel_loop3A_288 = arith.shrsi %parallel_loop3A_281, %parallel_loop3A_287 : vector<16xi32>
        %parallel_loop3A_289 = vector.broadcast %mul3A_17 : i32 to vector<16xi32>
        %parallel_loop3A_290 = arith.addi %parallel_loop3A_288, %parallel_loop3A_289 : vector<16xi32>
        %parallel_loop3A_291 = arith.index_cast %parallel_loop3A_285 : i32 to index
        %parallel_loop3A_292 = tpu.vector_load %arg6[%parallel_loop3A_291] {strides = array<i32>} : memref<4096xi32, #tpu.memory_space<vmem>>, vector<16xi32>,
        tpu.vector_store %arg6[%parallel_loop3A_291], %parallel_loop3A_290 {strides = array<i32>} : memref<4096xi32, #tpu.memory_space<vmem>>, vector<16xi32>,
        %parallel_loop3A_293 = arith.constant 3 : i32
        %parallel_loop3A_294 = vector.broadcast %parallel_loop3A_293 : i32 to vector<16xi32>
        %parallel_loop3A_295 = arith.andi %parallel_loop3A_281, %parallel_loop3A_294 : vector<16xi32>
        %parallel_loop3A_296 = arith.constant 2 : i32
        %parallel_loop3A_297 = vector.broadcast %parallel_loop3A_296 : i32 to vector<16xi32>
        %parallel_loop3A_298 = arith.muli %parallel_loop3A_295, %parallel_loop3A_297 : vector<16xi32>
        %parallel_loop3A_299 = arith.index_cast %parallel_loop3A_285 : i32 to index
        %parallel_loop3A_300 = tpu.vector_load %arg8[%parallel_loop3A_299] {strides = array<i32>} : memref<4096xi32, #tpu.memory_space<vmem>>, vector<16xi32>,
        tpu.vector_store %arg8[%parallel_loop3A_299], %parallel_loop3A_298 {strides = array<i32>} : memref<4096xi32, #tpu.memory_space<vmem>>, vector<16xi32>,
        %parallel_loop3A_301 = arith.index_cast %parallel_loop3A_285 : i32 to index
        %parallel_loop3A_302 = tpu.vector_load %arg10[%parallel_loop3A_301] {strides = array<i32>} : memref<4096xf32, #tpu.memory_space<vmem>>, vector<16xf32>,
        tpu.vector_store %arg10[%parallel_loop3A_301], %parallel_loop3A_283 {strides = array<i32>} : memref<4096xf32, #tpu.memory_space<vmem>>, vector<16xf32>,
      } {sc.loop_unroll_factor = 1 : i64, sc.parallel_access}
      %dma_start3A = arith.constant 0 : i32
      %dma_start3A_24 = arith.constant 0 : i32
      %dma_start3A_25 = tpu.memref_slice %arg3[%dma_start3A, %dma_start3A_24] : memref<4194304x8xf32, #tpu.memory_space<hbm>> -> memref<4194304x8xf32, #tpu.memory_space<hbm>>
      tpu.enqueue_indirect_dma source(%dma_start3A_25 : memref<4194304x8xf32, #tpu.memory_space<hbm>>) target(%arg12 : memref<4096x8xf32, #tpu.memory_space<vmem>>) offsets(%arg6 : memref<4096xi32, #tpu.memory_space<vmem>>) semaphore(%arg16 : memref<!tpu.dma_semaphore, #tpu.memory_space<semaphore_mem>>)
      %scan3A_26 = arith.constant 0 : i32
      %scan3A_27 = arith.constant 16 : i32
      %scan3A_28 = arith.addi %scan3A_26, %scan3A_27 : i32
      %scan3A_29 = arith.constant 1 : i32
      scf.for %scan3A_38 = %scan3A_26 to %scan3A_28 step %scan3A_29  : i32 {
        %mul3A_39 = arith.constant 1 : i32
        %mul3A_40 = arith.muli %scan3A_38, %mul3A_39 : i32
        %add3A_41 = arith.constant 0 : i32
        %add3A_42 = arith.addi %add3A_41, %mul3A_40 : i32
        %mul3A_43 = arith.constant 2 : i32
        %mul3A_44 = arith.muli %add3A_42, %mul3A_43 : i32
        %add3A_45 = arith.constant 1 : i32
        %add3A_46 = arith.addi %mul3A_44, %add3A_45 : i32
        %mul3A_47 = arith.constant 131072 : i32
        %mul3A_48 = arith.muli %add3A_46, %mul3A_47 : i32
        %add3A_49 = arith.constant 127 : i32
        %add3A_50 = arith.addi %add3A_46, %add3A_49 : i32
        %shift_left3A_51 = arith.constant 23 : i32
        %shift_left3A_52 = arith.shli %add3A_50, %shift_left3A_51 : i32
        %broadcast_in_dim3A_53 = vector.broadcast %shift_left3A_52 : i32 to vector<16xi32>
        %bitcast_convert_type3A_54 = tpu.bitcast %broadcast_in_dim3A_53 : vector<16xi32> -> vector<16xf32>
        %parallel_loop3A_55 = arith.constant 0 : i32
        %parallel_loop3A_56 = arith.constant 512 : i32
        %parallel_loop3A_57 = arith.constant 16 : i32
        scf.for %parallel_loop3A_94 = %parallel_loop3A_55 to %parallel_loop3A_56 step %parallel_loop3A_57  : i32 {
          %parallel_loop3A_95 = arith.constant 0 : i32
          %parallel_loop3A_96 = arith.index_cast %parallel_loop3A_95 : i32 to index
          %parallel_loop3A_97 = arith.index_cast %parallel_loop3A_94 : i32 to index
          %parallel_loop3A_98 = tpu.vector_load %arg5[%parallel_loop3A_96, %parallel_loop3A_97] {strides = array<i32>} : memref<3x512xf32, #tpu.memory_space<vmem>>, vector<16xf32>,
          %parallel_loop3A_99 = arith.constant 1 : i32
          %parallel_loop3A_100 = arith.index_cast %parallel_loop3A_99 : i32 to index
          %parallel_loop3A_101 = arith.index_cast %parallel_loop3A_94 : i32 to index
          %parallel_loop3A_102 = tpu.vector_load %arg5[%parallel_loop3A_100, %parallel_loop3A_101] {strides = array<i32>} : memref<3x512xf32, #tpu.memory_space<vmem>>, vector<16xf32>,
          %parallel_loop3A_103 = arith.constant 2 : i32
          %parallel_loop3A_104 = arith.index_cast %parallel_loop3A_103 : i32 to index
          %parallel_loop3A_105 = arith.index_cast %parallel_loop3A_94 : i32 to index
          %parallel_loop3A_106 = tpu.vector_load %arg5[%parallel_loop3A_104, %parallel_loop3A_105] {strides = array<i32>} : memref<3x512xf32, #tpu.memory_space<vmem>>, vector<16xf32>,
          %parallel_loop3A_107 = arith.mulf %parallel_loop3A_98, %bitcast_convert_type3A_54 : vector<16xf32>
          %parallel_loop3A_108 = arith.mulf %parallel_loop3A_102, %bitcast_convert_type3A_54 : vector<16xf32>
          %parallel_loop3A_109 = arith.mulf %parallel_loop3A_106, %bitcast_convert_type3A_54 : vector<16xf32>
          %parallel_loop3A_110 = arith.fptoui %parallel_loop3A_107 : vector<16xf32> to vector<16xi32>
          %parallel_loop3A_111 = arith.fptoui %parallel_loop3A_108 : vector<16xf32> to vector<16xi32>
          %parallel_loop3A_112 = arith.fptoui %parallel_loop3A_109 : vector<16xf32> to vector<16xi32>
          %parallel_loop3A_113 = arith.uitofp %parallel_loop3A_110 : vector<16xi32> to vector<16xf32>
          %parallel_loop3A_114 = arith.subf %parallel_loop3A_107, %parallel_loop3A_113 : vector<16xf32>
          %parallel_loop3A_115 = arith.uitofp %parallel_loop3A_111 : vector<16xi32> to vector<16xf32>
          %parallel_loop3A_116 = arith.subf %parallel_loop3A_108, %parallel_loop3A_115 : vector<16xf32>
          %parallel_loop3A_117 = arith.uitofp %parallel_loop3A_112 : vector<16xi32> to vector<16xf32>
          %parallel_loop3A_118 = arith.subf %parallel_loop3A_109, %parallel_loop3A_117 : vector<16xf32>
          %parallel_loop3A_119 = arith.constant 1.000000e+00 : f32
          %parallel_loop3A_120 = vector.broadcast %parallel_loop3A_119 : f32 to vector<16xf32>
          %parallel_loop3A_121 = arith.subf %parallel_loop3A_120, %parallel_loop3A_114 : vector<16xf32>
          %parallel_loop3A_122 = arith.constant 1.000000e+00 : f32
          %parallel_loop3A_123 = vector.broadcast %parallel_loop3A_122 : f32 to vector<16xf32>
          %parallel_loop3A_124 = arith.subf %parallel_loop3A_123, %parallel_loop3A_116 : vector<16xf32>
          %parallel_loop3A_125 = arith.constant 1.000000e+00 : f32
          %parallel_loop3A_126 = vector.broadcast %parallel_loop3A_125 : f32 to vector<16xf32>
          %parallel_loop3A_127 = arith.subf %parallel_loop3A_126, %parallel_loop3A_118 : vector<16xf32>
          %parallel_loop3A_128 = arith.constant 1 : i32
          %parallel_loop3A_129 = vector.broadcast %parallel_loop3A_128 : i32 to vector<16xi32>
          %parallel_loop3A_130 = arith.addi %parallel_loop3A_110, %parallel_loop3A_129 : vector<16xi32>
          %parallel_loop3A_131 = arith.constant -1640531535 : i32
          %parallel_loop3A_132 = vector.broadcast %parallel_loop3A_131 : i32 to vector<16xi32>
          %parallel_loop3A_133 = arith.muli %parallel_loop3A_111, %parallel_loop3A_132 : vector<16xi32>
          %parallel_loop3A_134 = arith.constant -1640531535 : i32
          %parallel_loop3A_135 = vector.broadcast %parallel_loop3A_134 : i32 to vector<16xi32>
          %parallel_loop3A_136 = arith.addi %parallel_loop3A_133, %parallel_loop3A_135 : vector<16xi32>
          %parallel_loop3A_137 = arith.constant 805459861 : i32
          %parallel_loop3A_138 = vector.broadcast %parallel_loop3A_137 : i32 to vector<16xi32>
          %parallel_loop3A_139 = arith.muli %parallel_loop3A_112, %parallel_loop3A_138 : vector<16xi32>
          %parallel_loop3A_140 = arith.constant 805459861 : i32
          %parallel_loop3A_141 = vector.broadcast %parallel_loop3A_140 : i32 to vector<16xi32>
          %parallel_loop3A_142 = arith.addi %parallel_loop3A_139, %parallel_loop3A_141 : vector<16xi32>
          %parallel_loop3A_143 = arith.xori %parallel_loop3A_110, %parallel_loop3A_133 : vector<16xi32>
          %parallel_loop3A_144 = arith.xori %parallel_loop3A_143, %parallel_loop3A_139 : vector<16xi32>
          %parallel_loop3A_145 = arith.constant 524287 : i32
          %parallel_loop3A_146 = vector.broadcast %parallel_loop3A_145 : i32 to vector<16xi32>
          %parallel_loop3A_147 = arith.andi %parallel_loop3A_144, %parallel_loop3A_146 : vector<16xi32>
          %parallel_loop3A_148 = tpu.bitcast %parallel_loop3A_147 : vector<16xi32> -> vector<16xi32>
          %parallel_loop3A_149 = arith.mulf %parallel_loop3A_121, %parallel_loop3A_124 : vector<16xf32>
          %parallel_loop3A_150 = arith.mulf %parallel_loop3A_149, %parallel_loop3A_127 : vector<16xf32>
          %parallel_loop3A_151 = arith.constant 0 : i32
          %parallel_loop3A_152 = arith.addi %parallel_loop3A_151, %parallel_loop3A_94 : i32
          %parallel_loop3A_153 = arith.constant 2 : i32
          %parallel_loop3A_154 = vector.broadcast %parallel_loop3A_153 : i32 to vector<16xi32>
          %parallel_loop3A_155 = arith.shrsi %parallel_loop3A_148, %parallel_loop3A_154 : vector<16xi32>
          %parallel_loop3A_156 = vector.broadcast %mul3A_48 : i32 to vector<16xi32>
          %parallel_loop3A_157 = arith.addi %parallel_loop3A_155, %parallel_loop3A_156 : vector<16xi32>
          %parallel_loop3A_158 = arith.index_cast %parallel_loop3A_152 : i32 to index
          %parallel_loop3A_159 = tpu.vector_load %arg7[%parallel_loop3A_158] {strides = array<i32>} : memref<4096xi32, #tpu.memory_space<vmem>>, vector<16xi32>,
          tpu.vector_store %arg7[%parallel_loop3A_158], %parallel_loop3A_157 {strides = array<i32>} : memref<4096xi32, #tpu.memory_space<vmem>>, vector<16xi32>,
          %parallel_loop3A_160 = arith.constant 3 : i32
          %parallel_loop3A_161 = vector.broadcast %parallel_loop3A_160 : i32 to vector<16xi32>
          %parallel_loop3A_162 = arith.andi %parallel_loop3A_148, %parallel_loop3A_161 : vector<16xi32>
          %parallel_loop3A_163 = arith.constant 2 : i32
          %parallel_loop3A_164 = vector.broadcast %parallel_loop3A_163 : i32 to vector<16xi32>
          %parallel_loop3A_165 = arith.muli %parallel_loop3A_162, %parallel_loop3A_164 : vector<16xi32>
          %parallel_loop3A_166 = arith.index_cast %parallel_loop3A_152 : i32 to index
          %parallel_loop3A_167 = tpu.vector_load %arg9[%parallel_loop3A_166] {strides = array<i32>} : memref<4096xi32, #tpu.memory_space<vmem>>, vector<16xi32>,
          tpu.vector_store %arg9[%parallel_loop3A_166], %parallel_loop3A_165 {strides = array<i32>} : memref<4096xi32, #tpu.memory_space<vmem>>, vector<16xi32>,
          %parallel_loop3A_168 = arith.index_cast %parallel_loop3A_152 : i32 to index
          %parallel_loop3A_169 = tpu.vector_load %arg11[%parallel_loop3A_168] {strides = array<i32>} : memref<4096xf32, #tpu.memory_space<vmem>>, vector<16xf32>,
          tpu.vector_store %arg11[%parallel_loop3A_168], %parallel_loop3A_150 {strides = array<i32>} : memref<4096xf32, #tpu.memory_space<vmem>>, vector<16xf32>,
          %parallel_loop3A_170 = arith.xori %parallel_loop3A_130, %parallel_loop3A_133 : vector<16xi32>
          %parallel_loop3A_171 = arith.xori %parallel_loop3A_170, %parallel_loop3A_139 : vector<16xi32>
          %parallel_loop3A_172 = arith.constant 524287 : i32
          %parallel_loop3A_173 = vector.broadcast %parallel_loop3A_172 : i32 to vector<16xi32>
          %parallel_loop3A_174 = arith.andi %parallel_loop3A_171, %parallel_loop3A_173 : vector<16xi32>
          %parallel_loop3A_175 = tpu.bitcast %parallel_loop3A_174 : vector<16xi32> -> vector<16xi32>
          %parallel_loop3A_176 = arith.mulf %parallel_loop3A_114, %parallel_loop3A_124 : vector<16xf32>
          %parallel_loop3A_177 = arith.mulf %parallel_loop3A_176, %parallel_loop3A_127 : vector<16xf32>
          %parallel_loop3A_178 = arith.constant 512 : i32
          %parallel_loop3A_179 = arith.addi %parallel_loop3A_178, %parallel_loop3A_94 : i32
          %parallel_loop3A_180 = arith.constant 2 : i32
          %parallel_loop3A_181 = vector.broadcast %parallel_loop3A_180 : i32 to vector<16xi32>
          %parallel_loop3A_182 = arith.shrsi %parallel_loop3A_175, %parallel_loop3A_181 : vector<16xi32>
          %parallel_loop3A_183 = vector.broadcast %mul3A_48 : i32 to vector<16xi32>
          %parallel_loop3A_184 = arith.addi %parallel_loop3A_182, %parallel_loop3A_183 : vector<16xi32>
          %parallel_loop3A_185 = arith.index_cast %parallel_loop3A_179 : i32 to index
          %parallel_loop3A_186 = tpu.vector_load %arg7[%parallel_loop3A_185] {strides = array<i32>} : memref<4096xi32, #tpu.memory_space<vmem>>, vector<16xi32>,
          tpu.vector_store %arg7[%parallel_loop3A_185], %parallel_loop3A_184 {strides = array<i32>} : memref<4096xi32, #tpu.memory_space<vmem>>, vector<16xi32>,
          %parallel_loop3A_187 = arith.constant 3 : i32
          %parallel_loop3A_188 = vector.broadcast %parallel_loop3A_187 : i32 to vector<16xi32>
          %parallel_loop3A_189 = arith.andi %parallel_loop3A_175, %parallel_loop3A_188 : vector<16xi32>
          %parallel_loop3A_190 = arith.constant 2 : i32
          %parallel_loop3A_191 = vector.broadcast %parallel_loop3A_190 : i32 to vector<16xi32>
          %parallel_loop3A_192 = arith.muli %parallel_loop3A_189, %parallel_loop3A_191 : vector<16xi32>
          %parallel_loop3A_193 = arith.index_cast %parallel_loop3A_179 : i32 to index
          %parallel_loop3A_194 = tpu.vector_load %arg9[%parallel_loop3A_193] {strides = array<i32>} : memref<4096xi32, #tpu.memory_space<vmem>>, vector<16xi32>,
          tpu.vector_store %arg9[%parallel_loop3A_193], %parallel_loop3A_192 {strides = array<i32>} : memref<4096xi32, #tpu.memory_space<vmem>>, vector<16xi32>,
          %parallel_loop3A_195 = arith.index_cast %parallel_loop3A_179 : i32 to index
          %parallel_loop3A_196 = tpu.vector_load %arg11[%parallel_loop3A_195] {strides = array<i32>} : memref<4096xf32, #tpu.memory_space<vmem>>, vector<16xf32>,
          tpu.vector_store %arg11[%parallel_loop3A_195], %parallel_loop3A_177 {strides = array<i32>} : memref<4096xf32, #tpu.memory_space<vmem>>, vector<16xf32>,
          %parallel_loop3A_197 = arith.xori %parallel_loop3A_110, %parallel_loop3A_136 : vector<16xi32>
          %parallel_loop3A_198 = arith.xori %parallel_loop3A_197, %parallel_loop3A_139 : vector<16xi32>
          %parallel_loop3A_199 = arith.constant 524287 : i32
          %parallel_loop3A_200 = vector.broadcast %parallel_loop3A_199 : i32 to vector<16xi32>
          %parallel_loop3A_201 = arith.andi %parallel_loop3A_198, %parallel_loop3A_200 : vector<16xi32>
          %parallel_loop3A_202 = tpu.bitcast %parallel_loop3A_201 : vector<16xi32> -> vector<16xi32>
          %parallel_loop3A_203 = arith.mulf %parallel_loop3A_121, %parallel_loop3A_116 : vector<16xf32>
          %parallel_loop3A_204 = arith.mulf %parallel_loop3A_203, %parallel_loop3A_127 : vector<16xf32>
          %parallel_loop3A_205 = arith.constant 1024 : i32
          %parallel_loop3A_206 = arith.addi %parallel_loop3A_205, %parallel_loop3A_94 : i32
          %parallel_loop3A_207 = arith.constant 2 : i32
          %parallel_loop3A_208 = vector.broadcast %parallel_loop3A_207 : i32 to vector<16xi32>
          %parallel_loop3A_209 = arith.shrsi %parallel_loop3A_202, %parallel_loop3A_208 : vector<16xi32>
          %parallel_loop3A_210 = vector.broadcast %mul3A_48 : i32 to vector<16xi32>
          %parallel_loop3A_211 = arith.addi %parallel_loop3A_209, %parallel_loop3A_210 : vector<16xi32>
          %parallel_loop3A_212 = arith.index_cast %parallel_loop3A_206 : i32 to index
          %parallel_loop3A_213 = tpu.vector_load %arg7[%parallel_loop3A_212] {strides = array<i32>} : memref<4096xi32, #tpu.memory_space<vmem>>, vector<16xi32>,
          tpu.vector_store %arg7[%parallel_loop3A_212], %parallel_loop3A_211 {strides = array<i32>} : memref<4096xi32, #tpu.memory_space<vmem>>, vector<16xi32>,
          %parallel_loop3A_214 = arith.constant 3 : i32
          %parallel_loop3A_215 = vector.broadcast %parallel_loop3A_214 : i32 to vector<16xi32>
          %parallel_loop3A_216 = arith.andi %parallel_loop3A_202, %parallel_loop3A_215 : vector<16xi32>
          %parallel_loop3A_217 = arith.constant 2 : i32
          %parallel_loop3A_218 = vector.broadcast %parallel_loop3A_217 : i32 to vector<16xi32>
          %parallel_loop3A_219 = arith.muli %parallel_loop3A_216, %parallel_loop3A_218 : vector<16xi32>
          %parallel_loop3A_220 = arith.index_cast %parallel_loop3A_206 : i32 to index
          %parallel_loop3A_221 = tpu.vector_load %arg9[%parallel_loop3A_220] {strides = array<i32>} : memref<4096xi32, #tpu.memory_space<vmem>>, vector<16xi32>,
          tpu.vector_store %arg9[%parallel_loop3A_220], %parallel_loop3A_219 {strides = array<i32>} : memref<4096xi32, #tpu.memory_space<vmem>>, vector<16xi32>,
          %parallel_loop3A_222 = arith.index_cast %parallel_loop3A_206 : i32 to index
          %parallel_loop3A_223 = tpu.vector_load %arg11[%parallel_loop3A_222] {strides = array<i32>} : memref<4096xf32, #tpu.memory_space<vmem>>, vector<16xf32>,
          tpu.vector_store %arg11[%parallel_loop3A_222], %parallel_loop3A_204 {strides = array<i32>} : memref<4096xf32, #tpu.memory_space<vmem>>, vector<16xf32>,
          %parallel_loop3A_224 = arith.xori %parallel_loop3A_130, %parallel_loop3A_136 : vector<16xi32>
          %parallel_loop3A_225 = arith.xori %parallel_loop3A_224, %parallel_loop3A_139 : vector<16xi32>
          %parallel_loop3A_226 = arith.constant 524287 : i32
          %parallel_loop3A_227 = vector.broadcast %parallel_loop3A_226 : i32 to vector<16xi32>
          %parallel_loop3A_228 = arith.andi %parallel_loop3A_225, %parallel_loop3A_227 : vector<16xi32>
          %parallel_loop3A_229 = tpu.bitcast %parallel_loop3A_228 : vector<16xi32> -> vector<16xi32>
          %parallel_loop3A_230 = arith.mulf %parallel_loop3A_114, %parallel_loop3A_116 : vector<16xf32>
          %parallel_loop3A_231 = arith.mulf %parallel_loop3A_230, %parallel_loop3A_127 : vector<16xf32>
          %parallel_loop3A_232 = arith.constant 1536 : i32
          %parallel_loop3A_233 = arith.addi %parallel_loop3A_232, %parallel_loop3A_94 : i32
          %parallel_loop3A_234 = arith.constant 2 : i32
          %parallel_loop3A_235 = vector.broadcast %parallel_loop3A_234 : i32 to vector<16xi32>
          %parallel_loop3A_236 = arith.shrsi %parallel_loop3A_229, %parallel_loop3A_235 : vector<16xi32>
          %parallel_loop3A_237 = vector.broadcast %mul3A_48 : i32 to vector<16xi32>
          %parallel_loop3A_238 = arith.addi %parallel_loop3A_236, %parallel_loop3A_237 : vector<16xi32>
          %parallel_loop3A_239 = arith.index_cast %parallel_loop3A_233 : i32 to index
          %parallel_loop3A_240 = tpu.vector_load %arg7[%parallel_loop3A_239] {strides = array<i32>} : memref<4096xi32, #tpu.memory_space<vmem>>, vector<16xi32>,
          tpu.vector_store %arg7[%parallel_loop3A_239], %parallel_loop3A_238 {strides = array<i32>} : memref<4096xi32, #tpu.memory_space<vmem>>, vector<16xi32>,
          %parallel_loop3A_241 = arith.constant 3 : i32
          %parallel_loop3A_242 = vector.broadcast %parallel_loop3A_241 : i32 to vector<16xi32>
          %parallel_loop3A_243 = arith.andi %parallel_loop3A_229, %parallel_loop3A_242 : vector<16xi32>
          %parallel_loop3A_244 = arith.constant 2 : i32
          %parallel_loop3A_245 = vector.broadcast %parallel_loop3A_244 : i32 to vector<16xi32>
          %parallel_loop3A_246 = arith.muli %parallel_loop3A_243, %parallel_loop3A_245 : vector<16xi32>
          %parallel_loop3A_247 = arith.index_cast %parallel_loop3A_233 : i32 to index
          %parallel_loop3A_248 = tpu.vector_load %arg9[%parallel_loop3A_247] {strides = array<i32>} : memref<4096xi32, #tpu.memory_space<vmem>>, vector<16xi32>,
          tpu.vector_store %arg9[%parallel_loop3A_247], %parallel_loop3A_246 {strides = array<i32>} : memref<4096xi32, #tpu.memory_space<vmem>>, vector<16xi32>,
          %parallel_loop3A_249 = arith.index_cast %parallel_loop3A_233 : i32 to index
          %parallel_loop3A_250 = tpu.vector_load %arg11[%parallel_loop3A_249] {strides = array<i32>} : memref<4096xf32, #tpu.memory_space<vmem>>, vector<16xf32>,
          tpu.vector_store %arg11[%parallel_loop3A_249], %parallel_loop3A_231 {strides = array<i32>} : memref<4096xf32, #tpu.memory_space<vmem>>, vector<16xf32>,
          %parallel_loop3A_251 = arith.xori %parallel_loop3A_110, %parallel_loop3A_133 : vector<16xi32>
          %parallel_loop3A_252 = arith.xori %parallel_loop3A_251, %parallel_loop3A_142 : vector<16xi32>
          %parallel_loop3A_253 = arith.constant 524287 : i32
          %parallel_loop3A_254 = vector.broadcast %parallel_loop3A_253 : i32 to vector<16xi32>
          %parallel_loop3A_255 = arith.andi %parallel_loop3A_252, %parallel_loop3A_254 : vector<16xi32>
          %parallel_loop3A_256 = tpu.bitcast %parallel_loop3A_255 : vector<16xi32> -> vector<16xi32>
          %parallel_loop3A_257 = arith.mulf %parallel_loop3A_121, %parallel_loop3A_124 : vector<16xf32>
          %parallel_loop3A_258 = arith.mulf %parallel_loop3A_257, %parallel_loop3A_118 : vector<16xf32>
          %parallel_loop3A_259 = arith.constant 2048 : i32
          %parallel_loop3A_260 = arith.addi %parallel_loop3A_259, %parallel_loop3A_94 : i32
          %parallel_loop3A_261 = arith.constant 2 : i32
          %parallel_loop3A_262 = vector.broadcast %parallel_loop3A_261 : i32 to vector<16xi32>
          %parallel_loop3A_263 = arith.shrsi %parallel_loop3A_256, %parallel_loop3A_262 : vector<16xi32>
          %parallel_loop3A_264 = vector.broadcast %mul3A_48 : i32 to vector<16xi32>
          %parallel_loop3A_265 = arith.addi %parallel_loop3A_263, %parallel_loop3A_264 : vector<16xi32>
          %parallel_loop3A_266 = arith.index_cast %parallel_loop3A_260 : i32 to index
          %parallel_loop3A_267 = tpu.vector_load %arg7[%parallel_loop3A_266] {strides = array<i32>} : memref<4096xi32, #tpu.memory_space<vmem>>, vector<16xi32>,
          tpu.vector_store %arg7[%parallel_loop3A_266], %parallel_loop3A_265 {strides = array<i32>} : memref<4096xi32, #tpu.memory_space<vmem>>, vector<16xi32>,
          %parallel_loop3A_268 = arith.constant 3 : i32
          %parallel_loop3A_269 = vector.broadcast %parallel_loop3A_268 : i32 to vector<16xi32>
          %parallel_loop3A_270 = arith.andi %parallel_loop3A_256, %parallel_loop3A_269 : vector<16xi32>
          %parallel_loop3A_271 = arith.constant 2 : i32
          %parallel_loop3A_272 = vector.broadcast %parallel_loop3A_271 : i32 to vector<16xi32>
          %parallel_loop3A_273 = arith.muli %parallel_loop3A_270, %parallel_loop3A_272 : vector<16xi32>
          %parallel_loop3A_274 = arith.index_cast %parallel_loop3A_260 : i32 to index
          %parallel_loop3A_275 = tpu.vector_load %arg9[%parallel_loop3A_274] {strides = array<i32>} : memref<4096xi32, #tpu.memory_space<vmem>>, vector<16xi32>,
          tpu.vector_store %arg9[%parallel_loop3A_274], %parallel_loop3A_273 {strides = array<i32>} : memref<4096xi32, #tpu.memory_space<vmem>>, vector<16xi32>,
          %parallel_loop3A_276 = arith.index_cast %parallel_loop3A_260 : i32 to index
          %parallel_loop3A_277 = tpu.vector_load %arg11[%parallel_loop3A_276] {strides = array<i32>} : memref<4096xf32, #tpu.memory_space<vmem>>, vector<16xf32>,
          tpu.vector_store %arg11[%parallel_loop3A_276], %parallel_loop3A_258 {strides = array<i32>} : memref<4096xf32, #tpu.memory_space<vmem>>, vector<16xf32>,
          %parallel_loop3A_278 = arith.xori %parallel_loop3A_130, %parallel_loop3A_133 : vector<16xi32>
          %parallel_loop3A_279 = arith.xori %parallel_loop3A_278, %parallel_loop3A_142 : vector<16xi32>
          %parallel_loop3A_280 = arith.constant 524287 : i32
          %parallel_loop3A_281 = vector.broadcast %parallel_loop3A_280 : i32 to vector<16xi32>
          %parallel_loop3A_282 = arith.andi %parallel_loop3A_279, %parallel_loop3A_281 : vector<16xi32>
          %parallel_loop3A_283 = tpu.bitcast %parallel_loop3A_282 : vector<16xi32> -> vector<16xi32>
          %parallel_loop3A_284 = arith.mulf %parallel_loop3A_114, %parallel_loop3A_124 : vector<16xf32>
          %parallel_loop3A_285 = arith.mulf %parallel_loop3A_284, %parallel_loop3A_118 : vector<16xf32>
          %parallel_loop3A_286 = arith.constant 2560 : i32
          %parallel_loop3A_287 = arith.addi %parallel_loop3A_286, %parallel_loop3A_94 : i32
          %parallel_loop3A_288 = arith.constant 2 : i32
          %parallel_loop3A_289 = vector.broadcast %parallel_loop3A_288 : i32 to vector<16xi32>
          %parallel_loop3A_290 = arith.shrsi %parallel_loop3A_283, %parallel_loop3A_289 : vector<16xi32>
          %parallel_loop3A_291 = vector.broadcast %mul3A_48 : i32 to vector<16xi32>
          %parallel_loop3A_292 = arith.addi %parallel_loop3A_290, %parallel_loop3A_291 : vector<16xi32>
          %parallel_loop3A_293 = arith.index_cast %parallel_loop3A_287 : i32 to index
          %parallel_loop3A_294 = tpu.vector_load %arg7[%parallel_loop3A_293] {strides = array<i32>} : memref<4096xi32, #tpu.memory_space<vmem>>, vector<16xi32>,
          tpu.vector_store %arg7[%parallel_loop3A_293], %parallel_loop3A_292 {strides = array<i32>} : memref<4096xi32, #tpu.memory_space<vmem>>, vector<16xi32>,
          %parallel_loop3A_295 = arith.constant 3 : i32
          %parallel_loop3A_296 = vector.broadcast %parallel_loop3A_295 : i32 to vector<16xi32>
          %parallel_loop3A_297 = arith.andi %parallel_loop3A_283, %parallel_loop3A_296 : vector<16xi32>
          %parallel_loop3A_298 = arith.constant 2 : i32
          %parallel_loop3A_299 = vector.broadcast %parallel_loop3A_298 : i32 to vector<16xi32>
          %parallel_loop3A_300 = arith.muli %parallel_loop3A_297, %parallel_loop3A_299 : vector<16xi32>
          %parallel_loop3A_301 = arith.index_cast %parallel_loop3A_287 : i32 to index
          %parallel_loop3A_302 = tpu.vector_load %arg9[%parallel_loop3A_301] {strides = array<i32>} : memref<4096xi32, #tpu.memory_space<vmem>>, vector<16xi32>,
          tpu.vector_store %arg9[%parallel_loop3A_301], %parallel_loop3A_300 {strides = array<i32>} : memref<4096xi32, #tpu.memory_space<vmem>>, vector<16xi32>,
          %parallel_loop3A_303 = arith.index_cast %parallel_loop3A_287 : i32 to index
          %parallel_loop3A_304 = tpu.vector_load %arg11[%parallel_loop3A_303] {strides = array<i32>} : memref<4096xf32, #tpu.memory_space<vmem>>, vector<16xf32>,
          tpu.vector_store %arg11[%parallel_loop3A_303], %parallel_loop3A_285 {strides = array<i32>} : memref<4096xf32, #tpu.memory_space<vmem>>, vector<16xf32>,
          %parallel_loop3A_305 = arith.xori %parallel_loop3A_110, %parallel_loop3A_136 : vector<16xi32>
          %parallel_loop3A_306 = arith.xori %parallel_loop3A_305, %parallel_loop3A_142 : vector<16xi32>
          %parallel_loop3A_307 = arith.constant 524287 : i32
          %parallel_loop3A_308 = vector.broadcast %parallel_loop3A_307 : i32 to vector<16xi32>
          %parallel_loop3A_309 = arith.andi %parallel_loop3A_306, %parallel_loop3A_308 : vector<16xi32>
          %parallel_loop3A_310 = tpu.bitcast %parallel_loop3A_309 : vector<16xi32> -> vector<16xi32>
          %parallel_loop3A_311 = arith.mulf %parallel_loop3A_121, %parallel_loop3A_116 : vector<16xf32>
          %parallel_loop3A_312 = arith.mulf %parallel_loop3A_311, %parallel_loop3A_118 : vector<16xf32>
          %parallel_loop3A_313 = arith.constant 3072 : i32
          %parallel_loop3A_314 = arith.addi %parallel_loop3A_313, %parallel_loop3A_94 : i32
          %parallel_loop3A_315 = arith.constant 2 : i32
          %parallel_loop3A_316 = vector.broadcast %parallel_loop3A_315 : i32 to vector<16xi32>
          %parallel_loop3A_317 = arith.shrsi %parallel_loop3A_310, %parallel_loop3A_316 : vector<16xi32>
          %parallel_loop3A_318 = vector.broadcast %mul3A_48 : i32 to vector<16xi32>
          %parallel_loop3A_319 = arith.addi %parallel_loop3A_317, %parallel_loop3A_318 : vector<16xi32>
          %parallel_loop3A_320 = arith.index_cast %parallel_loop3A_314 : i32 to index
          %parallel_loop3A_321 = tpu.vector_load %arg7[%parallel_loop3A_320] {strides = array<i32>} : memref<4096xi32, #tpu.memory_space<vmem>>, vector<16xi32>,
          tpu.vector_store %arg7[%parallel_loop3A_320], %parallel_loop3A_319 {strides = array<i32>} : memref<4096xi32, #tpu.memory_space<vmem>>, vector<16xi32>,
          %parallel_loop3A_322 = arith.constant 3 : i32
          %parallel_loop3A_323 = vector.broadcast %parallel_loop3A_322 : i32 to vector<16xi32>
          %parallel_loop3A_324 = arith.andi %parallel_loop3A_310, %parallel_loop3A_323 : vector<16xi32>
          %parallel_loop3A_325 = arith.constant 2 : i32
          %parallel_loop3A_326 = vector.broadcast %parallel_loop3A_325 : i32 to vector<16xi32>
          %parallel_loop3A_327 = arith.muli %parallel_loop3A_324, %parallel_loop3A_326 : vector<16xi32>
          %parallel_loop3A_328 = arith.index_cast %parallel_loop3A_314 : i32 to index
          %parallel_loop3A_329 = tpu.vector_load %arg9[%parallel_loop3A_328] {strides = array<i32>} : memref<4096xi32, #tpu.memory_space<vmem>>, vector<16xi32>,
          tpu.vector_store %arg9[%parallel_loop3A_328], %parallel_loop3A_327 {strides = array<i32>} : memref<4096xi32, #tpu.memory_space<vmem>>, vector<16xi32>,
          %parallel_loop3A_330 = arith.index_cast %parallel_loop3A_314 : i32 to index
          %parallel_loop3A_331 = tpu.vector_load %arg11[%parallel_loop3A_330] {strides = array<i32>} : memref<4096xf32, #tpu.memory_space<vmem>>, vector<16xf32>,
          tpu.vector_store %arg11[%parallel_loop3A_330], %parallel_loop3A_312 {strides = array<i32>} : memref<4096xf32, #tpu.memory_space<vmem>>, vector<16xf32>,
          %parallel_loop3A_332 = arith.xori %parallel_loop3A_130, %parallel_loop3A_136 : vector<16xi32>
          %parallel_loop3A_333 = arith.xori %parallel_loop3A_332, %parallel_loop3A_142 : vector<16xi32>
          %parallel_loop3A_334 = arith.constant 524287 : i32
          %parallel_loop3A_335 = vector.broadcast %parallel_loop3A_334 : i32 to vector<16xi32>
          %parallel_loop3A_336 = arith.andi %parallel_loop3A_333, %parallel_loop3A_335 : vector<16xi32>
          %parallel_loop3A_337 = tpu.bitcast %parallel_loop3A_336 : vector<16xi32> -> vector<16xi32>
          %parallel_loop3A_338 = arith.mulf %parallel_loop3A_114, %parallel_loop3A_116 : vector<16xf32>
          %parallel_loop3A_339 = arith.mulf %parallel_loop3A_338, %parallel_loop3A_118 : vector<16xf32>
          %parallel_loop3A_340 = arith.constant 3584 : i32
          %parallel_loop3A_341 = arith.addi %parallel_loop3A_340, %parallel_loop3A_94 : i32
          %parallel_loop3A_342 = arith.constant 2 : i32
          %parallel_loop3A_343 = vector.broadcast %parallel_loop3A_342 : i32 to vector<16xi32>
          %parallel_loop3A_344 = arith.shrsi %parallel_loop3A_337, %parallel_loop3A_343 : vector<16xi32>
          %parallel_loop3A_345 = vector.broadcast %mul3A_48 : i32 to vector<16xi32>
          %parallel_loop3A_346 = arith.addi %parallel_loop3A_344, %parallel_loop3A_345 : vector<16xi32>
          %parallel_loop3A_347 = arith.index_cast %parallel_loop3A_341 : i32 to index
          %parallel_loop3A_348 = tpu.vector_load %arg7[%parallel_loop3A_347] {strides = array<i32>} : memref<4096xi32, #tpu.memory_space<vmem>>, vector<16xi32>,
          tpu.vector_store %arg7[%parallel_loop3A_347], %parallel_loop3A_346 {strides = array<i32>} : memref<4096xi32, #tpu.memory_space<vmem>>, vector<16xi32>,
          %parallel_loop3A_349 = arith.constant 3 : i32
          %parallel_loop3A_350 = vector.broadcast %parallel_loop3A_349 : i32 to vector<16xi32>
          %parallel_loop3A_351 = arith.andi %parallel_loop3A_337, %parallel_loop3A_350 : vector<16xi32>
          %parallel_loop3A_352 = arith.constant 2 : i32
          %parallel_loop3A_353 = vector.broadcast %parallel_loop3A_352 : i32 to vector<16xi32>
          %parallel_loop3A_354 = arith.muli %parallel_loop3A_351, %parallel_loop3A_353 : vector<16xi32>
          %parallel_loop3A_355 = arith.index_cast %parallel_loop3A_341 : i32 to index
          %parallel_loop3A_356 = tpu.vector_load %arg9[%parallel_loop3A_355] {strides = array<i32>} : memref<4096xi32, #tpu.memory_space<vmem>>, vector<16xi32>,
          tpu.vector_store %arg9[%parallel_loop3A_355], %parallel_loop3A_354 {strides = array<i32>} : memref<4096xi32, #tpu.memory_space<vmem>>, vector<16xi32>,
          %parallel_loop3A_357 = arith.index_cast %parallel_loop3A_341 : i32 to index
          %parallel_loop3A_358 = tpu.vector_load %arg11[%parallel_loop3A_357] {strides = array<i32>} : memref<4096xf32, #tpu.memory_space<vmem>>, vector<16xf32>,
          tpu.vector_store %arg11[%parallel_loop3A_357], %parallel_loop3A_339 {strides = array<i32>} : memref<4096xf32, #tpu.memory_space<vmem>>, vector<16xf32>,
        } {sc.loop_unroll_factor = 1 : i64, sc.parallel_access}
        %dma_start3A_58 = arith.constant 0 : i32
        %dma_start3A_59 = arith.constant 0 : i32
        %dma_start3A_60 = tpu.memref_slice %arg3[%dma_start3A_58, %dma_start3A_59] : memref<4194304x8xf32, #tpu.memory_space<hbm>> -> memref<4194304x8xf32, #tpu.memory_space<hbm>>
        tpu.enqueue_indirect_dma source(%dma_start3A_60 : memref<4194304x8xf32, #tpu.memory_space<hbm>>) target(%arg13 : memref<4096x8xf32, #tpu.memory_space<vmem>>) offsets(%arg7 : memref<4096xi32, #tpu.memory_space<vmem>>) semaphore(%arg17 : memref<!tpu.dma_semaphore, #tpu.memory_space<semaphore_mem>>)
        %mul3A_61 = arith.constant 2 : i32
        %mul3A_62 = arith.muli %mul3A_44, %mul3A_61 : i32
        %ge3A = arith.constant 2 : i32
        %ge3A_63 = arith.cmpi sge, %mul3A_44, %ge3A : i32
        %convert_element_type3A = arith.extui %ge3A_63 : i1 to i32
        %cond3A = arith.constant 0 : i32
        %cond3A_64 = arith.cmpi ne, %convert_element_type3A, %cond3A : i32
        scf.if %cond3A_64 {
          %dma_wait3A_94 = tpu.memref_slice %arg4[%mul3A_62, %add3A_14] : memref<64x262144xf32, #tpu.memory_space<hbm>> -> memref<2x512xf32, #tpu.memory_space<hbm>>
          %dma_wait3A_95 = tpu.memref_slice %arg4[%mul3A_62, %add3A_14] : memref<64x262144xf32, #tpu.memory_space<hbm>> -> memref<2x512xf32, #tpu.memory_space<hbm>>
          tpu.wait_dma2 semaphore(%arg18 : memref<!tpu.dma_semaphore, #tpu.memory_space<semaphore_mem>>) src(%arg14 : memref<2x512xf32, #tpu.memory_space<vmem>>) dst(%dma_wait3A_95 : memref<2x512xf32, #tpu.memory_space<hbm>>)
        } else {
        }
        %dma_wait3A_65 = arith.constant 0 : i32
        %dma_wait3A_66 = arith.constant 0 : i32
        %dma_wait3A_67 = tpu.memref_slice %arg3[%dma_wait3A_65, %dma_wait3A_66] : memref<4194304x8xf32, #tpu.memory_space<hbm>> -> memref<4194304x8xf32, #tpu.memory_space<hbm>>
        tpu.wait_indirect_dma semaphore(%arg16 : memref<!tpu.dma_semaphore, #tpu.memory_space<semaphore_mem>>) src(%dma_wait3A_67 : memref<4194304x8xf32, #tpu.memory_space<hbm>>) dst(%arg12 : memref<4096x8xf32, #tpu.memory_space<vmem>>)
        %parallel_loop3A_68 = arith.constant 0 : i32
        %parallel_loop3A_69 = arith.constant 512 : i32
        %parallel_loop3A_70 = arith.constant 16 : i32
        scf.for %parallel_loop3A_94 = %parallel_loop3A_68 to %parallel_loop3A_69 step %parallel_loop3A_70  : i32 {
          %parallel_loop3A_95 = arith.constant 0.000000e+00 : f32
          %parallel_loop3A_96 = vector.broadcast %parallel_loop3A_95 : f32 to vector<16xf32>
          %parallel_loop3A_97 = arith.constant 0.000000e+00 : f32
          %parallel_loop3A_98 = vector.broadcast %parallel_loop3A_97 : f32 to vector<16xf32>
          %parallel_loop3A_99 = arith.constant 0 : i32
          %parallel_loop3A_100 = arith.addi %parallel_loop3A_99, %parallel_loop3A_94 : i32
          %parallel_loop3A_101 = vector.broadcast %parallel_loop3A_100 : i32 to vector<16xi32>
          %parallel_loop3A_102 = arith.addi %parallel_loop3A_101, %iota3A : vector<16xi32>
          %parallel_loop3A_103 = arith.index_cast %parallel_loop3A_100 : i32 to index
          %parallel_loop3A_104 = tpu.vector_load %arg10[%parallel_loop3A_103] {strides = array<i32>} : memref<4096xf32, #tpu.memory_space<vmem>>, vector<16xf32>,
          %parallel_loop3A_105 = arith.index_cast %parallel_loop3A_100 : i32 to index
          %parallel_loop3A_106 = tpu.vector_load %arg8[%parallel_loop3A_105] {strides = array<i32>} : memref<4096xi32, #tpu.memory_space<vmem>>, vector<16xi32>,
          %parallel_loop3A_107 = tpu.vector_load_idx %arg12[%parallel_loop3A_102, %parallel_loop3A_106] : memref<4096x8xf32, #tpu.memory_space<vmem>>[vector<16xi32>, vector<16xi32>], vector<16xf32>,
          %parallel_loop3A_108 = arith.constant 1 : i32
          %parallel_loop3A_109 = vector.broadcast %parallel_loop3A_108 : i32 to vector<16xi32>
          %parallel_loop3A_110 = arith.addi %parallel_loop3A_106, %parallel_loop3A_109 : vector<16xi32>
          %parallel_loop3A_111 = tpu.vector_load_idx %arg12[%parallel_loop3A_102, %parallel_loop3A_110] : memref<4096x8xf32, #tpu.memory_space<vmem>>[vector<16xi32>, vector<16xi32>], vector<16xf32>,
          %parallel_loop3A_112 = arith.mulf %parallel_loop3A_104, %parallel_loop3A_107 : vector<16xf32>
          %parallel_loop3A_113 = arith.addf %parallel_loop3A_96, %parallel_loop3A_112 : vector<16xf32>
          %parallel_loop3A_114 = arith.mulf %parallel_loop3A_104, %parallel_loop3A_111 : vector<16xf32>
          %parallel_loop3A_115 = arith.addf %parallel_loop3A_98, %parallel_loop3A_114 : vector<16xf32>
          %parallel_loop3A_116 = arith.constant 512 : i32
          %parallel_loop3A_117 = arith.addi %parallel_loop3A_116, %parallel_loop3A_94 : i32
          %parallel_loop3A_118 = vector.broadcast %parallel_loop3A_117 : i32 to vector<16xi32>
          %parallel_loop3A_119 = arith.addi %parallel_loop3A_118, %iota3A : vector<16xi32>
          %parallel_loop3A_120 = arith.index_cast %parallel_loop3A_117 : i32 to index
          %parallel_loop3A_121 = tpu.vector_load %arg10[%parallel_loop3A_120] {strides = array<i32>} : memref<4096xf32, #tpu.memory_space<vmem>>, vector<16xf32>,
          %parallel_loop3A_122 = arith.index_cast %parallel_loop3A_117 : i32 to index
          %parallel_loop3A_123 = tpu.vector_load %arg8[%parallel_loop3A_122] {strides = array<i32>} : memref<4096xi32, #tpu.memory_space<vmem>>, vector<16xi32>,
          %parallel_loop3A_124 = tpu.vector_load_idx %arg12[%parallel_loop3A_119, %parallel_loop3A_123] : memref<4096x8xf32, #tpu.memory_space<vmem>>[vector<16xi32>, vector<16xi32>], vector<16xf32>,
          %parallel_loop3A_125 = arith.constant 1 : i32
          %parallel_loop3A_126 = vector.broadcast %parallel_loop3A_125 : i32 to vector<16xi32>
          %parallel_loop3A_127 = arith.addi %parallel_loop3A_123, %parallel_loop3A_126 : vector<16xi32>
          %parallel_loop3A_128 = tpu.vector_load_idx %arg12[%parallel_loop3A_119, %parallel_loop3A_127] : memref<4096x8xf32, #tpu.memory_space<vmem>>[vector<16xi32>, vector<16xi32>], vector<16xf32>,
          %parallel_loop3A_129 = arith.mulf %parallel_loop3A_121, %parallel_loop3A_124 : vector<16xf32>
          %parallel_loop3A_130 = arith.addf %parallel_loop3A_113, %parallel_loop3A_129 : vector<16xf32>
          %parallel_loop3A_131 = arith.mulf %parallel_loop3A_121, %parallel_loop3A_128 : vector<16xf32>
          %parallel_loop3A_132 = arith.addf %parallel_loop3A_115, %parallel_loop3A_131 : vector<16xf32>
          %parallel_loop3A_133 = arith.constant 1024 : i32
          %parallel_loop3A_134 = arith.addi %parallel_loop3A_133, %parallel_loop3A_94 : i32
          %parallel_loop3A_135 = vector.broadcast %parallel_loop3A_134 : i32 to vector<16xi32>
          %parallel_loop3A_136 = arith.addi %parallel_loop3A_135, %iota3A : vector<16xi32>
          %parallel_loop3A_137 = arith.index_cast %parallel_loop3A_134 : i32 to index
          %parallel_loop3A_138 = tpu.vector_load %arg10[%parallel_loop3A_137] {strides = array<i32>} : memref<4096xf32, #tpu.memory_space<vmem>>, vector<16xf32>,
          %parallel_loop3A_139 = arith.index_cast %parallel_loop3A_134 : i32 to index
          %parallel_loop3A_140 = tpu.vector_load %arg8[%parallel_loop3A_139] {strides = array<i32>} : memref<4096xi32, #tpu.memory_space<vmem>>, vector<16xi32>,
          %parallel_loop3A_141 = tpu.vector_load_idx %arg12[%parallel_loop3A_136, %parallel_loop3A_140] : memref<4096x8xf32, #tpu.memory_space<vmem>>[vector<16xi32>, vector<16xi32>], vector<16xf32>,
          %parallel_loop3A_142 = arith.constant 1 : i32
          %parallel_loop3A_143 = vector.broadcast %parallel_loop3A_142 : i32 to vector<16xi32>
          %parallel_loop3A_144 = arith.addi %parallel_loop3A_140, %parallel_loop3A_143 : vector<16xi32>
          %parallel_loop3A_145 = tpu.vector_load_idx %arg12[%parallel_loop3A_136, %parallel_loop3A_144] : memref<4096x8xf32, #tpu.memory_space<vmem>>[vector<16xi32>, vector<16xi32>], vector<16xf32>,
          %parallel_loop3A_146 = arith.mulf %parallel_loop3A_138, %parallel_loop3A_141 : vector<16xf32>
          %parallel_loop3A_147 = arith.addf %parallel_loop3A_130, %parallel_loop3A_146 : vector<16xf32>
          %parallel_loop3A_148 = arith.mulf %parallel_loop3A_138, %parallel_loop3A_145 : vector<16xf32>
          %parallel_loop3A_149 = arith.addf %parallel_loop3A_132, %parallel_loop3A_148 : vector<16xf32>
          %parallel_loop3A_150 = arith.constant 1536 : i32
          %parallel_loop3A_151 = arith.addi %parallel_loop3A_150, %parallel_loop3A_94 : i32
          %parallel_loop3A_152 = vector.broadcast %parallel_loop3A_151 : i32 to vector<16xi32>
          %parallel_loop3A_153 = arith.addi %parallel_loop3A_152, %iota3A : vector<16xi32>
          %parallel_loop3A_154 = arith.index_cast %parallel_loop3A_151 : i32 to index
          %parallel_loop3A_155 = tpu.vector_load %arg10[%parallel_loop3A_154] {strides = array<i32>} : memref<4096xf32, #tpu.memory_space<vmem>>, vector<16xf32>,
          %parallel_loop3A_156 = arith.index_cast %parallel_loop3A_151 : i32 to index
          %parallel_loop3A_157 = tpu.vector_load %arg8[%parallel_loop3A_156] {strides = array<i32>} : memref<4096xi32, #tpu.memory_space<vmem>>, vector<16xi32>,
          %parallel_loop3A_158 = tpu.vector_load_idx %arg12[%parallel_loop3A_153, %parallel_loop3A_157] : memref<4096x8xf32, #tpu.memory_space<vmem>>[vector<16xi32>, vector<16xi32>], vector<16xf32>,
          %parallel_loop3A_159 = arith.constant 1 : i32
          %parallel_loop3A_160 = vector.broadcast %parallel_loop3A_159 : i32 to vector<16xi32>
          %parallel_loop3A_161 = arith.addi %parallel_loop3A_157, %parallel_loop3A_160 : vector<16xi32>
          %parallel_loop3A_162 = tpu.vector_load_idx %arg12[%parallel_loop3A_153, %parallel_loop3A_161] : memref<4096x8xf32, #tpu.memory_space<vmem>>[vector<16xi32>, vector<16xi32>], vector<16xf32>,
          %parallel_loop3A_163 = arith.mulf %parallel_loop3A_155, %parallel_loop3A_158 : vector<16xf32>
          %parallel_loop3A_164 = arith.addf %parallel_loop3A_147, %parallel_loop3A_163 : vector<16xf32>
          %parallel_loop3A_165 = arith.mulf %parallel_loop3A_155, %parallel_loop3A_162 : vector<16xf32>
          %parallel_loop3A_166 = arith.addf %parallel_loop3A_149, %parallel_loop3A_165 : vector<16xf32>
          %parallel_loop3A_167 = arith.constant 2048 : i32
          %parallel_loop3A_168 = arith.addi %parallel_loop3A_167, %parallel_loop3A_94 : i32
          %parallel_loop3A_169 = vector.broadcast %parallel_loop3A_168 : i32 to vector<16xi32>
          %parallel_loop3A_170 = arith.addi %parallel_loop3A_169, %iota3A : vector<16xi32>
          %parallel_loop3A_171 = arith.index_cast %parallel_loop3A_168 : i32 to index
          %parallel_loop3A_172 = tpu.vector_load %arg10[%parallel_loop3A_171] {strides = array<i32>} : memref<4096xf32, #tpu.memory_space<vmem>>, vector<16xf32>,
          %parallel_loop3A_173 = arith.index_cast %parallel_loop3A_168 : i32 to index
          %parallel_loop3A_174 = tpu.vector_load %arg8[%parallel_loop3A_173] {strides = array<i32>} : memref<4096xi32, #tpu.memory_space<vmem>>, vector<16xi32>,
          %parallel_loop3A_175 = tpu.vector_load_idx %arg12[%parallel_loop3A_170, %parallel_loop3A_174] : memref<4096x8xf32, #tpu.memory_space<vmem>>[vector<16xi32>, vector<16xi32>], vector<16xf32>,
          %parallel_loop3A_176 = arith.constant 1 : i32
          %parallel_loop3A_177 = vector.broadcast %parallel_loop3A_176 : i32 to vector<16xi32>
          %parallel_loop3A_178 = arith.addi %parallel_loop3A_174, %parallel_loop3A_177 : vector<16xi32>
          %parallel_loop3A_179 = tpu.vector_load_idx %arg12[%parallel_loop3A_170, %parallel_loop3A_178] : memref<4096x8xf32, #tpu.memory_space<vmem>>[vector<16xi32>, vector<16xi32>], vector<16xf32>,
          %parallel_loop3A_180 = arith.mulf %parallel_loop3A_172, %parallel_loop3A_175 : vector<16xf32>
          %parallel_loop3A_181 = arith.addf %parallel_loop3A_164, %parallel_loop3A_180 : vector<16xf32>
          %parallel_loop3A_182 = arith.mulf %parallel_loop3A_172, %parallel_loop3A_179 : vector<16xf32>
          %parallel_loop3A_183 = arith.addf %parallel_loop3A_166, %parallel_loop3A_182 : vector<16xf32>
          %parallel_loop3A_184 = arith.constant 2560 : i32
          %parallel_loop3A_185 = arith.addi %parallel_loop3A_184, %parallel_loop3A_94 : i32
          %parallel_loop3A_186 = vector.broadcast %parallel_loop3A_185 : i32 to vector<16xi32>
          %parallel_loop3A_187 = arith.addi %parallel_loop3A_186, %iota3A : vector<16xi32>
          %parallel_loop3A_188 = arith.index_cast %parallel_loop3A_185 : i32 to index
          %parallel_loop3A_189 = tpu.vector_load %arg10[%parallel_loop3A_188] {strides = array<i32>} : memref<4096xf32, #tpu.memory_space<vmem>>, vector<16xf32>,
          %parallel_loop3A_190 = arith.index_cast %parallel_loop3A_185 : i32 to index
          %parallel_loop3A_191 = tpu.vector_load %arg8[%parallel_loop3A_190] {strides = array<i32>} : memref<4096xi32, #tpu.memory_space<vmem>>, vector<16xi32>,
          %parallel_loop3A_192 = tpu.vector_load_idx %arg12[%parallel_loop3A_187, %parallel_loop3A_191] : memref<4096x8xf32, #tpu.memory_space<vmem>>[vector<16xi32>, vector<16xi32>], vector<16xf32>,
          %parallel_loop3A_193 = arith.constant 1 : i32
          %parallel_loop3A_194 = vector.broadcast %parallel_loop3A_193 : i32 to vector<16xi32>
          %parallel_loop3A_195 = arith.addi %parallel_loop3A_191, %parallel_loop3A_194 : vector<16xi32>
          %parallel_loop3A_196 = tpu.vector_load_idx %arg12[%parallel_loop3A_187, %parallel_loop3A_195] : memref<4096x8xf32, #tpu.memory_space<vmem>>[vector<16xi32>, vector<16xi32>], vector<16xf32>,
          %parallel_loop3A_197 = arith.mulf %parallel_loop3A_189, %parallel_loop3A_192 : vector<16xf32>
          %parallel_loop3A_198 = arith.addf %parallel_loop3A_181, %parallel_loop3A_197 : vector<16xf32>
          %parallel_loop3A_199 = arith.mulf %parallel_loop3A_189, %parallel_loop3A_196 : vector<16xf32>
          %parallel_loop3A_200 = arith.addf %parallel_loop3A_183, %parallel_loop3A_199 : vector<16xf32>
          %parallel_loop3A_201 = arith.constant 3072 : i32
          %parallel_loop3A_202 = arith.addi %parallel_loop3A_201, %parallel_loop3A_94 : i32
          %parallel_loop3A_203 = vector.broadcast %parallel_loop3A_202 : i32 to vector<16xi32>
          %parallel_loop3A_204 = arith.addi %parallel_loop3A_203, %iota3A : vector<16xi32>
          %parallel_loop3A_205 = arith.index_cast %parallel_loop3A_202 : i32 to index
          %parallel_loop3A_206 = tpu.vector_load %arg10[%parallel_loop3A_205] {strides = array<i32>} : memref<4096xf32, #tpu.memory_space<vmem>>, vector<16xf32>,
          %parallel_loop3A_207 = arith.index_cast %parallel_loop3A_202 : i32 to index
          %parallel_loop3A_208 = tpu.vector_load %arg8[%parallel_loop3A_207] {strides = array<i32>} : memref<4096xi32, #tpu.memory_space<vmem>>, vector<16xi32>,
          %parallel_loop3A_209 = tpu.vector_load_idx %arg12[%parallel_loop3A_204, %parallel_loop3A_208] : memref<4096x8xf32, #tpu.memory_space<vmem>>[vector<16xi32>, vector<16xi32>], vector<16xf32>,
          %parallel_loop3A_210 = arith.constant 1 : i32
          %parallel_loop3A_211 = vector.broadcast %parallel_loop3A_210 : i32 to vector<16xi32>
          %parallel_loop3A_212 = arith.addi %parallel_loop3A_208, %parallel_loop3A_211 : vector<16xi32>
          %parallel_loop3A_213 = tpu.vector_load_idx %arg12[%parallel_loop3A_204, %parallel_loop3A_212] : memref<4096x8xf32, #tpu.memory_space<vmem>>[vector<16xi32>, vector<16xi32>], vector<16xf32>,
          %parallel_loop3A_214 = arith.mulf %parallel_loop3A_206, %parallel_loop3A_209 : vector<16xf32>
          %parallel_loop3A_215 = arith.addf %parallel_loop3A_198, %parallel_loop3A_214 : vector<16xf32>
          %parallel_loop3A_216 = arith.mulf %parallel_loop3A_206, %parallel_loop3A_213 : vector<16xf32>
          %parallel_loop3A_217 = arith.addf %parallel_loop3A_200, %parallel_loop3A_216 : vector<16xf32>
          %parallel_loop3A_218 = arith.constant 3584 : i32
          %parallel_loop3A_219 = arith.addi %parallel_loop3A_218, %parallel_loop3A_94 : i32
          %parallel_loop3A_220 = vector.broadcast %parallel_loop3A_219 : i32 to vector<16xi32>
          %parallel_loop3A_221 = arith.addi %parallel_loop3A_220, %iota3A : vector<16xi32>
          %parallel_loop3A_222 = arith.index_cast %parallel_loop3A_219 : i32 to index
          %parallel_loop3A_223 = tpu.vector_load %arg10[%parallel_loop3A_222] {strides = array<i32>} : memref<4096xf32, #tpu.memory_space<vmem>>, vector<16xf32>,
          %parallel_loop3A_224 = arith.index_cast %parallel_loop3A_219 : i32 to index
          %parallel_loop3A_225 = tpu.vector_load %arg8[%parallel_loop3A_224] {strides = array<i32>} : memref<4096xi32, #tpu.memory_space<vmem>>, vector<16xi32>,
          %parallel_loop3A_226 = tpu.vector_load_idx %arg12[%parallel_loop3A_221, %parallel_loop3A_225] : memref<4096x8xf32, #tpu.memory_space<vmem>>[vector<16xi32>, vector<16xi32>], vector<16xf32>,
          %parallel_loop3A_227 = arith.constant 1 : i32
          %parallel_loop3A_228 = vector.broadcast %parallel_loop3A_227 : i32 to vector<16xi32>
          %parallel_loop3A_229 = arith.addi %parallel_loop3A_225, %parallel_loop3A_228 : vector<16xi32>
          %parallel_loop3A_230 = tpu.vector_load_idx %arg12[%parallel_loop3A_221, %parallel_loop3A_229] : memref<4096x8xf32, #tpu.memory_space<vmem>>[vector<16xi32>, vector<16xi32>], vector<16xf32>,
          %parallel_loop3A_231 = arith.mulf %parallel_loop3A_223, %parallel_loop3A_226 : vector<16xf32>
          %parallel_loop3A_232 = arith.addf %parallel_loop3A_215, %parallel_loop3A_231 : vector<16xf32>
          %parallel_loop3A_233 = arith.mulf %parallel_loop3A_223, %parallel_loop3A_230 : vector<16xf32>
          %parallel_loop3A_234 = arith.addf %parallel_loop3A_217, %parallel_loop3A_233 : vector<16xf32>
          %parallel_loop3A_235 = arith.constant 0 : i32
          %parallel_loop3A_236 = arith.index_cast %parallel_loop3A_235 : i32 to index
          %parallel_loop3A_237 = arith.index_cast %parallel_loop3A_94 : i32 to index
          %parallel_loop3A_238 = tpu.vector_load %arg14[%parallel_loop3A_236, %parallel_loop3A_237] {strides = array<i32>} : memref<2x512xf32, #tpu.memory_space<vmem>>, vector<16xf32>,
          tpu.vector_store %arg14[%parallel_loop3A_236, %parallel_loop3A_237], %parallel_loop3A_232 {strides = array<i32>} : memref<2x512xf32, #tpu.memory_space<vmem>>, vector<16xf32>,
          %parallel_loop3A_239 = arith.constant 1 : i32
          %parallel_loop3A_240 = arith.index_cast %parallel_loop3A_239 : i32 to index
          %parallel_loop3A_241 = arith.index_cast %parallel_loop3A_94 : i32 to index
          %parallel_loop3A_242 = tpu.vector_load %arg14[%parallel_loop3A_240, %parallel_loop3A_241] {strides = array<i32>} : memref<2x512xf32, #tpu.memory_space<vmem>>, vector<16xf32>,
          tpu.vector_store %arg14[%parallel_loop3A_240, %parallel_loop3A_241], %parallel_loop3A_234 {strides = array<i32>} : memref<2x512xf32, #tpu.memory_space<vmem>>, vector<16xf32>,
        } {sc.loop_unroll_factor = 1 : i64, sc.parallel_access}
        %dma_start3A_71 = tpu.memref_slice %arg4[%mul3A_62, %add3A_14] : memref<64x262144xf32, #tpu.memory_space<hbm>> -> memref<2x512xf32, #tpu.memory_space<hbm>>
        %dma_start3A_72 = tpu.memref_slice %arg4[%mul3A_62, %add3A_14] : memref<64x262144xf32, #tpu.memory_space<hbm>> -> memref<2x512xf32, #tpu.memory_space<hbm>>
        tpu.enqueue_dma source(%arg14 : memref<2x512xf32, #tpu.memory_space<vmem>>) target(%dma_start3A_72 : memref<2x512xf32, #tpu.memory_space<hbm>>) target_semaphore(%arg18 : memref<!tpu.dma_semaphore, #tpu.memory_space<semaphore_mem>>)
        %le3A = arith.constant 14 : i32
        %le3A_73 = arith.cmpi sle, %add3A_42, %le3A : i32
        %convert_element_type3A_74 = arith.extui %le3A_73 : i1 to i32
        %cond3A_75 = arith.constant 0 : i32
        %cond3A_76 = arith.cmpi ne, %convert_element_type3A_74, %cond3A_75 : i32
        scf.if %cond3A_76 {
          %add3A_94 = arith.constant 2 : i32
          %add3A_95 = arith.addi %mul3A_44, %add3A_94 : i32
          %mul3A_96 = arith.constant 131072 : i32
          %mul3A_97 = arith.muli %add3A_95, %mul3A_96 : i32
          %add3A_98 = arith.constant 127 : i32
          %add3A_99 = arith.addi %add3A_95, %add3A_98 : i32
          %shift_left3A_100 = arith.constant 23 : i32
          %shift_left3A_101 = arith.shli %add3A_99, %shift_left3A_100 : i32
          %broadcast_in_dim3A_102 = vector.broadcast %shift_left3A_101 : i32 to vector<16xi32>
          %bitcast_convert_type3A_103 = tpu.bitcast %broadcast_in_dim3A_102 : vector<16xi32> -> vector<16xf32>
          %parallel_loop3A_104 = arith.constant 0 : i32
          %parallel_loop3A_105 = arith.constant 512 : i32
          %parallel_loop3A_106 = arith.constant 16 : i32
          scf.for %parallel_loop3A_110 = %parallel_loop3A_104 to %parallel_loop3A_105 step %parallel_loop3A_106  : i32 {
            %parallel_loop3A_111 = arith.constant 0 : i32
            %parallel_loop3A_112 = arith.index_cast %parallel_loop3A_111 : i32 to index
            %parallel_loop3A_113 = arith.index_cast %parallel_loop3A_110 : i32 to index
            %parallel_loop3A_114 = tpu.vector_load %arg5[%parallel_loop3A_112, %parallel_loop3A_113] {strides = array<i32>} : memref<3x512xf32, #tpu.memory_space<vmem>>, vector<16xf32>,
            %parallel_loop3A_115 = arith.constant 1 : i32
            %parallel_loop3A_116 = arith.index_cast %parallel_loop3A_115 : i32 to index
            %parallel_loop3A_117 = arith.index_cast %parallel_loop3A_110 : i32 to index
            %parallel_loop3A_118 = tpu.vector_load %arg5[%parallel_loop3A_116, %parallel_loop3A_117] {strides = array<i32>} : memref<3x512xf32, #tpu.memory_space<vmem>>, vector<16xf32>,
            %parallel_loop3A_119 = arith.constant 2 : i32
            %parallel_loop3A_120 = arith.index_cast %parallel_loop3A_119 : i32 to index
            %parallel_loop3A_121 = arith.index_cast %parallel_loop3A_110 : i32 to index
            %parallel_loop3A_122 = tpu.vector_load %arg5[%parallel_loop3A_120, %parallel_loop3A_121] {strides = array<i32>} : memref<3x512xf32, #tpu.memory_space<vmem>>, vector<16xf32>,
            %parallel_loop3A_123 = arith.mulf %parallel_loop3A_114, %bitcast_convert_type3A_103 : vector<16xf32>
            %parallel_loop3A_124 = arith.mulf %parallel_loop3A_118, %bitcast_convert_type3A_103 : vector<16xf32>
            %parallel_loop3A_125 = arith.mulf %parallel_loop3A_122, %bitcast_convert_type3A_103 : vector<16xf32>
            %parallel_loop3A_126 = arith.fptoui %parallel_loop3A_123 : vector<16xf32> to vector<16xi32>
            %parallel_loop3A_127 = arith.fptoui %parallel_loop3A_124 : vector<16xf32> to vector<16xi32>
            %parallel_loop3A_128 = arith.fptoui %parallel_loop3A_125 : vector<16xf32> to vector<16xi32>
            %parallel_loop3A_129 = arith.uitofp %parallel_loop3A_126 : vector<16xi32> to vector<16xf32>
            %parallel_loop3A_130 = arith.subf %parallel_loop3A_123, %parallel_loop3A_129 : vector<16xf32>
            %parallel_loop3A_131 = arith.uitofp %parallel_loop3A_127 : vector<16xi32> to vector<16xf32>
            %parallel_loop3A_132 = arith.subf %parallel_loop3A_124, %parallel_loop3A_131 : vector<16xf32>
            %parallel_loop3A_133 = arith.uitofp %parallel_loop3A_128 : vector<16xi32> to vector<16xf32>
            %parallel_loop3A_134 = arith.subf %parallel_loop3A_125, %parallel_loop3A_133 : vector<16xf32>
            %parallel_loop3A_135 = arith.constant 1.000000e+00 : f32
            %parallel_loop3A_136 = vector.broadcast %parallel_loop3A_135 : f32 to vector<16xf32>
            %parallel_loop3A_137 = arith.subf %parallel_loop3A_136, %parallel_loop3A_130 : vector<16xf32>
            %parallel_loop3A_138 = arith.constant 1.000000e+00 : f32
            %parallel_loop3A_139 = vector.broadcast %parallel_loop3A_138 : f32 to vector<16xf32>
            %parallel_loop3A_140 = arith.subf %parallel_loop3A_139, %parallel_loop3A_132 : vector<16xf32>
            %parallel_loop3A_141 = arith.constant 1.000000e+00 : f32
            %parallel_loop3A_142 = vector.broadcast %parallel_loop3A_141 : f32 to vector<16xf32>
            %parallel_loop3A_143 = arith.subf %parallel_loop3A_142, %parallel_loop3A_134 : vector<16xf32>
            %parallel_loop3A_144 = arith.constant 1 : i32
            %parallel_loop3A_145 = vector.broadcast %parallel_loop3A_144 : i32 to vector<16xi32>
            %parallel_loop3A_146 = arith.addi %parallel_loop3A_126, %parallel_loop3A_145 : vector<16xi32>
            %parallel_loop3A_147 = arith.constant -1640531535 : i32
            %parallel_loop3A_148 = vector.broadcast %parallel_loop3A_147 : i32 to vector<16xi32>
            %parallel_loop3A_149 = arith.muli %parallel_loop3A_127, %parallel_loop3A_148 : vector<16xi32>
            %parallel_loop3A_150 = arith.constant -1640531535 : i32
            %parallel_loop3A_151 = vector.broadcast %parallel_loop3A_150 : i32 to vector<16xi32>
            %parallel_loop3A_152 = arith.addi %parallel_loop3A_149, %parallel_loop3A_151 : vector<16xi32>
            %parallel_loop3A_153 = arith.constant 805459861 : i32
            %parallel_loop3A_154 = vector.broadcast %parallel_loop3A_153 : i32 to vector<16xi32>
            %parallel_loop3A_155 = arith.muli %parallel_loop3A_128, %parallel_loop3A_154 : vector<16xi32>
            %parallel_loop3A_156 = arith.constant 805459861 : i32
            %parallel_loop3A_157 = vector.broadcast %parallel_loop3A_156 : i32 to vector<16xi32>
            %parallel_loop3A_158 = arith.addi %parallel_loop3A_155, %parallel_loop3A_157 : vector<16xi32>
            %parallel_loop3A_159 = arith.xori %parallel_loop3A_126, %parallel_loop3A_149 : vector<16xi32>
            %parallel_loop3A_160 = arith.xori %parallel_loop3A_159, %parallel_loop3A_155 : vector<16xi32>
            %parallel_loop3A_161 = arith.constant 524287 : i32
            %parallel_loop3A_162 = vector.broadcast %parallel_loop3A_161 : i32 to vector<16xi32>
            %parallel_loop3A_163 = arith.andi %parallel_loop3A_160, %parallel_loop3A_162 : vector<16xi32>
            %parallel_loop3A_164 = tpu.bitcast %parallel_loop3A_163 : vector<16xi32> -> vector<16xi32>
            %parallel_loop3A_165 = arith.mulf %parallel_loop3A_137, %parallel_loop3A_140 : vector<16xf32>
            %parallel_loop3A_166 = arith.mulf %parallel_loop3A_165, %parallel_loop3A_143 : vector<16xf32>
            %parallel_loop3A_167 = arith.constant 0 : i32
            %parallel_loop3A_168 = arith.addi %parallel_loop3A_167, %parallel_loop3A_110 : i32
            %parallel_loop3A_169 = arith.constant 2 : i32
            %parallel_loop3A_170 = vector.broadcast %parallel_loop3A_169 : i32 to vector<16xi32>
            %parallel_loop3A_171 = arith.shrsi %parallel_loop3A_164, %parallel_loop3A_170 : vector<16xi32>
            %parallel_loop3A_172 = vector.broadcast %mul3A_97 : i32 to vector<16xi32>
            %parallel_loop3A_173 = arith.addi %parallel_loop3A_171, %parallel_loop3A_172 : vector<16xi32>
            %parallel_loop3A_174 = arith.index_cast %parallel_loop3A_168 : i32 to index
            %parallel_loop3A_175 = tpu.vector_load %arg6[%parallel_loop3A_174] {strides = array<i32>} : memref<4096xi32, #tpu.memory_space<vmem>>, vector<16xi32>,
            tpu.vector_store %arg6[%parallel_loop3A_174], %parallel_loop3A_173 {strides = array<i32>} : memref<4096xi32, #tpu.memory_space<vmem>>, vector<16xi32>,
            %parallel_loop3A_176 = arith.constant 3 : i32
            %parallel_loop3A_177 = vector.broadcast %parallel_loop3A_176 : i32 to vector<16xi32>
            %parallel_loop3A_178 = arith.andi %parallel_loop3A_164, %parallel_loop3A_177 : vector<16xi32>
            %parallel_loop3A_179 = arith.constant 2 : i32
            %parallel_loop3A_180 = vector.broadcast %parallel_loop3A_179 : i32 to vector<16xi32>
            %parallel_loop3A_181 = arith.muli %parallel_loop3A_178, %parallel_loop3A_180 : vector<16xi32>
            %parallel_loop3A_182 = arith.index_cast %parallel_loop3A_168 : i32 to index
            %parallel_loop3A_183 = tpu.vector_load %arg8[%parallel_loop3A_182] {strides = array<i32>} : memref<4096xi32, #tpu.memory_space<vmem>>, vector<16xi32>,
            tpu.vector_store %arg8[%parallel_loop3A_182], %parallel_loop3A_181 {strides = array<i32>} : memref<4096xi32, #tpu.memory_space<vmem>>, vector<16xi32>,
            %parallel_loop3A_184 = arith.index_cast %parallel_loop3A_168 : i32 to index
            %parallel_loop3A_185 = tpu.vector_load %arg10[%parallel_loop3A_184] {strides = array<i32>} : memref<4096xf32, #tpu.memory_space<vmem>>, vector<16xf32>,
            tpu.vector_store %arg10[%parallel_loop3A_184], %parallel_loop3A_166 {strides = array<i32>} : memref<4096xf32, #tpu.memory_space<vmem>>, vector<16xf32>,
            %parallel_loop3A_186 = arith.xori %parallel_loop3A_146, %parallel_loop3A_149 : vector<16xi32>
            %parallel_loop3A_187 = arith.xori %parallel_loop3A_186, %parallel_loop3A_155 : vector<16xi32>
            %parallel_loop3A_188 = arith.constant 524287 : i32
            %parallel_loop3A_189 = vector.broadcast %parallel_loop3A_188 : i32 to vector<16xi32>
            %parallel_loop3A_190 = arith.andi %parallel_loop3A_187, %parallel_loop3A_189 : vector<16xi32>
            %parallel_loop3A_191 = tpu.bitcast %parallel_loop3A_190 : vector<16xi32> -> vector<16xi32>
            %parallel_loop3A_192 = arith.mulf %parallel_loop3A_130, %parallel_loop3A_140 : vector<16xf32>
            %parallel_loop3A_193 = arith.mulf %parallel_loop3A_192, %parallel_loop3A_143 : vector<16xf32>
            %parallel_loop3A_194 = arith.constant 512 : i32
            %parallel_loop3A_195 = arith.addi %parallel_loop3A_194, %parallel_loop3A_110 : i32
            %parallel_loop3A_196 = arith.constant 2 : i32
            %parallel_loop3A_197 = vector.broadcast %parallel_loop3A_196 : i32 to vector<16xi32>
            %parallel_loop3A_198 = arith.shrsi %parallel_loop3A_191, %parallel_loop3A_197 : vector<16xi32>
            %parallel_loop3A_199 = vector.broadcast %mul3A_97 : i32 to vector<16xi32>
            %parallel_loop3A_200 = arith.addi %parallel_loop3A_198, %parallel_loop3A_199 : vector<16xi32>
            %parallel_loop3A_201 = arith.index_cast %parallel_loop3A_195 : i32 to index
            %parallel_loop3A_202 = tpu.vector_load %arg6[%parallel_loop3A_201] {strides = array<i32>} : memref<4096xi32, #tpu.memory_space<vmem>>, vector<16xi32>,
            tpu.vector_store %arg6[%parallel_loop3A_201], %parallel_loop3A_200 {strides = array<i32>} : memref<4096xi32, #tpu.memory_space<vmem>>, vector<16xi32>,
            %parallel_loop3A_203 = arith.constant 3 : i32
            %parallel_loop3A_204 = vector.broadcast %parallel_loop3A_203 : i32 to vector<16xi32>
            %parallel_loop3A_205 = arith.andi %parallel_loop3A_191, %parallel_loop3A_204 : vector<16xi32>
            %parallel_loop3A_206 = arith.constant 2 : i32
            %parallel_loop3A_207 = vector.broadcast %parallel_loop3A_206 : i32 to vector<16xi32>
            %parallel_loop3A_208 = arith.muli %parallel_loop3A_205, %parallel_loop3A_207 : vector<16xi32>
            %parallel_loop3A_209 = arith.index_cast %parallel_loop3A_195 : i32 to index
            %parallel_loop3A_210 = tpu.vector_load %arg8[%parallel_loop3A_209] {strides = array<i32>} : memref<4096xi32, #tpu.memory_space<vmem>>, vector<16xi32>,
            tpu.vector_store %arg8[%parallel_loop3A_209], %parallel_loop3A_208 {strides = array<i32>} : memref<4096xi32, #tpu.memory_space<vmem>>, vector<16xi32>,
            %parallel_loop3A_211 = arith.index_cast %parallel_loop3A_195 : i32 to index
            %parallel_loop3A_212 = tpu.vector_load %arg10[%parallel_loop3A_211] {strides = array<i32>} : memref<4096xf32, #tpu.memory_space<vmem>>, vector<16xf32>,
            tpu.vector_store %arg10[%parallel_loop3A_211], %parallel_loop3A_193 {strides = array<i32>} : memref<4096xf32, #tpu.memory_space<vmem>>, vector<16xf32>,
            %parallel_loop3A_213 = arith.xori %parallel_loop3A_126, %parallel_loop3A_152 : vector<16xi32>
            %parallel_loop3A_214 = arith.xori %parallel_loop3A_213, %parallel_loop3A_155 : vector<16xi32>
            %parallel_loop3A_215 = arith.constant 524287 : i32
            %parallel_loop3A_216 = vector.broadcast %parallel_loop3A_215 : i32 to vector<16xi32>
            %parallel_loop3A_217 = arith.andi %parallel_loop3A_214, %parallel_loop3A_216 : vector<16xi32>
            %parallel_loop3A_218 = tpu.bitcast %parallel_loop3A_217 : vector<16xi32> -> vector<16xi32>
            %parallel_loop3A_219 = arith.mulf %parallel_loop3A_137, %parallel_loop3A_132 : vector<16xf32>
            %parallel_loop3A_220 = arith.mulf %parallel_loop3A_219, %parallel_loop3A_143 : vector<16xf32>
            %parallel_loop3A_221 = arith.constant 1024 : i32
            %parallel_loop3A_222 = arith.addi %parallel_loop3A_221, %parallel_loop3A_110 : i32
            %parallel_loop3A_223 = arith.constant 2 : i32
            %parallel_loop3A_224 = vector.broadcast %parallel_loop3A_223 : i32 to vector<16xi32>
            %parallel_loop3A_225 = arith.shrsi %parallel_loop3A_218, %parallel_loop3A_224 : vector<16xi32>
            %parallel_loop3A_226 = vector.broadcast %mul3A_97 : i32 to vector<16xi32>
            %parallel_loop3A_227 = arith.addi %parallel_loop3A_225, %parallel_loop3A_226 : vector<16xi32>
            %parallel_loop3A_228 = arith.index_cast %parallel_loop3A_222 : i32 to index
            %parallel_loop3A_229 = tpu.vector_load %arg6[%parallel_loop3A_228] {strides = array<i32>} : memref<4096xi32, #tpu.memory_space<vmem>>, vector<16xi32>,
            tpu.vector_store %arg6[%parallel_loop3A_228], %parallel_loop3A_227 {strides = array<i32>} : memref<4096xi32, #tpu.memory_space<vmem>>, vector<16xi32>,
            %parallel_loop3A_230 = arith.constant 3 : i32
            %parallel_loop3A_231 = vector.broadcast %parallel_loop3A_230 : i32 to vector<16xi32>
            %parallel_loop3A_232 = arith.andi %parallel_loop3A_218, %parallel_loop3A_231 : vector<16xi32>
            %parallel_loop3A_233 = arith.constant 2 : i32
            %parallel_loop3A_234 = vector.broadcast %parallel_loop3A_233 : i32 to vector<16xi32>
            %parallel_loop3A_235 = arith.muli %parallel_loop3A_232, %parallel_loop3A_234 : vector<16xi32>
            %parallel_loop3A_236 = arith.index_cast %parallel_loop3A_222 : i32 to index
            %parallel_loop3A_237 = tpu.vector_load %arg8[%parallel_loop3A_236] {strides = array<i32>} : memref<4096xi32, #tpu.memory_space<vmem>>, vector<16xi32>,
            tpu.vector_store %arg8[%parallel_loop3A_236], %parallel_loop3A_235 {strides = array<i32>} : memref<4096xi32, #tpu.memory_space<vmem>>, vector<16xi32>,
            %parallel_loop3A_238 = arith.index_cast %parallel_loop3A_222 : i32 to index
            %parallel_loop3A_239 = tpu.vector_load %arg10[%parallel_loop3A_238] {strides = array<i32>} : memref<4096xf32, #tpu.memory_space<vmem>>, vector<16xf32>,
            tpu.vector_store %arg10[%parallel_loop3A_238], %parallel_loop3A_220 {strides = array<i32>} : memref<4096xf32, #tpu.memory_space<vmem>>, vector<16xf32>,
            %parallel_loop3A_240 = arith.xori %parallel_loop3A_146, %parallel_loop3A_152 : vector<16xi32>
            %parallel_loop3A_241 = arith.xori %parallel_loop3A_240, %parallel_loop3A_155 : vector<16xi32>
            %parallel_loop3A_242 = arith.constant 524287 : i32
            %parallel_loop3A_243 = vector.broadcast %parallel_loop3A_242 : i32 to vector<16xi32>
            %parallel_loop3A_244 = arith.andi %parallel_loop3A_241, %parallel_loop3A_243 : vector<16xi32>
            %parallel_loop3A_245 = tpu.bitcast %parallel_loop3A_244 : vector<16xi32> -> vector<16xi32>
            %parallel_loop3A_246 = arith.mulf %parallel_loop3A_130, %parallel_loop3A_132 : vector<16xf32>
            %parallel_loop3A_247 = arith.mulf %parallel_loop3A_246, %parallel_loop3A_143 : vector<16xf32>
            %parallel_loop3A_248 = arith.constant 1536 : i32
            %parallel_loop3A_249 = arith.addi %parallel_loop3A_248, %parallel_loop3A_110 : i32
            %parallel_loop3A_250 = arith.constant 2 : i32
            %parallel_loop3A_251 = vector.broadcast %parallel_loop3A_250 : i32 to vector<16xi32>
            %parallel_loop3A_252 = arith.shrsi %parallel_loop3A_245, %parallel_loop3A_251 : vector<16xi32>
            %parallel_loop3A_253 = vector.broadcast %mul3A_97 : i32 to vector<16xi32>
            %parallel_loop3A_254 = arith.addi %parallel_loop3A_252, %parallel_loop3A_253 : vector<16xi32>
            %parallel_loop3A_255 = arith.index_cast %parallel_loop3A_249 : i32 to index
            %parallel_loop3A_256 = tpu.vector_load %arg6[%parallel_loop3A_255] {strides = array<i32>} : memref<4096xi32, #tpu.memory_space<vmem>>, vector<16xi32>,
            tpu.vector_store %arg6[%parallel_loop3A_255], %parallel_loop3A_254 {strides = array<i32>} : memref<4096xi32, #tpu.memory_space<vmem>>, vector<16xi32>,
            %parallel_loop3A_257 = arith.constant 3 : i32
            %parallel_loop3A_258 = vector.broadcast %parallel_loop3A_257 : i32 to vector<16xi32>
            %parallel_loop3A_259 = arith.andi %parallel_loop3A_245, %parallel_loop3A_258 : vector<16xi32>
            %parallel_loop3A_260 = arith.constant 2 : i32
            %parallel_loop3A_261 = vector.broadcast %parallel_loop3A_260 : i32 to vector<16xi32>
            %parallel_loop3A_262 = arith.muli %parallel_loop3A_259, %parallel_loop3A_261 : vector<16xi32>
            %parallel_loop3A_263 = arith.index_cast %parallel_loop3A_249 : i32 to index
            %parallel_loop3A_264 = tpu.vector_load %arg8[%parallel_loop3A_263] {strides = array<i32>} : memref<4096xi32, #tpu.memory_space<vmem>>, vector<16xi32>,
            tpu.vector_store %arg8[%parallel_loop3A_263], %parallel_loop3A_262 {strides = array<i32>} : memref<4096xi32, #tpu.memory_space<vmem>>, vector<16xi32>,
            %parallel_loop3A_265 = arith.index_cast %parallel_loop3A_249 : i32 to index
            %parallel_loop3A_266 = tpu.vector_load %arg10[%parallel_loop3A_265] {strides = array<i32>} : memref<4096xf32, #tpu.memory_space<vmem>>, vector<16xf32>,
            tpu.vector_store %arg10[%parallel_loop3A_265], %parallel_loop3A_247 {strides = array<i32>} : memref<4096xf32, #tpu.memory_space<vmem>>, vector<16xf32>,
            %parallel_loop3A_267 = arith.xori %parallel_loop3A_126, %parallel_loop3A_149 : vector<16xi32>
            %parallel_loop3A_268 = arith.xori %parallel_loop3A_267, %parallel_loop3A_158 : vector<16xi32>
            %parallel_loop3A_269 = arith.constant 524287 : i32
            %parallel_loop3A_270 = vector.broadcast %parallel_loop3A_269 : i32 to vector<16xi32>
            %parallel_loop3A_271 = arith.andi %parallel_loop3A_268, %parallel_loop3A_270 : vector<16xi32>
            %parallel_loop3A_272 = tpu.bitcast %parallel_loop3A_271 : vector<16xi32> -> vector<16xi32>
            %parallel_loop3A_273 = arith.mulf %parallel_loop3A_137, %parallel_loop3A_140 : vector<16xf32>
            %parallel_loop3A_274 = arith.mulf %parallel_loop3A_273, %parallel_loop3A_134 : vector<16xf32>
            %parallel_loop3A_275 = arith.constant 2048 : i32
            %parallel_loop3A_276 = arith.addi %parallel_loop3A_275, %parallel_loop3A_110 : i32
            %parallel_loop3A_277 = arith.constant 2 : i32
            %parallel_loop3A_278 = vector.broadcast %parallel_loop3A_277 : i32 to vector<16xi32>
            %parallel_loop3A_279 = arith.shrsi %parallel_loop3A_272, %parallel_loop3A_278 : vector<16xi32>
            %parallel_loop3A_280 = vector.broadcast %mul3A_97 : i32 to vector<16xi32>
            %parallel_loop3A_281 = arith.addi %parallel_loop3A_279, %parallel_loop3A_280 : vector<16xi32>
            %parallel_loop3A_282 = arith.index_cast %parallel_loop3A_276 : i32 to index
            %parallel_loop3A_283 = tpu.vector_load %arg6[%parallel_loop3A_282] {strides = array<i32>} : memref<4096xi32, #tpu.memory_space<vmem>>, vector<16xi32>,
            tpu.vector_store %arg6[%parallel_loop3A_282], %parallel_loop3A_281 {strides = array<i32>} : memref<4096xi32, #tpu.memory_space<vmem>>, vector<16xi32>,
            %parallel_loop3A_284 = arith.constant 3 : i32
            %parallel_loop3A_285 = vector.broadcast %parallel_loop3A_284 : i32 to vector<16xi32>
            %parallel_loop3A_286 = arith.andi %parallel_loop3A_272, %parallel_loop3A_285 : vector<16xi32>
            %parallel_loop3A_287 = arith.constant 2 : i32
            %parallel_loop3A_288 = vector.broadcast %parallel_loop3A_287 : i32 to vector<16xi32>
            %parallel_loop3A_289 = arith.muli %parallel_loop3A_286, %parallel_loop3A_288 : vector<16xi32>
            %parallel_loop3A_290 = arith.index_cast %parallel_loop3A_276 : i32 to index
            %parallel_loop3A_291 = tpu.vector_load %arg8[%parallel_loop3A_290] {strides = array<i32>} : memref<4096xi32, #tpu.memory_space<vmem>>, vector<16xi32>,
            tpu.vector_store %arg8[%parallel_loop3A_290], %parallel_loop3A_289 {strides = array<i32>} : memref<4096xi32, #tpu.memory_space<vmem>>, vector<16xi32>,
            %parallel_loop3A_292 = arith.index_cast %parallel_loop3A_276 : i32 to index
            %parallel_loop3A_293 = tpu.vector_load %arg10[%parallel_loop3A_292] {strides = array<i32>} : memref<4096xf32, #tpu.memory_space<vmem>>, vector<16xf32>,
            tpu.vector_store %arg10[%parallel_loop3A_292], %parallel_loop3A_274 {strides = array<i32>} : memref<4096xf32, #tpu.memory_space<vmem>>, vector<16xf32>,
            %parallel_loop3A_294 = arith.xori %parallel_loop3A_146, %parallel_loop3A_149 : vector<16xi32>
            %parallel_loop3A_295 = arith.xori %parallel_loop3A_294, %parallel_loop3A_158 : vector<16xi32>
            %parallel_loop3A_296 = arith.constant 524287 : i32
            %parallel_loop3A_297 = vector.broadcast %parallel_loop3A_296 : i32 to vector<16xi32>
            %parallel_loop3A_298 = arith.andi %parallel_loop3A_295, %parallel_loop3A_297 : vector<16xi32>
            %parallel_loop3A_299 = tpu.bitcast %parallel_loop3A_298 : vector<16xi32> -> vector<16xi32>
            %parallel_loop3A_300 = arith.mulf %parallel_loop3A_130, %parallel_loop3A_140 : vector<16xf32>
            %parallel_loop3A_301 = arith.mulf %parallel_loop3A_300, %parallel_loop3A_134 : vector<16xf32>
            %parallel_loop3A_302 = arith.constant 2560 : i32
            %parallel_loop3A_303 = arith.addi %parallel_loop3A_302, %parallel_loop3A_110 : i32
            %parallel_loop3A_304 = arith.constant 2 : i32
            %parallel_loop3A_305 = vector.broadcast %parallel_loop3A_304 : i32 to vector<16xi32>
            %parallel_loop3A_306 = arith.shrsi %parallel_loop3A_299, %parallel_loop3A_305 : vector<16xi32>
            %parallel_loop3A_307 = vector.broadcast %mul3A_97 : i32 to vector<16xi32>
            %parallel_loop3A_308 = arith.addi %parallel_loop3A_306, %parallel_loop3A_307 : vector<16xi32>
            %parallel_loop3A_309 = arith.index_cast %parallel_loop3A_303 : i32 to index
            %parallel_loop3A_310 = tpu.vector_load %arg6[%parallel_loop3A_309] {strides = array<i32>} : memref<4096xi32, #tpu.memory_space<vmem>>, vector<16xi32>,
            tpu.vector_store %arg6[%parallel_loop3A_309], %parallel_loop3A_308 {strides = array<i32>} : memref<4096xi32, #tpu.memory_space<vmem>>, vector<16xi32>,
            %parallel_loop3A_311 = arith.constant 3 : i32
            %parallel_loop3A_312 = vector.broadcast %parallel_loop3A_311 : i32 to vector<16xi32>
            %parallel_loop3A_313 = arith.andi %parallel_loop3A_299, %parallel_loop3A_312 : vector<16xi32>
            %parallel_loop3A_314 = arith.constant 2 : i32
            %parallel_loop3A_315 = vector.broadcast %parallel_loop3A_314 : i32 to vector<16xi32>
            %parallel_loop3A_316 = arith.muli %parallel_loop3A_313, %parallel_loop3A_315 : vector<16xi32>
            %parallel_loop3A_317 = arith.index_cast %parallel_loop3A_303 : i32 to index
            %parallel_loop3A_318 = tpu.vector_load %arg8[%parallel_loop3A_317] {strides = array<i32>} : memref<4096xi32, #tpu.memory_space<vmem>>, vector<16xi32>,
            tpu.vector_store %arg8[%parallel_loop3A_317], %parallel_loop3A_316 {strides = array<i32>} : memref<4096xi32, #tpu.memory_space<vmem>>, vector<16xi32>,
            %parallel_loop3A_319 = arith.index_cast %parallel_loop3A_303 : i32 to index
            %parallel_loop3A_320 = tpu.vector_load %arg10[%parallel_loop3A_319] {strides = array<i32>} : memref<4096xf32, #tpu.memory_space<vmem>>, vector<16xf32>,
            tpu.vector_store %arg10[%parallel_loop3A_319], %parallel_loop3A_301 {strides = array<i32>} : memref<4096xf32, #tpu.memory_space<vmem>>, vector<16xf32>,
            %parallel_loop3A_321 = arith.xori %parallel_loop3A_126, %parallel_loop3A_152 : vector<16xi32>
            %parallel_loop3A_322 = arith.xori %parallel_loop3A_321, %parallel_loop3A_158 : vector<16xi32>
            %parallel_loop3A_323 = arith.constant 524287 : i32
            %parallel_loop3A_324 = vector.broadcast %parallel_loop3A_323 : i32 to vector<16xi32>
            %parallel_loop3A_325 = arith.andi %parallel_loop3A_322, %parallel_loop3A_324 : vector<16xi32>
            %parallel_loop3A_326 = tpu.bitcast %parallel_loop3A_325 : vector<16xi32> -> vector<16xi32>
            %parallel_loop3A_327 = arith.mulf %parallel_loop3A_137, %parallel_loop3A_132 : vector<16xf32>
            %parallel_loop3A_328 = arith.mulf %parallel_loop3A_327, %parallel_loop3A_134 : vector<16xf32>
            %parallel_loop3A_329 = arith.constant 3072 : i32
            %parallel_loop3A_330 = arith.addi %parallel_loop3A_329, %parallel_loop3A_110 : i32
            %parallel_loop3A_331 = arith.constant 2 : i32
            %parallel_loop3A_332 = vector.broadcast %parallel_loop3A_331 : i32 to vector<16xi32>
            %parallel_loop3A_333 = arith.shrsi %parallel_loop3A_326, %parallel_loop3A_332 : vector<16xi32>
            %parallel_loop3A_334 = vector.broadcast %mul3A_97 : i32 to vector<16xi32>
            %parallel_loop3A_335 = arith.addi %parallel_loop3A_333, %parallel_loop3A_334 : vector<16xi32>
            %parallel_loop3A_336 = arith.index_cast %parallel_loop3A_330 : i32 to index
            %parallel_loop3A_337 = tpu.vector_load %arg6[%parallel_loop3A_336] {strides = array<i32>} : memref<4096xi32, #tpu.memory_space<vmem>>, vector<16xi32>,
            tpu.vector_store %arg6[%parallel_loop3A_336], %parallel_loop3A_335 {strides = array<i32>} : memref<4096xi32, #tpu.memory_space<vmem>>, vector<16xi32>,
            %parallel_loop3A_338 = arith.constant 3 : i32
            %parallel_loop3A_339 = vector.broadcast %parallel_loop3A_338 : i32 to vector<16xi32>
            %parallel_loop3A_340 = arith.andi %parallel_loop3A_326, %parallel_loop3A_339 : vector<16xi32>
            %parallel_loop3A_341 = arith.constant 2 : i32
            %parallel_loop3A_342 = vector.broadcast %parallel_loop3A_341 : i32 to vector<16xi32>
            %parallel_loop3A_343 = arith.muli %parallel_loop3A_340, %parallel_loop3A_342 : vector<16xi32>
            %parallel_loop3A_344 = arith.index_cast %parallel_loop3A_330 : i32 to index
            %parallel_loop3A_345 = tpu.vector_load %arg8[%parallel_loop3A_344] {strides = array<i32>} : memref<4096xi32, #tpu.memory_space<vmem>>, vector<16xi32>,
            tpu.vector_store %arg8[%parallel_loop3A_344], %parallel_loop3A_343 {strides = array<i32>} : memref<4096xi32, #tpu.memory_space<vmem>>, vector<16xi32>,
            %parallel_loop3A_346 = arith.index_cast %parallel_loop3A_330 : i32 to index
            %parallel_loop3A_347 = tpu.vector_load %arg10[%parallel_loop3A_346] {strides = array<i32>} : memref<4096xf32, #tpu.memory_space<vmem>>, vector<16xf32>,
            tpu.vector_store %arg10[%parallel_loop3A_346], %parallel_loop3A_328 {strides = array<i32>} : memref<4096xf32, #tpu.memory_space<vmem>>, vector<16xf32>,
            %parallel_loop3A_348 = arith.xori %parallel_loop3A_146, %parallel_loop3A_152 : vector<16xi32>
            %parallel_loop3A_349 = arith.xori %parallel_loop3A_348, %parallel_loop3A_158 : vector<16xi32>
            %parallel_loop3A_350 = arith.constant 524287 : i32
            %parallel_loop3A_351 = vector.broadcast %parallel_loop3A_350 : i32 to vector<16xi32>
            %parallel_loop3A_352 = arith.andi %parallel_loop3A_349, %parallel_loop3A_351 : vector<16xi32>
            %parallel_loop3A_353 = tpu.bitcast %parallel_loop3A_352 : vector<16xi32> -> vector<16xi32>
            %parallel_loop3A_354 = arith.mulf %parallel_loop3A_130, %parallel_loop3A_132 : vector<16xf32>
            %parallel_loop3A_355 = arith.mulf %parallel_loop3A_354, %parallel_loop3A_134 : vector<16xf32>
            %parallel_loop3A_356 = arith.constant 3584 : i32
            %parallel_loop3A_357 = arith.addi %parallel_loop3A_356, %parallel_loop3A_110 : i32
            %parallel_loop3A_358 = arith.constant 2 : i32
            %parallel_loop3A_359 = vector.broadcast %parallel_loop3A_358 : i32 to vector<16xi32>
            %parallel_loop3A_360 = arith.shrsi %parallel_loop3A_353, %parallel_loop3A_359 : vector<16xi32>
            %parallel_loop3A_361 = vector.broadcast %mul3A_97 : i32 to vector<16xi32>
            %parallel_loop3A_362 = arith.addi %parallel_loop3A_360, %parallel_loop3A_361 : vector<16xi32>
            %parallel_loop3A_363 = arith.index_cast %parallel_loop3A_357 : i32 to index
            %parallel_loop3A_364 = tpu.vector_load %arg6[%parallel_loop3A_363] {strides = array<i32>} : memref<4096xi32, #tpu.memory_space<vmem>>, vector<16xi32>,
            tpu.vector_store %arg6[%parallel_loop3A_363], %parallel_loop3A_362 {strides = array<i32>} : memref<4096xi32, #tpu.memory_space<vmem>>, vector<16xi32>,
            %parallel_loop3A_365 = arith.constant 3 : i32
            %parallel_loop3A_366 = vector.broadcast %parallel_loop3A_365 : i32 to vector<16xi32>
            %parallel_loop3A_367 = arith.andi %parallel_loop3A_353, %parallel_loop3A_366 : vector<16xi32>
            %parallel_loop3A_368 = arith.constant 2 : i32
            %parallel_loop3A_369 = vector.broadcast %parallel_loop3A_368 : i32 to vector<16xi32>
            %parallel_loop3A_370 = arith.muli %parallel_loop3A_367, %parallel_loop3A_369 : vector<16xi32>
            %parallel_loop3A_371 = arith.index_cast %parallel_loop3A_357 : i32 to index
            %parallel_loop3A_372 = tpu.vector_load %arg8[%parallel_loop3A_371] {strides = array<i32>} : memref<4096xi32, #tpu.memory_space<vmem>>, vector<16xi32>,
            tpu.vector_store %arg8[%parallel_loop3A_371], %parallel_loop3A_370 {strides = array<i32>} : memref<4096xi32, #tpu.memory_space<vmem>>, vector<16xi32>,
            %parallel_loop3A_373 = arith.index_cast %parallel_loop3A_357 : i32 to index
            %parallel_loop3A_374 = tpu.vector_load %arg10[%parallel_loop3A_373] {strides = array<i32>} : memref<4096xf32, #tpu.memory_space<vmem>>, vector<16xf32>,
            tpu.vector_store %arg10[%parallel_loop3A_373], %parallel_loop3A_355 {strides = array<i32>} : memref<4096xf32, #tpu.memory_space<vmem>>, vector<16xf32>,
          } {sc.loop_unroll_factor = 1 : i64, sc.parallel_access}
          %dma_start3A_107 = arith.constant 0 : i32
          %dma_start3A_108 = arith.constant 0 : i32
          %dma_start3A_109 = tpu.memref_slice %arg3[%dma_start3A_107, %dma_start3A_108] : memref<4194304x8xf32, #tpu.memory_space<hbm>> -> memref<4194304x8xf32, #tpu.memory_space<hbm>>
          tpu.enqueue_indirect_dma source(%dma_start3A_109 : memref<4194304x8xf32, #tpu.memory_space<hbm>>) target(%arg12 : memref<4096x8xf32, #tpu.memory_space<vmem>>) offsets(%arg6 : memref<4096xi32, #tpu.memory_space<vmem>>) semaphore(%arg16 : memref<!tpu.dma_semaphore, #tpu.memory_space<semaphore_mem>>)
        } else {
        }
        %add3A_77 = arith.constant 1 : i32
        %add3A_78 = arith.addi %mul3A_44, %add3A_77 : i32
        %mul3A_79 = arith.constant 2 : i32
        %mul3A_80 = arith.muli %add3A_78, %mul3A_79 : i32
        %ge3A_81 = arith.constant 2 : i32
        %ge3A_82 = arith.cmpi sge, %add3A_78, %ge3A_81 : i32
        %convert_element_type3A_83 = arith.extui %ge3A_82 : i1 to i32
        %cond3A_84 = arith.constant 0 : i32
        %cond3A_85 = arith.cmpi ne, %convert_element_type3A_83, %cond3A_84 : i32
        scf.if %cond3A_85 {
          %dma_wait3A_94 = tpu.memref_slice %arg4[%mul3A_80, %add3A_14] : memref<64x262144xf32, #tpu.memory_space<hbm>> -> memref<2x512xf32, #tpu.memory_space<hbm>>
          %dma_wait3A_95 = tpu.memref_slice %arg4[%mul3A_80, %add3A_14] : memref<64x262144xf32, #tpu.memory_space<hbm>> -> memref<2x512xf32, #tpu.memory_space<hbm>>
          tpu.wait_dma2 semaphore(%arg19 : memref<!tpu.dma_semaphore, #tpu.memory_space<semaphore_mem>>) src(%arg15 : memref<2x512xf32, #tpu.memory_space<vmem>>) dst(%dma_wait3A_95 : memref<2x512xf32, #tpu.memory_space<hbm>>)
        } else {
        }
        %dma_wait3A_86 = arith.constant 0 : i32
        %dma_wait3A_87 = arith.constant 0 : i32
        %dma_wait3A_88 = tpu.memref_slice %arg3[%dma_wait3A_86, %dma_wait3A_87] : memref<4194304x8xf32, #tpu.memory_space<hbm>> -> memref<4194304x8xf32, #tpu.memory_space<hbm>>
        tpu.wait_indirect_dma semaphore(%arg17 : memref<!tpu.dma_semaphore, #tpu.memory_space<semaphore_mem>>) src(%dma_wait3A_88 : memref<4194304x8xf32, #tpu.memory_space<hbm>>) dst(%arg13 : memref<4096x8xf32, #tpu.memory_space<vmem>>)
        %parallel_loop3A_89 = arith.constant 0 : i32
        %parallel_loop3A_90 = arith.constant 512 : i32
        %parallel_loop3A_91 = arith.constant 16 : i32
        scf.for %parallel_loop3A_94 = %parallel_loop3A_89 to %parallel_loop3A_90 step %parallel_loop3A_91  : i32 {
          %parallel_loop3A_95 = arith.constant 0.000000e+00 : f32
          %parallel_loop3A_96 = vector.broadcast %parallel_loop3A_95 : f32 to vector<16xf32>
          %parallel_loop3A_97 = arith.constant 0.000000e+00 : f32
          %parallel_loop3A_98 = vector.broadcast %parallel_loop3A_97 : f32 to vector<16xf32>
          %parallel_loop3A_99 = arith.constant 0 : i32
          %parallel_loop3A_100 = arith.addi %parallel_loop3A_99, %parallel_loop3A_94 : i32
          %parallel_loop3A_101 = vector.broadcast %parallel_loop3A_100 : i32 to vector<16xi32>
          %parallel_loop3A_102 = arith.addi %parallel_loop3A_101, %iota3A : vector<16xi32>
          %parallel_loop3A_103 = arith.index_cast %parallel_loop3A_100 : i32 to index
          %parallel_loop3A_104 = tpu.vector_load %arg11[%parallel_loop3A_103] {strides = array<i32>} : memref<4096xf32, #tpu.memory_space<vmem>>, vector<16xf32>,
          %parallel_loop3A_105 = arith.index_cast %parallel_loop3A_100 : i32 to index
          %parallel_loop3A_106 = tpu.vector_load %arg9[%parallel_loop3A_105] {strides = array<i32>} : memref<4096xi32, #tpu.memory_space<vmem>>, vector<16xi32>,
          %parallel_loop3A_107 = tpu.vector_load_idx %arg13[%parallel_loop3A_102, %parallel_loop3A_106] : memref<4096x8xf32, #tpu.memory_space<vmem>>[vector<16xi32>, vector<16xi32>], vector<16xf32>,
          %parallel_loop3A_108 = arith.constant 1 : i32
          %parallel_loop3A_109 = vector.broadcast %parallel_loop3A_108 : i32 to vector<16xi32>
          %parallel_loop3A_110 = arith.addi %parallel_loop3A_106, %parallel_loop3A_109 : vector<16xi32>
          %parallel_loop3A_111 = tpu.vector_load_idx %arg13[%parallel_loop3A_102, %parallel_loop3A_110] : memref<4096x8xf32, #tpu.memory_space<vmem>>[vector<16xi32>, vector<16xi32>], vector<16xf32>,
          %parallel_loop3A_112 = arith.mulf %parallel_loop3A_104, %parallel_loop3A_107 : vector<16xf32>
          %parallel_loop3A_113 = arith.addf %parallel_loop3A_96, %parallel_loop3A_112 : vector<16xf32>
          %parallel_loop3A_114 = arith.mulf %parallel_loop3A_104, %parallel_loop3A_111 : vector<16xf32>
          %parallel_loop3A_115 = arith.addf %parallel_loop3A_98, %parallel_loop3A_114 : vector<16xf32>
          %parallel_loop3A_116 = arith.constant 512 : i32
          %parallel_loop3A_117 = arith.addi %parallel_loop3A_116, %parallel_loop3A_94 : i32
          %parallel_loop3A_118 = vector.broadcast %parallel_loop3A_117 : i32 to vector<16xi32>
          %parallel_loop3A_119 = arith.addi %parallel_loop3A_118, %iota3A : vector<16xi32>
          %parallel_loop3A_120 = arith.index_cast %parallel_loop3A_117 : i32 to index
          %parallel_loop3A_121 = tpu.vector_load %arg11[%parallel_loop3A_120] {strides = array<i32>} : memref<4096xf32, #tpu.memory_space<vmem>>, vector<16xf32>,
          %parallel_loop3A_122 = arith.index_cast %parallel_loop3A_117 : i32 to index
          %parallel_loop3A_123 = tpu.vector_load %arg9[%parallel_loop3A_122] {strides = array<i32>} : memref<4096xi32, #tpu.memory_space<vmem>>, vector<16xi32>,
          %parallel_loop3A_124 = tpu.vector_load_idx %arg13[%parallel_loop3A_119, %parallel_loop3A_123] : memref<4096x8xf32, #tpu.memory_space<vmem>>[vector<16xi32>, vector<16xi32>], vector<16xf32>,
          %parallel_loop3A_125 = arith.constant 1 : i32
          %parallel_loop3A_126 = vector.broadcast %parallel_loop3A_125 : i32 to vector<16xi32>
          %parallel_loop3A_127 = arith.addi %parallel_loop3A_123, %parallel_loop3A_126 : vector<16xi32>
          %parallel_loop3A_128 = tpu.vector_load_idx %arg13[%parallel_loop3A_119, %parallel_loop3A_127] : memref<4096x8xf32, #tpu.memory_space<vmem>>[vector<16xi32>, vector<16xi32>], vector<16xf32>,
          %parallel_loop3A_129 = arith.mulf %parallel_loop3A_121, %parallel_loop3A_124 : vector<16xf32>
          %parallel_loop3A_130 = arith.addf %parallel_loop3A_113, %parallel_loop3A_129 : vector<16xf32>
          %parallel_loop3A_131 = arith.mulf %parallel_loop3A_121, %parallel_loop3A_128 : vector<16xf32>
          %parallel_loop3A_132 = arith.addf %parallel_loop3A_115, %parallel_loop3A_131 : vector<16xf32>
          %parallel_loop3A_133 = arith.constant 1024 : i32
          %parallel_loop3A_134 = arith.addi %parallel_loop3A_133, %parallel_loop3A_94 : i32
          %parallel_loop3A_135 = vector.broadcast %parallel_loop3A_134 : i32 to vector<16xi32>
          %parallel_loop3A_136 = arith.addi %parallel_loop3A_135, %iota3A : vector<16xi32>
          %parallel_loop3A_137 = arith.index_cast %parallel_loop3A_134 : i32 to index
          %parallel_loop3A_138 = tpu.vector_load %arg11[%parallel_loop3A_137] {strides = array<i32>} : memref<4096xf32, #tpu.memory_space<vmem>>, vector<16xf32>,
          %parallel_loop3A_139 = arith.index_cast %parallel_loop3A_134 : i32 to index
          %parallel_loop3A_140 = tpu.vector_load %arg9[%parallel_loop3A_139] {strides = array<i32>} : memref<4096xi32, #tpu.memory_space<vmem>>, vector<16xi32>,
          %parallel_loop3A_141 = tpu.vector_load_idx %arg13[%parallel_loop3A_136, %parallel_loop3A_140] : memref<4096x8xf32, #tpu.memory_space<vmem>>[vector<16xi32>, vector<16xi32>], vector<16xf32>,
          %parallel_loop3A_142 = arith.constant 1 : i32
          %parallel_loop3A_143 = vector.broadcast %parallel_loop3A_142 : i32 to vector<16xi32>
          %parallel_loop3A_144 = arith.addi %parallel_loop3A_140, %parallel_loop3A_143 : vector<16xi32>
          %parallel_loop3A_145 = tpu.vector_load_idx %arg13[%parallel_loop3A_136, %parallel_loop3A_144] : memref<4096x8xf32, #tpu.memory_space<vmem>>[vector<16xi32>, vector<16xi32>], vector<16xf32>,
          %parallel_loop3A_146 = arith.mulf %parallel_loop3A_138, %parallel_loop3A_141 : vector<16xf32>
          %parallel_loop3A_147 = arith.addf %parallel_loop3A_130, %parallel_loop3A_146 : vector<16xf32>
          %parallel_loop3A_148 = arith.mulf %parallel_loop3A_138, %parallel_loop3A_145 : vector<16xf32>
          %parallel_loop3A_149 = arith.addf %parallel_loop3A_132, %parallel_loop3A_148 : vector<16xf32>
          %parallel_loop3A_150 = arith.constant 1536 : i32
          %parallel_loop3A_151 = arith.addi %parallel_loop3A_150, %parallel_loop3A_94 : i32
          %parallel_loop3A_152 = vector.broadcast %parallel_loop3A_151 : i32 to vector<16xi32>
          %parallel_loop3A_153 = arith.addi %parallel_loop3A_152, %iota3A : vector<16xi32>
          %parallel_loop3A_154 = arith.index_cast %parallel_loop3A_151 : i32 to index
          %parallel_loop3A_155 = tpu.vector_load %arg11[%parallel_loop3A_154] {strides = array<i32>} : memref<4096xf32, #tpu.memory_space<vmem>>, vector<16xf32>,
          %parallel_loop3A_156 = arith.index_cast %parallel_loop3A_151 : i32 to index
          %parallel_loop3A_157 = tpu.vector_load %arg9[%parallel_loop3A_156] {strides = array<i32>} : memref<4096xi32, #tpu.memory_space<vmem>>, vector<16xi32>,
          %parallel_loop3A_158 = tpu.vector_load_idx %arg13[%parallel_loop3A_153, %parallel_loop3A_157] : memref<4096x8xf32, #tpu.memory_space<vmem>>[vector<16xi32>, vector<16xi32>], vector<16xf32>,
          %parallel_loop3A_159 = arith.constant 1 : i32
          %parallel_loop3A_160 = vector.broadcast %parallel_loop3A_159 : i32 to vector<16xi32>
          %parallel_loop3A_161 = arith.addi %parallel_loop3A_157, %parallel_loop3A_160 : vector<16xi32>
          %parallel_loop3A_162 = tpu.vector_load_idx %arg13[%parallel_loop3A_153, %parallel_loop3A_161] : memref<4096x8xf32, #tpu.memory_space<vmem>>[vector<16xi32>, vector<16xi32>], vector<16xf32>,
          %parallel_loop3A_163 = arith.mulf %parallel_loop3A_155, %parallel_loop3A_158 : vector<16xf32>
          %parallel_loop3A_164 = arith.addf %parallel_loop3A_147, %parallel_loop3A_163 : vector<16xf32>
          %parallel_loop3A_165 = arith.mulf %parallel_loop3A_155, %parallel_loop3A_162 : vector<16xf32>
          %parallel_loop3A_166 = arith.addf %parallel_loop3A_149, %parallel_loop3A_165 : vector<16xf32>
          %parallel_loop3A_167 = arith.constant 2048 : i32
          %parallel_loop3A_168 = arith.addi %parallel_loop3A_167, %parallel_loop3A_94 : i32
          %parallel_loop3A_169 = vector.broadcast %parallel_loop3A_168 : i32 to vector<16xi32>
          %parallel_loop3A_170 = arith.addi %parallel_loop3A_169, %iota3A : vector<16xi32>
          %parallel_loop3A_171 = arith.index_cast %parallel_loop3A_168 : i32 to index
          %parallel_loop3A_172 = tpu.vector_load %arg11[%parallel_loop3A_171] {strides = array<i32>} : memref<4096xf32, #tpu.memory_space<vmem>>, vector<16xf32>,
          %parallel_loop3A_173 = arith.index_cast %parallel_loop3A_168 : i32 to index
          %parallel_loop3A_174 = tpu.vector_load %arg9[%parallel_loop3A_173] {strides = array<i32>} : memref<4096xi32, #tpu.memory_space<vmem>>, vector<16xi32>,
          %parallel_loop3A_175 = tpu.vector_load_idx %arg13[%parallel_loop3A_170, %parallel_loop3A_174] : memref<4096x8xf32, #tpu.memory_space<vmem>>[vector<16xi32>, vector<16xi32>], vector<16xf32>,
          %parallel_loop3A_176 = arith.constant 1 : i32
          %parallel_loop3A_177 = vector.broadcast %parallel_loop3A_176 : i32 to vector<16xi32>
          %parallel_loop3A_178 = arith.addi %parallel_loop3A_174, %parallel_loop3A_177 : vector<16xi32>
          %parallel_loop3A_179 = tpu.vector_load_idx %arg13[%parallel_loop3A_170, %parallel_loop3A_178] : memref<4096x8xf32, #tpu.memory_space<vmem>>[vector<16xi32>, vector<16xi32>], vector<16xf32>,
          %parallel_loop3A_180 = arith.mulf %parallel_loop3A_172, %parallel_loop3A_175 : vector<16xf32>
          %parallel_loop3A_181 = arith.addf %parallel_loop3A_164, %parallel_loop3A_180 : vector<16xf32>
          %parallel_loop3A_182 = arith.mulf %parallel_loop3A_172, %parallel_loop3A_179 : vector<16xf32>
          %parallel_loop3A_183 = arith.addf %parallel_loop3A_166, %parallel_loop3A_182 : vector<16xf32>
          %parallel_loop3A_184 = arith.constant 2560 : i32
          %parallel_loop3A_185 = arith.addi %parallel_loop3A_184, %parallel_loop3A_94 : i32
          %parallel_loop3A_186 = vector.broadcast %parallel_loop3A_185 : i32 to vector<16xi32>
          %parallel_loop3A_187 = arith.addi %parallel_loop3A_186, %iota3A : vector<16xi32>
          %parallel_loop3A_188 = arith.index_cast %parallel_loop3A_185 : i32 to index
          %parallel_loop3A_189 = tpu.vector_load %arg11[%parallel_loop3A_188] {strides = array<i32>} : memref<4096xf32, #tpu.memory_space<vmem>>, vector<16xf32>,
          %parallel_loop3A_190 = arith.index_cast %parallel_loop3A_185 : i32 to index
          %parallel_loop3A_191 = tpu.vector_load %arg9[%parallel_loop3A_190] {strides = array<i32>} : memref<4096xi32, #tpu.memory_space<vmem>>, vector<16xi32>,
          %parallel_loop3A_192 = tpu.vector_load_idx %arg13[%parallel_loop3A_187, %parallel_loop3A_191] : memref<4096x8xf32, #tpu.memory_space<vmem>>[vector<16xi32>, vector<16xi32>], vector<16xf32>,
          %parallel_loop3A_193 = arith.constant 1 : i32
          %parallel_loop3A_194 = vector.broadcast %parallel_loop3A_193 : i32 to vector<16xi32>
          %parallel_loop3A_195 = arith.addi %parallel_loop3A_191, %parallel_loop3A_194 : vector<16xi32>
          %parallel_loop3A_196 = tpu.vector_load_idx %arg13[%parallel_loop3A_187, %parallel_loop3A_195] : memref<4096x8xf32, #tpu.memory_space<vmem>>[vector<16xi32>, vector<16xi32>], vector<16xf32>,
          %parallel_loop3A_197 = arith.mulf %parallel_loop3A_189, %parallel_loop3A_192 : vector<16xf32>
          %parallel_loop3A_198 = arith.addf %parallel_loop3A_181, %parallel_loop3A_197 : vector<16xf32>
          %parallel_loop3A_199 = arith.mulf %parallel_loop3A_189, %parallel_loop3A_196 : vector<16xf32>
          %parallel_loop3A_200 = arith.addf %parallel_loop3A_183, %parallel_loop3A_199 : vector<16xf32>
          %parallel_loop3A_201 = arith.constant 3072 : i32
          %parallel_loop3A_202 = arith.addi %parallel_loop3A_201, %parallel_loop3A_94 : i32
          %parallel_loop3A_203 = vector.broadcast %parallel_loop3A_202 : i32 to vector<16xi32>
          %parallel_loop3A_204 = arith.addi %parallel_loop3A_203, %iota3A : vector<16xi32>
          %parallel_loop3A_205 = arith.index_cast %parallel_loop3A_202 : i32 to index
          %parallel_loop3A_206 = tpu.vector_load %arg11[%parallel_loop3A_205] {strides = array<i32>} : memref<4096xf32, #tpu.memory_space<vmem>>, vector<16xf32>,
          %parallel_loop3A_207 = arith.index_cast %parallel_loop3A_202 : i32 to index
          %parallel_loop3A_208 = tpu.vector_load %arg9[%parallel_loop3A_207] {strides = array<i32>} : memref<4096xi32, #tpu.memory_space<vmem>>, vector<16xi32>,
          %parallel_loop3A_209 = tpu.vector_load_idx %arg13[%parallel_loop3A_204, %parallel_loop3A_208] : memref<4096x8xf32, #tpu.memory_space<vmem>>[vector<16xi32>, vector<16xi32>], vector<16xf32>,
          %parallel_loop3A_210 = arith.constant 1 : i32
          %parallel_loop3A_211 = vector.broadcast %parallel_loop3A_210 : i32 to vector<16xi32>
          %parallel_loop3A_212 = arith.addi %parallel_loop3A_208, %parallel_loop3A_211 : vector<16xi32>
          %parallel_loop3A_213 = tpu.vector_load_idx %arg13[%parallel_loop3A_204, %parallel_loop3A_212] : memref<4096x8xf32, #tpu.memory_space<vmem>>[vector<16xi32>, vector<16xi32>], vector<16xf32>,
          %parallel_loop3A_214 = arith.mulf %parallel_loop3A_206, %parallel_loop3A_209 : vector<16xf32>
          %parallel_loop3A_215 = arith.addf %parallel_loop3A_198, %parallel_loop3A_214 : vector<16xf32>
          %parallel_loop3A_216 = arith.mulf %parallel_loop3A_206, %parallel_loop3A_213 : vector<16xf32>
          %parallel_loop3A_217 = arith.addf %parallel_loop3A_200, %parallel_loop3A_216 : vector<16xf32>
          %parallel_loop3A_218 = arith.constant 3584 : i32
          %parallel_loop3A_219 = arith.addi %parallel_loop3A_218, %parallel_loop3A_94 : i32
          %parallel_loop3A_220 = vector.broadcast %parallel_loop3A_219 : i32 to vector<16xi32>
          %parallel_loop3A_221 = arith.addi %parallel_loop3A_220, %iota3A : vector<16xi32>
          %parallel_loop3A_222 = arith.index_cast %parallel_loop3A_219 : i32 to index
          %parallel_loop3A_223 = tpu.vector_load %arg11[%parallel_loop3A_222] {strides = array<i32>} : memref<4096xf32, #tpu.memory_space<vmem>>, vector<16xf32>,
          %parallel_loop3A_224 = arith.index_cast %parallel_loop3A_219 : i32 to index
          %parallel_loop3A_225 = tpu.vector_load %arg9[%parallel_loop3A_224] {strides = array<i32>} : memref<4096xi32, #tpu.memory_space<vmem>>, vector<16xi32>,
          %parallel_loop3A_226 = tpu.vector_load_idx %arg13[%parallel_loop3A_221, %parallel_loop3A_225] : memref<4096x8xf32, #tpu.memory_space<vmem>>[vector<16xi32>, vector<16xi32>], vector<16xf32>,
          %parallel_loop3A_227 = arith.constant 1 : i32
          %parallel_loop3A_228 = vector.broadcast %parallel_loop3A_227 : i32 to vector<16xi32>
          %parallel_loop3A_229 = arith.addi %parallel_loop3A_225, %parallel_loop3A_228 : vector<16xi32>
          %parallel_loop3A_230 = tpu.vector_load_idx %arg13[%parallel_loop3A_221, %parallel_loop3A_229] : memref<4096x8xf32, #tpu.memory_space<vmem>>[vector<16xi32>, vector<16xi32>], vector<16xf32>,
          %parallel_loop3A_231 = arith.mulf %parallel_loop3A_223, %parallel_loop3A_226 : vector<16xf32>
          %parallel_loop3A_232 = arith.addf %parallel_loop3A_215, %parallel_loop3A_231 : vector<16xf32>
          %parallel_loop3A_233 = arith.mulf %parallel_loop3A_223, %parallel_loop3A_230 : vector<16xf32>
          %parallel_loop3A_234 = arith.addf %parallel_loop3A_217, %parallel_loop3A_233 : vector<16xf32>
          %parallel_loop3A_235 = arith.constant 0 : i32
          %parallel_loop3A_236 = arith.index_cast %parallel_loop3A_235 : i32 to index
          %parallel_loop3A_237 = arith.index_cast %parallel_loop3A_94 : i32 to index
          %parallel_loop3A_238 = tpu.vector_load %arg15[%parallel_loop3A_236, %parallel_loop3A_237] {strides = array<i32>} : memref<2x512xf32, #tpu.memory_space<vmem>>, vector<16xf32>,
          tpu.vector_store %arg15[%parallel_loop3A_236, %parallel_loop3A_237], %parallel_loop3A_232 {strides = array<i32>} : memref<2x512xf32, #tpu.memory_space<vmem>>, vector<16xf32>,
          %parallel_loop3A_239 = arith.constant 1 : i32
          %parallel_loop3A_240 = arith.index_cast %parallel_loop3A_239 : i32 to index
          %parallel_loop3A_241 = arith.index_cast %parallel_loop3A_94 : i32 to index
          %parallel_loop3A_242 = tpu.vector_load %arg15[%parallel_loop3A_240, %parallel_loop3A_241] {strides = array<i32>} : memref<2x512xf32, #tpu.memory_space<vmem>>, vector<16xf32>,
          tpu.vector_store %arg15[%parallel_loop3A_240, %parallel_loop3A_241], %parallel_loop3A_234 {strides = array<i32>} : memref<2x512xf32, #tpu.memory_space<vmem>>, vector<16xf32>,
        } {sc.loop_unroll_factor = 1 : i64, sc.parallel_access}
        %dma_start3A_92 = tpu.memref_slice %arg4[%mul3A_80, %add3A_14] : memref<64x262144xf32, #tpu.memory_space<hbm>> -> memref<2x512xf32, #tpu.memory_space<hbm>>
        %dma_start3A_93 = tpu.memref_slice %arg4[%mul3A_80, %add3A_14] : memref<64x262144xf32, #tpu.memory_space<hbm>> -> memref<2x512xf32, #tpu.memory_space<hbm>>
        tpu.enqueue_dma source(%arg15 : memref<2x512xf32, #tpu.memory_space<vmem>>) target(%dma_start3A_93 : memref<2x512xf32, #tpu.memory_space<hbm>>) target_semaphore(%arg19 : memref<!tpu.dma_semaphore, #tpu.memory_space<semaphore_mem>>)
      }
      %scan3A_30 = arith.constant 16 : i32
      %dma_wait3A = arith.constant 60 : i32
      %dma_wait3A_31 = tpu.memref_slice %arg4[%dma_wait3A, %add3A_14] : memref<64x262144xf32, #tpu.memory_space<hbm>> -> memref<2x512xf32, #tpu.memory_space<hbm>>
      %dma_wait3A_32 = arith.constant 60 : i32
      %dma_wait3A_33 = tpu.memref_slice %arg4[%dma_wait3A_32, %add3A_14] : memref<64x262144xf32, #tpu.memory_space<hbm>> -> memref<2x512xf32, #tpu.memory_space<hbm>>
      tpu.wait_dma2 semaphore(%arg18 : memref<!tpu.dma_semaphore, #tpu.memory_space<semaphore_mem>>) src(%arg14 : memref<2x512xf32, #tpu.memory_space<vmem>>) dst(%dma_wait3A_33 : memref<2x512xf32, #tpu.memory_space<hbm>>)
      %dma_wait3A_34 = arith.constant 62 : i32
      %dma_wait3A_35 = tpu.memref_slice %arg4[%dma_wait3A_34, %add3A_14] : memref<64x262144xf32, #tpu.memory_space<hbm>> -> memref<2x512xf32, #tpu.memory_space<hbm>>
      %dma_wait3A_36 = arith.constant 62 : i32
      %dma_wait3A_37 = tpu.memref_slice %arg4[%dma_wait3A_36, %add3A_14] : memref<64x262144xf32, #tpu.memory_space<hbm>> -> memref<2x512xf32, #tpu.memory_space<hbm>>
      tpu.wait_dma2 semaphore(%arg19 : memref<!tpu.dma_semaphore, #tpu.memory_space<semaphore_mem>>) src(%arg15 : memref<2x512xf32, #tpu.memory_space<vmem>>) dst(%dma_wait3A_37 : memref<2x512xf32, #tpu.memory_space<hbm>>)
    }
    %scan3A_6 = arith.constant 16 : i32
    return
  }
}

module attributes {stable_mosaic.version = 14 : i64} {
  func.func @_mlp_body(%arg0: i32, %arg1: memref<64x2048xf32, #tpu.memory_space<vmem>>, %arg2: memref<64x128xf32, #tpu.memory_space<vmem>>, %arg3: memref<128x1xf32, #tpu.memory_space<vmem>>, %arg4: memref<128x128xf32, #tpu.memory_space<vmem>>, %arg5: memref<128x1xf32, #tpu.memory_space<vmem>>, %arg6: memref<128x1xf32, #tpu.memory_space<vmem>>, %arg7: memref<1x1xf32, #tpu.memory_space<vmem>>, %arg8: memref<1x2048xf32, #tpu.memory_space<vmem>>) attributes {dimension_semantics = [#tpu.dimension_semantics<arbitrary>], iteration_bounds = array<i64: 128>, scalar_prefetch = 0 : i64, scratch_operands = 0 : i64, tpu.core_type = #tpu.core_type<tc>, window_params = [{transform_indices = @transform_0, window_bounds = array<i64: 64, 2048>}, {pipeline_mode = #tpu.pipeline_mode<synchronous>, transform_indices = @transform_1, window_bounds = array<i64: 64, 128>}, {pipeline_mode = #tpu.pipeline_mode<synchronous>, transform_indices = @transform_2, window_bounds = array<i64: 128, 1>}, {pipeline_mode = #tpu.pipeline_mode<synchronous>, transform_indices = @transform_3, window_bounds = array<i64: 128, 128>}, {pipeline_mode = #tpu.pipeline_mode<synchronous>, transform_indices = @transform_4, window_bounds = array<i64: 128, 1>}, {pipeline_mode = #tpu.pipeline_mode<synchronous>, transform_indices = @transform_5, window_bounds = array<i64: 128, 1>}, {pipeline_mode = #tpu.pipeline_mode<synchronous>, transform_indices = @transform_6, window_bounds = array<i64: 1, 1>}, {transform_indices = @transform_7, window_bounds = array<i64: 1, 2048>}]} {
    %get3A = arith.constant 0 : index
    %get3A_0 = arith.constant 0 : index
    %get3A_1 = vector.load %arg1[%get3A, %get3A_0] : memref<64x2048xf32, #tpu.memory_space<vmem>>, vector<64x2048xf32>
    %get3A_2 = arith.constant 0 : index
    %get3A_3 = arith.constant 0 : index
    %get3A_4 = vector.load %arg2[%get3A_2, %get3A_3] : memref<64x128xf32, #tpu.memory_space<vmem>>, vector<64x128xf32>
    %dot_general3A = arith.constant dense<0.000000e+00> : vector<128x2048xf32>
    %dot_general3A_5 = tpu.matmul %get3A_4, %get3A_1, %dot_general3A {dimension_numbers = #tpu.dot_dimension_numbers<[0], [0], [1], [1], [0, 1, 1, 1], [], []>, transpose_lhs_hint = false} : vector<64x128xf32>, vector<64x2048xf32>, vector<128x2048xf32> -> vector<128x2048xf32>
    %get3A_6 = arith.constant 0 : index
    %get3A_7 = arith.constant 0 : index
    %get3A_8 = vector.load %arg3[%get3A_6, %get3A_7] : memref<128x1xf32, #tpu.memory_space<vmem>>, vector<128x1xf32>
    %add3A = vector.broadcast %get3A_8 : vector<128x1xf32> to vector<128x2048xf32>
    %add3A_9 = arith.addf %dot_general3A_5, %add3A : vector<128x2048xf32>
    %max3A = arith.constant 0.000000e+00 : f32
    %max3A_10 = vector.broadcast %max3A : f32 to vector<128x2048xf32>
    %max3A_11 = arith.maximumf %add3A_9, %max3A_10 : vector<128x2048xf32>
    %get3A_12 = arith.constant 0 : index
    %get3A_13 = arith.constant 0 : index
    %get3A_14 = vector.load %arg4[%get3A_12, %get3A_13] : memref<128x128xf32, #tpu.memory_space<vmem>>, vector<128x128xf32>
    %dot_general3A_15 = arith.constant dense<0.000000e+00> : vector<128x2048xf32>
    %dot_general3A_16 = tpu.matmul %get3A_14, %max3A_11, %dot_general3A_15 {dimension_numbers = #tpu.dot_dimension_numbers<[0], [0], [1], [1], [0, 1, 1, 1], [], []>, transpose_lhs_hint = false} : vector<128x128xf32>, vector<128x2048xf32>, vector<128x2048xf32> -> vector<128x2048xf32>
    %get3A_17 = arith.constant 0 : index
    %get3A_18 = arith.constant 0 : index
    %get3A_19 = vector.load %arg5[%get3A_17, %get3A_18] : memref<128x1xf32, #tpu.memory_space<vmem>>, vector<128x1xf32>
    %add3A_20 = vector.broadcast %get3A_19 : vector<128x1xf32> to vector<128x2048xf32>
    %add3A_21 = arith.addf %dot_general3A_16, %add3A_20 : vector<128x2048xf32>
    %max3A_22 = arith.constant 0.000000e+00 : f32
    %max3A_23 = vector.broadcast %max3A_22 : f32 to vector<128x2048xf32>
    %max3A_24 = arith.maximumf %add3A_21, %max3A_23 : vector<128x2048xf32>
    %get3A_25 = arith.constant 0 : index
    %get3A_26 = arith.constant 0 : index
    %get3A_27 = vector.load %arg6[%get3A_25, %get3A_26] : memref<128x1xf32, #tpu.memory_space<vmem>>, vector<128x1xf32>
    %dot_general3A_28 = arith.constant dense<0.000000e+00> : vector<1x2048xf32>
    %dot_general3A_29 = tpu.matmul %get3A_27, %max3A_24, %dot_general3A_28 {dimension_numbers = #tpu.dot_dimension_numbers<[0], [0], [1], [1], [0, 1, 1, 1], [], []>, transpose_lhs_hint = false} : vector<128x1xf32>, vector<128x2048xf32>, vector<1x2048xf32> -> vector<1x2048xf32>
    %get3A_30 = arith.constant 0 : index
    %get3A_31 = arith.constant 0 : index
    %get3A_32 = vector.load %arg7[%get3A_30, %get3A_31] : memref<1x1xf32, #tpu.memory_space<vmem>>, vector<1x1xf32>
    %add3A_33 = vector.broadcast %get3A_32 : vector<1x1xf32> to vector<1x2048xf32>
    %add3A_34 = arith.addf %dot_general3A_29, %add3A_33 : vector<1x2048xf32>
    %swap3A = arith.constant 0 : index
    %swap3A_35 = arith.constant 0 : index
    %swap3A_36 = vector.load %arg8[%swap3A, %swap3A_35] : memref<1x2048xf32, #tpu.memory_space<vmem>>, vector<1x2048xf32>
    tpu.vector_store %arg8[%swap3A, %swap3A_35], %add3A_34 {strides = array<i32>} : memref<1x2048xf32, #tpu.memory_space<vmem>>, vector<1x2048xf32>,
    return
  }
  func.func @transform_0(%arg0: i32) -> (i32, i32) {
    %c0_i32 = arith.constant 0 : i32
    %c0_i32_0 = arith.constant 0 : i32
    return %c0_i32, %arg0 : i32, i32
  }
  func.func @transform_1(%arg0: i32) -> (i32, i32) {
    %c0_i32 = arith.constant 0 : i32
    %c0_i32_0 = arith.constant 0 : i32
    %c0_i32_1 = arith.constant 0 : i32
    return %c0_i32, %c0_i32_0 : i32, i32
  }
  func.func @transform_2(%arg0: i32) -> (i32, i32) {
    %c0_i32 = arith.constant 0 : i32
    %c0_i32_0 = arith.constant 0 : i32
    %c0_i32_1 = arith.constant 0 : i32
    return %c0_i32, %c0_i32_0 : i32, i32
  }
  func.func @transform_3(%arg0: i32) -> (i32, i32) {
    %c0_i32 = arith.constant 0 : i32
    %c0_i32_0 = arith.constant 0 : i32
    %c0_i32_1 = arith.constant 0 : i32
    return %c0_i32, %c0_i32_0 : i32, i32
  }
  func.func @transform_4(%arg0: i32) -> (i32, i32) {
    %c0_i32 = arith.constant 0 : i32
    %c0_i32_0 = arith.constant 0 : i32
    %c0_i32_1 = arith.constant 0 : i32
    return %c0_i32, %c0_i32_0 : i32, i32
  }
  func.func @transform_5(%arg0: i32) -> (i32, i32) {
    %c0_i32 = arith.constant 0 : i32
    %c0_i32_0 = arith.constant 0 : i32
    %c0_i32_1 = arith.constant 0 : i32
    return %c0_i32, %c0_i32_0 : i32, i32
  }
  func.func @transform_6(%arg0: i32) -> (i32, i32) {
    %c0_i32 = arith.constant 0 : i32
    %c0_i32_0 = arith.constant 0 : i32
    %c0_i32_1 = arith.constant 0 : i32
    return %c0_i32, %c0_i32_0 : i32, i32
  }
  func.func @transform_7(%arg0: i32) -> (i32, i32) {
    %c0_i32 = arith.constant 0 : i32
    %c0_i32_0 = arith.constant 0 : i32
    return %c0_i32, %arg0 : i32, i32
  }
}

</mosaic_0001>

<sc_bundles>
// kernel: kernel.5.cloned.1.call-start
scs
__scs_entry_jumppad:
0x0: {  	(pc) =	sbr.rel $0x88, $3  }
0x1: {  	(tag) =	ssettag $0x0;
	lr =	simm.s32 $0x1  }
0x2: {  	[smem:$0x3F99] =	sst lr;
	_ =	strace $0xD0000000  }
0x3: {  	_ = 	snop  }
0x4: {  	_ = 	snop  }
0x5: {  	_ = 	snop  }
0x6: {  	_ = 	snop  }
0x7: {  	_ = 	snop  }
__scs_overlays_trampoline_lowered:
0x8: {  	[smem:$0x3FA8] =	sst s0  }
0x9: {  	[smem:$0x3FA9] =	sst s1  }
0xa: {  	[smem:$0x3FAA] =	sst s2  }
0xb: {  	[smem:$0x3FAB] =	sst s3  }
0xc: {  	[smem:$0x3FAC] =	sst s4  }
0xd: {  	[smem:$0x3FAD] =	sst s5  }
0xe: {  	[smem:$0x3FAE] =	sst s6  }
0xf: {  	[smem:$0x3FAF] =	sst s7  }
0x10: {  	[smem:$0x3FB0] =	sst s8  }
0x11: {  	[smem:$0x3FB1] =	sst s9;
	s0 =	simm.s32 @!p0 $0x0  }
0x12: {  	s1 =	sld [smem:$0x3F97];
	s0 =	simm.s32 @p0 $0x1  }
0x13: {  	[smem:$0x3FB2] =	sst s0;
	s0 =	simm.s32 @!p1 $0x0  }
0x14: {  	s2 =	sld [smem:$0x3F96];
	s0 =	simm.s32 @p1 $0x1  }
0x15: {  	[smem:$0x3FB3] =	sst s0;
	s0 =	simm.s32 @!p2 $0x0  }
0x16: {  	s3 =	sld [smem:$0x3FDB];
	s0 =	simm.s32 @p2 $0x1  }
0x17: {  	s4 =	simm.s32 $0x1BF5;
	[smem:$0x3FB5] =	sst s0  }
0x18: {  	s0 =	sld [smem:$0x3F98];
	_ =	swait.ge [sflag:s4], $0x0  }
0x19: {  	s7 =	sld [smem:$0x3F99]  }
0x1a: {  	s8 =	sadd.s32 $0xFFFFE003, lr  }
0x1b: {  	s9 =	sadd.s32 $0xFFFFFEF7, lr;
	s5 =	simm.s32 $0xFFFFFFFF;
	p2 =	slt.u32 s8, $0xFFFFF086  }
0x1c: {  	p1 =	slt.u32 s9, $0xF7A;
	s5 =	simm.s32 @!p2 $0x0  }
0x1d: {  	s5 =	simm.s32 @p1 $0x1;
	p0 =	seq.s32 s7, s2  }
0x1e: {  	s7 =	smul.u32 @!p0 $0xF7A, s2;
	p2 =	seq.s32 @!p0 s5, $0x0  }
0x1f: {  	s9 =	smul.u32 $0xF7A, s1;
	s8 =	simm.s32 @!p0 $0x1BF5;
	p2 =	por !p2, p0  }
0x20: {  	[sflag:s8] =	ssyncset.s32 @!p0 $0xFFFFF086;
	s6 =	sadd.s32 @!p0 s3, s7;
	s7 =	simm.s32 @!p0 $0x108  }
0x21: {  	s3 =	sadd.s32 s3, s9;
	s6 =	sadd.s32 @!p0 $0x88, s6;
	s7 =	simm.s32 @p2 $0x1082  }
0x22: {  	[simem:s7], [sflag:s8] =	dma.local @!p0 [hbm:s6], $0xF7A  }
0x23: {  	s9 =	sor.u32 $0xD0000000, s2;
	s6 =	simm.s32 $0x108;
	_ =	swait.ge @!p0 [sflag:s8], $0x0  }
0x24: {  	s3 =	sadd.s32 $0x88, s3;
	s6 =	simm.s32 @!p1 $0x1082;
	[sflag:s4] =	ssyncset.s32 $0xFFFFF086  }
0x25: {  	[simem:s6], [sflag:s4] =	dma.local [hbm:s3], $0xF7A  }
0x26: {  	[smem:$0x3F99] =	sst s1;
	(tag) =	ssettag s2;
	_ =	strace s9  }
0x27: {  	s1 =	sld [smem:$0x3FA9]  }
0x28: {  	s2 =	sld [smem:$0x3FAA]  }
0x29: {  	s4 =	sld [smem:$0x3FAC]  }
0x2a: {  	p0 =	seq.s32 s5, $0x0;
	s5 =	sld [smem:$0x3FAD]  }
0x2b: {  	s6 =	sld [smem:$0x3FAE]  }
0x2c: {  	s7 =	sld [smem:$0x3FAF]  }
0x2d: {  	s3 =	simm.s32 $0x108;
	s8 =	sld [smem:$0x3FB0]  }
0x2e: {  	s3 =	simm.s32 @!p0 $0x1082;
	s9 =	sld [smem:$0x3FB1]  }
0x2f: {  	lr =	sadd.s32 s0, s3;
	s0 =	sld [smem:$0x3FA8]  }
0x30: {  	s3 =	sld [smem:$0x3FAB]  }
0x31: {  	[smem:$0x3FB4] =	sst s10  }
0x32: {  	s10 =	sld [smem:$0x3FB2];
	_ =	sdelay $0x3  }
0x33: {  	p0 =	seq.s32 s10, $0x1;
	s10 =	sld [smem:$0x3FB4];
	_ =	sdelay $0x3  }
0x34: {  	[smem:$0x3FB4] =	sst s10  }
0x35: {  	s10 =	sld [smem:$0x3FB3];
	_ =	sdelay $0x3  }
0x36: {  	p1 =	seq.s32 s10, $0x1;
	s10 =	sld [smem:$0x3FB4];
	_ =	sdelay $0x3  }
0x37: {  	[smem:$0x3FB4] =	sst s10  }
0x38: {  	s10 =	sld [smem:$0x3FB5]  }
0x39: {  	_ = 	snop;
	(pc) =	sbr.ind lr, $3  }
0x3a: {  	_ = 	snop  }
0x3b: {  	_ = 	snop  }
0x3c: {  	p2 =	seq.s32 s10, $0x1;
	s10 =	sld [smem:$0x3FB4]  }
0x3d: {  	_ =	shalt  }
0x3e: {  	_ =	shalt  }
0x3f: {  	_ =	shalt  }
0x40: {  	_ =	shalt  }
0x41: {  	_ =	shalt  }
0x42: {  	_ =	shalt  }
0x43: {  	_ =	shalt  }
0x44: {  	_ =	shalt  }
0x45: {  	_ =	shalt  }
0x46: {  	_ =	shalt  }
0x47: {  	_ =	shalt  }
0x48: {  	_ =	shalt  }
0x49: {  	_ =	shalt  }
0x4a: {  	_ =	shalt  }
0x4b: {  	_ =	shalt  }
0x4c: {  	_ =	shalt  }
0x4d: {  	_ =	shalt  }
0x4e: {  	_ =	shalt  }
0x4f: {  	_ =	shalt  }
0x50: {  	_ =	shalt  }
0x51: {  	_ =	shalt  }
0x52: {  	_ =	shalt  }
0x53: {  	_ =	shalt  }
0x54: {  	_ =	shalt  }
0x55: {  	_ =	shalt  }
0x56: {  	_ =	shalt  }
0x57: {  	_ =	shalt  }
0x58: {  	_ =	shalt  }
0x59: {  	_ =	shalt  }
0x5a: {  	_ =	shalt  }
0x5b: {  	_ =	shalt  }
0x5c: {  	_ =	shalt  }
0x5d: {  	_ =	shalt  }
0x5e: {  	_ =	shalt  }
0x5f: {  	_ =	shalt  }
0x60: {  	_ =	shalt  }
0x61: {  	_ =	shalt  }
0x62: {  	_ =	shalt  }
0x63: {  	_ =	shalt  }
0x64: {  	_ =	shalt  }
0x65: {  	_ =	shalt  }
0x66: {  	_ =	shalt  }
0x67: {  	_ =	shalt  }
0x68: {  	_ =	shalt  }
0x69: {  	_ =	shalt  }
0x6a: {  	_ =	shalt  }
0x6b: {  	_ =	shalt  }
0x6c: {  	_ =	shalt  }
0x6d: {  	_ =	shalt  }
0x6e: {  	_ =	shalt  }
0x6f: {  	_ =	shalt  }
0x70: {  	_ =	shalt  }
0x71: {  	_ =	shalt  }
0x72: {  	_ =	shalt  }
0x73: {  	_ =	shalt  }
0x74: {  	_ =	shalt  }
0x75: {  	_ =	shalt  }
0x76: {  	_ =	shalt  }
0x77: {  	_ =	shalt  }
0x78: {  	_ =	shalt  }
0x79: {  	_ =	shalt  }
0x7a: {  	_ =	shalt  }
0x7b: {  	_ =	shalt  }
0x7c: {  	_ =	shalt  }
0x7d: {  	_ =	shalt  }
0x7e: {  	_ =	shalt  }
0x7f: {  	_ =	shalt  }
0x80: {  	_ =	shalt  }
0x81: {  	_ =	shalt  }
0x82: {  	_ =	shalt  }
0x83: {  	_ =	shalt  }
0x84: {  	_ =	shalt  }
0x85: {  	_ =	shalt  }
0x86: {  	_ =	shalt  }
0x87: {  	_ =	shalt  }
.Lfunc_end0:
.L_simem_size_0:
called_computation_lowered:
.L_overlay_start_0:
0x88: {  	s2 =	sld [smem:$0x3FD9]  }
0x89: {  	s3 =	sld [smem:$0x3FFE];
	_ =	sdelay $0x1  }
0x8a: {  	s1 =	srdreg.scid  }
0x8b: {  	s0 =	sand.u32 $0x1, s1  }
0x8c: {  	s17 =	sshll.u32 s0, $0xA;
	s2 =	sadd.s32 s3, s2  }
0x8d: {  	s2 =	sadd.s32 s2, s17  }
0x8e: {  	[smem:$0x3FC0] =	sst s2  }
0x8f: {  	_ = 	snop  }
0x90: {  	s2 =	sld [smem:$0x3FC8];
	(tm) =	ssettm $0x1  }
0x91: {  	s18 =	sld [smem:$0x3FFB];
	_ =	sdelay $0x3  }
0x92: {  	_ =	strace s18  }
0x93: {  	s3 =	sld [smem:$0x3FFC];
	_ =	sdelay $0x3  }
0x94: {  	_ =	strace s3  }
0x95: {  	s3 =	sld [smem:$0x3FFD];
	_ =	sdelay $0x3  }
0x96: {  	_ =	strace s3  }
0x97: {  	_ =	strace $0x8FFFFFFF  }
0x98: {  	s19 =	sld [smem:$0x3FDB];
	_ =	sdelay $0x1  }
0x99: {  	s4 =	simm.s32 $_scs_section_size  }
0x9a: {  	s5 =	simm.s32 $_size__tile_overlayer_lowered;
	s6 =	simm.s32 $_tile_overlayer_lowered  }
0x9b: {  	s22 =	simm.s32 $0x1BFF;
	s21 =	sshll.u32 s6, $0x1;
	s3 =	sadd.s32 s4, s19  }
0x9c: {  	s7 =	simm.s32 $0x0;
	s20 =	sshll.u32 s5, $0x1;
	s5 =	sadd.s32 s21, s3  }
0x9d: {  	[timem:s7], [sflag:s22] =	dma.local [hbm:s5], s20  }
0x9e: {  	_ =	swait.ge [sflag:s22], s20  }
0x9f: {  	s4 =	ssub.s32 $0x0, s20;
	[sflag:s22] =	ssyncset.done $0x0  }
0xa0: {  	[sflag:s22] =	ssyncadd.s32 s4;
	_ =	sdelay $0x1  }
0xa1: {  	s23 =	simm.s32 $0x1B8B  }
0xa2: {  	_ =	swait.ge [sflag:s23], $0x1  }
0xa3: {  	[sflag:s23] =	ssyncset.done $0x0  }
0xa4: {  	s25 =	simm.s32 $0x1B8E;
	s24 =	sld [smem:$0x3FFE];
	[sflag:s23] =	ssyncadd.s32 $0xFFFFFFFF  }
0xa5: {  	s26 =	simm.s32 $execute0_lowered;
	[smem:$0x3FD2] =	sst s25  }
0xa6: {  	s5 =	sshll.u32 s26, $0x1;
	_ =	strace $0x80000046;
	[dreg:$0x1] =	wrdreg $0xFFFFFFFF  }
0xa7: {  	s28 =	simm.s32 $_size_execute0_lowered;
	s3 =	sadd.s32 s3, s5;
	[dreg:$0x0] =	wrdreg $0x0  }
0xa8: {  	s5 =	sshll.u32 s28, $0x1;
	[dreg:$0x2] =	wrdreg s3  }
0xa9: {  	[dreg:$0x3] =	wrdreg s5  }
0xaa: {  	[dreg:$0x4] =	wrdreg $0xC0  }
0xab: {  	_ =	task [dreg:s7], $0x5FFFF  }
0xac: {  	[dreg:$0x1] =	wrdreg $0xFFFFFFFF  }
0xad: {  	[dreg:$0x0] =	wrdreg $0x60  }
0xae: {  	[dreg:$0x2] =	wrdreg s2  }
0xaf: {  	[dreg:$0x3] =	wrdreg s24  }
0xb0: {  	[dreg:$0x4] =	wrdreg $0x9  }
0xb1: {  	_ =	task.clear_ibuf [dreg:s7], $0x5FFFF;
	_ =	strace $0x90000046  }
0xb2: {  	s29 =	simm.s32 $0x9;
	_ =	strace $0x80000048  }
0xb3: {  	_ =	swait.ge [sflag:s29], $0x1  }
0xb4: {  	[sflag:s29] =	ssyncadd.s32 $0xFFFFFFFF  }
0xb5: {  	_ =	strace $0x90000048  }
0xb6: {  	_ =	sfence  }
0xb7: {  	s30 =	sld [smem:$0x0];
	_ =	sdelay $0x2  }
0xb8: {  	s31 =	sshll.u32 s1, $0xD;
	s1 =	sshrl.u32 s1, $0x2  }
0xb9: {  	s3 =	sand.u32 $0x4000, s31;
	s1 =	sadd.s32 s1, s30  }
0xba: {  	s0 =	sor.u32 s3, s0;
	s1 =	sshll.u32 s1, $0x11  }
0xbb: {  	s0 =	sor.u32 s1, s0  }
0xbc: {  	s0 =	sadd.s32 $0x8F2B, s0  }
0xbd: {  	[sflag:s0] =	ssyncadd.remote.s32 $0x1  }
0xbe: {  	_ =	sfence.sel $0xFFFF  }
0xbf: {  	[dreg:$0x0] =	wrdreg $0xFFFFFFFF;
	(pc) =	sbr.abs _section_cstart, $3  }
0xc0: {  	[dreg:$0x1] =	wrdreg $0xFFFFFFFF  }
0xc1: {  	_ =	task.clear_ibuf [dreg:s7], $0x2FFFF;
	_ =	strace $0x9FFFFFFF  }
0xc2: {  	(tm) =	ssettm $0x7FFFFFFF  }
0xc3: {  	_ =	shalt  }
tec
execute0_lowered:
.L_overlay_start_1:
0x0: {  	(tag) =	ssettag $0x1  }
0x1: {  	s1 =	rddreg [dreg:$0x0]  }
0x2: {  	s4 =	rddreg [dreg:$0x1]  }
0x3: {  	s0 =	rddreg [dreg:$0x2];
	s3 =	simm.s32 $0x0;
	s5 =	srdreg.scid  }
0x4: {  	s2 =	stileid.u32;
	s10 =	simm.s32 $0x4000;
	s11 =	simm.s32 $0x1  }
0x5: {  	s12 =	simm.s32 $0x8000;
	s13 =	simm.s32 $0x2;
	s14 =	simm.s32 $0x4  }
0x6: {  	s15 =	simm.s32 $0xC000;
	s16 =	simm.s32 $0x3;
	s17 =	simm.s32 $0x0  }
0x7: {  	v1 =	vlaneseq.u32;
	[smem:$0x7FF] =	sst s3;
	s5 =	sand.u32 $0x1, s5;
	s7 =	sshll.u32 s2, $0x12  }
0x8: {  	s4 =	sadd.s32 $0x1400, s4;
	v0 =	vand.u32 $0x3, v1;
	s6 =	ssub.s32 $0x2, s5;
	s5 =	sshll.u32 s5, $0x11  }
0x9: {  	_ =	strace $0x80000047;
	v0 =	vmul.u32 $0x2, v0;
	s8 =	sshrl.u32 s6, $0x1;
	s7 =	sor.u32 s5, s7  }
0xa: {  	v1 =	vshrl.u32 v1, $0x2;
	s9 =	ssub.s32 s6, s8;
	s5 =	sadd.s32 s1, s7;
	s6 =	sor.u32 $0x800, s7  }
0xb: {  	v1 =	vmul.u32 $0x8, v1;
	s7 =	sadd.s32 s4, s7;
	v2 =	vor.u32 $0x1, v0;
	s8 =	sadd.s32 $0x1000, s5;
	s9 =	smax.u32 s9, $0x1  }
.LBB2_1:
0xc: {  	[tilespmem:s3], [sflag:$0x1] =	stream.linear.gather [hbm4b:s5+s3], $0x4000, $0x38;
	[tilespmem:$0x10000] =	vst v63  }
0xd: {  	s18 =	simm.s32 $0x0  }
.LBB2_2:
0xe: {  	s20 =	sshll.u32 s18, $0xC  }
0xf: {  	s19 =	sadd.s32 s6, s20  }
0x10: {  	s21 =	sadd.s32 s1, s19  }
0x11: {  	[tilespmem:s10], [sflag:$0x2] =	stream.linear.gather [hbm4b:s21+s3], $0x4000, $0x38;
	[tilespmem:$0x10000] =	vst v63  }
0x12: {  	_ =	swait.ge [sflag:s11], $0x4000  }
0x13: {  	p0 =	seq.s32 s18, $0x0;
	[sflag:s11] =	ssyncset.done $0x0  }
0x14: {  	s22 =	simm.s32 $0x0;
	s21 =	simm.s32 @!p0 $0x3;
	[sflag:s11] =	ssyncadd.s32 $0xFFFFC000  }
0x15: {  	v3 =	vmov s22;
	_ =	swait.ge @!p0 [sflag:s21], $0x4000  }
0x16: {  	v3 =	vshll.u32 v3, $0x3;
	[sflag:s21] =	ssyncset.done @!p0 $0x0  }
0x17: {  	v3 =	vor.u32 v1, v3;
	[sflag:s21] =	ssyncadd.s32 @!p0 $0xFFFFC000;
	s21 =	simm.s32 $0x80  }
0x18: {  	v5 =	vor.u32 v0, v3;
	v4 =	vld [tilespmem:s21+$0xFFFFFF80];
	_ =	sdelay $0x1  }
0x19: {  	s24 =	simm.s32 $0x4  }
0x1a: {  	v6 =	vmov s24  }
0x1b: {  	v6 =	vshll.u32 v6, $0x3  }
0x1c: {  	[tilespmem:v5+s12+$0x0] =	vst.idx.msk $0xffff, v4;
	v4 =	vor.u32 v1, v6  }
0x1d: {  	v5 =	vld [tilespmem:s21+$0xFFFFFF90];
	v6 =	vor.u32 v0, v4;
	_ =	sdelay $0x1  }
0x1e: {  	s25 =	simm.s32 $0x8  }
0x1f: {  	v7 =	vmov s25  }
0x20: {  	v7 =	vshll.u32 v7, $0x3  }
0x21: {  	[tilespmem:v6+s12+$0x0] =	vst.idx.msk $0xffff, v5;
	v5 =	vor.u32 v1, v7  }
0x22: {  	v6 =	vld [tilespmem:s21+$0xFFFFFFA0];
	v7 =	vor.u32 v0, v5;
	_ =	sdelay $0x1  }
0x23: {  	s26 =	simm.s32 $0xC  }
0x24: {  	v8 =	vmov s26  }
0x25: {  	v8 =	vshll.u32 v8, $0x3  }
0x26: {  	[tilespmem:v7+s12+$0x0] =	vst.idx.msk $0xffff, v6;
	v6 =	vor.u32 v1, v8  }
0x27: {  	v7 =	vld [tilespmem:s21+$0xFFFFFFB0];
	v8 =	vor.u32 v0, v6;
	_ =	sdelay $0x1  }
0x28: {  	s28 =	simm.s32 $0x10  }
0x29: {  	v9 =	vmov s28  }
0x2a: {  	v9 =	vshll.u32 v9, $0x3  }
0x2b: {  	[tilespmem:v8+s12+$0x0] =	vst.idx.msk $0xffff, v7;
	v7 =	vor.u32 v1, v9  }
0x2c: {  	v8 =	vld [tilespmem:s21+$0xFFFFFFC0];
	v9 =	vor.u32 v0, v7;
	_ =	sdelay $0x1  }
0x2d: {  	s29 =	simm.s32 $0x14  }
0x2e: {  	v10 =	vmov s29  }
0x2f: {  	v10 =	vshll.u32 v10, $0x3  }
0x30: {  	v61 =	vor.u32 v1, v10;
	[tilespmem:v9+s12+$0x0] =	vst.idx.msk $0xffff, v8  }
0x31: {  	v10 =	vor.u32 v0, v61;
	v9 =	vld [tilespmem:s21+$0xFFFFFFD0];
	_ =	sdelay $0x1  }
0x32: {  	s30 =	simm.s32 $0x18  }
0x33: {  	v11 =	vmov s30  }
0x34: {  	v11 =	vshll.u32 v11, $0x3  }
0x35: {  	v62 =	vor.u32 v1, v11;
	[tilespmem:v10+s12+$0x0] =	vst.idx.msk $0xffff, v9  }
0x36: {  	v11 =	vor.u32 v0, v62;
	v10 =	vld [tilespmem:s21+$0xFFFFFFE0];
	_ =	sdelay $0x1  }
0x37: {  	s31 =	simm.s32 $0x1C  }
0x38: {  	v12 =	vmov s31  }
0x39: {  	v12 =	vshll.u32 v12, $0x3  }
0x3a: {  	v63 =	vor.u32 v1, v12;
	[tilespmem:v11+s12+$0x0] =	vst.idx.msk $0xffff, v10  }
0x3b: {  	v12 =	vor.u32 v0, v63;
	v11 =	vld [tilespmem:s21+$0xFFFFFFF0];
	_ =	sdelay $0x4  }
0x3c: {  	[tilespmem:v12+s12+$0x0] =	vst.idx.msk $0xffff, v11  }
0x3d: {  	v3 =	vor.u32 v2, v3;
	v11 =	vld [tilespmem:s21+$0x0];
	_ =	sdelay $0x4  }
0x3e: {  	[tilespmem:v3+s12+$0x0] =	vst.idx.msk $0xffff, v11  }
0x3f: {  	v4 =	vor.u32 v2, v4;
	v3 =	vld [tilespmem:s21+$0x10];
	_ =	sdelay $0x4  }
0x40: {  	[tilespmem:v4+s12+$0x0] =	vst.idx.msk $0xffff, v3  }
0x41: {  	v4 =	vor.u32 v2, v5;
	v3 =	vld [tilespmem:s21+$0x20];
	_ =	sdelay $0x4  }
0x42: {  	[tilespmem:v4+s12+$0x0] =	vst.idx.msk $0xffff, v3  }
0x43: {  	v4 =	vor.u32 v2, v6;
	v3 =	vld [tilespmem:s21+$0x30];
	_ =	sdelay $0x4  }
0x44: {  	[tilespmem:v4+s12+$0x0] =	vst.idx.msk $0xffff, v3  }
0x45: {  	v4 =	vor.u32 v2, v7;
	v3 =	vld [tilespmem:s21+$0x40];
	_ =	sdelay $0x4  }
0x46: {  	[tilespmem:v4+s12+$0x0] =	vst.idx.msk $0xffff, v3  }
0x47: {  	v4 =	vor.u32 v2, v61;
	v3 =	vld [tilespmem:s21+$0x50];
	_ =	sdelay $0x4  }
0x48: {  	[tilespmem:v4+s12+$0x0] =	vst.idx.msk $0xffff, v3  }
0x49: {  	v4 =	vor.u32 v2, v62;
	v3 =	vld [tilespmem:s21+$0x60];
	_ =	sdelay $0x4  }
0x4a: {  	[tilespmem:v4+s12+$0x0] =	vst.idx.msk $0xffff, v3  }
0x4b: {  	v4 =	vor.u32 v2, v63;
	v3 =	vld [tilespmem:s21+$0x70];
	_ =	sdelay $0x1  }
0x4c: {  	s23 =	simm.s32 $0x5C;
	s22 =	simm.s32 $0x3C;
	s24 =	simm.s32 $0x20  }
.LBB2_3:
0x4d: {  	p1 =	sne.s32 s23, $0x7FC;
	v5 =	vmov s24  }
0x4e: {  	v5 =	vshll.u32 v5, $0x3  }
0x4f: {  	s21 =	sadd.s32 $0x100, s21;
	v5 =	vor.u32 v1, v5;
	[tilespmem:v4+s12+$0x0] =	vst.idx.msk $0xffff, v3  }
0x50: {  	v3 =	vld [tilespmem:s21+$0xFFFFFF80];
	v4 =	vor.u32 v0, v5;
	_ =	sdelay $0x1  }
0x51: {  	s24 =	sadd.s32 $0xFFFFFFE8, s22  }
0x52: {  	v6 =	vmov s24  }
0x53: {  	v6 =	vshll.u32 v6, $0x3  }
0x54: {  	[tilespmem:v4+s12+$0x0] =	vst.idx.msk $0xffff, v3;
	v3 =	vor.u32 v1, v6  }
0x55: {  	v4 =	vld [tilespmem:s21+$0xFFFFFF90];
	v6 =	vor.u32 v0, v3;
	_ =	sdelay $0x1  }
0x56: {  	s24 =	sadd.s32 $0xFFFFFFEC, s22  }
0x57: {  	v7 =	vmov s24  }
0x58: {  	v7 =	vshll.u32 v7, $0x3  }
0x59: {  	[tilespmem:v6+s12+$0x0] =	vst.idx.msk $0xffff, v4;
	v4 =	vor.u32 v1, v7  }
0x5a: {  	v6 =	vld [tilespmem:s21+$0xFFFFFFA0];
	v7 =	vor.u32 v0, v4;
	_ =	sdelay $0x1  }
0x5b: {  	s24 =	sadd.s32 $0xFFFFFFF0, s22  }
0x5c: {  	v8 =	vmov s24  }
0x5d: {  	v8 =	vshll.u32 v8, $0x3  }
0x5e: {  	[tilespmem:v7+s12+$0x0] =	vst.idx.msk $0xffff, v6;
	v6 =	vor.u32 v1, v8  }
0x5f: {  	v7 =	vld [tilespmem:s21+$0xFFFFFFB0];
	v8 =	vor.u32 v0, v6;
	_ =	sdelay $0x1  }
0x60: {  	s24 =	sadd.s32 $0xFFFFFFF4, s22  }
0x61: {  	v9 =	vmov s24  }
0x62: {  	v9 =	vshll.u32 v9, $0x3  }
0x63: {  	[tilespmem:v8+s12+$0x0] =	vst.idx.msk $0xffff, v7;
	v7 =	vor.u32 v1, v9  }
0x64: {  	v8 =	vld [tilespmem:s21+$0xFFFFFFC0];
	v9 =	vor.u32 v0, v7;
	_ =	sdelay $0x1  }
0x65: {  	s24 =	sadd.s32 $0xFFFFFFF8, s22  }
0x66: {  	v10 =	vmov s24  }
0x67: {  	v10 =	vshll.u32 v10, $0x3  }
0x68: {  	[tilespmem:v9+s12+$0x0] =	vst.idx.msk $0xffff, v8;
	v8 =	vor.u32 v1, v10  }
0x69: {  	v9 =	vld [tilespmem:s21+$0xFFFFFFD0];
	v10 =	vor.u32 v0, v8;
	_ =	sdelay $0x1  }
0x6a: {  	s24 =	sadd.s32 $0xFFFFFFFC, s22  }
0x6b: {  	v11 =	vmov s24  }
0x6c: {  	v11 =	vshll.u32 v11, $0x3  }
0x6d: {  	[tilespmem:v10+s12+$0x0] =	vst.idx.msk $0xffff, v9;
	v9 =	vor.u32 v1, v11  }
0x6e: {  	v10 =	vld [tilespmem:s21+$0xFFFFFFE0];
	v11 =	vor.u32 v0, v9;
	_ =	sdelay $0x2  }
0x6f: {  	v12 =	vmov s22;
	s22 =	smov.u32 s23  }
0x70: {  	v12 =	vshll.u32 v12, $0x3  }
0x71: {  	[tilespmem:v11+s12+$0x0] =	vst.idx.msk $0xffff, v10;
	v10 =	vor.u32 v1, v12  }
0x72: {  	v11 =	vld [tilespmem:s21+$0xFFFFFFF0];
	v12 =	vor.u32 v0, v10;
	_ =	sdelay $0x4  }
0x73: {  	[tilespmem:v12+s12+$0x0] =	vst.idx.msk $0xffff, v11  }
0x74: {  	v5 =	vor.u32 v2, v5;
	v11 =	vld [tilespmem:s21+$0x0];
	_ =	sdelay $0x4  }
0x75: {  	[tilespmem:v5+s12+$0x0] =	vst.idx.msk $0xffff, v11  }
0x76: {  	v3 =	vor.u32 v2, v3;
	v5 =	vld [tilespmem:s21+$0x10];
	_ =	sdelay $0x4  }
0x77: {  	[tilespmem:v3+s12+$0x0] =	vst.idx.msk $0xffff, v5  }
0x78: {  	v4 =	vor.u32 v2, v4;
	v3 =	vld [tilespmem:s21+$0x20];
	_ =	sdelay $0x4  }
0x79: {  	[tilespmem:v4+s12+$0x0] =	vst.idx.msk $0xffff, v3  }
0x7a: {  	v4 =	vor.u32 v2, v6;
	v3 =	vld [tilespmem:s21+$0x30];
	_ =	sdelay $0x4  }
0x7b: {  	[tilespmem:v4+s12+$0x0] =	vst.idx.msk $0xffff, v3  }
0x7c: {  	v4 =	vor.u32 v2, v7;
	v3 =	vld [tilespmem:s21+$0x40];
	_ =	sdelay $0x4  }
0x7d: {  	[tilespmem:v4+s12+$0x0] =	vst.idx.msk $0xffff, v3  }
0x7e: {  	v4 =	vor.u32 v2, v8;
	v3 =	vld [tilespmem:s21+$0x50];
	_ =	sdelay $0x4  }
0x7f: {  	[tilespmem:v4+s12+$0x0] =	vst.idx.msk $0xffff, v3  }
0x80: {  	v4 =	vor.u32 v2, v9;
	v3 =	vld [tilespmem:s21+$0x60];
	_ =	sdelay $0x3  }
.Ltmp0:
0x81: {  	(pc) =	sbr.rel @p1 .LBB2_3-.Ltmp0, $3  }
0x82: {  	[tilespmem:v4+s12+$0x0] =	vst.idx.msk $0xffff, v3  }
0x83: {  	v4 =	vor.u32 v2, v10;
	v3 =	vld [tilespmem:s21+$0x70];
	_ =	sdelay $0x1  }
0x84: {  	s23 =	sadd.s32 $0x20, s23;
	s24 =	sadd.s32 $0xFFFFFFE4, s22  }
0x85: {  	_ =	sdelay $0x1  }
0x86: {  	v5 =	vmov s24  }
0x87: {  	v5 =	vshll.u32 v5, $0x3  }
0x88: {  	s21 =	sadd.s32 $0x100, s21;
	v5 =	vor.u32 v1, v5;
	[tilespmem:v4+s12+$0x0] =	vst.idx.msk $0xffff, v3  }
0x89: {  	v3 =	vld [tilespmem:s21+$0xFFFFFF80];
	v52 =	vor.u32 v0, v5;
	_ =	sdelay $0x1  }
0x8a: {  	s23 =	sadd.s32 $0xFFFFFFE8, s22  }
0x8b: {  	v6 =	vmov s23  }
0x8c: {  	v6 =	vshll.u32 v6, $0x3  }
0x8d: {  	[tilespmem:v52+s12+$0x0] =	vst.idx.msk $0xffff, v3;
	v3 =	vor.u32 v1, v6  }
0x8e: {  	v4 =	vld [tilespmem:s21+$0xFFFFFF90];
	v6 =	vor.u32 v0, v3;
	_ =	sdelay $0x1  }
0x8f: {  	s25 =	sadd.s32 $0xFFFFFFEC, s22  }
0x90: {  	v7 =	vmov s25  }
0x91: {  	v7 =	vshll.u32 v7, $0x3  }
0x92: {  	v53 =	vor.u32 v1, v7;
	[tilespmem:v6+s12+$0x0] =	vst.idx.msk $0xffff, v4  }
0x93: {  	v7 =	vor.u32 v0, v53;
	v6 =	vld [tilespmem:s21+$0xFFFFFFA0];
	_ =	sdelay $0x1  }
0x94: {  	s26 =	sadd.s32 $0xFFFFFFF0, s22  }
0x95: {  	v8 =	vmov s26  }
0x96: {  	v8 =	vshll.u32 v8, $0x3  }
0x97: {  	v54 =	vor.u32 v1, v8;
	[tilespmem:v7+s12+$0x0] =	vst.idx.msk $0xffff, v6  }
0x98: {  	v8 =	vor.u32 v0, v54;
	v7 =	vld [tilespmem:s21+$0xFFFFFFB0];
	_ =	sdelay $0x1  }
0x99: {  	s28 =	sadd.s32 $0xFFFFFFF4, s22  }
0x9a: {  	v9 =	vmov s28  }
0x9b: {  	v9 =	vshll.u32 v9, $0x3  }
0x9c: {  	v55 =	vor.u32 v1, v9;
	[tilespmem:v8+s12+$0x0] =	vst.idx.msk $0xffff, v7  }
0x9d: {  	v9 =	vor.u32 v0, v55;
	v8 =	vld [tilespmem:s21+$0xFFFFFFC0];
	_ =	sdelay $0x1  }
0x9e: {  	s29 =	sadd.s32 $0xFFFFFFF8, s22  }
0x9f: {  	v10 =	vmov s29  }
0xa0: {  	v10 =	vshll.u32 v10, $0x3  }
0xa1: {  	v56 =	vor.u32 v1, v10;
	[tilespmem:v9+s12+$0x0] =	vst.idx.msk $0xffff, v8  }
0xa2: {  	v10 =	vor.u32 v0, v56;
	v9 =	vld [tilespmem:s21+$0xFFFFFFD0];
	_ =	sdelay $0x1  }
0xa3: {  	s30 =	sadd.s32 $0xFFFFFFFC, s22  }
0xa4: {  	v11 =	vmov s30  }
0xa5: {  	v11 =	vshll.u32 v11, $0x3  }
0xa6: {  	v57 =	vor.u32 v1, v11;
	[tilespmem:v10+s12+$0x0] =	vst.idx.msk $0xffff, v9  }
0xa7: {  	v11 =	vor.u32 v0, v57;
	v10 =	vld [tilespmem:s21+$0xFFFFFFE0];
	_ =	sdelay $0x2  }
0xa8: {  	v12 =	vmov s22  }
0xa9: {  	v12 =	vshll.u32 v12, $0x3  }
0xaa: {  	v58 =	vor.u32 v1, v12;
	[tilespmem:v11+s12+$0x0] =	vst.idx.msk $0xffff, v10  }
0xab: {  	v12 =	vor.u32 v0, v58;
	v11 =	vld [tilespmem:s21+$0xFFFFFFF0];
	_ =	sdelay $0x4  }
0xac: {  	[tilespmem:v12+s12+$0x0] =	vst.idx.msk $0xffff, v11  }
0xad: {  	v5 =	vor.u32 v2, v5;
	v11 =	vld [tilespmem:s21+$0x0];
	_ =	sdelay $0x4  }
0xae: {  	[tilespmem:v5+s12+$0x0] =	vst.idx.msk $0xffff, v11  }
0xaf: {  	v3 =	vor.u32 v2, v3;
	v5 =	vld [tilespmem:s21+$0x10];
	_ =	sdelay $0x4  }
0xb0: {  	[tilespmem:v3+s12+$0x0] =	vst.idx.msk $0xffff, v5  }
0xb1: {  	v4 =	vor.u32 v2, v53;
	v3 =	vld [tilespmem:s21+$0x20];
	_ =	sdelay $0x4  }
0xb2: {  	[tilespmem:v4+s12+$0x0] =	vst.idx.msk $0xffff, v3  }
0xb3: {  	v59 =	vor.u32 v2, v54;
	v3 =	vld [tilespmem:s21+$0x30];
	_ =	sdelay $0x4  }
0xb4: {  	[tilespmem:v59+s12+$0x0] =	vst.idx.msk $0xffff, v3  }
0xb5: {  	v60 =	vor.u32 v2, v55;
	v3 =	vld [tilespmem:s21+$0x40];
	_ =	sdelay $0x4  }
0xb6: {  	[tilespmem:v60+s12+$0x0] =	vst.idx.msk $0xffff, v3  }
0xb7: {  	v61 =	vor.u32 v2, v56;
	v3 =	vld [tilespmem:s21+$0x50];
	_ =	sdelay $0x4  }
0xb8: {  	[tilespmem:v61+s12+$0x0] =	vst.idx.msk $0xffff, v3  }
0xb9: {  	v62 =	vor.u32 v2, v57;
	v3 =	vld [tilespmem:s21+$0x60];
	_ =	sdelay $0x4  }
0xba: {  	[tilespmem:v62+s12+$0x0] =	vst.idx.msk $0xffff, v3  }
0xbb: {  	v63 =	vor.u32 v2, v58;
	v3 =	vld [tilespmem:s21+$0x70]  }
0xbc: {  	p1 =	sne.s32 s18, $0x1F  }
.Ltmp1:
0xbd: {  	_ = 	snop;
	(pc) =	sbr.rel @p1 .LBB2_6-.Ltmp1, $3  }
0xbe: {  	_ =	sdelay $0x1  }
0xbf: {  	s31 =	sadd.s32 s20, s7;
	[tilespmem:v63+s12+$0x0] =	vst.idx.msk $0xffff, v3  }
0xc0: {  	[hbm4b:s31+s3] =	stream.linear.scatter [tilespmem:s12], [sflag:$0x3], $0x4000, $0x38;
	[tilespmem:$0x10000] =	vst v63  }
.Ltmp2:
0xc1: {  	(pc) =	sbr.rel .LBB2_7-.Ltmp2, $4  }
0xc2: {  	_ = 	snop  }
0xc3: {  	_ =	swait.ge [sflag:s13], $0x4000  }
0xc4: {  	[sflag:s13] =	ssyncset.done $0x0  }
0xc5: {  	[sflag:s13] =	ssyncadd.s32 $0xFFFFC000  }
.LBB2_6:
.Ltmp3:
0xc6: {  	s20 =	sadd.s32 s20, s8;
	(pc) =	sbr.rel @p0 .LBB2_8-.Ltmp3, $4  }
0xc7: {  	[tilespmem:s3], [sflag:$0x1] =	stream.linear.gather [hbm4b:s20+s3], $0x4000, $0x38;
	[tilespmem:$0x10000] =	vst v63  }
0xc8: {  	_ =	swait.ge [sflag:s13], $0x4000  }
0xc9: {  	[sflag:s13] =	ssyncset.done $0x0  }
0xca: {  	[sflag:s13] =	ssyncadd.s32 $0xFFFFC000  }
.LBB2_7:
0xcb: {  	_ =	swait.ge [sflag:s14], $0x4000  }
0xcc: {  	[sflag:s14] =	ssyncset.done $0x0  }
0xcd: {  	[sflag:s14] =	ssyncadd.s32 $0xFFFFC000  }
.LBB2_8:
0xce: {  	s20 =	simm.s32 $0x0  }
0xcf: {  	v3 =	vmov s20  }
0xd0: {  	v3 =	vshll.u32 v3, $0x3  }
0xd1: {  	s20 =	simm.s32 $0x4080;
	v3 =	vor.u32 v1, v3  }
0xd2: {  	v4 =	vld [tilespmem:s20+$0xFFFFFF80];
	v5 =	vor.u32 v0, v3;
	_ =	sdelay $0x1  }
0xd3: {  	s21 =	simm.s32 $0x4  }
0xd4: {  	v6 =	vmov s21  }
0xd5: {  	v6 =	vshll.u32 v6, $0x3  }
0xd6: {  	[tilespmem:v5+s15+$0x0] =	vst.idx.msk $0xffff, v4;
	v4 =	vor.u32 v1, v6  }
0xd7: {  	v5 =	vld [tilespmem:s20+$0xFFFFFF90];
	v6 =	vor.u32 v0, v4;
	_ =	sdelay $0x1  }
0xd8: {  	s25 =	simm.s32 $0x8  }
0xd9: {  	v7 =	vmov s25  }
0xda: {  	v7 =	vshll.u32 v7, $0x3  }
0xdb: {  	[tilespmem:v6+s15+$0x0] =	vst.idx.msk $0xffff, v5;
	v5 =	vor.u32 v1, v7  }
0xdc: {  	v6 =	vld [tilespmem:s20+$0xFFFFFFA0];
	v7 =	vor.u32 v0, v5;
	_ =	sdelay $0x1  }
0xdd: {  	s26 =	simm.s32 $0xC  }
0xde: {  	v8 =	vmov s26  }
0xdf: {  	v8 =	vshll.u32 v8, $0x3  }
0xe0: {  	[tilespmem:v7+s15+$0x0] =	vst.idx.msk $0xffff, v6;
	v6 =	vor.u32 v1, v8  }
0xe1: {  	v7 =	vld [tilespmem:s20+$0xFFFFFFB0];
	v8 =	vor.u32 v0, v6;
	_ =	sdelay $0x1  }
0xe2: {  	s28 =	simm.s32 $0x10  }
0xe3: {  	v9 =	vmov s28  }
0xe4: {  	v9 =	vshll.u32 v9, $0x3  }
0xe5: {  	[tilespmem:v8+s15+$0x0] =	vst.idx.msk $0xffff, v7;
	v7 =	vor.u32 v1, v9  }
0xe6: {  	v8 =	vld [tilespmem:s20+$0xFFFFFFC0];
	v9 =	vor.u32 v0, v7;
	_ =	sdelay $0x1  }
0xe7: {  	s29 =	simm.s32 $0x14  }
0xe8: {  	v10 =	vmov s29  }
0xe9: {  	v10 =	vshll.u32 v10, $0x3  }
0xea: {  	v61 =	vor.u32 v1, v10;
	[tilespmem:v9+s15+$0x0] =	vst.idx.msk $0xffff, v8  }
0xeb: {  	v10 =	vor.u32 v0, v61;
	v9 =	vld [tilespmem:s20+$0xFFFFFFD0];
	_ =	sdelay $0x1  }
0xec: {  	s30 =	simm.s32 $0x18  }
0xed: {  	v11 =	vmov s30  }
0xee: {  	v11 =	vshll.u32 v11, $0x3  }
0xef: {  	v62 =	vor.u32 v1, v11;
	[tilespmem:v10+s15+$0x0] =	vst.idx.msk $0xffff, v9  }
0xf0: {  	v11 =	vor.u32 v0, v62;
	v10 =	vld [tilespmem:s20+$0xFFFFFFE0];
	_ =	sdelay $0x1  }
0xf1: {  	s31 =	simm.s32 $0x1C  }
0xf2: {  	v12 =	vmov s31  }
0xf3: {  	v12 =	vshll.u32 v12, $0x3  }
0xf4: {  	v63 =	vor.u32 v1, v12;
	[tilespmem:v11+s15+$0x0] =	vst.idx.msk $0xffff, v10  }
0xf5: {  	v12 =	vor.u32 v0, v63;
	v11 =	vld [tilespmem:s20+$0xFFFFFFF0];
	_ =	sdelay $0x4  }
0xf6: {  	[tilespmem:v12+s15+$0x0] =	vst.idx.msk $0xffff, v11  }
0xf7: {  	v3 =	vor.u32 v2, v3;
	v11 =	vld [tilespmem:s20+$0x0];
	_ =	sdelay $0x4  }
0xf8: {  	[tilespmem:v3+s15+$0x0] =	vst.idx.msk $0xffff, v11  }
0xf9: {  	v4 =	vor.u32 v2, v4;
	v3 =	vld [tilespmem:s20+$0x10];
	_ =	sdelay $0x4  }
0xfa: {  	[tilespmem:v4+s15+$0x0] =	vst.idx.msk $0xffff, v3  }
0xfb: {  	v4 =	vor.u32 v2, v5;
	v3 =	vld [tilespmem:s20+$0x20];
	_ =	sdelay $0x4  }
0xfc: {  	[tilespmem:v4+s15+$0x0] =	vst.idx.msk $0xffff, v3  }
0xfd: {  	v4 =	vor.u32 v2, v6;
	v3 =	vld [tilespmem:s20+$0x30];
	_ =	sdelay $0x4  }
0xfe: {  	[tilespmem:v4+s15+$0x0] =	vst.idx.msk $0xffff, v3  }
0xff: {  	v4 =	vor.u32 v2, v7;
	v3 =	vld [tilespmem:s20+$0x40];
	_ =	sdelay $0x4  }
0x100: {  	[tilespmem:v4+s15+$0x0] =	vst.idx.msk $0xffff, v3  }
0x101: {  	v4 =	vor.u32 v2, v61;
	v3 =	vld [tilespmem:s20+$0x50];
	_ =	sdelay $0x4  }
0x102: {  	[tilespmem:v4+s15+$0x0] =	vst.idx.msk $0xffff, v3  }
0x103: {  	v4 =	vor.u32 v2, v62;
	v3 =	vld [tilespmem:s20+$0x60];
	_ =	sdelay $0x4  }
0x104: {  	[tilespmem:v4+s15+$0x0] =	vst.idx.msk $0xffff, v3  }
0x105: {  	v4 =	vor.u32 v2, v63;
	v3 =	vld [tilespmem:s20+$0x70];
	_ =	sdelay $0x1  }
0x106: {  	s23 =	simm.s32 $0x20;
	s22 =	simm.s32 $0x5C;
	s21 =	simm.s32 $0x3C  }
.LBB2_9:
0x107: {  	p0 =	sne.s32 s22, $0x7FC;
	v5 =	vmov s23  }
0x108: {  	v5 =	vshll.u32 v5, $0x3  }
0x109: {  	s20 =	sadd.s32 $0x100, s20;
	v5 =	vor.u32 v1, v5;
	[tilespmem:v4+s15+$0x0] =	vst.idx.msk $0xffff, v3  }
0x10a: {  	v3 =	vld [tilespmem:s20+$0xFFFFFF80];
	v4 =	vor.u32 v0, v5;
	_ =	sdelay $0x1  }
0x10b: {  	s23 =	sadd.s32 $0xFFFFFFE8, s21  }
0x10c: {  	v6 =	vmov s23  }
0x10d: {  	v6 =	vshll.u32 v6, $0x3  }
0x10e: {  	[tilespmem:v4+s15+$0x0] =	vst.idx.msk $0xffff, v3;
	v3 =	vor.u32 v1, v6  }
0x10f: {  	v4 =	vld [tilespmem:s20+$0xFFFFFF90];
	v6 =	vor.u32 v0, v3;
	_ =	sdelay $0x1  }
0x110: {  	s23 =	sadd.s32 $0xFFFFFFEC, s21  }
0x111: {  	v7 =	vmov s23  }
0x112: {  	v7 =	vshll.u32 v7, $0x3  }
0x113: {  	[tilespmem:v6+s15+$0x0] =	vst.idx.msk $0xffff, v4;
	v4 =	vor.u32 v1, v7  }
0x114: {  	v6 =	vld [tilespmem:s20+$0xFFFFFFA0];
	v7 =	vor.u32 v0, v4;
	_ =	sdelay $0x1  }
0x115: {  	s23 =	sadd.s32 $0xFFFFFFF0, s21  }
0x116: {  	v8 =	vmov s23  }
0x117: {  	v8 =	vshll.u32 v8, $0x3  }
0x118: {  	[tilespmem:v7+s15+$0x0] =	vst.idx.msk $0xffff, v6;
	v6 =	vor.u32 v1, v8  }
0x119: {  	v7 =	vld [tilespmem:s20+$0xFFFFFFB0];
	v8 =	vor.u32 v0, v6;
	_ =	sdelay $0x1  }
0x11a: {  	s23 =	sadd.s32 $0xFFFFFFF4, s21  }
0x11b: {  	v9 =	vmov s23  }
0x11c: {  	v9 =	vshll.u32 v9, $0x3  }
0x11d: {  	[tilespmem:v8+s15+$0x0] =	vst.idx.msk $0xffff, v7;
	v7 =	vor.u32 v1, v9  }
0x11e: {  	v8 =	vld [tilespmem:s20+$0xFFFFFFC0];
	v9 =	vor.u32 v0, v7;
	_ =	sdelay $0x1  }
0x11f: {  	s23 =	sadd.s32 $0xFFFFFFF8, s21  }
0x120: {  	v10 =	vmov s23  }
0x121: {  	v10 =	vshll.u32 v10, $0x3  }
0x122: {  	[tilespmem:v9+s15+$0x0] =	vst.idx.msk $0xffff, v8;
	v8 =	vor.u32 v1, v10  }
0x123: {  	v9 =	vld [tilespmem:s20+$0xFFFFFFD0];
	v10 =	vor.u32 v0, v8;
	_ =	sdelay $0x1  }
0x124: {  	s23 =	sadd.s32 $0xFFFFFFFC, s21  }
0x125: {  	v11 =	vmov s23  }
0x126: {  	v11 =	vshll.u32 v11, $0x3  }
0x127: {  	[tilespmem:v10+s15+$0x0] =	vst.idx.msk $0xffff, v9;
	v9 =	vor.u32 v1, v11  }
0x128: {  	v10 =	vld [tilespmem:s20+$0xFFFFFFE0];
	v11 =	vor.u32 v0, v9;
	_ =	sdelay $0x2  }
0x129: {  	v12 =	vmov s21;
	s21 =	smov.u32 s22  }
0x12a: {  	v12 =	vshll.u32 v12, $0x3  }
0x12b: {  	[tilespmem:v11+s15+$0x0] =	vst.idx.msk $0xffff, v10;
	v10 =	vor.u32 v1, v12  }
0x12c: {  	v11 =	vld [tilespmem:s20+$0xFFFFFFF0];
	v12 =	vor.u32 v0, v10;
	_ =	sdelay $0x4  }
0x12d: {  	[tilespmem:v12+s15+$0x0] =	vst.idx.msk $0xffff, v11  }
0x12e: {  	v5 =	vor.u32 v2, v5;
	v11 =	vld [tilespmem:s20+$0x0];
	_ =	sdelay $0x4  }
0x12f: {  	[tilespmem:v5+s15+$0x0] =	vst.idx.msk $0xffff, v11  }
0x130: {  	v3 =	vor.u32 v2, v3;
	v5 =	vld [tilespmem:s20+$0x10];
	_ =	sdelay $0x4  }
0x131: {  	[tilespmem:v3+s15+$0x0] =	vst.idx.msk $0xffff, v5  }
0x132: {  	v4 =	vor.u32 v2, v4;
	v3 =	vld [tilespmem:s20+$0x20];
	_ =	sdelay $0x4  }
0x133: {  	[tilespmem:v4+s15+$0x0] =	vst.idx.msk $0xffff, v3  }
0x134: {  	v4 =	vor.u32 v2, v6;
	v3 =	vld [tilespmem:s20+$0x30];
	_ =	sdelay $0x4  }
0x135: {  	[tilespmem:v4+s15+$0x0] =	vst.idx.msk $0xffff, v3  }
0x136: {  	v4 =	vor.u32 v2, v7;
	v3 =	vld [tilespmem:s20+$0x40];
	_ =	sdelay $0x4  }
0x137: {  	[tilespmem:v4+s15+$0x0] =	vst.idx.msk $0xffff, v3  }
0x138: {  	v4 =	vor.u32 v2, v8;
	v3 =	vld [tilespmem:s20+$0x50];
	_ =	sdelay $0x4  }
0x139: {  	[tilespmem:v4+s15+$0x0] =	vst.idx.msk $0xffff, v3  }
0x13a: {  	v4 =	vor.u32 v2, v9;
	v3 =	vld [tilespmem:s20+$0x60];
	_ =	sdelay $0x3  }
.Ltmp4:
0x13b: {  	(pc) =	sbr.rel @p0 .LBB2_9-.Ltmp4, $3  }
0x13c: {  	[tilespmem:v4+s15+$0x0] =	vst.idx.msk $0xffff, v3  }
0x13d: {  	v4 =	vor.u32 v2, v10;
	v3 =	vld [tilespmem:s20+$0x70];
	_ =	sdelay $0x1  }
0x13e: {  	s22 =	sadd.s32 $0x20, s22;
	s23 =	sadd.s32 $0xFFFFFFE4, s21  }
0x13f: {  	_ =	sdelay $0x1  }
0x140: {  	v5 =	vmov s23  }
0x141: {  	v5 =	vshll.u32 v5, $0x3  }
0x142: {  	s20 =	sadd.s32 $0x100, s20;
	v5 =	vor.u32 v1, v5;
	[tilespmem:v4+s15+$0x0] =	vst.idx.msk $0xffff, v3  }
0x143: {  	v3 =	vld [tilespmem:s20+$0xFFFFFF80];
	v52 =	vor.u32 v0, v5;
	_ =	sdelay $0x1  }
0x144: {  	s22 =	sadd.s32 $0xFFFFFFE8, s21  }
0x145: {  	v6 =	vmov s22  }
0x146: {  	v6 =	vshll.u32 v6, $0x3  }
0x147: {  	[tilespmem:v52+s15+$0x0] =	vst.idx.msk $0xffff, v3;
	v3 =	vor.u32 v1, v6  }
0x148: {  	v4 =	vld [tilespmem:s20+$0xFFFFFF90];
	v6 =	vor.u32 v0, v3;
	_ =	sdelay $0x1  }
0x149: {  	s26 =	sadd.s32 $0xFFFFFFEC, s21  }
0x14a: {  	v7 =	vmov s26  }
0x14b: {  	v7 =	vshll.u32 v7, $0x3  }
0x14c: {  	v53 =	vor.u32 v1, v7;
	[tilespmem:v6+s15+$0x0] =	vst.idx.msk $0xffff, v4  }
0x14d: {  	v7 =	vor.u32 v0, v53;
	v6 =	vld [tilespmem:s20+$0xFFFFFFA0];
	_ =	sdelay $0x1  }
0x14e: {  	s28 =	sadd.s32 $0xFFFFFFF0, s21  }
0x14f: {  	v8 =	vmov s28  }
0x150: {  	v8 =	vshll.u32 v8, $0x3  }
0x151: {  	v54 =	vor.u32 v1, v8;
	[tilespmem:v7+s15+$0x0] =	vst.idx.msk $0xffff, v6  }
0x152: {  	v8 =	vor.u32 v0, v54;
	v7 =	vld [tilespmem:s20+$0xFFFFFFB0];
	_ =	sdelay $0x1  }
0x153: {  	s29 =	sadd.s32 $0xFFFFFFF4, s21  }
0x154: {  	v9 =	vmov s29  }
0x155: {  	v9 =	vshll.u32 v9, $0x3  }
0x156: {  	v55 =	vor.u32 v1, v9;
	[tilespmem:v8+s15+$0x0] =	vst.idx.msk $0xffff, v7  }
0x157: {  	v9 =	vor.u32 v0, v55;
	v8 =	vld [tilespmem:s20+$0xFFFFFFC0];
	_ =	sdelay $0x1  }
0x158: {  	s30 =	sadd.s32 $0xFFFFFFF8, s21  }
0x159: {  	v10 =	vmov s30  }
0x15a: {  	v10 =	vshll.u32 v10, $0x3  }
0x15b: {  	v56 =	vor.u32 v1, v10;
	[tilespmem:v9+s15+$0x0] =	vst.idx.msk $0xffff, v8  }
0x15c: {  	v10 =	vor.u32 v0, v56;
	v9 =	vld [tilespmem:s20+$0xFFFFFFD0];
	_ =	sdelay $0x1  }
0x15d: {  	s31 =	sadd.s32 $0xFFFFFFFC, s21  }
0x15e: {  	v11 =	vmov s31  }
0x15f: {  	v11 =	vshll.u32 v11, $0x3  }
0x160: {  	v57 =	vor.u32 v1, v11;
	[tilespmem:v10+s15+$0x0] =	vst.idx.msk $0xffff, v9  }
0x161: {  	v11 =	vor.u32 v0, v57;
	v10 =	vld [tilespmem:s20+$0xFFFFFFE0];
	_ =	sdelay $0x2  }
0x162: {  	v12 =	vmov s21  }
0x163: {  	v12 =	vshll.u32 v12, $0x3  }
0x164: {  	v58 =	vor.u32 v1, v12;
	[tilespmem:v11+s15+$0x0] =	vst.idx.msk $0xffff, v10  }
0x165: {  	v12 =	vor.u32 v0, v58;
	v11 =	vld [tilespmem:s20+$0xFFFFFFF0];
	_ =	sdelay $0x4  }
0x166: {  	[tilespmem:v12+s15+$0x0] =	vst.idx.msk $0xffff, v11  }
0x167: {  	v5 =	vor.u32 v2, v5;
	v11 =	vld [tilespmem:s20+$0x0];
	_ =	sdelay $0x4  }
0x168: {  	[tilespmem:v5+s15+$0x0] =	vst.idx.msk $0xffff, v11  }
0x169: {  	v3 =	vor.u32 v2, v3;
	v5 =	vld [tilespmem:s20+$0x10];
	_ =	sdelay $0x4  }
0x16a: {  	[tilespmem:v3+s15+$0x0] =	vst.idx.msk $0xffff, v5  }
0x16b: {  	v4 =	vor.u32 v2, v53;
	v3 =	vld [tilespmem:s20+$0x20];
	_ =	sdelay $0x4  }
0x16c: {  	[tilespmem:v4+s15+$0x0] =	vst.idx.msk $0xffff, v3  }
0x16d: {  	v59 =	vor.u32 v2, v54;
	v3 =	vld [tilespmem:s20+$0x30];
	_ =	sdelay $0x4  }
0x16e: {  	[tilespmem:v59+s15+$0x0] =	vst.idx.msk $0xffff, v3  }
0x16f: {  	v60 =	vor.u32 v2, v55;
	v3 =	vld [tilespmem:s20+$0x40];
	_ =	sdelay $0x4  }
0x170: {  	[tilespmem:v60+s15+$0x0] =	vst.idx.msk $0xffff, v3  }
0x171: {  	v61 =	vor.u32 v2, v56;
	v3 =	vld [tilespmem:s20+$0x50];
	_ =	sdelay $0x4  }
0x172: {  	[tilespmem:v61+s15+$0x0] =	vst.idx.msk $0xffff, v3  }
0x173: {  	v62 =	vor.u32 v2, v57;
	v3 =	vld [tilespmem:s20+$0x60];
	_ =	sdelay $0x4  }
0x174: {  	[tilespmem:v62+s15+$0x0] =	vst.idx.msk $0xffff, v3  }
0x175: {  	s18 =	sadd.s32 $0x1, s18;
	v63 =	vor.u32 v2, v58;
	v3 =	vld [tilespmem:s20+$0x70]  }
0x176: {  	p0 =	sne.s32 s18, $0x20  }
.Ltmp5:
0x177: {  	_ = 	snop;
	(pc) =	sbr.rel @p0 .LBB2_2-.Ltmp5, $3  }
0x178: {  	_ =	sdelay $0x1  }
0x179: {  	s19 =	sadd.s32 s4, s19;
	[tilespmem:v63+s15+$0x0] =	vst.idx.msk $0xffff, v3  }
0x17a: {  	[hbm4b:s19+s3] =	stream.linear.scatter [tilespmem:s15], [sflag:$0x4], $0x4000, $0x38;
	[tilespmem:$0x10000] =	vst v63  }
0x17b: {  	s17 =	sadd.s32 $0x1, s17  }
0x17c: {  	_ =	swait.ge [sflag:s16], $0x4000;
	p0 =	sne.s32 s17, s9  }
.Ltmp6:
0x17d: {  	[sflag:s16] =	ssyncset.done $0x0;
	(pc) =	sbr.rel @p0 .LBB2_1-.Ltmp6, $4  }
0x17e: {  	[sflag:s16] =	ssyncadd.s32 $0xFFFFC000  }
0x17f: {  	_ =	swait.ge [sflag:s14], $0x4000  }
0x180: {  	[sflag:s14] =	ssyncset.done $0x0  }
0x181: {  	[sflag:s14] =	ssyncadd.s32 $0xFFFFC000  }
0x182: {  	_ =	sfence.sel $0x180000  }
0x183: {  	[bflag:$0x0] =	sbarrier.arrive $0xFFFF  }
0x184: {  	p0 =	sne.s32 s2, $0x0;
	_ =	strace $0x90000047  }
0x185: {  	s0 =	sadd.s32 @!p0 $0x100000, s0;
	[bflag:$0x2] =	sbarrier.arrive $0xFFFF  }
0x186: {  	[sflag:s0] =	ssyncadd.tile.s32 @!p0 $0x1;
	_ =	shalt  }
.Lfunc_end2:
_tile_overlayer_lowered:
.L_overlay_start_2:
0x187: {  	(tag) =	ssettag $0x2  }
0x188: {  	s0 =	rddreg [dreg:$0x0];
	s2 =	stileid.u32  }
0x189: {  	s1 =	rddreg [dreg:$0x1];
	p0 =	sne.s32 s2, $0x0  }
0x18a: {  	s3 =	rddreg [dreg:$0x2];
	[bflag:$0x3] =	sbarrier.arrive $0xFFFF;
	s2 =	simm.s32 @!p0 $0x1C05  }
0x18b: {  	[timem:s3], [sflag:s2] =	dma.local @!p0 [hbm:s0], s1  }
0x18c: {  	s0 =	simm.s32 @!p0 $0x5  }
0x18d: {  	_ =	swait.ge @!p0 [sflag:s0], s1  }
0x18e: {  	s1 =	ssub.s32 @!p0 $0x0, s1;
	[sflag:s0] =	ssyncset.done @!p0 $0x0  }
0x18f: {  	[sflag:s0] =	ssyncadd.s32 @!p0 s1  }
0x190: {  	[bflag:$0x3] =	sbarrier.arrive $0xFFFF  }
0x191: {  	_ =	shalt  }

// kernel: kernel.8.cloned.1.call-start
scs
__scs_entry_jumppad:
0x0: {  	(pc) =	sbr.rel $0x88, $3  }
0x1: {  	(tag) =	ssettag $0x0;
	lr =	simm.s32 $0x1  }
0x2: {  	[smem:$0x3F99] =	sst lr;
	_ =	strace $0xD0000000  }
0x3: {  	_ = 	snop  }
0x4: {  	_ = 	snop  }
0x5: {  	_ = 	snop  }
0x6: {  	_ = 	snop  }
0x7: {  	_ = 	snop  }
__scs_overlays_trampoline_lowered:
0x8: {  	[smem:$0x3FA8] =	sst s0  }
0x9: {  	[smem:$0x3FA9] =	sst s1  }
0xa: {  	[smem:$0x3FAA] =	sst s2  }
0xb: {  	[smem:$0x3FAB] =	sst s3  }
0xc: {  	[smem:$0x3FAC] =	sst s4  }
0xd: {  	[smem:$0x3FAD] =	sst s5  }
0xe: {  	[smem:$0x3FAE] =	sst s6  }
0xf: {  	[smem:$0x3FAF] =	sst s7  }
0x10: {  	[smem:$0x3FB0] =	sst s8  }
0x11: {  	[smem:$0x3FB1] =	sst s9;
	s0 =	simm.s32 @!p0 $0x0  }
0x12: {  	s1 =	sld [smem:$0x3F97];
	s0 =	simm.s32 @p0 $0x1  }
0x13: {  	[smem:$0x3FB2] =	sst s0;
	s0 =	simm.s32 @!p1 $0x0  }
0x14: {  	s2 =	sld [smem:$0x3F96];
	s0 =	simm.s32 @p1 $0x1  }
0x15: {  	[smem:$0x3FB3] =	sst s0;
	s0 =	simm.s32 @!p2 $0x0  }
0x16: {  	s3 =	sld [smem:$0x3FDB];
	s0 =	simm.s32 @p2 $0x1  }
0x17: {  	s4 =	simm.s32 $0x1BF5;
	[smem:$0x3FB5] =	sst s0  }
0x18: {  	s0 =	sld [smem:$0x3F98];
	_ =	swait.ge [sflag:s4], $0x0  }
0x19: {  	s7 =	sld [smem:$0x3F99]  }
0x1a: {  	s8 =	sadd.s32 $0xFFFFE003, lr  }
0x1b: {  	s9 =	sadd.s32 $0xFFFFFEF7, lr;
	s5 =	simm.s32 $0xFFFFFFFF;
	p2 =	slt.u32 s8, $0xFFFFF086  }
0x1c: {  	p1 =	slt.u32 s9, $0xF7A;
	s5 =	simm.s32 @!p2 $0x0  }
0x1d: {  	s5 =	simm.s32 @p1 $0x1;
	p0 =	seq.s32 s7, s2  }
0x1e: {  	s7 =	smul.u32 @!p0 $0xF7A, s2;
	p2 =	seq.s32 @!p0 s5, $0x0  }
0x1f: {  	s9 =	smul.u32 $0xF7A, s1;
	s8 =	simm.s32 @!p0 $0x1BF5;
	p2 =	por !p2, p0  }
0x20: {  	[sflag:s8] =	ssyncset.s32 @!p0 $0xFFFFF086;
	s6 =	sadd.s32 @!p0 s3, s7;
	s7 =	simm.s32 @!p0 $0x108  }
0x21: {  	s3 =	sadd.s32 s3, s9;
	s6 =	sadd.s32 @!p0 $0x88, s6;
	s7 =	simm.s32 @p2 $0x1082  }
0x22: {  	[simem:s7], [sflag:s8] =	dma.local @!p0 [hbm:s6], $0xF7A  }
0x23: {  	s9 =	sor.u32 $0xD0000000, s2;
	s6 =	simm.s32 $0x108;
	_ =	swait.ge @!p0 [sflag:s8], $0x0  }
0x24: {  	s3 =	sadd.s32 $0x88, s3;
	s6 =	simm.s32 @!p1 $0x1082;
	[sflag:s4] =	ssyncset.s32 $0xFFFFF086  }
0x25: {  	[simem:s6], [sflag:s4] =	dma.local [hbm:s3], $0xF7A  }
0x26: {  	[smem:$0x3F99] =	sst s1;
	(tag) =	ssettag s2;
	_ =	strace s9  }
0x27: {  	s1 =	sld [smem:$0x3FA9]  }
0x28: {  	s2 =	sld [smem:$0x3FAA]  }
0x29: {  	s4 =	sld [smem:$0x3FAC]  }
0x2a: {  	p0 =	seq.s32 s5, $0x0;
	s5 =	sld [smem:$0x3FAD]  }
0x2b: {  	s6 =	sld [smem:$0x3FAE]  }
0x2c: {  	s7 =	sld [smem:$0x3FAF]  }
0x2d: {  	s3 =	simm.s32 $0x108;
	s8 =	sld [smem:$0x3FB0]  }
0x2e: {  	s3 =	simm.s32 @!p0 $0x1082;
	s9 =	sld [smem:$0x3FB1]  }
0x2f: {  	lr =	sadd.s32 s0, s3;
	s0 =	sld [smem:$0x3FA8]  }
0x30: {  	s3 =	sld [smem:$0x3FAB]  }
0x31: {  	[smem:$0x3FB4] =	sst s10  }
0x32: {  	s10 =	sld [smem:$0x3FB2];
	_ =	sdelay $0x3  }
0x33: {  	p0 =	seq.s32 s10, $0x1;
	s10 =	sld [smem:$0x3FB4];
	_ =	sdelay $0x3  }
0x34: {  	[smem:$0x3FB4] =	sst s10  }
0x35: {  	s10 =	sld [smem:$0x3FB3];
	_ =	sdelay $0x3  }
0x36: {  	p1 =	seq.s32 s10, $0x1;
	s10 =	sld [smem:$0x3FB4];
	_ =	sdelay $0x3  }
0x37: {  	[smem:$0x3FB4] =	sst s10  }
0x38: {  	s10 =	sld [smem:$0x3FB5]  }
0x39: {  	_ = 	snop;
	(pc) =	sbr.ind lr, $3  }
0x3a: {  	_ = 	snop  }
0x3b: {  	_ = 	snop  }
0x3c: {  	p2 =	seq.s32 s10, $0x1;
	s10 =	sld [smem:$0x3FB4]  }
0x3d: {  	_ =	shalt  }
0x3e: {  	_ =	shalt  }
0x3f: {  	_ =	shalt  }
0x40: {  	_ =	shalt  }
0x41: {  	_ =	shalt  }
0x42: {  	_ =	shalt  }
0x43: {  	_ =	shalt  }
0x44: {  	_ =	shalt  }
0x45: {  	_ =	shalt  }
0x46: {  	_ =	shalt  }
0x47: {  	_ =	shalt  }
0x48: {  	_ =	shalt  }
0x49: {  	_ =	shalt  }
0x4a: {  	_ =	shalt  }
0x4b: {  	_ =	shalt  }
0x4c: {  	_ =	shalt  }
0x4d: {  	_ =	shalt  }
0x4e: {  	_ =	shalt  }
0x4f: {  	_ =	shalt  }
0x50: {  	_ =	shalt  }
0x51: {  	_ =	shalt  }
0x52: {  	_ =	shalt  }
0x53: {  	_ =	shalt  }
0x54: {  	_ =	shalt  }
0x55: {  	_ =	shalt  }
0x56: {  	_ =	shalt  }
0x57: {  	_ =	shalt  }
0x58: {  	_ =	shalt  }
0x59: {  	_ =	shalt  }
0x5a: {  	_ =	shalt  }
0x5b: {  	_ =	shalt  }
0x5c: {  	_ =	shalt  }
0x5d: {  	_ =	shalt  }
0x5e: {  	_ =	shalt  }
0x5f: {  	_ =	shalt  }
0x60: {  	_ =	shalt  }
0x61: {  	_ =	shalt  }
0x62: {  	_ =	shalt  }
0x63: {  	_ =	shalt  }
0x64: {  	_ =	shalt  }
0x65: {  	_ =	shalt  }
0x66: {  	_ =	shalt  }
0x67: {  	_ =	shalt  }
0x68: {  	_ =	shalt  }
0x69: {  	_ =	shalt  }
0x6a: {  	_ =	shalt  }
0x6b: {  	_ =	shalt  }
0x6c: {  	_ =	shalt  }
0x6d: {  	_ =	shalt  }
0x6e: {  	_ =	shalt  }
0x6f: {  	_ =	shalt  }
0x70: {  	_ =	shalt  }
0x71: {  	_ =	shalt  }
0x72: {  	_ =	shalt  }
0x73: {  	_ =	shalt  }
0x74: {  	_ =	shalt  }
0x75: {  	_ =	shalt  }
0x76: {  	_ =	shalt  }
0x77: {  	_ =	shalt  }
0x78: {  	_ =	shalt  }
0x79: {  	_ =	shalt  }
0x7a: {  	_ =	shalt  }
0x7b: {  	_ =	shalt  }
0x7c: {  	_ =	shalt  }
0x7d: {  	_ =	shalt  }
0x7e: {  	_ =	shalt  }
0x7f: {  	_ =	shalt  }
0x80: {  	_ =	shalt  }
0x81: {  	_ =	shalt  }
0x82: {  	_ =	shalt  }
0x83: {  	_ =	shalt  }
0x84: {  	_ =	shalt  }
0x85: {  	_ =	shalt  }
0x86: {  	_ =	shalt  }
0x87: {  	_ =	shalt  }
.Lfunc_end0:
.L_simem_size_0:
called_computation.1_lowered:
.L_overlay_start_0:
0x88: {  	s2 =	sld [smem:$0x3FD9]  }
0x89: {  	s3 =	sld [smem:$0x3FFE];
	_ =	sdelay $0x1  }
0x8a: {  	s1 =	srdreg.scid  }
0x8b: {  	s0 =	sand.u32 $0x1, s1  }
0x8c: {  	s16 =	sshll.u32 s0, $0xA;
	s2 =	sadd.s32 s3, s2  }
0x8d: {  	s2 =	sadd.s32 s2, s16  }
0x8e: {  	[smem:$0x3FC0] =	sst s2  }
0x8f: {  	_ = 	snop  }
0x90: {  	(tm) =	ssettm $0x1  }
0x91: {  	s17 =	sld [smem:$0x3FFB];
	_ =	sdelay $0x3  }
0x92: {  	_ =	strace s17  }
0x93: {  	s2 =	sld [smem:$0x3FFC];
	_ =	sdelay $0x3  }
0x94: {  	_ =	strace s2  }
0x95: {  	s2 =	sld [smem:$0x3FFD];
	_ =	sdelay $0x3  }
0x96: {  	_ =	strace s2  }
0x97: {  	_ =	strace $0x8FFFFFFF  }
0x98: {  	s18 =	sld [smem:$0x3FDB];
	_ =	sdelay $0x1  }
0x99: {  	s19 =	simm.s32 $_scs_section_size  }
0x9a: {  	s4 =	simm.s32 $_size__tile_overlayer_lowered;
	s5 =	simm.s32 $_tile_overlayer_lowered  }
0x9b: {  	s22 =	simm.s32 $0x1BFF;
	s21 =	sshll.u32 s5, $0x1;
	s2 =	sadd.s32 s19, s18  }
0x9c: {  	s6 =	simm.s32 $0x0;
	s20 =	sshll.u32 s4, $0x1;
	s4 =	sadd.s32 s21, s2  }
0x9d: {  	[timem:s6], [sflag:s22] =	dma.local [hbm:s4], s20  }
0x9e: {  	_ =	swait.ge [sflag:s22], s20  }
0x9f: {  	s3 =	ssub.s32 $0x0, s20;
	[sflag:s22] =	ssyncset.done $0x0  }
0xa0: {  	[sflag:s22] =	ssyncadd.s32 s3;
	_ =	sdelay $0x1  }
0xa1: {  	s23 =	simm.s32 $0x1B8B  }
0xa2: {  	_ =	swait.ge [sflag:s23], $0x1  }
0xa3: {  	[sflag:s23] =	ssyncset.done $0x0  }
0xa4: {  	s25 =	simm.s32 $0x1B8E;
	s24 =	sld [smem:$0x3FFE];
	[sflag:s23] =	ssyncadd.s32 $0xFFFFFFFF  }
0xa5: {  	s26 =	simm.s32 $execute0_lowered;
	[smem:$0x3FD2] =	sst s25  }
0xa6: {  	s4 =	sshll.u32 s26, $0x1;
	_ =	strace $0x80000049;
	[dreg:$0x1] =	wrdreg $0xFFFFFFFF  }
0xa7: {  	s28 =	simm.s32 $_size_execute0_lowered;
	s2 =	sadd.s32 s2, s4;
	[dreg:$0x0] =	wrdreg $0x0  }
0xa8: {  	s4 =	sshll.u32 s28, $0x1;
	[dreg:$0x2] =	wrdreg s2  }
0xa9: {  	[dreg:$0x3] =	wrdreg s4  }
0xaa: {  	[dreg:$0x4] =	wrdreg $0xC0  }
0xab: {  	_ =	task [dreg:s6], $0x5FFFF  }
0xac: {  	[dreg:$0x1] =	wrdreg $0xFFFFFFFF  }
0xad: {  	[dreg:$0x0] =	wrdreg $0x60  }
0xae: {  	[dreg:$0x2] =	wrdreg s24  }
0xaf: {  	[dreg:$0x3] =	wrdreg $0x9  }
0xb0: {  	_ =	task.clear_ibuf [dreg:s6], $0x4FFFF;
	_ =	strace $0x90000049  }
0xb1: {  	s29 =	simm.s32 $0x9;
	_ =	strace $0x8000004B  }
0xb2: {  	_ =	swait.ge [sflag:s29], $0x1  }
0xb3: {  	[sflag:s29] =	ssyncadd.s32 $0xFFFFFFFF  }
0xb4: {  	_ =	strace $0x9000004B  }
0xb5: {  	_ =	sfence  }
0xb6: {  	s30 =	sld [smem:$0x0];
	_ =	sdelay $0x2  }
0xb7: {  	s31 =	sshll.u32 s1, $0xD;
	s1 =	sshrl.u32 s1, $0x2  }
0xb8: {  	s3 =	sand.u32 $0x4000, s31;
	s1 =	sadd.s32 s1, s30  }
0xb9: {  	s0 =	sor.u32 s3, s0;
	s1 =	sshll.u32 s1, $0x11  }
0xba: {  	s0 =	sor.u32 s1, s0  }
0xbb: {  	s0 =	sadd.s32 $0x8F2B, s0  }
0xbc: {  	[sflag:s0] =	ssyncadd.remote.s32 $0x1  }
0xbd: {  	_ =	sfence.sel $0xFFFF  }
0xbe: {  	[dreg:$0x0] =	wrdreg $0xFFFFFFFF;
	(pc) =	sbr.abs _section_cstart, $3  }
0xbf: {  	[dreg:$0x1] =	wrdreg $0xFFFFFFFF  }
0xc0: {  	_ =	task.clear_ibuf [dreg:s6], $0x2FFFF;
	_ =	strace $0x9FFFFFFF  }
0xc1: {  	(tm) =	ssettm $0x7FFFFFFF  }
tec
execute0_lowered:
.L_overlay_start_1:
0x0: {  	(tag) =	ssettag $0x1  }
0x1: {  	s0 =	rddreg [dreg:$0x0];
	s1 =	simm.s32 $0x0;
	s2 =	srdreg.scid  }
0x2: {  	s28 =	stileid.u32;
	s8 =	simm.s32 $0x40000;
	s10 =	simm.s32 $0x1000  }
0x3: {  	s11 =	simm.s32 $0x600;
	s12 =	simm.s32 $0x6600;
	s13 =	simm.s32 $0x1600  }
0x4: {  	s14 =	simm.s32 $0xE600;
	s15 =	simm.s32 $0x1;
	s16 =	simm.s32 $0x200  }
0x5: {  	s17 =	simm.s32 $0x16600;
	s18 =	simm.s32 $0x4;
	s19 =	simm.s32 $0x2  }
0x6: {  	s20 =	simm.s32 $0x16A00;
	[smem:$0x7FF] =	sst s1;
	s2 =	sand.u32 $0x1, s2  }
0x7: {  	s26 =	sadd.s32 $0x401400, s0;
	s29 =	sshll.u32 s28, $0xE;
	s5 =	ssub.s32 $0x2, s2  }
0x8: {  	_ =	strace $0x8000004A;
	s2 =	sshll.u32 s2, $0xD;
	s6 =	sshrl.u32 s5, $0x1  }
0x9: {  	v1 =	vlaneseq.u32;
	[dreg:$0x2] =	wrdreg s26;
	s30 =	sor.u32 s2, s29;
	s7 =	ssub.s32 s5, s6  }
0xa: {  	s4 =	sadd.s32 $0x1400, s0;
	v1 =	vmul.u32 $0x8, v1;
	[dreg:$0x3] =	wrdreg s30;
	s31 =	smax.u32 s7, $0x1  }
0xb: {  	v0 =	vimm.f32 $2.147483650e+09;
	s1 =	simm.s32 $0x0;
	s5 =	sadd.s32 $0x419400, s0;
	[dreg:$0x4] =	wrdreg s31  }
.LBB2_1:
0xc: {  	[dreg:$0x5] =	wrdreg s1;
	s23 =	simm.s32 $0x0  }
.LBB2_2:
0xd: {  	s0 =	sshll.u32 s23, $0x9;
	s1 =	rddreg [dreg:$0x3]  }
0xe: {  	s24 =	sadd.s32 s1, s0  }
0xf: {  	s25 =	rddreg [dreg:$0x2];
	s2 =	simm.s32 $0x200;
	s0 =	sshrl.u32 s24, $0x3  }
0x10: {  	s26 =	simm.s32 $0x0;
	s30 =	simm.s32 $0x5;
	s0 =	sadd.s32 s25, s0  }
0x11: {  	[tilespmem:s26], [sflag:$0x5] =	stream.strided.gather [hbm4b:s0+s2], $0x600, s8, s2, $0x38;
	[tilespmem:$0x16E00] =	vst v63  }
0x12: {  	_ =	swait.ge [sflag:s30], $0x600  }
0x13: {  	[sflag:s30] =	ssyncset.done $0x0  }
0x14: {  	[sflag:s30] =	ssyncadd.s32 $0xFFFFFA00  }
0x15: {  	v2 =	vld [tilespmem:s2+$0xFFFFFE00]  }
0x16: {  	v3 =	vld [tilespmem:s2+$0x200]  }
0x17: {  	s31 =	simm.s32 $0x210;
	v4 =	vld [tilespmem:s2+$0x0]  }
0x18: {  	v28 =	vld [tilespmem:s31+$0x200]  }
0x19: {  	v30 =	vld [tilespmem:s31+$0x0];
	_ =	sdelay $0x1  }
0x1a: {  	v5 =	vsub.f32 v2, v0;
	v6 =	vtrunc.f32 v2  }
0x1b: {  	v7 =	vsub.f32 v3, v0;
	v8 =	vtrunc.f32 v3;
	v9 =	vsub.f32 v4, v0  }
0x1c: {  	v10 =	vtrunc.f32 v4;
	vm0 =	vlt.f32 v4, $2.147483650e+09;
	v32 =	vtrunc.f32 v28  }
0x1d: {  	vm1 =	vlt.f32 v3, $2.147483650e+09;
	v34 =	vtrunc.f32 v30;
	v5 =	vtrunc.f32 v5  }
0x1e: {  	vm2 =	vlt.f32 v2, $2.147483650e+09;
	v9 =	vtrunc.f32 v9;
	v7 =	vtrunc.f32 v7  }
0x1f: {  	vm13 =	vlt.f32 v30, $2.147483650e+09;
	v5 =	vcvt.f32.s32 v5;
	v9 =	vcvt.f32.s32 v9  }
0x20: {  	vm14 =	vlt.f32 v28, $2.147483650e+09;
	v6 =	vcvt.f32.s32 v6;
	v7 =	vcvt.f32.s32 v7  }
0x21: {  	v8 =	vcvt.f32.s32 v8;
	v5 =	vxor.u32 $0x80000000, v5;
	v9 =	vxor.u32 $0x80000000, v9  }
0x22: {  	v7 =	vxor.u32 $0x80000000, v7;
	v5 =	vsel vm2, v6, v5;
	v6 =	vcvt.f32.s32 v10  }
0x23: {  	v7 =	vsel vm1, v8, v7;
	v10 =	vand.u32 $0xFFFF, v5;
	v11 =	vshrl.u32 v5, $0x10  }
0x24: {  	v12 =	vand.u32 $0xFFFF, v7;
	v11 =	vcvt.s32.f32 v11;
	v6 =	vsel vm0, v6, v9  }
0x25: {  	v9 =	vcvt.s32.f32 v10;
	v12 =	vcvt.s32.f32 v12;
	v8 =	vshrl.u32 v6, $0x10  }
0x26: {  	v10 =	vmul.f32 $6.553600000e+04, v11;
	v8 =	vcvt.s32.f32 v8;
	v11 =	vshrl.u32 v7, $0x10  }
0x27: {  	v13 =	vand.u32 $0xFFFF, v6;
	v6 =	vmul.u32 $0x9E3779B1, v6;
	v11 =	vcvt.s32.f32 v11  }
0x28: {  	v9 =	vadd.f32 v9, v10;
	v10 =	vcvt.s32.f32 v13;
	v8 =	vmul.f32 $6.553600000e+04, v8  }
0x29: {  	v7 =	vmul.u32 $0x30025795, v7;
	v13 =	vadd.s32 $0x1, v5;
	v11 =	vmul.f32 $6.553600000e+04, v11  }
0x2a: {  	v2 =	vsub.f32 v2, v9;
	v8 =	vadd.f32 v10, v8;
	v9 =	vxor.u32 v5, v6  }
0x2b: {  	v10 =	vadd.f32 v12, v11;
	v12 =	vxor.u32 v13, v6;
	v6 =	vadd.s32 $0x9E3779B1, v6  }
0x2c: {  	v11 =	vsub.f32 $1.000000000e+00, v2;
	v4 =	vsub.f32 v4, v8;
	v8 =	vxor.u32 v7, v9  }
0x2d: {  	v14 =	vxor.u32 v7, v12;
	v10 =	vsub.f32 v3, v10;
	v3 =	vshrl.u32 v8, $0x2  }
0x2e: {  	v8 =	vshll.u32 v8, $0x1;
	v15 =	vsub.f32 $1.000000000e+00, v4;
	v16 =	vand.u32 $0x1FFFF, v3  }
0x2f: {  	v17 =	vmul.f32 v4, v2;
	v3 =	vshrl.u32 v14, $0x2;
	v14 =	vshll.u32 v14, $0x1  }
0x30: {  	v4 =	vmul.f32 v4, v11;
	v8 =	vand.u32 $0x6, v8;
	v18 =	vsub.f32 $1.000000000e+00, v10  }
0x31: {  	v14 =	vand.u32 $0x6, v14;
	v11 =	vmul.f32 v15, v11;
	v2 =	vmul.f32 v15, v2  }
0x32: {  	v15 =	vand.u32 $0x1FFFF, v3;
	v3 =	vxor.u32 v5, v6;
	v6 =	vxor.u32 v13, v6  }
0x33: {  	v5 =	vxor.u32 v7, v3;
	v23 =	vmul.f32 v18, v4;
	v25 =	vmul.f32 v18, v17  }
0x34: {  	v21 =	vxor.u32 v7, v6;
	v19 =	vmul.f32 v18, v11;
	v20 =	vmul.f32 v18, v2  }
0x35: {  	v13 =	vshrl.u32 v5, $0x2;
	v5 =	vshll.u32 v5, $0x1;
	v27 =	vmul.f32 v11, v10  }
0x36: {  	v13 =	vand.u32 $0x1FFFF, v13;
	v24 =	vand.u32 $0x6, v5;
	v5 =	vshrl.u32 v21, $0x2  }
0x37: {  	v18 =	vand.u32 $0x1FFFF, v5;
	v5 =	vshll.u32 v21, $0x1;
	v21 =	vmul.f32 v2, v10  }
0x38: {  	s0 =	simm.s32 $0xE00;
	v2 =	vmul.f32 v10, v4;
	v26 =	vand.u32 $0x6, v5;
	v5 =	vadd.s32 $0x30025795, v7  }
0x39: {  	s2 =	simm.s32 $0x2E00;
	[tilespmem:s0+$0xFFFFF800] =	vst v16;
	v4 =	vxor.u32 v9, v5;
	v3 =	vxor.u32 v5, v3;
	v6 =	vxor.u32 v5, v6  }
0x3a: {  	s7 =	simm.s32 $0x4E00;
	[tilespmem:s2+$0xFFFFF800] =	vst v8;
	v11 =	vxor.u32 v12, v5;
	v12 =	vld [tilespmem:s31+$0xFFFFFE00];
	v7 =	vshrl.u32 v4, $0x2;
	v9 =	vshll.u32 v4, $0x1  }
0x3b: {  	[tilespmem:s7+$0xFFFFF800] =	vst v19;
	v4 =	vshrl.u32 v3, $0x2;
	v3 =	vshll.u32 v3, $0x1;
	v5 =	vshrl.u32 v6, $0x2  }
0x3c: {  	[tilespmem:s0+$0xFFFFFA00] =	vst v15;
	v29 =	vand.u32 $0x1FFFF, v4;
	v22 =	vand.u32 $0x6, v3;
	v3 =	vand.u32 $0x1FFFF, v5  }
0x3d: {  	[tilespmem:s2+$0xFFFFFA00] =	vst v14;
	v5 =	vshll.u32 v6, $0x1;
	v4 =	vmul.f32 v10, v17;
	v10 =	vshll.u32 v11, $0x1  }
0x3e: {  	[tilespmem:s7+$0xFFFFFA00] =	vst v20;
	v6 =	vand.u32 $0x1FFFF, v7;
	v31 =	vand.u32 $0x6, v10;
	v10 =	vsub.f32 v28, v0  }
0x3f: {  	v7 =	vand.u32 $0x6, v9;
	v9 =	vshrl.u32 v11, $0x2;
	[tilespmem:s0+$0xFFFFFC00] =	vst v13;
	v11 =	vsub.f32 v12, v0  }
0x40: {  	v32 =	vcvt.f32.s32 v32;
	v5 =	vand.u32 $0x6, v5;
	[tilespmem:s2+$0xFFFFFC00] =	vst v24;
	v10 =	vtrunc.f32 v10  }
0x41: {  	v33 =	vand.u32 $0x1FFFF, v9;
	[tilespmem:s7+$0xFFFFFC00] =	vst v23;
	v10 =	vcvt.f32.s32 v10;
	v9 =	vtrunc.f32 v11  }
0x42: {  	v17 =	vtrunc.f32 v12;
	[tilespmem:s0+$0xFFFFFE00] =	vst v18;
	v11 =	vsub.f32 v30, v0;
	v9 =	vcvt.f32.s32 v9  }
0x43: {  	vm15 =	vlt.f32 v12, $2.147483650e+09;
	v17 =	vcvt.f32.s32 v17;
	[tilespmem:s2+$0xFFFFFE00] =	vst v26;
	v10 =	vxor.u32 $0x80000000, v10  }
0x44: {  	[tilespmem:s7+$0xFFFFFE00] =	vst v25;
	v11 =	vtrunc.f32 v11;
	v10 =	vsel vm14, v32, v10;
	v9 =	vxor.u32 $0x80000000, v9  }
0x45: {  	[tilespmem:s0+$0x0] =	vst v6;
	v11 =	vcvt.f32.s32 v11;
	v56 =	vand.u32 $0xFFFF, v10;
	v37 =	vshrl.u32 v10, $0x10  }
0x46: {  	[tilespmem:s2+$0x0] =	vst v7;
	v60 =	vmul.u32 $0x30025795, v10;
	v17 =	vsel vm15, v17, v9;
	v9 =	vcvt.f32.s32 v34  }
0x47: {  	[tilespmem:s7+$0x0] =	vst v27;
	v37 =	vcvt.s32.f32 v37;
	v53 =	vand.u32 $0xFFFF, v17;
	v35 =	vshrl.u32 v17, $0x10  }
0x48: {  	[tilespmem:s0+$0x200] =	vst v33;
	v11 =	vxor.u32 $0x80000000, v11;
	v36 =	vadd.s32 $0x1, v17;
	v35 =	vcvt.s32.f32 v35  }
0x49: {  	[tilespmem:s2+$0x200] =	vst v31;
	v31 =	vadd.s32 $0x30025795, v60;
	v9 =	vsel vm13, v9, v11;
	v11 =	vcvt.s32.f32 v53  }
0x4a: {  	v55 =	vshrl.u32 v9, $0x10;
	v59 =	vmul.u32 $0x9E3779B1, v9;
	v54 =	vmul.f32 $6.553600000e+04, v35  }
0x4b: {  	v57 =	vand.u32 $0xFFFF, v9;
	v9 =	vcvt.s32.f32 v56;
	v34 =	vcvt.s32.f32 v55  }
0x4c: {  	v16 =	vcvt.s32.f32 v57;
	v62 =	vxor.u32 v36, v59;
	v11 =	vadd.f32 v11, v54  }
0x4d: {  	v61 =	vxor.u32 v17, v59;
	v58 =	vmul.f32 $6.553600000e+04, v34;
	v14 =	vxor.u32 v60, v62  }
0x4e: {  	[tilespmem:s7+$0x200] =	vst v21;
	v21 =	vxor.u32 v61, v31;
	v8 =	vsub.f32 v12, v11;
	v11 =	vmul.f32 $6.553600000e+04, v37  }
0x4f: {  	v13 =	vshrl.u32 v14, $0x2;
	v14 =	vshll.u32 v14, $0x1;
	v12 =	vadd.f32 v16, v58  }
0x50: {  	[tilespmem:s0+$0x400] =	vst v29;
	v29 =	vshrl.u32 v21, $0x2;
	v27 =	vshll.u32 v21, $0x1;
	v9 =	vadd.f32 v9, v11  }
0x51: {  	v13 =	vand.u32 $0x1FFFF, v13;
	v11 =	vsub.f32 v30, v12;
	v12 =	vxor.u32 v60, v61  }
0x52: {  	v10 =	vsub.f32 $1.000000000e+00, v8;
	v16 =	vshll.u32 v12, $0x1;
	v15 =	vsub.f32 v28, v9  }
0x53: {  	v9 =	vshrl.u32 v12, $0x2;
	v12 =	vsub.f32 $1.000000000e+00, v11;
	v20 =	vmul.f32 v11, v8  }
0x54: {  	v24 =	vmul.f32 v11, v10;
	v11 =	vand.u32 $0x6, v14;
	v23 =	vsub.f32 $1.000000000e+00, v15  }
0x55: {  	v28 =	vmul.f32 v12, v10;
	v30 =	vmul.f32 v12, v8;
	v10 =	vadd.s32 $0x9E3779B1, v59  }
0x56: {  	v9 =	vand.u32 $0x1FFFF, v9;
	v26 =	vxor.u32 v17, v10;
	v25 =	vxor.u32 v36, v10  }
0x57: {  	v18 =	vmul.f32 v23, v28;
	v12 =	vmul.f32 v23, v30;
	v14 =	vxor.u32 v60, v26  }
0x58: {  	v8 =	vmul.f32 v23, v24;
	v63 =	vxor.u32 v60, v25;
	v7 =	vmul.f32 v28, v15  }
0x59: {  	v24 =	vmul.f32 v15, v24;
	v28 =	vxor.u32 v31, v26;
	v25 =	vxor.u32 v31, v25  }
0x5a: {  	v26 =	vxor.u32 v62, v31;
	v6 =	vshrl.u32 v14, $0x2;
	v10 =	vshll.u32 v14, $0x1  }
0x5b: {  	v19 =	vand.u32 $0x1FFFF, v6;
	v17 =	vand.u32 $0x6, v10;
	v6 =	vshrl.u32 v63, $0x2  }
0x5c: {  	s28 =	simm.s32 $0x10;
	s22 =	simm.s32 $0x2E10;
	v10 =	vmul.f32 v23, v20;
	v14 =	vand.u32 $0x1FFFF, v6;
	v6 =	vshll.u32 v63, $0x1  }
0x5d: {  	s29 =	simm.s32 $0x220;
	s25 =	simm.s32 $0xE10;
	s26 =	simm.s32 $0x4E10;
	[tilespmem:s2+$0x400] =	vst v22;
	v23 =	vand.u32 $0x6, v16;
	v16 =	vand.u32 $0x6, v6;
	v6 =	vmul.f32 v30, v15  }
.LBB2_3:
0x5e: {  	v30 =	vld [tilespmem:s29+$0xFFFFFE00];
	s28 =	sadd.s32 $0x10, s28;
	v21 =	vshrl.u32 v28, $0x2;
	v28 =	vshll.u32 v28, $0x1;
	v31 =	vshrl.u32 v25, $0x2;
	[tilespmem:s7+$0x400] =	vst v2;
	v2 =	vmovc v24  }
0x5f: {  	v32 =	vld [tilespmem:s29+$0x200];
	p0 =	slt.u32 s28, $0x1F0;
	v22 =	vand.u32 $0x1FFFF, v21;
	v21 =	vand.u32 $0x6, v28;
	[tilespmem:s0+$0x600] =	vst v3;
	v3 =	vand.u32 $0x1FFFF, v31;
	s0 =	smov.u32 s25  }
0x60: {  	v15 =	vmul.f32 v15, v20;
	v20 =	vshll.u32 v25, $0x1;
	v28 =	vld [tilespmem:s29+$0x0];
	[tilespmem:s2+$0x600] =	vst v5;
	s2 =	smov.u32 s22  }
0x61: {  	v25 =	vand.u32 $0x1FFFF, v29;
	v5 =	vand.u32 $0x6, v20;
	[tilespmem:s7+$0x600] =	vst v4;
	s7 =	smov.u32 s26  }
0x62: {  	v27 =	vand.u32 $0x6, v27;
	v24 =	vshll.u32 v26, $0x1;
	v20 =	vshrl.u32 v26, $0x2;
	v4 =	vmovc v15  }
0x63: {  	v24 =	vand.u32 $0x6, v24;
	v15 =	vsub.f32 v30, v0;
	v26 =	vtrunc.f32 v30  }
0x64: {  	v33 =	vand.u32 $0x1FFFF, v20;
	v29 =	vsub.f32 v32, v0;
	v31 =	vtrunc.f32 v32  }
0x65: {  	v15 =	vtrunc.f32 v15;
	v20 =	vsub.f32 v28, v0;
	v34 =	vtrunc.f32 v28  }
0x66: {  	vm0 =	vlt.f32 v28, $2.147483650e+09;
	v31 =	vcvt.f32.s32 v31;
	v15 =	vcvt.f32.s32 v15  }
0x67: {  	v26 =	vcvt.f32.s32 v26;
	vm1 =	vlt.f32 v32, $2.147483650e+09;
	v20 =	vtrunc.f32 v20  }
0x68: {  	vm2 =	vlt.f32 v30, $2.147483650e+09;
	v15 =	vxor.u32 $0x80000000, v15;
	v20 =	vcvt.f32.s32 v20  }
0x69: {  	v29 =	vtrunc.f32 v29;
	v26 =	vsel vm2, v26, v15;
	v15 =	vcvt.f32.s32 v34  }
0x6a: {  	v29 =	vcvt.f32.s32 v29;
	v34 =	vand.u32 $0xFFFF, v26;
	v35 =	vshrl.u32 v26, $0x10  }
0x6b: {  	v20 =	vxor.u32 $0x80000000, v20;
	v36 =	vadd.s32 $0x1, v26;
	v35 =	vcvt.s32.f32 v35  }
0x6c: {  	v15 =	vsel vm0, v15, v20;
	v20 =	vxor.u32 $0x80000000, v29;
	v29 =	vcvt.s32.f32 v34  }
0x6d: {  	v20 =	vsel vm1, v31, v20;
	v34 =	vshrl.u32 v15, $0x10;
	v31 =	vmul.f32 $6.553600000e+04, v35  }
0x6e: {  	v34 =	vcvt.s32.f32 v34;
	v35 =	vand.u32 $0xFFFF, v20;
	v37 =	vshrl.u32 v20, $0x10  }
0x6f: {  	v37 =	vcvt.s32.f32 v37;
	v29 =	vadd.f32 v29, v31;
	v31 =	vand.u32 $0xFFFF, v15;
	[tilespmem:s25+$0xFFFFF800] =	vst v9  }
0x70: {  	v9 =	vcvt.s32.f32 v31;
	v31 =	vmul.f32 $6.553600000e+04, v34;
	v34 =	vmul.u32 $0x9E3779B1, v15;
	[tilespmem:s22+$0xFFFFF800] =	vst v23  }
0x71: {  	v15 =	vcvt.s32.f32 v35;
	v23 =	vsub.f32 v30, v29;
	v29 =	vmul.f32 $6.553600000e+04, v37;
	[tilespmem:s26+$0xFFFFF800] =	vst v18  }
0x72: {  	v30 =	vmul.u32 $0x30025795, v20;
	v9 =	vadd.f32 v9, v31;
	v31 =	vxor.u32 v26, v34;
	[tilespmem:s25+$0xFFFFFA00] =	vst v13  }
0x73: {  	v35 =	vxor.u32 v36, v34;
	v13 =	vadd.f32 v15, v29;
	v18 =	vsub.f32 $1.000000000e+00, v23;
	[tilespmem:s22+$0xFFFFFA00] =	vst v11  }
0x74: {  	v11 =	vsub.f32 v28, v9;
	v9 =	vxor.u32 v30, v31;
	v28 =	vxor.u32 v30, v35;
	[tilespmem:s26+$0xFFFFFA00] =	vst v12  }
0x75: {  	v15 =	vsub.f32 v32, v13;
	v12 =	vshrl.u32 v9, $0x2;
	v29 =	vshll.u32 v9, $0x1;
	[tilespmem:s25+$0xFFFFFC00] =	vst v19  }
0x76: {  	s25 =	sadd.s32 $0x10, s25;
	v13 =	vsub.f32 $1.000000000e+00, v11;
	v9 =	vand.u32 $0x1FFFF, v12;
	v20 =	vmul.f32 v11, v23;
	[tilespmem:s22+$0xFFFFFC00] =	vst v17  }
0x77: {  	v12 =	vshrl.u32 v28, $0x2;
	v17 =	vshll.u32 v28, $0x1;
	v28 =	vmul.f32 v11, v18;
	[tilespmem:s26+$0xFFFFFC00] =	vst v8  }
0x78: {  	v32 =	vsub.f32 $1.000000000e+00, v15;
	v37 =	vmul.f32 v13, v18;
	v38 =	vmul.f32 v13, v23;
	[tilespmem:s0+$0xFFFFFE00] =	vst v14  }
0x79: {  	v11 =	vand.u32 $0x6, v17;
	v14 =	vadd.s32 $0x9E3779B1, v34;
	v13 =	vand.u32 $0x1FFFF, v12;
	[tilespmem:s22+$0xFFFFFE00] =	vst v16  }
0x7a: {  	v26 =	vxor.u32 v26, v14;
	v18 =	vmul.f32 v32, v37;
	v12 =	vmul.f32 v32, v38;
	[tilespmem:s26+$0xFFFFFE00] =	vst v10  }
0x7b: {  	v8 =	vmul.f32 v32, v28;
	v34 =	vxor.u32 v36, v14;
	v10 =	vxor.u32 v30, v26;
	[tilespmem:s0+$0x0] =	vst v25  }
0x7c: {  	v16 =	vxor.u32 v30, v34;
	v14 =	vshrl.u32 v10, $0x2;
	v10 =	vshll.u32 v10, $0x1;
	[tilespmem:s22+$0x0] =	vst v27  }
0x7d: {  	v19 =	vand.u32 $0x1FFFF, v14;
	v17 =	vand.u32 $0x6, v10;
	v14 =	vshrl.u32 v16, $0x2;
	[tilespmem:s26+$0x0] =	vst v7  }
.Ltmp0:
0x7e: {  	v10 =	vmul.f32 v32, v20;
	v14 =	vand.u32 $0x1FFFF, v14;
	v7 =	vshll.u32 v16, $0x1;
	[tilespmem:s0+$0x200] =	vst v33;
	(pc) =	sbr.rel @p0 .LBB2_3-.Ltmp0, $4  }
0x7f: {  	v23 =	vand.u32 $0x6, v29;
	s22 =	sadd.s32 $0x10, s22;
	v16 =	vand.u32 $0x6, v7;
	v7 =	vmul.f32 v37, v15;
	[tilespmem:s2+$0x200] =	vst v24  }
0x80: {  	v30 =	vadd.s32 $0x30025795, v30;
	s26 =	sadd.s32 $0x10, s26;
	v24 =	vmul.f32 v15, v28;
	[tilespmem:s7+$0x200] =	vst v6;
	v6 =	vmul.f32 v38, v15  }
0x81: {  	v25 =	vxor.u32 v30, v34;
	v27 =	vxor.u32 v31, v30;
	v28 =	vxor.u32 v30, v26;
	[tilespmem:s0+$0x400] =	vst v22  }
0x82: {  	s29 =	sadd.s32 $0x10, s29;
	v29 =	vshrl.u32 v27, $0x2;
	v27 =	vshll.u32 v27, $0x1;
	v26 =	vxor.u32 v35, v30;
	[tilespmem:s2+$0x400] =	vst v21  }
0x83: {  	[tilespmem:s7+$0x400] =	vst v2  }
0x84: {  	[tilespmem:s25+$0xFFFFF800] =	vst v9  }
0x85: {  	[tilespmem:s0+$0x600] =	vst v3  }
0x86: {  	[tilespmem:s22+$0xFFFFF800] =	vst v23  }
0x87: {  	[tilespmem:s2+$0x600] =	vst v5  }
0x88: {  	[tilespmem:s26+$0xFFFFF800] =	vst v18  }
0x89: {  	[tilespmem:s7+$0x600] =	vst v4  }
0x8a: {  	[tilespmem:s25+$0xFFFFFA00] =	vst v13  }
0x8b: {  	[tilespmem:s22+$0xFFFFFA00] =	vst v11  }
0x8c: {  	[tilespmem:s26+$0xFFFFFA00] =	vst v12  }
0x8d: {  	[tilespmem:s25+$0xFFFFFC00] =	vst v19  }
0x8e: {  	[tilespmem:s22+$0xFFFFFC00] =	vst v17  }
0x8f: {  	[tilespmem:s26+$0xFFFFFC00] =	vst v8  }
0x90: {  	[tilespmem:s25+$0xFFFFFE00] =	vst v14  }
0x91: {  	[tilespmem:s22+$0xFFFFFE00] =	vst v16  }
0x92: {  	v2 =	vand.u32 $0x1FFFF, v29;
	[tilespmem:s26+$0xFFFFFE00] =	vst v10  }
0x93: {  	v3 =	vand.u32 $0x6, v27;
	[tilespmem:s25+$0x0] =	vst v2  }
0x94: {  	v2 =	vshrl.u32 v26, $0x2;
	[tilespmem:s22+$0x0] =	vst v3  }
0x95: {  	v3 =	vshll.u32 v26, $0x1;
	v2 =	vand.u32 $0x1FFFF, v2;
	[tilespmem:s26+$0x0] =	vst v7  }
0x96: {  	v3 =	vand.u32 $0x6, v3;
	[tilespmem:s25+$0x200] =	vst v2  }
0x97: {  	v2 =	vshrl.u32 v28, $0x2;
	[tilespmem:s22+$0x200] =	vst v3  }
0x98: {  	v3 =	vshll.u32 v28, $0x1;
	v2 =	vand.u32 $0x1FFFF, v2;
	[tilespmem:s26+$0x200] =	vst v6  }
0x99: {  	v3 =	vand.u32 $0x6, v3;
	[tilespmem:s25+$0x400] =	vst v2  }
0x9a: {  	v2 =	vshrl.u32 v25, $0x2;
	[tilespmem:s22+$0x400] =	vst v3  }
0x9b: {  	v2 =	vand.u32 $0x1FFFF, v2;
	v3 =	vshll.u32 v25, $0x1;
	[tilespmem:s26+$0x400] =	vst v24  }
0x9c: {  	v63 =	vmul.f32 v15, v20;
	v3 =	vand.u32 $0x6, v3;
	[tilespmem:s25+$0x600] =	vst v2  }
0x9d: {  	[tilespmem:s22+$0x600] =	vst v3  }
0x9e: {  	s25 =	simm.s32 $0x0;
	[tilespmem:s26+$0x600] =	vst v63  }
0x9f: {  	[tilespmem:s12], [sflag:$0x1] =	stream.indirect.gather [hbm4b:s4+s10], $0x8, s11, s10, $0xb8;
	[tilespmem:$0x16E00] =	vst v63  }
.LBB2_5:
0xa0: {  	s0 =	simm.s32 $0x200  }
0xa1: {  	v2 =	vld [tilespmem:s0+$0x0]  }
0xa2: {  	s28 =	sshll.u32 s25, $0x18;
	v3 =	vld [tilespmem:s0+$0x200]  }
0xa3: {  	s2 =	sor.u32 $0x40000000, s28;
	v5 =	vld [tilespmem:s0+$0xFFFFFE00]  }
0xa4: {  	v4 =	vmov s2  }
0xa5: {  	v4 =	vbroadcast v4, $0x0;
	_ =	sdelay $0x1  }
0xa6: {  	v6 =	vmul.f32 v2, v4  }
0xa7: {  	v3 =	vmul.f32 v3, v4;
	v5 =	vmul.f32 v5, v4  }
0xa8: {  	v2 =	vsub.f32 v6, v0;
	v7 =	vtrunc.f32 v6  }
0xa9: {  	v8 =	vtrunc.f32 v3;
	v9 =	vsub.f32 v3, v0;
	vm0 =	vlt.f32 v5, $2.147483650e+09  }
0xaa: {  	v10 =	vsub.f32 v5, v0;
	v7 =	vcvt.f32.s32 v7;
	v2 =	vtrunc.f32 v2  }
0xab: {  	vm1 =	vlt.f32 v6, $2.147483650e+09;
	v9 =	vtrunc.f32 v9;
	v2 =	vcvt.f32.s32 v2  }
0xac: {  	vm2 =	vlt.f32 v3, $2.147483650e+09;
	v10 =	vtrunc.f32 v10;
	v9 =	vcvt.f32.s32 v9  }
0xad: {  	v8 =	vcvt.f32.s32 v8;
	v10 =	vcvt.f32.s32 v10;
	v2 =	vxor.u32 $0x80000000, v2  }
0xae: {  	v9 =	vxor.u32 $0x80000000, v9;
	v7 =	vsel vm1, v7, v2;
	v2 =	vtrunc.f32 v5  }
0xaf: {  	v8 =	vsel vm2, v8, v9;
	v11 =	vshrl.u32 v7, $0x10;
	v2 =	vcvt.f32.s32 v2  }
0xb0: {  	v10 =	vxor.u32 $0x80000000, v10;
	v12 =	vand.u32 $0xFFFF, v8;
	v9 =	vcvt.s32.f32 v11  }
0xb1: {  	v11 =	vand.u32 $0xFFFF, v7;
	v12 =	vcvt.s32.f32 v12;
	v13 =	vsel vm0, v2, v10  }
0xb2: {  	v2 =	vshrl.u32 v8, $0x10;
	v10 =	vcvt.s32.f32 v11;
	v11 =	vshrl.u32 v13, $0x10  }
0xb3: {  	v2 =	vcvt.s32.f32 v2;
	v14 =	vand.u32 $0xFFFF, v13;
	v11 =	vcvt.s32.f32 v11  }
0xb4: {  	v9 =	vmul.f32 $6.553600000e+04, v9;
	v14 =	vcvt.s32.f32 v14  }
0xb5: {  	s26 =	sshllo.u32 s25, $0x1;
	v2 =	vmul.f32 $6.553600000e+04, v2;
	v11 =	vmul.f32 $6.553600000e+04, v11  }
0xb6: {  	s31 =	sshll.u32 s26, $0x11;
	v9 =	vadd.f32 v10, v9  }
0xb7: {  	v10 =	vadd.f32 v12, v2;
	v2 =	vmov s31;
	v11 =	vadd.f32 v14, v11  }
0xb8: {  	v12 =	vmul.u32 $0x30025795, v8;
	v14 =	vsub.f32 v6, v9;
	v6 =	vmul.u32 $0x9E3779B1, v7  }
0xb9: {  	v7 =	vadd.s32 $0x1, v13;
	v3 =	vsub.f32 v3, v10;
	v5 =	vsub.f32 v5, v11  }
0xba: {  	v8 =	vadd.s32 $0x9E3779B1, v6;
	v11 =	vxor.u32 v13, v6;
	v10 =	vxor.u32 v7, v6  }
0xbb: {  	v6 =	vsub.f32 $1.000000000e+00, v14;
	v9 =	vxor.u32 v13, v8;
	v18 =	vxor.u32 v12, v11  }
0xbc: {  	v19 =	vxor.u32 v12, v10;
	v8 =	vxor.u32 v7, v8;
	v15 =	vsub.f32 $1.000000000e+00, v5  }
0xbd: {  	v17 =	vsub.f32 $1.000000000e+00, v3;
	v20 =	vxor.u32 v12, v8;
	v7 =	vmul.f32 v6, v5  }
0xbe: {  	v22 =	vshrl.u32 v18, $0x2;
	v5 =	vmul.f32 v14, v5;
	v13 =	vmul.f32 v6, v15  }
0xbf: {  	v18 =	vshll.u32 v18, $0x1;
	v26 =	vshll.u32 v20, $0x1;
	v25 =	vshrl.u32 v20, $0x2  }
0xc0: {  	v24 =	vand.u32 $0x1FFFF, v22;
	v6 =	vshrl.u32 v19, $0x2;
	v16 =	vmul.f32 v17, v13  }
0xc1: {  	v21 =	vand.u32 $0x1FFFF, v6;
	v6 =	vmul.f32 v13, v3;
	v13 =	vmul.f32 v14, v15  }
0xc2: {  	v21 =	vor.u32 v2, v21;
	v15 =	vshll.u32 v19, $0x1;
	v14 =	vxor.u32 v12, v9  }
0xc3: {  	v19 =	vand.u32 $0x6, v15;
	v20 =	vshrl.u32 v14, $0x2;
	v14 =	vshll.u32 v14, $0x1  }
0xc4: {  	v15 =	vmul.f32 v17, v13;
	v22 =	vand.u32 $0x1FFFF, v20;
	v20 =	vand.u32 $0x6, v14  }
0xc5: {  	s7 =	simm.s32 $0x1E00;
	s22 =	simm.s32 $0x0;
	v14 =	vmul.f32 v17, v5;
	v23 =	vor.u32 v2, v22;
	v22 =	vand.u32 $0x1FFFF, v25  }
0xc6: {  	s29 =	simm.s32 $0x210;
	s0 =	simm.s32 $0x5E00;
	s2 =	simm.s32 $0x3E00;
	v25 =	vand.u32 $0x6, v18;
	v18 =	vand.u32 $0x6, v26;
	v22 =	vor.u32 v2, v22  }
.LBB2_6:
0xc7: {  	v26 =	vld [tilespmem:s29+$0x0];
	s22 =	sadd.s32 $0x10, s22;
	v12 =	vadd.s32 $0x30025795, v12;
	v24 =	vor.u32 v2, v24;
	v17 =	vmul.f32 v17, v7  }
0xc8: {  	v27 =	vld [tilespmem:s29+$0x200];
	p0 =	slt.u32 s22, $0x1F0;
	v11 =	vxor.u32 v11, v12;
	v10 =	vxor.u32 v10, v12;
	v9 =	vxor.u32 v12, v9  }
0xc9: {  	v28 =	vld [tilespmem:s29+$0xFFFFFE00];
	v29 =	vshrl.u32 v11, $0x2;
	v11 =	vshll.u32 v11, $0x1;
	v30 =	vshrl.u32 v9, $0x2  }
0xca: {  	[tilespmem:s7+$0xFFFFF800] =	vst v24;
	v24 =	vand.u32 $0x1FFFF, v29;
	v11 =	vand.u32 $0x6, v11;
	v29 =	vshrl.u32 v10, $0x2  }
0xcb: {  	v13 =	vmul.f32 v3, v13;
	[tilespmem:s2+$0xFFFFF800] =	vst v25;
	v24 =	vor.u32 v2, v24;
	v25 =	vand.u32 $0x1FFFF, v29  }
0xcc: {  	v9 =	vshll.u32 v9, $0x1;
	v26 =	vmul.f32 v26, v4;
	[tilespmem:s0+$0xFFFFF800] =	vst v16;
	v16 =	vand.u32 $0x1FFFF, v30  }
0xcd: {  	v8 =	vxor.u32 v12, v8;
	v27 =	vmul.f32 v27, v4;
	[tilespmem:s7+$0xFFFFFA00] =	vst v21;
	v16 =	vor.u32 v2, v16  }
0xce: {  	v12 =	vmul.f32 v28, v4;
	v21 =	vtrunc.f32 v26;
	v28 =	vsub.f32 v26, v0;
	[tilespmem:s2+$0xFFFFFA00] =	vst v19  }
0xcf: {  	v19 =	vtrunc.f32 v27;
	v29 =	vsub.f32 v27, v0;
	[tilespmem:s0+$0xFFFFFA00] =	vst v17;
	v17 =	vand.u32 $0x6, v9  }
0xd0: {  	vm0 =	vlt.f32 v12, $2.147483650e+09;
	v9 =	vsub.f32 v12, v0;
	v28 =	vtrunc.f32 v28;
	[tilespmem:s7+$0xFFFFFC00] =	vst v23  }
0xd1: {  	v10 =	vshll.u32 v10, $0x1;
	v19 =	vcvt.f32.s32 v19;
	v23 =	vtrunc.f32 v29;
	[tilespmem:s2+$0xFFFFFC00] =	vst v20  }
0xd2: {  	v10 =	vand.u32 $0x6, v10;
	v20 =	vcvt.f32.s32 v21;
	v21 =	vcvt.f32.s32 v28;
	[tilespmem:s0+$0xFFFFFC00] =	vst v15  }
0xd3: {  	v7 =	vmul.f32 v7, v3;
	vm1 =	vlt.f32 v26, $2.147483650e+09;
	v15 =	vcvt.f32.s32 v23;
	[tilespmem:s7+$0xFFFFFE00] =	vst v22  }
0xd4: {  	vm2 =	vlt.f32 v27, $2.147483650e+09;
	v9 =	vtrunc.f32 v9;
	v21 =	vxor.u32 $0x80000000, v21;
	[tilespmem:s2+$0xFFFFFE00] =	vst v18  }
0xd5: {  	v18 =	vsel vm1, v20, v21;
	v15 =	vxor.u32 $0x80000000, v15;
	[tilespmem:s0+$0xFFFFFE00] =	vst v14;
	v14 =	vshrl.u32 v8, $0x2  }
0xd6: {  	v9 =	vcvt.f32.s32 v9;
	v20 =	vtrunc.f32 v12;
	v21 =	vshrl.u32 v18, $0x10;
	[tilespmem:s7+$0x0] =	vst v24  }
0xd7: {  	v20 =	vcvt.f32.s32 v20;
	v15 =	vsel vm2, v19, v15;
	v19 =	vcvt.s32.f32 v21;
	[tilespmem:s2+$0x0] =	vst v11  }
0xd8: {  	v9 =	vxor.u32 $0x80000000, v9;
	v11 =	vand.u32 $0xFFFF, v18;
	[tilespmem:s0+$0x0] =	vst v6;
	v6 =	vand.u32 $0x1FFFF, v14  }
0xd9: {  	v9 =	vsel vm0, v20, v9;
	v11 =	vcvt.s32.f32 v11;
	v14 =	vshrl.u32 v15, $0x10  }
0xda: {  	v20 =	vshrl.u32 v9, $0x10;
	v19 =	vmul.f32 $6.553600000e+04, v19;
	v14 =	vcvt.s32.f32 v14  }
0xdb: {  	v22 =	vand.u32 $0xFFFF, v15;
	v21 =	vand.u32 $0xFFFF, v9;
	v20 =	vcvt.s32.f32 v20  }
0xdc: {  	v11 =	vadd.f32 v11, v19;
	v19 =	vcvt.s32.f32 v22;
	v14 =	vmul.f32 $6.553600000e+04, v14  }
0xdd: {  	v21 =	vcvt.s32.f32 v21;
	v6 =	vor.u32 v2, v6;
	v20 =	vmul.f32 $6.553600000e+04, v20  }
0xde: {  	v8 =	vshll.u32 v8, $0x1;
	v22 =	vsub.f32 v26, v11;
	v11 =	vadd.f32 v19, v14  }
0xdf: {  	v14 =	vadd.f32 v21, v20;
	v19 =	vor.u32 v2, v25;
	v20 =	vand.u32 $0x6, v8  }
0xe0: {  	v5 =	vmul.f32 v3, v5;
	v8 =	vmul.u32 $0x9E3779B1, v18;
	v3 =	vsub.f32 v27, v11;
	[tilespmem:s7+$0x200] =	vst v19  }
0xe1: {  	v18 =	vadd.s32 $0x1, v9;
	v14 =	vsub.f32 v12, v14;
	v12 =	vmul.u32 $0x30025795, v15;
	[tilespmem:s2+$0x200] =	vst v10  }
0xe2: {  	v15 =	vadd.s32 $0x9E3779B1, v8;
	v11 =	vxor.u32 v9, v8;
	v10 =	vxor.u32 v18, v8;
	[tilespmem:s0+$0x200] =	vst v7  }
0xe3: {  	v9 =	vxor.u32 v9, v15;
	v19 =	vsub.f32 $1.000000000e+00, v14;
	v7 =	vsub.f32 $1.000000000e+00, v22;
	[tilespmem:s7+$0x400] =	vst v16  }
0xe4: {  	v23 =	vxor.u32 v12, v11;
	v8 =	vxor.u32 v18, v15;
	v24 =	vxor.u32 v12, v10;
	[tilespmem:s2+$0x400] =	vst v17  }
0xe5: {  	v18 =	vxor.u32 v12, v8;
	v17 =	vsub.f32 $1.000000000e+00, v3;
	v15 =	vmul.f32 v7, v19;
	[tilespmem:s0+$0x400] =	vst v13  }
0xe6: {  	v26 =	vshll.u32 v18, $0x1;
	v7 =	vmul.f32 v7, v14;
	v13 =	vshrl.u32 v24, $0x2;
	[tilespmem:s7+$0x600] =	vst v6  }
0xe7: {  	v16 =	vmul.f32 v17, v15;
	v21 =	vand.u32 $0x1FFFF, v13;
	v6 =	vmul.f32 v15, v3;
	[tilespmem:s2+$0x600] =	vst v20  }
0xe8: {  	v18 =	vshrl.u32 v18, $0x2;
	v13 =	vmul.f32 v22, v19;
	v20 =	vshrl.u32 v23, $0x2;
	[tilespmem:s0+$0x600] =	vst v5  }
0xe9: {  	v15 =	vshll.u32 v24, $0x1;
	v21 =	vor.u32 v2, v21;
	v5 =	vmul.f32 v22, v14  }
.Ltmp1:
0xea: {  	s7 =	sadd.s32 $0x10, s7;
	v19 =	vand.u32 $0x6, v15;
	v14 =	vxor.u32 v12, v9;
	v15 =	vmul.f32 v17, v13;
	(pc) =	sbr.rel @p0 .LBB2_6-.Ltmp1, $4  }
0xeb: {  	s2 =	sadd.s32 $0x10, s2;
	v24 =	vand.u32 $0x1FFFF, v20;
	v20 =	vshrl.u32 v14, $0x2;
	v14 =	vshll.u32 v14, $0x1  }
0xec: {  	s0 =	sadd.s32 $0x10, s0;
	v22 =	vand.u32 $0x1FFFF, v20;
	v20 =	vand.u32 $0x6, v14;
	v14 =	vmul.f32 v17, v5  }
0xed: {  	v25 =	vshll.u32 v23, $0x1;
	v18 =	vand.u32 $0x1FFFF, v18;
	v23 =	vor.u32 v2, v22  }
0xee: {  	s29 =	sadd.s32 $0x10, s29;
	v25 =	vand.u32 $0x6, v25;
	v22 =	vor.u32 v2, v18;
	v18 =	vand.u32 $0x6, v26  }
0xef: {  	v4 =	vor.u32 v2, v24  }
0xf0: {  	[tilespmem:s7+$0xFFFFF800] =	vst v4  }
0xf1: {  	[tilespmem:s2+$0xFFFFF800] =	vst v25  }
0xf2: {  	[tilespmem:s0+$0xFFFFF800] =	vst v16  }
0xf3: {  	v4 =	vmul.f32 v17, v7;
	[tilespmem:s7+$0xFFFFFA00] =	vst v21  }
0xf4: {  	[tilespmem:s2+$0xFFFFFA00] =	vst v19  }
0xf5: {  	[tilespmem:s0+$0xFFFFFA00] =	vst v4  }
0xf6: {  	[tilespmem:s7+$0xFFFFFC00] =	vst v23  }
0xf7: {  	v4 =	vadd.s32 $0x30025795, v12;
	[tilespmem:s2+$0xFFFFFC00] =	vst v20  }
0xf8: {  	v11 =	vxor.u32 v11, v4;
	[tilespmem:s0+$0xFFFFFC00] =	vst v15  }
0xf9: {  	v12 =	vshrl.u32 v11, $0x2;
	[tilespmem:s7+$0xFFFFFE00] =	vst v22  }
0xfa: {  	v12 =	vand.u32 $0x1FFFF, v12;
	[tilespmem:s2+$0xFFFFFE00] =	vst v18  }
0xfb: {  	v10 =	vxor.u32 v10, v4;
	v11 =	vshll.u32 v11, $0x1;
	v12 =	vor.u32 v2, v12;
	[tilespmem:s0+$0xFFFFFE00] =	vst v14  }
0xfc: {  	v11 =	vand.u32 $0x6, v11;
	v14 =	vshrl.u32 v10, $0x2;
	[tilespmem:s7+$0x0] =	vst v12  }
0xfd: {  	v12 =	vand.u32 $0x1FFFF, v14;
	[tilespmem:s2+$0x0] =	vst v11  }
0xfe: {  	v9 =	vxor.u32 v4, v9;
	v10 =	vshll.u32 v10, $0x1;
	[tilespmem:s0+$0x0] =	vst v6;
	v6 =	vor.u32 v2, v12  }
0xff: {  	v7 =	vmul.f32 v7, v3;
	v10 =	vand.u32 $0x6, v10;
	v11 =	vshrl.u32 v9, $0x2;
	[tilespmem:s7+$0x200] =	vst v6  }
0x100: {  	v6 =	vand.u32 $0x1FFFF, v11;
	[tilespmem:s2+$0x200] =	vst v10  }
0x101: {  	v4 =	vxor.u32 v4, v8;
	v9 =	vshll.u32 v9, $0x1;
	v6 =	vor.u32 v2, v6;
	[tilespmem:s0+$0x200] =	vst v7  }
0x102: {  	v8 =	vand.u32 $0x6, v9;
	v9 =	vshrl.u32 v4, $0x2;
	v7 =	vmul.f32 v3, v13;
	[tilespmem:s7+$0x400] =	vst v6  }
0x103: {  	v6 =	vand.u32 $0x1FFFF, v9;
	[tilespmem:s2+$0x400] =	vst v8  }
0x104: {  	v4 =	vshll.u32 v4, $0x1;
	v2 =	vor.u32 v2, v6;
	[tilespmem:s0+$0x400] =	vst v7  }
0x105: {  	v4 =	vand.u32 $0x6, v4;
	v3 =	vmul.f32 v3, v5;
	[tilespmem:s7+$0x600] =	vst v2  }
0x106: {  	p0 =	seq.s32 s25, $0x0;
	[tilespmem:s2+$0x600] =	vst v4  }
0x107: {  	[tilespmem:s0+$0x600] =	vst v3;
	s0 =	simm.s32 @!p0 $0x3  }
0x108: {  	[tilespmem:s14], [sflag:$0x2] =	stream.indirect.gather [hbm4b:s4+s10], $0x8, s13, s10, $0xb8;
	[tilespmem:$0x16E00] =	vst v63  }
0x109: {  	_ =	swait.ge @!p0 [sflag:s0], $0x400  }
0x10a: {  	[sflag:s0] =	ssyncset.done @!p0 $0x0  }
0x10b: {  	[sflag:s0] =	ssyncadd.s32 @!p0 $0xFFFFFC00  }
0x10c: {  	_ =	swait.ge [sflag:s15], $0x8000  }
0x10d: {  	[sflag:s15] =	ssyncset.done $0x0  }
0x10e: {  	s22 =	simm.s32 $0x2E00;
	s29 =	simm.s32 $0x800;
	[sflag:s15] =	ssyncadd.s32 $0xFFFF8000  }
0x10f: {  	v6 =	vmov s29;
	v9 =	vld [tilespmem:s22+$0xFFFFF800]  }
0x110: {  	s21 =	simm.s32 $0x200;
	s1 =	simm.s32 $0x400;
	v6 =	vshll.u32 v6, $0x3;
	v11 =	vld [tilespmem:s22+$0xFFFFFA00]  }
0x111: {  	s9 =	simm.s32 $0x600;
	v10 =	vmov s1;
	v8 =	vmov s21;
	v13 =	vor.u32 v1, v6;
	v6 =	vld [tilespmem:s22+$0x400]  }
0x112: {  	s30 =	simm.s32 $0xA00;
	v5 =	vmov s9;
	v10 =	vshll.u32 v10, $0x3;
	v8 =	vshll.u32 v8, $0x3;
	v17 =	vld [tilespmem:s22+$0xFFFFFE00]  }
0x113: {  	v5 =	vshll.u32 v5, $0x3;
	v7 =	vmov s30;
	v16 =	vor.u32 v1, v8;
	v8 =	vld [tilespmem:s22+$0x600]  }
0x114: {  	s6 =	simm.s32 $0xE00;
	v10 =	vor.u32 v1, v10;
	v19 =	vor.u32 v1, v5;
	v7 =	vshll.u32 v7, $0x3;
	s2 =	simm.s32 $0x0;
	v20 =	vld [tilespmem:s22+$0x0]  }
0x115: {  	s3 =	simm.s32 $0xC00;
	v4 =	vmov s6;
	v15 =	vor.u32 v1, v7;
	v2 =	vmov s2;
	v21 =	vld [tilespmem:s22+$0x200]  }
0x116: {  	v3 =	vmov s3;
	v4 =	vshll.u32 v4, $0x3;
	v2 =	vshll.u32 v2, $0x3  }
0x117: {  	v3 =	vshll.u32 v3, $0x3;
	v12 =	vor.u32 v1, v4;
	v2 =	vor.u32 v1, v2  }
0x118: {  	v3 =	vor.u32 v1, v3;
	v4 =	vadd.s32 $0x1, v9;
	v18 =	vadd.s32 $0x1, v11  }
0x119: {  	v14 =	vld [tilespmem:s22+$0xFFFFFC00];
	v22 =	vand.u32 $0x7, v6;
	v23 =	vadd.s32 $0x1, v17;
	v24 =	vand.u32 $0xFFFFFFF8, v8  }
0x11a: {  	v26 =	vadd.s32 $0x1, v20;
	v27 =	vand.u32 $0x7, v8;
	v28 =	vadd.s32 $0x1, v21  }
0x11b: {  	v30 =	vand.u32 $0xFFFFFFF8, v6;
	v31 =	vadd.s32 $0x1, v6;
	v7 =	vand.u32 $0xFFFFFFF8, v4  }
0x11c: {  	v8 =	vadd.s32 $0x1, v8;
	v4 =	vand.u32 $0x7, v4;
	v7 =	vadd.s32 v2, v7  }
0x11d: {  	v34 =	vand.u32 $0x7, v21;
	v5 =	vand.u32 $0xFFFFFFF8, v18;
	v4 =	vor.u32 v4, v7  }
0x11e: {  	v5 =	vadd.s32 v16, v5;
	v7 =	vand.u32 $0x7, v18;
	v18 =	vadd.s32 $0x1, v14  }
0x11f: {  	v21 =	vand.u32 $0xFFFFFFF8, v21;
	v5 =	vor.u32 v7, v5;
	v7 =	vand.u32 $0xFFFFFFF8, v18  }
0x120: {  	v61 =	vand.u32 $0x7, v20;
	v18 =	vand.u32 $0x7, v18;
	v7 =	vadd.s32 v10, v7  }
0x121: {  	v20 =	vand.u32 $0xFFFFFFF8, v20;
	v7 =	vor.u32 v18, v7;
	v18 =	vand.u32 $0xFFFFFFF8, v23  }
0x122: {  	s3 =	simm.s32 $0x4E00;
	v33 =	vand.u32 $0x7, v8;
	v23 =	vand.u32 $0x7, v23;
	v18 =	vadd.s32 v19, v18;
	v25 =	vld.idx.msk [tilespmem:v4+s12+$0x0], $0xffff  }
0x123: {  	s29 =	simm.s32 $0xA10;
	v4 =	vld [tilespmem:s3+$0xFFFFF800];
	v18 =	vor.u32 v23, v18;
	v23 =	vand.u32 $0xFFFFFFF8, v26;
	v26 =	vand.u32 $0x7, v26  }
0x124: {  	v29 =	vld.idx.msk [tilespmem:v5+s12+$0x0], $0xffff;
	v23 =	vadd.s32 v13, v23;
	v13 =	vadd.s32 v13, v20;
	v20 =	vmov s29  }
0x125: {  	v5 =	vld [tilespmem:s3+$0xFFFFFA00];
	v23 =	vor.u32 v26, v23;
	v26 =	vand.u32 $0xFFFFFFF8, v28;
	v13 =	vor.u32 v61, v13  }
0x126: {  	v20 =	vshll.u32 v20, $0x3;
	v32 =	vld.idx.msk [tilespmem:v7+s12+$0x0], $0xffff;
	v7 =	vand.u32 $0x7, v28;
	v26 =	vadd.s32 v15, v26  }
0x127: {  	v6 =	vld [tilespmem:s3+$0xFFFFFC00];
	v28 =	vand.u32 $0x7, v31;
	v26 =	vor.u32 v7, v26;
	v7 =	vand.u32 $0xFFFFFFF8, v31  }
0x128: {  	v15 =	vadd.s32 v15, v21;
	v25 =	vmul.f32 v25, v4;
	v18 =	vld.idx.msk [tilespmem:v18+s12+$0x0], $0xffff;
	v31 =	vadd.s32 v3, v7  }
0x129: {  	v15 =	vor.u32 v34, v15;
	v7 =	vld [tilespmem:s3+$0xFFFFFE00];
	v3 =	vadd.s32 v3, v30;
	v28 =	vor.u32 v28, v31  }
0x12a: {  	v31 =	vand.u32 $0xFFFFFFF8, v8;
	v29 =	vmul.f32 v29, v5;
	v8 =	vld [tilespmem:s3+$0x0];
	v25 =	vadd.f32 $0.0e+00, v25  }
0x12b: {  	v20 =	vor.u32 v1, v20;
	v3 =	vor.u32 v22, v3;
	v22 =	vld [tilespmem:s3+$0x400];
	v31 =	vadd.s32 v12, v31  }
0x12c: {  	v23 =	vld.idx.msk [tilespmem:v23+s12+$0x0], $0xffff;
	v12 =	vadd.s32 v12, v24;
	v24 =	vmul.f32 v32, v6;
	v25 =	vadd.f32 v29, v25  }
0x12d: {  	v30 =	vand.u32 $0xFFFFFFF8, v11;
	v31 =	vor.u32 v33, v31;
	v12 =	vor.u32 v27, v12;
	v26 =	vld.idx.msk [tilespmem:v26+s12+$0x0], $0xffff  }
0x12e: {  	v29 =	vld [tilespmem:s3+$0x200];
	v18 =	vmul.f32 v18, v7;
	v21 =	vadd.f32 v24, v25;
	v24 =	vand.u32 $0x7, v17  }
0x12f: {  	v15 =	vld.idx.msk [tilespmem:v15+s12+$0x0], $0xffff;
	v17 =	vand.u32 $0xFFFFFFF8, v17;
	v25 =	vand.u32 $0x7, v14;
	v14 =	vand.u32 $0xFFFFFFF8, v14  }
0x130: {  	s1 =	simm.s32 $0x810;
	v11 =	vand.u32 $0x7, v11;
	v27 =	vld.idx.msk [tilespmem:v28+s12+$0x0], $0xffff;
	v10 =	vadd.s32 v10, v14;
	v14 =	vadd.s32 v19, v17  }
0x131: {  	v3 =	vld.idx.msk [tilespmem:v3+s12+$0x0], $0xffff;
	v19 =	vmov s1;
	v18 =	vadd.f32 v18, v21;
	v21 =	vmul.f32 v23, v8  }
0x132: {  	s30 =	simm.s32 $0x410;
	v28 =	vld.idx.msk [tilespmem:v31+s12+$0x0], $0xffff;
	v31 =	vand.u32 $0x7, v9;
	v9 =	vand.u32 $0xFFFFFFF8, v9;
	v14 =	vor.u32 v24, v14  }
0x133: {  	v23 =	vld [tilespmem:s3+$0x600];
	v10 =	vor.u32 v25, v10;
	v24 =	vmov s30;
	v19 =	vshll.u32 v19, $0x3  }
0x134: {  	v12 =	vld.idx.msk [tilespmem:v12+s12+$0x0], $0xffff;
	s3 =	simm.s32 $0x2E10;
	v2 =	vadd.s32 v2, v9;
	v9 =	vadd.s32 v16, v30;
	v15 =	vmul.f32 v15, v29  }
0x135: {  	s6 =	simm.s32 $0x10;
	v25 =	vld [tilespmem:s3+$0x400];
	v24 =	vshll.u32 v24, $0x3;
	v18 =	vadd.f32 v21, v18;
	v21 =	vmul.f32 v26, v29  }
0x136: {  	v19 =	vor.u32 v1, v19;
	v36 =	vld [tilespmem:s3+$0xFFFFFE00];
	v9 =	vor.u32 v11, v9;
	v11 =	vmov s6  }
0x137: {  	v38 =	vld [tilespmem:s3+$0x0];
	v11 =	vshll.u32 v11, $0x3;
	v17 =	vadd.f32 v21, v18;
	v18 =	vmul.f32 v27, v22  }
0x138: {  	v24 =	vor.u32 v1, v24;
	v3 =	vmul.f32 v3, v22;
	v27 =	vor.u32 v1, v11  }
0x139: {  	s7 =	simm.s32 $0xC10;
	s6 =	simm.s32 $0x210;
	v16 =	vadd.f32 v18, v17;
	v17 =	vmul.f32 v28, v23;
	v18 =	vor.u32 v31, v2  }
0x13a: {  	v2 =	vmul.f32 v12, v23;
	v12 =	vmov s7;
	v23 =	vmov s6  }
0x13b: {  	v22 =	vld [tilespmem:s3+$0x600];
	v31 =	vand.u32 $0x7, v25;
	v63 =	vand.u32 $0xFFFFFFF8, v25;
	v25 =	vadd.s32 $0x1, v25  }
0x13c: {  	v42 =	vadd.s32 $0x1, v36;
	v56 =	vand.u32 $0x7, v38;
	v45 =	vadd.s32 $0x1, v38  }
0x13d: {  	v26 =	vld [tilespmem:s3+$0xFFFFF800];
	v38 =	vand.u32 $0xFFFFFFF8, v38;
	v48 =	vand.u32 $0x7, v36;
	v11 =	vshll.u32 v23, $0x3  }
0x13e: {  	s9 =	simm.s32 $0xE10;
	s21 =	simm.s32 $0x610;
	v43 =	vand.u32 $0xFFFFFFF8, v42;
	v42 =	vand.u32 $0x7, v42;
	v21 =	vadd.f32 v17, v16  }
0x13f: {  	v28 =	vld [tilespmem:s3+$0xFFFFFA00];
	v16 =	vmov s9;
	v17 =	vmov s21;
	v29 =	vor.u32 v1, v11  }
0x140: {  	v39 =	vld.idx.msk [tilespmem:v13+s12+$0x0], $0xffff;
	v16 =	vshll.u32 v16, $0x3;
	v17 =	vshll.u32 v17, $0x3;
	v62 =	vand.u32 $0xFFFFFFF8, v22  }
0x141: {  	v40 =	vld.idx.msk [tilespmem:v14+s12+$0x0], $0xffff;
	v33 =	vand.u32 $0x7, v22;
	v22 =	vadd.s32 $0x1, v22;
	v23 =	vor.u32 v1, v16  }
0x142: {  	v11 =	vld [tilespmem:s3+$0x200];
	v30 =	vor.u32 v1, v17;
	v16 =	vadd.s32 $0x1, v26;
	v50 =	vand.u32 $0xFFFFFFF8, v22  }
0x143: {  	v17 =	vld [tilespmem:s3+$0xFFFFFC00];
	v22 =	vand.u32 $0x7, v22;
	v35 =	vand.u32 $0xFFFFFFF8, v16;
	v16 =	vand.u32 $0x7, v16  }
0x144: {  	v10 =	vld.idx.msk [tilespmem:v10+s12+$0x0], $0xffff;
	v37 =	vadd.s32 $0x1, v28;
	v43 =	vadd.s32 v30, v43;
	v50 =	vadd.s32 v23, v50  }
0x145: {  	v9 =	vld.idx.msk [tilespmem:v9+s12+$0x0], $0xffff;
	v23 =	vadd.s32 v23, v62;
	v35 =	vadd.s32 v27, v35;
	v52 =	vand.u32 $0xFFFFFFF8, v37  }
0x146: {  	s9 =	simm.s32 $0x4E10;
	v18 =	vld.idx.msk [tilespmem:v18+s12+$0x0], $0xffff;
	v13 =	vand.u32 $0x7, v37;
	v42 =	vor.u32 v42, v43;
	v22 =	vor.u32 v22, v50  }
0x147: {  	v62 =	vld [tilespmem:s9+$0x200];
	v16 =	vor.u32 v16, v35;
	v35 =	vadd.s32 v29, v52;
	v41 =	vand.u32 $0x7, v11  }
0x148: {  	v55 =	vand.u32 $0xFFFFFFF8, v11;
	v44 =	vadd.s32 $0x1, v11;
	v11 =	vld [tilespmem:s9+$0xFFFFF800];
	v53 =	vadd.s32 $0x1, v17  }
0x149: {  	v52 =	vld [tilespmem:s9+$0x600];
	v13 =	vor.u32 v13, v35;
	v60 =	vand.u32 $0x7, v17;
	v14 =	vand.u32 $0xFFFFFFF8, v53  }
0x14a: {  	v51 =	vand.u32 $0xFFFFFFF8, v17;
	v17 =	vld [tilespmem:s9+$0x0];
	v54 =	vand.u32 $0x7, v53;
	v14 =	vadd.s32 v24, v14  }
0x14b: {  	v36 =	vand.u32 $0xFFFFFFF8, v36;
	v12 =	vshll.u32 v12, $0x3;
	v42 =	vld.idx.msk [tilespmem:v42+s12+$0x0], $0xffff;
	v14 =	vor.u32 v54, v14  }
0x14c: {  	v57 =	vand.u32 $0xFFFFFFF8, v45;
	v45 =	vand.u32 $0x7, v45;
	v30 =	vadd.s32 v30, v36;
	v16 =	vld.idx.msk [tilespmem:v16+s12+$0x0], $0xffff  }
0x14d: {  	v59 =	vand.u32 $0xFFFFFFF8, v25;
	v43 =	vadd.s32 v19, v57;
	v30 =	vor.u32 v48, v30;
	v22 =	vld.idx.msk [tilespmem:v22+s12+$0x0], $0xffff  }
0x14e: {  	v12 =	vor.u32 v1, v12;
	v43 =	vor.u32 v45, v43;
	v47 =	vand.u32 $0xFFFFFFF8, v44;
	v46 =	vld.idx.msk [tilespmem:v13+s12+$0x0], $0xffff  }
0x14f: {  	v19 =	vadd.s32 v19, v38;
	v44 =	vand.u32 $0x7, v44;
	v47 =	vadd.s32 v20, v47;
	v13 =	vld [tilespmem:s9+$0xFFFFFA00]  }
0x150: {  	v44 =	vor.u32 v44, v47;
	v24 =	vadd.s32 v24, v51;
	v51 =	vor.u32 v56, v19;
	v58 =	vld.idx.msk [tilespmem:v14+s12+$0x0], $0xffff  }
0x151: {  	v14 =	vld [tilespmem:s9+$0xFFFFFC00];
	v49 =	vmul.f32 v16, v11;
	v16 =	vand.u32 $0x7, v25;
	v25 =	vadd.s32 v12, v59  }
0x152: {  	v30 =	vld.idx.msk [tilespmem:v30+s12+$0x0], $0xffff;
	v25 =	vor.u32 v16, v25  }
0x153: {  	v43 =	vld.idx.msk [tilespmem:v43+s12+$0x0], $0xffff  }
0x154: {  	v12 =	vadd.s32 v12, v63;
	v16 =	vld [tilespmem:s9+$0xFFFFFE00];
	v46 =	vmul.f32 v46, v13;
	v49 =	vadd.f32 $0.0e+00, v49  }
0x155: {  	v61 =	vand.u32 $0xFFFFFFF8, v28;
	v44 =	vld.idx.msk [tilespmem:v44+s12+$0x0], $0xffff;
	v12 =	vor.u32 v31, v12;
	v31 =	vand.u32 $0x7, v26  }
0x156: {  	v34 =	vld.idx.msk [tilespmem:v51+s12+$0x0], $0xffff;
	v26 =	vand.u32 $0xFFFFFFF8, v26;
	v46 =	vadd.f32 v46, v49;
	v45 =	vmul.f32 v58, v14  }
0x157: {  	v28 =	vand.u32 $0x7, v28;
	v26 =	vadd.s32 v27, v26;
	v27 =	vadd.s32 v29, v61;
	v25 =	vld.idx.msk [tilespmem:v25+s12+$0x0], $0xffff  }
0x158: {  	v23 =	vor.u32 v33, v23;
	v27 =	vor.u32 v28, v27;
	v63 =	vadd.f32 v45, v46;
	v46 =	vld [tilespmem:s9+$0x400];
	s9 =	simm.s32 $0x2E20  }
0x159: {  	v5 =	vmul.f32 v9, v5;
	v9 =	vor.u32 v31, v26;
	v45 =	vmul.f32 v42, v16;
	v26 =	vld [tilespmem:s9+$0x600]  }
0x15a: {  	v20 =	vadd.s32 v20, v55;
	v31 =	vld [tilespmem:s9+$0x400]  }
0x15b: {  	s30 =	simm.s32 $0x420;
	v41 =	vor.u32 v41, v20;
	v50 =	vmul.f32 v43, v17;
	v35 =	vld [tilespmem:s9+$0xFFFFFA00];
	v20 =	vadd.f32 v45, v63  }
0x15c: {  	v4 =	vmul.f32 v18, v4;
	v29 =	vmov s30;
	v53 =	vmul.f32 v44, v62;
	v44 =	vld [tilespmem:s9+$0xFFFFFE00]  }
0x15d: {  	v10 =	vmul.f32 v10, v6;
	v29 =	vshll.u32 v29, $0x3;
	v27 =	vld.idx.msk [tilespmem:v27+s12+$0x0], $0xffff;
	v19 =	vadd.f32 v50, v20  }
0x15e: {  	v23 =	vld.idx.msk [tilespmem:v23+s12+$0x0], $0xffff;
	v4 =	vadd.f32 $0.0e+00, v4;
	v22 =	vmul.f32 v22, v52;
	v29 =	vor.u32 v1, v29  }
0x15f: {  	v17 =	vmul.f32 v34, v17;
	v12 =	vld.idx.msk [tilespmem:v12+s12+$0x0], $0xffff;
	v20 =	vor.u32 v60, v24;
	v18 =	vadd.f32 v53, v19  }
0x160: {  	v24 =	vld.idx.msk [tilespmem:v41+s12+$0x0], $0xffff;
	v19 =	vmul.f32 v25, v46;
	v41 =	vand.u32 $0x7, v26;
	v42 =	vand.u32 $0xFFFFFFF8, v31  }
0x161: {  	v55 =	vadd.s32 $0x1, v35;
	v59 =	vadd.s32 $0x1, v44;
	v51 =	vand.u32 $0x7, v44  }
0x162: {  	v44 =	vand.u32 $0xFFFFFFF8, v44;
	v27 =	vmul.f32 v27, v13;
	v13 =	vmul.f32 v30, v16  }
0x163: {  	v56 =	vand.u32 $0xFFFFFFF8, v55;
	v45 =	vand.u32 $0x7, v55;
	v60 =	vand.u32 $0xFFFFFFF8, v59  }
0x164: {  	s3 =	simm.s32 $0x620;
	v19 =	vadd.f32 v19, v18;
	v18 =	vmul.f32 v40, v7;
	v7 =	vadd.f32 v5, v4  }
0x165: {  	s6 =	simm.s32 $0x820;
	v4 =	vmul.f32 v23, v52;
	v5 =	vmul.f32 v12, v46;
	v12 =	vmov s3  }
0x166: {  	s29 =	simm.s32 $0xA20;
	v23 =	vmov s6;
	v40 =	vand.u32 $0xFFFFFFF8, v26;
	v26 =	vadd.s32 $0x1, v26  }
0x167: {  	v6 =	vmul.f32 v24, v62;
	v24 =	vmov s29;
	v12 =	vshll.u32 v12, $0x3  }
0x168: {  	s22 =	simm.s32 $0xC20;
	s21 =	simm.s32 $0x20;
	v23 =	vshll.u32 v23, $0x3;
	v25 =	vadd.f32 v22, v19;
	v19 =	vmul.f32 v39, v8  }
0x169: {  	s1 =	simm.s32 $0xE20;
	v32 =	vld [tilespmem:s9+$0xFFFFF800];
	v22 =	vadd.f32 v10, v7;
	v7 =	vmov s21;
	v8 =	vmov s22  }
0x16a: {  	v55 =	vld.idx.msk [tilespmem:v9+s12+$0x0], $0xffff;
	v10 =	vmov s1;
	v24 =	vshll.u32 v24, $0x3;
	v23 =	vor.u32 v1, v23  }
0x16b: {  	s21 =	simm.s32 $0x220;
	v38 =	vor.u32 v1, v12;
	v39 =	vand.u32 $0x7, v31;
	v31 =	vadd.s32 $0x1, v31  }
0x16c: {  	v7 =	vshll.u32 v7, $0x3;
	v28 =	vmov s21;
	v8 =	vshll.u32 v8, $0x3  }
0x16d: {  	v20 =	vld.idx.msk [tilespmem:v20+s12+$0x0], $0xffff;
	v10 =	vshll.u32 v10, $0x3;
	v24 =	vor.u32 v1, v24;
	v33 =	vor.u32 v1, v7  }
0x16e: {  	v12 =	vld [tilespmem:s9+$0x0];
	v7 =	vshll.u32 v28, $0x3;
	v28 =	vor.u32 v1, v10;
	v36 =	vor.u32 v1, v8  }
0x16f: {  	s21 =	simm.s32 $0x230;
	v8 =	vld [tilespmem:s9+$0x200];
	v11 =	vmul.f32 v55, v11;
	v37 =	vor.u32 v1, v7;
	v7 =	vadd.s32 $0x1, v32  }
0x170: {  	v10 =	vld [tilespmem:s9+$0xFFFFFC00];
	v22 =	vadd.f32 v18, v22;
	v30 =	vmov s21;
	v54 =	vand.u32 $0xFFFFFFF8, v7  }
0x171: {  	v7 =	vand.u32 $0x7, v7;
	v11 =	vadd.f32 $0.0e+00, v11;
	v43 =	vadd.s32 v33, v54  }
0x172: {  	v20 =	vmul.f32 v20, v14;
	v22 =	vadd.f32 v19, v22;
	v7 =	vor.u32 v7, v43  }
0x173: {  	v49 =	vand.u32 $0x7, v12;
	v62 =	vadd.s32 $0x1, v12;
	v43 =	vadd.s32 v37, v56  }
0x174: {  	v53 =	vand.u32 $0xFFFFFFF8, v12;
	v12 =	vand.u32 $0x7, v62;
	v43 =	vor.u32 v45, v43  }
0x175: {  	s31 =	simm.s32 $0x4E20;
	v46 =	vand.u32 $0x7, v8;
	v57 =	vadd.s32 $0x1, v10;
	v61 =	vadd.s32 $0x1, v8  }
0x176: {  	v58 =	vand.u32 $0xFFFFFFF8, v57;
	v54 =	vand.u32 $0xFFFFFFF8, v61;
	v9 =	vand.u32 $0x7, v61;
	v61 =	vld [tilespmem:s31+$0x200]  }
0x177: {  	v45 =	vand.u32 $0xFFFFFFF8, v8;
	v47 =	vand.u32 $0x7, v57;
	v48 =	vadd.s32 v29, v58;
	v52 =	vld.idx.msk [tilespmem:v7+s12+$0x0], $0xffff  }
0x178: {  	v8 =	vand.u32 $0x7, v59;
	v47 =	vor.u32 v47, v48;
	v48 =	vadd.s32 v38, v60;
	v7 =	vld [tilespmem:s31+$0xFFFFF800]  }
0x179: {  	v27 =	vadd.f32 v27, v11;
	v48 =	vor.u32 v8, v48;
	v8 =	vand.u32 $0xFFFFFFF8, v62;
	v43 =	vld.idx.msk [tilespmem:v43+s12+$0x0], $0xffff  }
0x17a: {  	v56 =	vand.u32 $0x7, v10;
	v57 =	vand.u32 $0xFFFFFFF8, v26;
	v63 =	vadd.s32 v23, v8;
	v8 =	vld [tilespmem:s31+$0xFFFFFA00]  }
0x17b: {  	v23 =	vadd.s32 v23, v53;
	v53 =	vld [tilespmem:s31+$0x600];
	v50 =	vor.u32 v12, v63;
	v12 =	vadd.s32 v24, v54  }
0x17c: {  	v58 =	vand.u32 $0xFFFFFFF8, v10;
	v10 =	vand.u32 $0x7, v26;
	v54 =	vor.u32 v9, v12;
	v9 =	vld [tilespmem:s31+$0xFFFFFC00]  }
0x17d: {  	v57 =	vadd.s32 v28, v57;
	v28 =	vadd.s32 v28, v40;
	v12 =	vand.u32 $0xFFFFFFF8, v31;
	v47 =	vld.idx.msk [tilespmem:v47+s12+$0x0], $0xffff  }
0x17e: {  	v31 =	vand.u32 $0x7, v31;
	v12 =	vadd.s32 v36, v12;
	v52 =	vmul.f32 v52, v7;
	v48 =	vld.idx.msk [tilespmem:v48+s12+$0x0], $0xffff  }
0x17f: {  	v60 =	vand.u32 $0x7, v32;
	v28 =	vor.u32 v41, v28;
	v31 =	vor.u32 v31, v12;
	v12 =	vld [tilespmem:s31+$0xFFFFFE00]  }
0x180: {  	v24 =	vadd.s32 v24, v45;
	v43 =	vmul.f32 v43, v8;
	v52 =	vadd.f32 $0.0e+00, v52;
	v26 =	vld.idx.msk [tilespmem:v50+s12+$0x0], $0xffff  }
0x181: {  	v32 =	vand.u32 $0xFFFFFFF8, v32;
	v24 =	vor.u32 v46, v24;
	v50 =	vor.u32 v10, v57;
	v10 =	vld [tilespmem:s31+$0x0]  }
0x182: {  	v38 =	vadd.s32 v38, v44;
	v63 =	vld [tilespmem:s31+$0x400];
	v43 =	vadd.f32 v43, v52;
	v47 =	vmul.f32 v47, v9  }
0x183: {  	v29 =	vadd.s32 v29, v58;
	v38 =	vor.u32 v51, v38;
	v36 =	vadd.s32 v36, v42;
	v59 =	vld.idx.msk [tilespmem:v54+s12+$0x0], $0xffff  }
0x184: {  	v28 =	vld.idx.msk [tilespmem:v28+s12+$0x0], $0xffff;
	v36 =	vor.u32 v39, v36;
	v62 =	vmul.f32 v48, v12;
	v43 =	vadd.f32 v47, v43  }
0x185: {  	v15 =	vadd.f32 v15, v22;
	v32 =	vadd.s32 v33, v32;
	v29 =	vor.u32 v56, v29;
	v31 =	vld.idx.msk [tilespmem:v31+s12+$0x0], $0xffff  }
0x186: {  	v32 =	vor.u32 v60, v32;
	v24 =	vld.idx.msk [tilespmem:v24+s12+$0x0], $0xffff;
	v26 =	vmul.f32 v26, v10;
	v48 =	vadd.f32 v62, v43  }
0x187: {  	v23 =	vor.u32 v49, v23;
	v57 =	vand.u32 $0xFFFFFFF8, v35;
	v35 =	vand.u32 $0x7, v35;
	v50 =	vld.idx.msk [tilespmem:v50+s12+$0x0], $0xffff  }
0x188: {  	s1 =	simm.s32 $0xC30;
	v14 =	vld.idx.msk [tilespmem:v38+s12+$0x0], $0xffff;
	v57 =	vadd.s32 v37, v57;
	v54 =	vmul.f32 v59, v61;
	v26 =	vadd.f32 v26, v48  }
0x189: {  	s29 =	simm.s32 $0x16800;
	v19 =	vadd.f32 v20, v27;
	v27 =	vmov s1;
	s1 =	simm.s32 $0x430;
	v33 =	vor.u32 v35, v57;
	v58 =	vld.idx.msk [tilespmem:v36+s12+$0x0], $0xffff  }
0x18a: {  	s30 =	simm.s32 $0xA30;
	[tilespmem:s29+$0x0] =	vst v21;
	v21 =	vmov s1;
	v16 =	vld.idx.msk [tilespmem:v29+s12+$0x0], $0xffff;
	v31 =	vmul.f32 v31, v63;
	v26 =	vadd.f32 v54, v26  }
0x18b: {  	s3 =	simm.s32 $0xE30;
	v29 =	vmov s30;
	v22 =	vld.idx.msk [tilespmem:v32+s12+$0x0], $0xffff;
	v32 =	vshll.u32 v27, $0x3;
	v24 =	vmul.f32 v24, v61  }
0x18c: {  	s7 =	simm.s32 $0x2E30;
	s6 =	simm.s32 $0x630;
	v18 =	vld.idx.msk [tilespmem:v23+s12+$0x0], $0xffff;
	v61 =	vmov s3;
	v59 =	vmul.f32 v50, v53;
	v26 =	vadd.f32 v31, v26  }
0x18d: {  	v11 =	vmul.f32 v28, v53;
	v28 =	vld [tilespmem:s7+$0x600];
	v62 =	vmov s6;
	v35 =	vshll.u32 v61, $0x3  }
0x18e: {  	s22 =	simm.s32 $0x30;
	s9 =	simm.s32 $0x830;
	s30 =	simm.s32 $0x16810;
	v20 =	vld.idx.msk [tilespmem:v33+s12+$0x0], $0xffff;
	v33 =	vshll.u32 v21, $0x3;
	v23 =	vmul.f32 v58, v63;
	v60 =	vadd.f32 v59, v26  }
0x18f: {  	s2 =	simm.s32 $0x16820;
	[tilespmem:s30+$0x0] =	vst v25;
	v63 =	vmov s9;
	v31 =	vshll.u32 v29, $0x3;
	v29 =	vld [tilespmem:s7+$0x400];
	v26 =	vmov s22  }
0x190: {  	s0 =	simm.s32 $0x16820;
	v25 =	vld [tilespmem:s7+$0xFFFFF800];
	v34 =	vshll.u32 v62, $0x3;
	v36 =	vshll.u32 v63, $0x3;
	s22 =	simm.s32 $0x40;
	v26 =	vshll.u32 v26, $0x3;
	[tilespmem:s2+$0x0] =	vst v60  }
.LBB2_8:
0x191: {  	p1 =	slt.u32 s22, $0x1F0;
	v27 =	vor.u32 v1, v26;
	v30 =	vshll.u32 v30, $0x3;
	v37 =	vld [tilespmem:s7+$0x200];
	v35 =	vor.u32 v1, v35;
	v21 =	vmovc v5;
	v5 =	vmovc v23  }
0x192: {  	v36 =	vor.u32 v1, v36;
	v31 =	vor.u32 v1, v31;
	v32 =	vor.u32 v1, v32;
	v26 =	vmovc v6;
	v38 =	vld [tilespmem:s7+$0xFFFFFA00]  }
0x193: {  	v6 =	vmovc v24;
	v23 =	vor.u32 v1, v30;
	v30 =	vor.u32 v1, v33;
	v33 =	vor.u32 v1, v34  }
0x194: {  	v39 =	vand.u32 $0xFFFFFFF8, v28;
	v40 =	vand.u32 $0x7, v28;
	v24 =	vld [tilespmem:s7+$0xFFFFFC00];
	v34 =	vand.u32 $0x7, v29  }
0x195: {  	v28 =	vadd.s32 $0x1, v28;
	v43 =	vand.u32 $0xFFFFFFF8, v29;
	v41 =	vadd.s32 $0x1, v25;
	v42 =	vld [tilespmem:s7+$0x0]  }
0x196: {  	v29 =	vadd.s32 $0x1, v29;
	v44 =	vand.u32 $0xFFFFFFF8, v41;
	v45 =	vld [tilespmem:s7+$0xFFFFFE00];
	v46 =	vand.u32 $0x7, v37  }
0x197: {  	v41 =	vand.u32 $0x7, v41;
	v44 =	vadd.s32 v27, v44;
	v47 =	vadd.s32 $0x1, v38  }
0x198: {  	v48 =	vand.u32 $0xFFFFFFF8, v37;
	v41 =	vor.u32 v41, v44;
	v44 =	vand.u32 $0xFFFFFFF8, v47  }
0x199: {  	v47 =	vand.u32 $0x7, v47;
	v44 =	vadd.s32 v23, v44;
	v49 =	vadd.s32 $0x1, v24  }
0x19a: {  	v44 =	vor.u32 v47, v44;
	v47 =	vand.u32 $0xFFFFFFF8, v49;
	v50 =	vand.u32 $0x7, v42  }
0x19b: {  	v49 =	vand.u32 $0x7, v49;
	v47 =	vadd.s32 v30, v47;
	v51 =	vadd.s32 $0x1, v45  }
0x19c: {  	v37 =	vadd.s32 $0x1, v37;
	v47 =	vor.u32 v49, v47;
	v49 =	vand.u32 $0xFFFFFFF8, v51  }
0x19d: {  	s31 =	sadd.s32 $0x10, s31;
	v52 =	vadd.s32 $0x1, v42;
	v51 =	vand.u32 $0x7, v51;
	v41 =	vld.idx.msk [tilespmem:v41+s12+$0x0], $0xffff;
	v49 =	vadd.s32 v33, v49  }
0x19e: {  	v42 =	vand.u32 $0xFFFFFFF8, v42;
	v53 =	vld [tilespmem:s31+$0xFFFFF800];
	v49 =	vor.u32 v51, v49;
	v51 =	vand.u32 $0xFFFFFFF8, v52  }
0x19f: {  	v54 =	vand.u32 $0x7, v45;
	v52 =	vand.u32 $0x7, v52;
	v44 =	vld.idx.msk [tilespmem:v44+s12+$0x0], $0xffff;
	v51 =	vadd.s32 v36, v51  }
0x1a0: {  	v45 =	vand.u32 $0xFFFFFFF8, v45;
	v55 =	vld [tilespmem:s31+$0xFFFFFA00];
	v51 =	vor.u32 v52, v51;
	v52 =	vand.u32 $0xFFFFFFF8, v37  }
0x1a1: {  	v56 =	vand.u32 $0x7, v24;
	v37 =	vand.u32 $0x7, v37;
	v47 =	vld.idx.msk [tilespmem:v47+s12+$0x0], $0xffff;
	v52 =	vadd.s32 v31, v52  }
0x1a2: {  	v24 =	vand.u32 $0xFFFFFFF8, v24;
	v57 =	vld [tilespmem:s31+$0xFFFFFC00];
	v37 =	vor.u32 v37, v52;
	v52 =	vand.u32 $0xFFFFFFF8, v29  }
0x1a3: {  	v29 =	vand.u32 $0x7, v29;
	v41 =	vmul.f32 v41, v53;
	v49 =	vld.idx.msk [tilespmem:v49+s12+$0x0], $0xffff;
	v52 =	vadd.s32 v32, v52  }
0x1a4: {  	v58 =	vld [tilespmem:s31+$0xFFFFFE00];
	v29 =	vor.u32 v29, v52;
	v52 =	vand.u32 $0xFFFFFFF8, v28;
	v28 =	vand.u32 $0x7, v28  }
0x1a5: {  	v41 =	vadd.f32 $0.0e+00, v41;
	v44 =	vmul.f32 v44, v55;
	v51 =	vld.idx.msk [tilespmem:v51+s12+$0x0], $0xffff;
	v52 =	vadd.s32 v35, v52  }
0x1a6: {  	v59 =	vand.u32 $0xFFFFFFF8, v38;
	v38 =	vand.u32 $0x7, v38;
	v60 =	vld [tilespmem:s31+$0x0];
	v28 =	vor.u32 v28, v52  }
0x1a7: {  	v52 =	vand.u32 $0x7, v25;
	v41 =	vadd.f32 v44, v41;
	v44 =	vmul.f32 v47, v57;
	v37 =	vld.idx.msk [tilespmem:v37+s12+$0x0], $0xffff  }
0x1a8: {  	v32 =	vadd.s32 v32, v43;
	v35 =	vadd.s32 v35, v39;
	v25 =	vand.u32 $0xFFFFFFF8, v25;
	v47 =	vld [tilespmem:s31+$0x200]  }
0x1a9: {  	v35 =	vor.u32 v40, v35;
	v39 =	vadd.f32 v44, v41;
	v41 =	vmul.f32 v49, v58;
	v29 =	vld.idx.msk [tilespmem:v29+s12+$0x0], $0xffff  }
0x1aa: {  	v36 =	vadd.s32 v36, v42;
	v31 =	vadd.s32 v31, v48;
	v32 =	vor.u32 v34, v32;
	v40 =	vld [tilespmem:s31+$0x400]  }
0x1ab: {  	v31 =	vor.u32 v46, v31;
	v34 =	vadd.f32 v41, v39;
	v39 =	vmul.f32 v51, v60;
	v28 =	vld.idx.msk [tilespmem:v28+s12+$0x0], $0xffff  }
0x1ac: {  	v24 =	vadd.s32 v30, v24;
	v30 =	vadd.s32 v33, v45;
	v33 =	vor.u32 v50, v36;
	v36 =	vld [tilespmem:s31+$0x600]  }
0x1ad: {  	v30 =	vor.u32 v54, v30;
	v34 =	vadd.f32 v39, v34;
	v37 =	vmul.f32 v37, v47  }
0x1ae: {  	v23 =	vadd.s32 v23, v59;
	v24 =	vor.u32 v56, v24;
	v25 =	vadd.s32 v27, v25;
	v27 =	vld.idx.msk [tilespmem:v35+s12+$0x0], $0xffff  }
0x1af: {  	v23 =	vor.u32 v38, v23;
	v34 =	vadd.f32 v37, v34;
	v32 =	vld.idx.msk [tilespmem:v32+s12+$0x0], $0xffff;
	v29 =	vmul.f32 v29, v40  }
0x1b0: {  	v8 =	vmul.f32 v20, v8;
	v25 =	vor.u32 v52, v25;
	v35 =	vmul.f32 v22, v7;
	v31 =	vld.idx.msk [tilespmem:v31+s12+$0x0], $0xffff  }
0x1b1: {  	v9 =	vmul.f32 v16, v9;
	v33 =	vld.idx.msk [tilespmem:v33+s12+$0x0], $0xffff;
	v20 =	vadd.f32 v29, v34;
	v22 =	vmul.f32 v28, v36  }
0x1b2: {  	v19 =	vadd.f32 v13, v19;
	v13 =	vmul.f32 v14, v12;
	v7 =	vmovc v53;
	v28 =	vadd.f32 $0.0e+00, v35;
	v14 =	vld.idx.msk [tilespmem:v30+s12+$0x0], $0xffff  }
0x1b3: {  	v3 =	vadd.f32 v3, v15;
	v29 =	vmul.f32 v18, v10;
	v16 =	vld.idx.msk [tilespmem:v24+s12+$0x0], $0xffff;
	v12 =	vadd.f32 v22, v20  }
0x1b4: {  	s2 =	sadd.s32 $0x10, s2;
	v15 =	vadd.f32 v17, v19;
	v27 =	vmul.f32 v27, v36;
	v10 =	vadd.f32 v8, v28;
	v20 =	vld.idx.msk [tilespmem:v23+s12+$0x0], $0xffff  }
0x1b5: {  	v2 =	vadd.f32 v2, v3;
	v8 =	vmov v55;
	v23 =	vmul.f32 v32, v40;
	v22 =	vld.idx.msk [tilespmem:v25+s12+$0x0], $0xffff;
	[tilespmem:s2+$0x0] =	vst v12  }
0x1b6: {  	s1 =	sadd.s32 $0xC00, s22;
	s3 =	sadd.s32 $0xE00, s22;
	s6 =	sadd.s32 $0x600, s22;
	v15 =	vadd.f32 v26, v15;
	v24 =	vmul.f32 v31, v47;
	v19 =	vadd.f32 v9, v10;
	v9 =	vmovc v57  }
.Ltmp2:
0x1b7: {  	s9 =	sadd.s32 $0x800, s22;
	s21 =	sadd.s32 $0xA00, s22;
	v3 =	vmov s22;
	v34 =	vmov s3;
	v25 =	vmov s1;
	[tilespmem:s29+$0xFFFFFE00] =	vst v2;
	(pc) =	sbr.rel @p1 .LBB2_8-.Ltmp2, $4  }
0x1b8: {  	s7 =	sadd.s32 $0x10, s7;
	v38 =	vmov s21;
	v37 =	vmov s9;
	s3 =	sadd.s32 $0x400, s22;
	v36 =	vmov s6;
	s1 =	sadd.s32 $0x200, s22;
	v12 =	vmovc v58;
	v10 =	vmovc v60  }
0x1b9: {  	v26 =	vshll.u32 v3, $0x3;
	v39 =	vmov s3;
	v17 =	vmovc v29;
	v30 =	vmov s1;
	v18 =	vmovc v33;
	s29 =	smov.u32 s30;
	s30 =	smov.u32 s0;
	s0 =	smov.u32 s2;
	v28 =	vld [tilespmem:s7+$0x600]  }
0x1ba: {  	v35 =	vshll.u32 v34, $0x3;
	v31 =	vshll.u32 v38, $0x3;
	v32 =	vshll.u32 v25, $0x3;
	v2 =	vmovc v4;
	v4 =	vmovc v11;
	v29 =	vld [tilespmem:s7+$0x400]  }
0x1bb: {  	v3 =	vmovc v21;
	v34 =	vshll.u32 v36, $0x3;
	v36 =	vshll.u32 v37, $0x3;
	s22 =	sadd.s32 $0x10, s22;
	v33 =	vshll.u32 v39, $0x3;
	v11 =	vmovc v27;
	v25 =	vld [tilespmem:s7+$0xFFFFF800]  }
0x1bc: {  	v21 =	vor.u32 v1, v26;
	v57 =	vshll.u32 v30, $0x3;
	v27 =	vld [tilespmem:s7+$0x200];
	v30 =	vor.u32 v1, v35  }
0x1bd: {  	v35 =	vld [tilespmem:s7+$0xFFFFFA00];
	v36 =	vor.u32 v1, v36;
	v31 =	vor.u32 v1, v31;
	v32 =	vor.u32 v1, v32  }
0x1be: {  	v33 =	vor.u32 v1, v33;
	v34 =	vor.u32 v1, v34;
	v37 =	vld [tilespmem:s7+$0xFFFFFC00];
	v7 =	vmul.f32 v22, v7  }
0x1bf: {  	v44 =	vld [tilespmem:s7+$0xFFFFFE00];
	v8 =	vmul.f32 v20, v8;
	v9 =	vmul.f32 v16, v9;
	v26 =	vor.u32 v1, v57  }
0x1c0: {  	v46 =	vld [tilespmem:s7+$0x0];
	v39 =	vand.u32 $0xFFFFFFF8, v28;
	v40 =	vand.u32 $0x7, v28;
	v38 =	vand.u32 $0x7, v29  }
0x1c1: {  	v42 =	vand.u32 $0xFFFFFFF8, v29;
	v29 =	vadd.s32 $0x1, v29;
	v41 =	vadd.s32 $0x1, v25  }
0x1c2: {  	v28 =	vadd.s32 $0x1, v28;
	v63 =	vand.u32 $0xFFFFFFF8, v29;
	v43 =	vand.u32 $0xFFFFFFF8, v41  }
0x1c3: {  	v45 =	vand.u32 $0x7, v27;
	v41 =	vand.u32 $0x7, v41;
	v47 =	vadd.s32 $0x1, v35  }
0x1c4: {  	v48 =	vadd.s32 $0x1, v37;
	v49 =	vand.u32 $0xFFFFFFF8, v27;
	v50 =	vadd.s32 $0x1, v44  }
0x1c5: {  	v52 =	vadd.s32 $0x1, v46;
	v27 =	vadd.s32 $0x1, v27;
	v54 =	vand.u32 $0xFFFFFFF8, v44  }
0x1c6: {  	v56 =	vand.u32 $0x7, v37;
	v37 =	vand.u32 $0xFFFFFFF8, v37;
	v43 =	vadd.s32 v21, v43  }
0x1c7: {  	v58 =	vand.u32 $0xFFFFFFF8, v47;
	v47 =	vand.u32 $0x7, v47;
	v59 =	vand.u32 $0xFFFFFFF8, v48  }
0x1c8: {  	v48 =	vand.u32 $0x7, v48;
	v60 =	vand.u32 $0xFFFFFFF8, v50;
	v50 =	vand.u32 $0x7, v50  }
0x1c9: {  	v61 =	vand.u32 $0xFFFFFFF8, v52;
	v52 =	vand.u32 $0x7, v52;
	v62 =	vand.u32 $0xFFFFFFF8, v27  }
0x1ca: {  	s22 =	sadd.s32 $0x10, s31;
	v41 =	vor.u32 v41, v43;
	v43 =	vadd.s32 v26, v58;
	v58 =	vand.u32 $0xFFFFFFF8, v25  }
0x1cb: {  	v53 =	vld [tilespmem:s22+$0xFFFFF800];
	v43 =	vor.u32 v47, v43;
	v47 =	vadd.s32 v33, v59;
	v21 =	vadd.s32 v21, v58  }
0x1cc: {  	v55 =	vld [tilespmem:s22+$0xFFFFFA00];
	v33 =	vadd.s32 v33, v37;
	v47 =	vor.u32 v48, v47;
	v48 =	vadd.s32 v34, v60  }
0x1cd: {  	v57 =	vld [tilespmem:s22+$0xFFFFFC00];
	v60 =	vand.u32 $0x7, v25;
	v33 =	vor.u32 v56, v33;
	v56 =	vand.u32 $0x7, v44  }
0x1ce: {  	v58 =	vld [tilespmem:s22+$0xFFFFFE00];
	v48 =	vor.u32 v50, v48;
	v50 =	vadd.s32 v36, v61;
	v61 =	vand.u32 $0xFFFFFFF8, v35  }
0x1cf: {  	v44 =	vld [tilespmem:s22+$0x600];
	v21 =	vor.u32 v60, v21;
	v35 =	vand.u32 $0x7, v35;
	v50 =	vor.u32 v52, v50  }
0x1d0: {  	v52 =	vadd.s32 v31, v62;
	v62 =	vand.u32 $0xFFFFFFF8, v28;
	v26 =	vadd.s32 v26, v61;
	v41 =	vld.idx.msk [tilespmem:v41+s12+$0x0], $0xffff  }
0x1d1: {  	v27 =	vand.u32 $0x7, v27;
	v26 =	vor.u32 v35, v26;
	v25 =	vadd.s32 v30, v62;
	v62 =	vld [tilespmem:s22+$0x400]  }
0x1d2: {  	v29 =	vand.u32 $0x7, v29;
	v27 =	vor.u32 v27, v52;
	v52 =	vadd.s32 v32, v63;
	v43 =	vld.idx.msk [tilespmem:v43+s12+$0x0], $0xffff  }
0x1d3: {  	v12 =	vmul.f32 v14, v12;
	v51 =	vand.u32 $0x7, v46;
	v29 =	vor.u32 v29, v52;
	v52 =	vld [tilespmem:s22+$0x0]  }
0x1d4: {  	v46 =	vand.u32 $0xFFFFFFF8, v46;
	v59 =	vadd.s32 v34, v54;
	v28 =	vand.u32 $0x7, v28;
	v21 =	vld.idx.msk [tilespmem:v21+s12+$0x0], $0xffff  }
0x1d5: {  	v36 =	vadd.s32 v36, v46;
	v25 =	vor.u32 v28, v25;
	v28 =	vor.u32 v56, v59;
	v47 =	vld.idx.msk [tilespmem:v47+s12+$0x0], $0xffff  }
0x1d6: {  	v10 =	vmul.f32 v18, v10;
	v36 =	vor.u32 v51, v36;
	v41 =	vmul.f32 v41, v53;
	v26 =	vld.idx.msk [tilespmem:v26+s12+$0x0], $0xffff  }
0x1d7: {  	v3 =	vadd.f32 v3, v15;
	v7 =	vadd.f32 $0.0e+00, v7;
	v30 =	vadd.s32 v30, v39;
	v39 =	vld.idx.msk [tilespmem:v33+s12+$0x0], $0xffff  }
0x1d8: {  	v31 =	vadd.s32 v31, v49;
	v48 =	vld.idx.msk [tilespmem:v48+s12+$0x0], $0xffff;
	v43 =	vmul.f32 v43, v55;
	v41 =	vadd.f32 $0.0e+00, v41  }
0x1d9: {  	v32 =	vadd.s32 v32, v42;
	v31 =	vor.u32 v45, v31;
	v50 =	vld.idx.msk [tilespmem:v50+s12+$0x0], $0xffff;
	v21 =	vmul.f32 v21, v53  }
0x1da: {  	v7 =	vadd.f32 v8, v7;
	v32 =	vor.u32 v38, v32;
	v63 =	vadd.f32 v43, v41;
	v43 =	vld.idx.msk [tilespmem:v28+s12+$0x0], $0xffff  }
0x1db: {  	v45 =	vld.idx.msk [tilespmem:v36+s12+$0x0], $0xffff;
	v47 =	vmul.f32 v47, v57;
	v26 =	vmul.f32 v26, v55;
	v21 =	vadd.f32 $0.0e+00, v21  }
0x1dc: {  	v2 =	vadd.f32 v2, v3;
	v7 =	vadd.f32 v9, v7;
	v46 =	vor.u32 v40, v30;
	v27 =	vld.idx.msk [tilespmem:v27+s12+$0x0], $0xffff  }
0x1dd: {  	v41 =	vld [tilespmem:s22+$0x200];
	v60 =	vadd.f32 v47, v63;
	v47 =	vmul.f32 v39, v57;
	v21 =	vadd.f32 v26, v21  }
0x1de: {  	v7 =	vadd.f32 v12, v7;
	v61 =	vmul.f32 v48, v58;
	v48 =	vld.idx.msk [tilespmem:v31+s12+$0x0], $0xffff;
	v63 =	vmul.f32 v50, v52  }
0x1df: {  	v29 =	vld.idx.msk [tilespmem:v29+s12+$0x0], $0xffff;
	v50 =	vadd.f32 v13, v19;
	v51 =	vmul.f32 v43, v58;
	v53 =	vadd.f32 v47, v21  }
0x1e0: {  	v7 =	vadd.f32 v10, v7;
	v54 =	vld.idx.msk [tilespmem:v32+s12+$0x0], $0xffff;
	v34 =	vadd.f32 v61, v60  }
0x1e1: {  	v25 =	vld.idx.msk [tilespmem:v25+s12+$0x0], $0xffff;
	v56 =	vmul.f32 v45, v52;
	v9 =	vadd.f32 v17, v50;
	v13 =	vadd.f32 v51, v53  }
0x1e2: {  	v7 =	vadd.f32 v24, v7;
	v8 =	vld.idx.msk [tilespmem:v46+s12+$0x0], $0xffff;
	v27 =	vmul.f32 v27, v41;
	v42 =	vadd.f32 v63, v34  }
0x1e3: {  	v58 =	vmul.f32 v48, v41;
	v6 =	vadd.f32 v6, v9;
	v59 =	vadd.f32 v56, v13  }
0x1e4: {  	v3 =	vadd.f32 v23, v7;
	v29 =	vmul.f32 v29, v62;
	v27 =	vadd.f32 v27, v42  }
0x1e5: {  	v60 =	vmul.f32 v54, v62;
	v5 =	vadd.f32 v5, v6;
	v61 =	vadd.f32 v58, v59  }
0x1e6: {  	[tilespmem:s29+$0xFFFFFE00] =	vst v2;
	v2 =	vadd.f32 v11, v3;
	v55 =	vmul.f32 v25, v44;
	v49 =	vadd.f32 v29, v27  }
0x1e7: {  	p1 =	seq.s32 s25, $0xF;
	v62 =	vmul.f32 v8, v44;
	v4 =	vadd.f32 v4, v5;
	v63 =	vadd.f32 v60, v61  }
.Ltmp3:
0x1e8: {  	s29 =	sshll.u32 s25, $0x14;
	[tilespmem:s0+$0xFFFFFE00] =	vst v2;
	v57 =	vadd.f32 v55, v49;
	(pc) =	sbr.rel @p1 .LBB2_13-.Ltmp3, $4  }
0x1e9: {  	s1 =	sadd.s32 $0x10, s2;
	s2 =	sadd.s32 s24, s29;
	[tilespmem:s30+$0xFFFFFE00] =	vst v4;
	v3 =	vadd.f32 v62, v63  }
0x1ea: {  	s31 =	sshrl.u32 s2, $0x3;
	[tilespmem:s1+$0x0] =	vst v57  }
0x1eb: {  	s0 =	sadd.s32 s5, s31;
	[tilespmem:s1+$0xFFFFFE00] =	vst v3  }
0x1ec: {  	[hbm4b:s0+s16] =	stream.strided.scatter [tilespmem:s17], [sflag:$0x3], $0x400, s8, s16, $0x38;
	[tilespmem:$0x16E00] =	vst v63  }
0x1ed: {  	s0 =	simm.s32 $0x200  }
0x1ee: {  	v2 =	vld [tilespmem:s0+$0x0]  }
0x1ef: {  	v3 =	vld [tilespmem:s0+$0x200]  }
0x1f0: {  	s1 =	sor.u32 $0x40800000, s28;
	v5 =	vld [tilespmem:s0+$0xFFFFFE00]  }
0x1f1: {  	v4 =	vmov s1  }
0x1f2: {  	v4 =	vbroadcast v4, $0x0;
	_ =	sdelay $0x1  }
0x1f3: {  	v6 =	vmul.f32 v2, v4  }
0x1f4: {  	v3 =	vmul.f32 v3, v4;
	v5 =	vmul.f32 v5, v4  }
0x1f5: {  	v2 =	vsub.f32 v6, v0;
	v7 =	vtrunc.f32 v6  }
0x1f6: {  	v8 =	vtrunc.f32 v3;
	v9 =	vsub.f32 v3, v0;
	vm0 =	vlt.f32 v5, $2.147483650e+09  }
0x1f7: {  	v10 =	vsub.f32 v5, v0;
	v7 =	vcvt.f32.s32 v7;
	v2 =	vtrunc.f32 v2  }
0x1f8: {  	vm1 =	vlt.f32 v6, $2.147483650e+09;
	v9 =	vtrunc.f32 v9;
	v2 =	vcvt.f32.s32 v2  }
0x1f9: {  	vm2 =	vlt.f32 v3, $2.147483650e+09;
	v10 =	vtrunc.f32 v10;
	v9 =	vcvt.f32.s32 v9  }
0x1fa: {  	v8 =	vcvt.f32.s32 v8;
	v10 =	vcvt.f32.s32 v10;
	v2 =	vxor.u32 $0x80000000, v2  }
0x1fb: {  	v9 =	vxor.u32 $0x80000000, v9;
	v7 =	vsel vm1, v7, v2;
	v2 =	vtrunc.f32 v5  }
0x1fc: {  	v8 =	vsel vm2, v8, v9;
	v11 =	vshrl.u32 v7, $0x10;
	v2 =	vcvt.f32.s32 v2  }
0x1fd: {  	v10 =	vxor.u32 $0x80000000, v10;
	v12 =	vand.u32 $0xFFFF, v8;
	v9 =	vcvt.s32.f32 v11  }
0x1fe: {  	v11 =	vand.u32 $0xFFFF, v7;
	v12 =	vcvt.s32.f32 v12;
	v13 =	vsel vm0, v2, v10  }
0x1ff: {  	v2 =	vshrl.u32 v8, $0x10;
	v10 =	vcvt.s32.f32 v11;
	v11 =	vshrl.u32 v13, $0x10  }
0x200: {  	v2 =	vcvt.s32.f32 v2;
	v14 =	vand.u32 $0xFFFF, v13;
	v11 =	vcvt.s32.f32 v11  }
0x201: {  	v9 =	vmul.f32 $6.553600000e+04, v9;
	v14 =	vcvt.s32.f32 v14  }
0x202: {  	s31 =	sshll.u32 s25, $0x12;
	v2 =	vmul.f32 $6.553600000e+04, v2;
	v11 =	vmul.f32 $6.553600000e+04, v11  }
0x203: {  	s0 =	sadd.s32 $0x40000, s31;
	v9 =	vadd.f32 v10, v9  }
0x204: {  	v10 =	vadd.f32 v12, v2;
	v2 =	vmov s0;
	v11 =	vadd.f32 v14, v11  }
0x205: {  	v12 =	vmul.u32 $0x30025795, v8;
	v14 =	vsub.f32 v6, v9;
	v6 =	vmul.u32 $0x9E3779B1, v7  }
0x206: {  	v7 =	vadd.s32 $0x1, v13;
	v3 =	vsub.f32 v3, v10;
	v5 =	vsub.f32 v5, v11  }
0x207: {  	v8 =	vadd.s32 $0x9E3779B1, v6;
	v11 =	vxor.u32 v13, v6;
	v10 =	vxor.u32 v7, v6  }
0x208: {  	v6 =	vsub.f32 $1.000000000e+00, v14;
	v9 =	vxor.u32 v13, v8;
	v18 =	vxor.u32 v12, v11  }
0x209: {  	v19 =	vxor.u32 v12, v10;
	v8 =	vxor.u32 v7, v8;
	v15 =	vsub.f32 $1.000000000e+00, v5  }
0x20a: {  	v17 =	vsub.f32 $1.000000000e+00, v3;
	v20 =	vxor.u32 v12, v8;
	v7 =	vmul.f32 v6, v5  }
0x20b: {  	v22 =	vshrl.u32 v18, $0x2;
	v5 =	vmul.f32 v14, v5;
	v13 =	vmul.f32 v6, v15  }
0x20c: {  	v18 =	vshll.u32 v18, $0x1;
	v26 =	vshll.u32 v20, $0x1;
	v25 =	vshrl.u32 v20, $0x2  }
0x20d: {  	v24 =	vand.u32 $0x1FFFF, v22;
	v6 =	vshrl.u32 v19, $0x2;
	v16 =	vmul.f32 v17, v13  }
0x20e: {  	v21 =	vand.u32 $0x1FFFF, v6;
	v6 =	vmul.f32 v13, v3;
	v13 =	vmul.f32 v14, v15  }
0x20f: {  	v21 =	vor.u32 v2, v21;
	v15 =	vshll.u32 v19, $0x1;
	v14 =	vxor.u32 v12, v9  }
0x210: {  	v19 =	vand.u32 $0x6, v15;
	v20 =	vshrl.u32 v14, $0x2;
	v14 =	vshll.u32 v14, $0x1  }
0x211: {  	v15 =	vmul.f32 v17, v13;
	v22 =	vand.u32 $0x1FFFF, v20;
	v20 =	vand.u32 $0x6, v14  }
0x212: {  	s2 =	simm.s32 $0x2E00;
	s7 =	simm.s32 $0xE00;
	v14 =	vmul.f32 v17, v5;
	v23 =	vor.u32 v2, v22;
	v22 =	vand.u32 $0x1FFFF, v25  }
0x213: {  	s22 =	simm.s32 $0x0;
	s28 =	simm.s32 $0x210;
	s0 =	simm.s32 $0x4E00;
	v25 =	vand.u32 $0x6, v18;
	v18 =	vand.u32 $0x6, v26;
	v22 =	vor.u32 v2, v22  }
.LBB2_11:
0x214: {  	v26 =	vld [tilespmem:s28+$0x0];
	s22 =	sadd.s32 $0x10, s22;
	v12 =	vadd.s32 $0x30025795, v12;
	v24 =	vor.u32 v2, v24;
	v17 =	vmul.f32 v17, v7  }
0x215: {  	v27 =	vld [tilespmem:s28+$0x200];
	p1 =	slt.u32 s22, $0x1F0;
	v11 =	vxor.u32 v11, v12;
	v10 =	vxor.u32 v10, v12;
	v9 =	vxor.u32 v12, v9  }
0x216: {  	v28 =	vld [tilespmem:s28+$0xFFFFFE00];
	v29 =	vshrl.u32 v11, $0x2;
	v11 =	vshll.u32 v11, $0x1;
	v30 =	vshrl.u32 v9, $0x2  }
0x217: {  	[tilespmem:s7+$0xFFFFF800] =	vst v24;
	v24 =	vand.u32 $0x1FFFF, v29;
	v11 =	vand.u32 $0x6, v11;
	v29 =	vshrl.u32 v10, $0x2  }
0x218: {  	v13 =	vmul.f32 v3, v13;
	[tilespmem:s2+$0xFFFFF800] =	vst v25;
	v24 =	vor.u32 v2, v24;
	v25 =	vand.u32 $0x1FFFF, v29  }
0x219: {  	v9 =	vshll.u32 v9, $0x1;
	v26 =	vmul.f32 v26, v4;
	[tilespmem:s0+$0xFFFFF800] =	vst v16;
	v16 =	vand.u32 $0x1FFFF, v30  }
0x21a: {  	v8 =	vxor.u32 v12, v8;
	v27 =	vmul.f32 v27, v4;
	[tilespmem:s7+$0xFFFFFA00] =	vst v21;
	v16 =	vor.u32 v2, v16  }
0x21b: {  	v12 =	vmul.f32 v28, v4;
	v21 =	vtrunc.f32 v26;
	v28 =	vsub.f32 v26, v0;
	[tilespmem:s2+$0xFFFFFA00] =	vst v19  }
0x21c: {  	v19 =	vtrunc.f32 v27;
	v29 =	vsub.f32 v27, v0;
	[tilespmem:s0+$0xFFFFFA00] =	vst v17;
	v17 =	vand.u32 $0x6, v9  }
0x21d: {  	vm0 =	vlt.f32 v12, $2.147483650e+09;
	v9 =	vsub.f32 v12, v0;
	v28 =	vtrunc.f32 v28;
	[tilespmem:s7+$0xFFFFFC00] =	vst v23  }
0x21e: {  	v10 =	vshll.u32 v10, $0x1;
	v19 =	vcvt.f32.s32 v19;
	v23 =	vtrunc.f32 v29;
	[tilespmem:s2+$0xFFFFFC00] =	vst v20  }
0x21f: {  	v10 =	vand.u32 $0x6, v10;
	v20 =	vcvt.f32.s32 v21;
	v21 =	vcvt.f32.s32 v28;
	[tilespmem:s0+$0xFFFFFC00] =	vst v15  }
0x220: {  	v7 =	vmul.f32 v7, v3;
	vm1 =	vlt.f32 v26, $2.147483650e+09;
	v15 =	vcvt.f32.s32 v23;
	[tilespmem:s7+$0xFFFFFE00] =	vst v22  }
0x221: {  	vm2 =	vlt.f32 v27, $2.147483650e+09;
	v9 =	vtrunc.f32 v9;
	v21 =	vxor.u32 $0x80000000, v21;
	[tilespmem:s2+$0xFFFFFE00] =	vst v18  }
0x222: {  	v18 =	vsel vm1, v20, v21;
	v15 =	vxor.u32 $0x80000000, v15;
	[tilespmem:s0+$0xFFFFFE00] =	vst v14;
	v14 =	vshrl.u32 v8, $0x2  }
0x223: {  	v9 =	vcvt.f32.s32 v9;
	v20 =	vtrunc.f32 v12;
	v21 =	vshrl.u32 v18, $0x10;
	[tilespmem:s7+$0x0] =	vst v24  }
0x224: {  	v20 =	vcvt.f32.s32 v20;
	v15 =	vsel vm2, v19, v15;
	v19 =	vcvt.s32.f32 v21;
	[tilespmem:s2+$0x0] =	vst v11  }
0x225: {  	v9 =	vxor.u32 $0x80000000, v9;
	v11 =	vand.u32 $0xFFFF, v18;
	[tilespmem:s0+$0x0] =	vst v6;
	v6 =	vand.u32 $0x1FFFF, v14  }
0x226: {  	v9 =	vsel vm0, v20, v9;
	v11 =	vcvt.s32.f32 v11;
	v14 =	vshrl.u32 v15, $0x10  }
0x227: {  	v20 =	vshrl.u32 v9, $0x10;
	v19 =	vmul.f32 $6.553600000e+04, v19;
	v14 =	vcvt.s32.f32 v14  }
0x228: {  	v22 =	vand.u32 $0xFFFF, v15;
	v21 =	vand.u32 $0xFFFF, v9;
	v20 =	vcvt.s32.f32 v20  }
0x229: {  	v11 =	vadd.f32 v11, v19;
	v19 =	vcvt.s32.f32 v22;
	v14 =	vmul.f32 $6.553600000e+04, v14  }
0x22a: {  	v21 =	vcvt.s32.f32 v21;
	v6 =	vor.u32 v2, v6;
	v20 =	vmul.f32 $6.553600000e+04, v20  }
0x22b: {  	v8 =	vshll.u32 v8, $0x1;
	v22 =	vsub.f32 v26, v11;
	v11 =	vadd.f32 v19, v14  }
0x22c: {  	v14 =	vadd.f32 v21, v20;
	v19 =	vor.u32 v2, v25;
	v20 =	vand.u32 $0x6, v8  }
0x22d: {  	v5 =	vmul.f32 v3, v5;
	v8 =	vmul.u32 $0x9E3779B1, v18;
	v3 =	vsub.f32 v27, v11;
	[tilespmem:s7+$0x200] =	vst v19  }
0x22e: {  	v18 =	vadd.s32 $0x1, v9;
	v14 =	vsub.f32 v12, v14;
	v12 =	vmul.u32 $0x30025795, v15;
	[tilespmem:s2+$0x200] =	vst v10  }
0x22f: {  	v15 =	vadd.s32 $0x9E3779B1, v8;
	v11 =	vxor.u32 v9, v8;
	v10 =	vxor.u32 v18, v8;
	[tilespmem:s0+$0x200] =	vst v7  }
0x230: {  	v9 =	vxor.u32 v9, v15;
	v19 =	vsub.f32 $1.000000000e+00, v14;
	v7 =	vsub.f32 $1.000000000e+00, v22;
	[tilespmem:s7+$0x400] =	vst v16  }
0x231: {  	v23 =	vxor.u32 v12, v11;
	v8 =	vxor.u32 v18, v15;
	v24 =	vxor.u32 v12, v10;
	[tilespmem:s2+$0x400] =	vst v17  }
0x232: {  	v18 =	vxor.u32 v12, v8;
	v17 =	vsub.f32 $1.000000000e+00, v3;
	v15 =	vmul.f32 v7, v19;
	[tilespmem:s0+$0x400] =	vst v13  }
0x233: {  	v26 =	vshll.u32 v18, $0x1;
	v7 =	vmul.f32 v7, v14;
	v13 =	vshrl.u32 v24, $0x2;
	[tilespmem:s7+$0x600] =	vst v6  }
0x234: {  	v16 =	vmul.f32 v17, v15;
	v21 =	vand.u32 $0x1FFFF, v13;
	v6 =	vmul.f32 v15, v3;
	[tilespmem:s2+$0x600] =	vst v20  }
0x235: {  	v18 =	vshrl.u32 v18, $0x2;
	v13 =	vmul.f32 v22, v19;
	v20 =	vshrl.u32 v23, $0x2;
	[tilespmem:s0+$0x600] =	vst v5  }
0x236: {  	v15 =	vshll.u32 v24, $0x1;
	v21 =	vor.u32 v2, v21;
	v5 =	vmul.f32 v22, v14  }
.Ltmp4:
0x237: {  	s7 =	sadd.s32 $0x10, s7;
	v19 =	vand.u32 $0x6, v15;
	v14 =	vxor.u32 v12, v9;
	v15 =	vmul.f32 v17, v13;
	(pc) =	sbr.rel @p1 .LBB2_11-.Ltmp4, $4  }
0x238: {  	s2 =	sadd.s32 $0x10, s2;
	v24 =	vand.u32 $0x1FFFF, v20;
	v20 =	vshrl.u32 v14, $0x2;
	v14 =	vshll.u32 v14, $0x1  }
0x239: {  	s0 =	sadd.s32 $0x10, s0;
	v22 =	vand.u32 $0x1FFFF, v20;
	v20 =	vand.u32 $0x6, v14;
	v14 =	vmul.f32 v17, v5  }
0x23a: {  	v25 =	vshll.u32 v23, $0x1;
	v18 =	vand.u32 $0x1FFFF, v18;
	v23 =	vor.u32 v2, v22  }
0x23b: {  	s28 =	sadd.s32 $0x10, s28;
	v25 =	vand.u32 $0x6, v25;
	v22 =	vor.u32 v2, v18;
	v18 =	vand.u32 $0x6, v26  }
0x23c: {  	v4 =	vor.u32 v2, v24  }
0x23d: {  	[tilespmem:s7+$0xFFFFF800] =	vst v4  }
0x23e: {  	[tilespmem:s2+$0xFFFFF800] =	vst v25  }
0x23f: {  	[tilespmem:s0+$0xFFFFF800] =	vst v16  }
0x240: {  	v51 =	vmul.f32 v17, v7;
	[tilespmem:s7+$0xFFFFFA00] =	vst v21  }
0x241: {  	[tilespmem:s2+$0xFFFFFA00] =	vst v19  }
0x242: {  	[tilespmem:s0+$0xFFFFFA00] =	vst v51  }
0x243: {  	[tilespmem:s7+$0xFFFFFC00] =	vst v23  }
0x244: {  	v52 =	vadd.s32 $0x30025795, v12;
	[tilespmem:s2+$0xFFFFFC00] =	vst v20  }
0x245: {  	v11 =	vxor.u32 v11, v52;
	[tilespmem:s0+$0xFFFFFC00] =	vst v15  }
0x246: {  	v53 =	vshrl.u32 v11, $0x2;
	[tilespmem:s7+$0xFFFFFE00] =	vst v22  }
0x247: {  	v12 =	vand.u32 $0x1FFFF, v53;
	[tilespmem:s2+$0xFFFFFE00] =	vst v18  }
0x248: {  	v10 =	vxor.u32 v10, v52;
	v11 =	vshll.u32 v11, $0x1;
	v12 =	vor.u32 v2, v12;
	[tilespmem:s0+$0xFFFFFE00] =	vst v14  }
0x249: {  	v54 =	vshrl.u32 v10, $0x2;
	v11 =	vand.u32 $0x6, v11;
	[tilespmem:s7+$0x0] =	vst v12  }
0x24a: {  	v55 =	vand.u32 $0x1FFFF, v54;
	[tilespmem:s2+$0x0] =	vst v11  }
0x24b: {  	v9 =	vxor.u32 v52, v9;
	v10 =	vshll.u32 v10, $0x1;
	v56 =	vor.u32 v2, v55;
	[tilespmem:s0+$0x0] =	vst v6  }
0x24c: {  	v58 =	vmul.f32 v7, v3;
	v57 =	vshrl.u32 v9, $0x2;
	v10 =	vand.u32 $0x6, v10;
	[tilespmem:s7+$0x200] =	vst v56  }
0x24d: {  	v59 =	vand.u32 $0x1FFFF, v57;
	[tilespmem:s2+$0x200] =	vst v10  }
0x24e: {  	v4 =	vxor.u32 v52, v8;
	v9 =	vshll.u32 v9, $0x1;
	v6 =	vor.u32 v2, v59;
	[tilespmem:s0+$0x200] =	vst v58  }
0x24f: {  	v60 =	vmul.f32 v3, v13;
	v62 =	vshrl.u32 v4, $0x2;
	v61 =	vand.u32 $0x6, v9;
	[tilespmem:s7+$0x400] =	vst v6  }
0x250: {  	v63 =	vand.u32 $0x1FFFF, v62;
	[tilespmem:s2+$0x400] =	vst v61  }
.Ltmp5:
0x251: {  	v4 =	vshll.u32 v4, $0x1;
	v2 =	vor.u32 v2, v63;
	[tilespmem:s0+$0x400] =	vst v60;
	(pc) =	sbr.rel @p0 .LBB2_14-.Ltmp5, $4  }
0x252: {  	v3 =	vmul.f32 v3, v5;
	v4 =	vand.u32 $0x6, v4;
	[tilespmem:s7+$0x600] =	vst v2  }
0x253: {  	[tilespmem:s2+$0x600] =	vst v4  }
0x254: {  	[tilespmem:s0+$0x600] =	vst v3  }
0x255: {  	[tilespmem:s12], [sflag:$0x1] =	stream.indirect.gather [hbm4b:s4+s10], $0x8, s11, s10, $0xb8;
	[tilespmem:$0x16E00] =	vst v63  }
.LBB2_13:
0x256: {  	_ =	swait.ge [sflag:s18], $0x400  }
0x257: {  	[sflag:s18] =	ssyncset.done $0x0  }
0x258: {  	[sflag:s18] =	ssyncadd.s32 $0xFFFFFC00  }
.LBB2_14:
0x259: {  	_ =	swait.ge [sflag:s19], $0x8000  }
0x25a: {  	[sflag:s19] =	ssyncset.done $0x0  }
0x25b: {  	s3 =	simm.s32 $0x3E00;
	s6 =	simm.s32 $0x800;
	[sflag:s19] =	ssyncadd.s32 $0xFFFF8000  }
0x25c: {  	s0 =	simm.s32 $0x0;
	s1 =	simm.s32 $0xC00;
	v6 =	vmov s6;
	v9 =	vld [tilespmem:s3+$0xFFFFF800]  }
0x25d: {  	s2 =	simm.s32 $0xE00;
	s31 =	simm.s32 $0x600;
	v2 =	vmov s0;
	v3 =	vmov s1;
	v6 =	vshll.u32 v6, $0x3;
	v11 =	vld [tilespmem:s3+$0xFFFFFA00]  }
0x25e: {  	s7 =	simm.s32 $0xA00;
	v4 =	vmov s2;
	v5 =	vmov s31;
	s1 =	simm.s32 $0x200;
	v13 =	vor.u32 v1, v6;
	v6 =	vld [tilespmem:s3+$0x400]  }
0x25f: {  	s2 =	simm.s32 $0x400;
	v7 =	vmov s7;
	v2 =	vshll.u32 v2, $0x3;
	v8 =	vmov s1;
	v17 =	vld [tilespmem:s3+$0xFFFFFE00]  }
0x260: {  	v10 =	vmov s2;
	v7 =	vshll.u32 v7, $0x3;
	v3 =	vshll.u32 v3, $0x3;
	v20 =	vld [tilespmem:s3+$0x0]  }
0x261: {  	v4 =	vshll.u32 v4, $0x3;
	v5 =	vshll.u32 v5, $0x3;
	v10 =	vshll.u32 v10, $0x3;
	v21 =	vld [tilespmem:s3+$0x200]  }
0x262: {  	v2 =	vor.u32 v1, v2;
	v8 =	vshll.u32 v8, $0x3;
	v12 =	vor.u32 v1, v4  }
0x263: {  	v15 =	vor.u32 v1, v7;
	v3 =	vor.u32 v1, v3;
	v19 =	vor.u32 v1, v5  }
0x264: {  	v14 =	vld [tilespmem:s3+$0xFFFFFC00];
	v16 =	vor.u32 v1, v8;
	v10 =	vor.u32 v1, v10;
	v4 =	vadd.s32 $0x1, v9  }
0x265: {  	v18 =	vadd.s32 $0x1, v11;
	v22 =	vand.u32 $0x7, v6;
	v23 =	vadd.s32 $0x1, v17  }
0x266: {  	v26 =	vadd.s32 $0x1, v20;
	v28 =	vadd.s32 $0x1, v21;
	v30 =	vand.u32 $0xFFFFFFF8, v6  }
0x267: {  	v31 =	vadd.s32 $0x1, v6;
	v7 =	vand.u32 $0xFFFFFFF8, v4;
	v5 =	vand.u32 $0xFFFFFFF8, v18  }
0x268: {  	v8 =	vld [tilespmem:s3+$0x600];
	v4 =	vand.u32 $0x7, v4;
	v7 =	vadd.s32 v2, v7;
	v5 =	vadd.s32 v16, v5  }
0x269: {  	v4 =	vor.u32 v4, v7;
	v7 =	vand.u32 $0x7, v18;
	v18 =	vadd.s32 $0x1, v14  }
0x26a: {  	v34 =	vand.u32 $0x7, v21;
	v5 =	vor.u32 v7, v5;
	v7 =	vand.u32 $0xFFFFFFF8, v18  }
0x26b: {  	v21 =	vand.u32 $0xFFFFFFF8, v21;
	v18 =	vand.u32 $0x7, v18;
	v7 =	vadd.s32 v10, v7  }
0x26c: {  	s7 =	simm.s32 $0x5E00;
	v61 =	vand.u32 $0x7, v20;
	v7 =	vor.u32 v18, v7;
	v18 =	vand.u32 $0xFFFFFFF8, v23  }
0x26d: {  	v6 =	vld [tilespmem:s7+$0xFFFFFC00];
	v24 =	vand.u32 $0xFFFFFFF8, v8;
	v23 =	vand.u32 $0x7, v23;
	v18 =	vadd.s32 v19, v18  }
0x26e: {  	v27 =	vand.u32 $0x7, v8;
	v8 =	vadd.s32 $0x1, v8;
	v25 =	vld.idx.msk [tilespmem:v4+s14+$0x0], $0xffff;
	v18 =	vor.u32 v23, v18  }
0x26f: {  	v20 =	vand.u32 $0xFFFFFFF8, v20;
	v33 =	vand.u32 $0x7, v8;
	v4 =	vld [tilespmem:s7+$0xFFFFF800];
	v23 =	vand.u32 $0xFFFFFFF8, v26  }
0x270: {  	v26 =	vand.u32 $0x7, v26;
	v29 =	vld.idx.msk [tilespmem:v5+s14+$0x0], $0xffff;
	v23 =	vadd.s32 v13, v23;
	v13 =	vadd.s32 v13, v20  }
0x271: {  	v5 =	vld [tilespmem:s7+$0xFFFFFA00];
	v23 =	vor.u32 v26, v23;
	v26 =	vand.u32 $0xFFFFFFF8, v28;
	v13 =	vor.u32 v61, v13  }
0x272: {  	v32 =	vld.idx.msk [tilespmem:v7+s14+$0x0], $0xffff;
	v7 =	vand.u32 $0x7, v28;
	v26 =	vadd.s32 v15, v26;
	v28 =	vand.u32 $0x7, v31  }
0x273: {  	v15 =	vadd.s32 v15, v21;
	v26 =	vor.u32 v7, v26;
	v7 =	vand.u32 $0xFFFFFFF8, v31;
	v18 =	vld.idx.msk [tilespmem:v18+s14+$0x0], $0xffff  }
0x274: {  	v15 =	vor.u32 v34, v15;
	v25 =	vmul.f32 v25, v4;
	v31 =	vadd.s32 v3, v7;
	v7 =	vld [tilespmem:s7+$0xFFFFFE00]  }
0x275: {  	v3 =	vadd.s32 v3, v30;
	v30 =	vand.u32 $0xFFFFFFF8, v11;
	v28 =	vor.u32 v28, v31  }
0x276: {  	v31 =	vand.u32 $0xFFFFFFF8, v8;
	v29 =	vmul.f32 v29, v5;
	v8 =	vld [tilespmem:s7+$0x0];
	v25 =	vadd.f32 $0.0e+00, v25  }
0x277: {  	v3 =	vor.u32 v22, v3;
	v22 =	vld [tilespmem:s7+$0x400];
	v31 =	vadd.s32 v12, v31;
	v12 =	vadd.s32 v12, v24  }
0x278: {  	v23 =	vld.idx.msk [tilespmem:v23+s14+$0x0], $0xffff;
	v31 =	vor.u32 v33, v31;
	v24 =	vmul.f32 v32, v6;
	v25 =	vadd.f32 v29, v25  }
0x279: {  	v11 =	vand.u32 $0x7, v11;
	v12 =	vor.u32 v27, v12;
	v29 =	vld [tilespmem:s7+$0x200];
	v18 =	vmul.f32 v18, v7  }
0x27a: {  	v15 =	vld.idx.msk [tilespmem:v15+s14+$0x0], $0xffff;
	v21 =	vadd.f32 v24, v25;
	v25 =	vand.u32 $0x7, v14;
	v14 =	vand.u32 $0xFFFFFFF8, v14  }
0x27b: {  	s6 =	simm.s32 $0x810;
	v26 =	vld.idx.msk [tilespmem:v26+s14+$0x0], $0xffff;
	v24 =	vand.u32 $0x7, v17;
	v17 =	vand.u32 $0xFFFFFFF8, v17;
	v10 =	vadd.s32 v10, v14  }
0x27c: {  	v27 =	vld.idx.msk [tilespmem:v28+s14+$0x0], $0xffff;
	v14 =	vadd.s32 v19, v17;
	v19 =	vmov s6;
	v18 =	vadd.f32 v18, v21  }
0x27d: {  	v28 =	vld.idx.msk [tilespmem:v31+s14+$0x0], $0xffff;
	v21 =	vmul.f32 v23, v8;
	v31 =	vand.u32 $0x7, v9;
	v9 =	vand.u32 $0xFFFFFFF8, v9  }
0x27e: {  	v3 =	vld.idx.msk [tilespmem:v3+s14+$0x0], $0xffff;
	v14 =	vor.u32 v24, v14;
	v10 =	vor.u32 v25, v10;
	v19 =	vshll.u32 v19, $0x3  }
0x27f: {  	v23 =	vld [tilespmem:s7+$0x600];
	s7 =	simm.s32 $0xA10;
	v2 =	vadd.s32 v2, v9;
	v9 =	vadd.s32 v16, v30;
	v15 =	vmul.f32 v15, v29  }
0x280: {  	s9 =	simm.s32 $0x10;
	v12 =	vld.idx.msk [tilespmem:v12+s14+$0x0], $0xffff;
	v20 =	vmov s7;
	v18 =	vadd.f32 v21, v18;
	v21 =	vmul.f32 v26, v29  }
0x281: {  	v19 =	vor.u32 v1, v19;
	v9 =	vor.u32 v11, v9;
	v11 =	vmov s9;
	s9 =	simm.s32 $0x3E10  }
0x282: {  	v20 =	vshll.u32 v20, $0x3;
	v36 =	vld [tilespmem:s9+$0xFFFFFE00];
	v17 =	vadd.f32 v21, v18;
	v18 =	vmul.f32 v27, v22  }
0x283: {  	v3 =	vmul.f32 v3, v22;
	v11 =	vshll.u32 v11, $0x3;
	v20 =	vor.u32 v1, v20;
	v38 =	vld [tilespmem:s9+$0x0]  }
0x284: {  	s21 =	simm.s32 $0xC10;
	v27 =	vor.u32 v1, v11;
	v16 =	vadd.f32 v18, v17;
	v17 =	vmul.f32 v28, v23  }
0x285: {  	v22 =	vld [tilespmem:s9+$0x600];
	v18 =	vor.u32 v31, v2;
	v2 =	vmul.f32 v12, v23;
	v12 =	vmov s21;
	s21 =	simm.s32 $0x210  }
0x286: {  	s22 =	simm.s32 $0xE10;
	s31 =	simm.s32 $0x610;
	v23 =	vmov s21;
	v12 =	vshll.u32 v12, $0x3;
	v21 =	vadd.f32 v17, v16  }
0x287: {  	v16 =	vmov s22;
	v17 =	vmov s31;
	v11 =	vshll.u32 v23, $0x3  }
0x288: {  	v26 =	vld [tilespmem:s9+$0xFFFFF800];
	s22 =	simm.s32 $0x410;
	v42 =	vadd.s32 $0x1, v36;
	v45 =	vadd.s32 $0x1, v38;
	v48 =	vand.u32 $0x7, v36  }
0x289: {  	v39 =	vld.idx.msk [tilespmem:v13+s14+$0x0], $0xffff;
	v36 =	vand.u32 $0xFFFFFFF8, v36;
	v24 =	vmov s22;
	v16 =	vshll.u32 v16, $0x3  }
0x28a: {  	v28 =	vld [tilespmem:s9+$0xFFFFFA00];
	v17 =	vshll.u32 v17, $0x3;
	v29 =	vor.u32 v1, v11;
	v62 =	vand.u32 $0xFFFFFFF8, v22  }
0x28b: {  	v25 =	vld [tilespmem:s9+$0x400];
	v33 =	vand.u32 $0x7, v22;
	v22 =	vadd.s32 $0x1, v22;
	v43 =	vand.u32 $0xFFFFFFF8, v42  }
0x28c: {  	v40 =	vld.idx.msk [tilespmem:v14+s14+$0x0], $0xffff;
	v42 =	vand.u32 $0x7, v42;
	v57 =	vand.u32 $0xFFFFFFF8, v45;
	v45 =	vand.u32 $0x7, v45  }
0x28d: {  	v10 =	vld.idx.msk [tilespmem:v10+s14+$0x0], $0xffff;
	v23 =	vor.u32 v1, v16;
	v30 =	vor.u32 v1, v17;
	v16 =	vadd.s32 $0x1, v26  }
0x28e: {  	v9 =	vld.idx.msk [tilespmem:v9+s14+$0x0], $0xffff;
	v50 =	vand.u32 $0xFFFFFFF8, v22;
	v22 =	vand.u32 $0x7, v22;
	v35 =	vand.u32 $0xFFFFFFF8, v16  }
0x28f: {  	v11 =	vld [tilespmem:s9+$0x200];
	v16 =	vand.u32 $0x7, v16;
	v37 =	vadd.s32 $0x1, v28;
	v43 =	vadd.s32 v30, v43  }
0x290: {  	v17 =	vld [tilespmem:s9+$0xFFFFFC00];
	v50 =	vadd.s32 v23, v50;
	v23 =	vadd.s32 v23, v62;
	v30 =	vadd.s32 v30, v36  }
0x291: {  	s31 =	simm.s32 $0x5E10;
	v18 =	vld.idx.msk [tilespmem:v18+s14+$0x0], $0xffff;
	v35 =	vadd.s32 v27, v35;
	v52 =	vand.u32 $0xFFFFFFF8, v37;
	v13 =	vand.u32 $0x7, v37  }
0x292: {  	v62 =	vld [tilespmem:s31+$0x200];
	v42 =	vor.u32 v42, v43;
	v43 =	vadd.s32 v19, v57;
	v22 =	vor.u32 v22, v50  }
0x293: {  	v30 =	vor.u32 v48, v30;
	v16 =	vor.u32 v16, v35;
	v35 =	vadd.s32 v29, v52;
	v52 =	vld [tilespmem:s31+$0x600]  }
0x294: {  	s21 =	simm.s32 $0x3E20;
	v41 =	vand.u32 $0x7, v11;
	v55 =	vand.u32 $0xFFFFFFF8, v11;
	v44 =	vadd.s32 $0x1, v11;
	v11 =	vld [tilespmem:s31+$0xFFFFF800]  }
0x295: {  	v24 =	vshll.u32 v24, $0x3;
	v43 =	vor.u32 v45, v43;
	v13 =	vor.u32 v13, v35;
	v35 =	vld [tilespmem:s21+$0xFFFFFA00]  }
0x296: {  	v53 =	vadd.s32 $0x1, v17;
	v60 =	vand.u32 $0x7, v17;
	v51 =	vand.u32 $0xFFFFFFF8, v17;
	v17 =	vld [tilespmem:s31+$0x0]  }
0x297: {  	v12 =	vor.u32 v1, v12;
	v24 =	vor.u32 v1, v24;
	v47 =	vand.u32 $0xFFFFFFF8, v44;
	v42 =	vld.idx.msk [tilespmem:v42+s14+$0x0], $0xffff  }
0x298: {  	v44 =	vand.u32 $0x7, v44;
	v14 =	vand.u32 $0xFFFFFFF8, v53;
	v47 =	vadd.s32 v20, v47;
	v22 =	vld.idx.msk [tilespmem:v22+s14+$0x0], $0xffff  }
0x299: {  	v54 =	vand.u32 $0x7, v53;
	v14 =	vadd.s32 v24, v14;
	v44 =	vor.u32 v44, v47;
	v30 =	vld.idx.msk [tilespmem:v30+s14+$0x0], $0xffff  }
0x29a: {  	v56 =	vand.u32 $0x7, v38;
	v38 =	vand.u32 $0xFFFFFFF8, v38;
	v14 =	vor.u32 v54, v14;
	v16 =	vld.idx.msk [tilespmem:v16+s14+$0x0], $0xffff  }
0x29b: {  	v31 =	vand.u32 $0x7, v25;
	v63 =	vand.u32 $0xFFFFFFF8, v25;
	v19 =	vadd.s32 v19, v38;
	v43 =	vld.idx.msk [tilespmem:v43+s14+$0x0], $0xffff  }
0x29c: {  	v25 =	vadd.s32 $0x1, v25;
	v24 =	vadd.s32 v24, v51;
	v51 =	vor.u32 v56, v19;
	v46 =	vld.idx.msk [tilespmem:v13+s14+$0x0], $0xffff  }
0x29d: {  	v59 =	vand.u32 $0xFFFFFFF8, v25;
	v10 =	vmul.f32 v10, v6;
	v61 =	vand.u32 $0xFFFFFFF8, v28;
	v13 =	vld [tilespmem:s31+$0xFFFFFA00]  }
0x29e: {  	v28 =	vand.u32 $0x7, v28;
	v23 =	vor.u32 v33, v23;
	v5 =	vmul.f32 v9, v5;
	v44 =	vld.idx.msk [tilespmem:v44+s14+$0x0], $0xffff  }
0x29f: {  	v58 =	vld.idx.msk [tilespmem:v14+s14+$0x0], $0xffff;
	v49 =	vmul.f32 v16, v11;
	v16 =	vand.u32 $0x7, v25;
	v25 =	vadd.s32 v12, v59  }
0x2a0: {  	v20 =	vadd.s32 v20, v55;
	v14 =	vld [tilespmem:s31+$0xFFFFFC00];
	v12 =	vadd.s32 v12, v63;
	v25 =	vor.u32 v16, v25  }
0x2a1: {  	v34 =	vld.idx.msk [tilespmem:v51+s14+$0x0], $0xffff;
	v12 =	vor.u32 v31, v12;
	v31 =	vand.u32 $0x7, v26;
	v26 =	vand.u32 $0xFFFFFFF8, v26  }
0x2a2: {  	v16 =	vld [tilespmem:s31+$0xFFFFFE00];
	v46 =	vmul.f32 v46, v13;
	v26 =	vadd.s32 v27, v26;
	v27 =	vadd.s32 v29, v61  }
0x2a3: {  	v49 =	vadd.f32 $0.0e+00, v49;
	v27 =	vor.u32 v28, v27;
	v9 =	vor.u32 v31, v26;
	v26 =	vld [tilespmem:s21+$0x600]  }
0x2a4: {  	v4 =	vmul.f32 v18, v4;
	v41 =	vor.u32 v41, v20;
	v55 =	vadd.s32 $0x1, v35;
	v31 =	vld [tilespmem:s21+$0x400]  }
0x2a5: {  	v46 =	vadd.f32 v46, v49;
	v53 =	vmul.f32 v44, v62;
	v44 =	vld [tilespmem:s21+$0xFFFFFE00];
	v45 =	vmul.f32 v58, v14  }
0x2a6: {  	v4 =	vadd.f32 $0.0e+00, v4;
	v56 =	vand.u32 $0xFFFFFFF8, v55;
	v22 =	vmul.f32 v22, v52;
	v25 =	vld.idx.msk [tilespmem:v25+s14+$0x0], $0xffff  }
0x2a7: {  	s22 =	simm.s32 $0x220;
	v50 =	vmul.f32 v43, v17;
	v63 =	vadd.f32 v45, v46;
	v45 =	vmul.f32 v42, v16;
	v46 =	vld [tilespmem:s31+$0x400];
	s31 =	simm.s32 $0x420  }
0x2a8: {  	v28 =	vmov s22;
	v17 =	vmul.f32 v34, v17;
	v29 =	vmov s31;
	v27 =	vld.idx.msk [tilespmem:v27+s14+$0x0], $0xffff  }
0x2a9: {  	v42 =	vand.u32 $0xFFFFFFF8, v31;
	v20 =	vadd.f32 v45, v63;
	v45 =	vand.u32 $0x7, v55;
	v55 =	vld.idx.msk [tilespmem:v9+s14+$0x0], $0xffff  }
0x2aa: {  	s28 =	simm.s32 $0x16C00;
	v23 =	vld.idx.msk [tilespmem:v23+s14+$0x0], $0xffff;
	s31 =	simm.s32 $0x430;
	v29 =	vshll.u32 v29, $0x3;
	v59 =	vadd.s32 $0x1, v44;
	v51 =	vand.u32 $0x7, v44  }
0x2ab: {  	[tilespmem:s28+$0x0] =	vst v21;
	v12 =	vld.idx.msk [tilespmem:v12+s14+$0x0], $0xffff;
	v44 =	vand.u32 $0xFFFFFFF8, v44;
	v21 =	vmov s31;
	v19 =	vadd.f32 v50, v20  }
0x2ac: {  	v29 =	vor.u32 v1, v29;
	v20 =	vor.u32 v60, v24;
	v24 =	vld.idx.msk [tilespmem:v41+s14+$0x0], $0xffff;
	v41 =	vand.u32 $0x7, v26  }
0x2ad: {  	v18 =	vadd.f32 v53, v19;
	v19 =	vmul.f32 v25, v46;
	v27 =	vmul.f32 v27, v13  }
0x2ae: {  	v60 =	vand.u32 $0xFFFFFFF8, v59;
	v13 =	vmul.f32 v30, v16;
	v11 =	vmul.f32 v55, v11  }
0x2af: {  	s6 =	simm.s32 $0x620;
	v19 =	vadd.f32 v19, v18;
	v18 =	vmul.f32 v40, v7;
	v7 =	vadd.f32 v5, v4  }
0x2b0: {  	s7 =	simm.s32 $0x820;
	v4 =	vmul.f32 v23, v52;
	v5 =	vmul.f32 v12, v46;
	v12 =	vmov s6  }
0x2b1: {  	s9 =	simm.s32 $0xA20;
	v23 =	vmov s7;
	v40 =	vand.u32 $0xFFFFFFF8, v26;
	v26 =	vadd.s32 $0x1, v26  }
0x2b2: {  	v6 =	vmul.f32 v24, v62;
	v24 =	vmov s9;
	v12 =	vshll.u32 v12, $0x3  }
0x2b3: {  	s1 =	simm.s32 $0x20;
	v23 =	vshll.u32 v23, $0x3;
	v11 =	vadd.f32 $0.0e+00, v11;
	v25 =	vadd.f32 v22, v19  }
0x2b4: {  	s2 =	simm.s32 $0xC20;
	s3 =	simm.s32 $0xE20;
	v32 =	vld [tilespmem:s21+$0xFFFFF800];
	v19 =	vmul.f32 v39, v8;
	v22 =	vadd.f32 v10, v7;
	v7 =	vmov s1  }
0x2b5: {  	v8 =	vmov s2;
	v10 =	vmov s3;
	v24 =	vshll.u32 v24, $0x3  }
0x2b6: {  	v23 =	vor.u32 v1, v23;
	v38 =	vor.u32 v1, v12;
	v39 =	vand.u32 $0x7, v31  }
0x2b7: {  	v20 =	vld.idx.msk [tilespmem:v20+s14+$0x0], $0xffff;
	v31 =	vadd.s32 $0x1, v31;
	v7 =	vshll.u32 v7, $0x3;
	v8 =	vshll.u32 v8, $0x3  }
0x2b8: {  	v12 =	vld [tilespmem:s21+$0x0];
	v10 =	vshll.u32 v10, $0x3;
	v33 =	vor.u32 v1, v7;
	v7 =	vshll.u32 v28, $0x3  }
0x2b9: {  	v36 =	vor.u32 v1, v8;
	v8 =	vld [tilespmem:s21+$0x200];
	v37 =	vor.u32 v1, v7;
	v7 =	vadd.s32 $0x1, v32  }
0x2ba: {  	v24 =	vor.u32 v1, v24;
	v28 =	vor.u32 v1, v10;
	v10 =	vld [tilespmem:s21+$0xFFFFFC00];
	v54 =	vand.u32 $0xFFFFFFF8, v7  }
0x2bb: {  	v27 =	vadd.f32 v27, v11;
	v7 =	vand.u32 $0x7, v7;
	v43 =	vadd.s32 v33, v54  }
0x2bc: {  	v22 =	vadd.f32 v18, v22;
	v20 =	vmul.f32 v20, v14;
	v7 =	vor.u32 v7, v43  }
0x2bd: {  	v49 =	vand.u32 $0x7, v12;
	v62 =	vadd.s32 $0x1, v12;
	v43 =	vadd.s32 v37, v56  }
0x2be: {  	v53 =	vand.u32 $0xFFFFFFF8, v12;
	v12 =	vand.u32 $0x7, v62;
	v43 =	vor.u32 v45, v43  }
0x2bf: {  	s30 =	simm.s32 $0x5E20;
	v46 =	vand.u32 $0x7, v8;
	v57 =	vadd.s32 $0x1, v10;
	v61 =	vadd.s32 $0x1, v8  }
0x2c0: {  	v58 =	vand.u32 $0xFFFFFFF8, v57;
	v54 =	vand.u32 $0xFFFFFFF8, v61;
	v9 =	vand.u32 $0x7, v61;
	v61 =	vld [tilespmem:s30+$0x200]  }
0x2c1: {  	v45 =	vand.u32 $0xFFFFFFF8, v8;
	v47 =	vand.u32 $0x7, v57;
	v48 =	vadd.s32 v29, v58;
	v52 =	vld.idx.msk [tilespmem:v7+s14+$0x0], $0xffff  }
0x2c2: {  	v8 =	vand.u32 $0x7, v59;
	v47 =	vor.u32 v47, v48;
	v48 =	vadd.s32 v38, v60;
	v7 =	vld [tilespmem:s30+$0xFFFFF800]  }
0x2c3: {  	v56 =	vand.u32 $0x7, v10;
	v48 =	vor.u32 v8, v48;
	v8 =	vand.u32 $0xFFFFFFF8, v62;
	v43 =	vld.idx.msk [tilespmem:v43+s14+$0x0], $0xffff  }
0x2c4: {  	v57 =	vand.u32 $0xFFFFFFF8, v26;
	v58 =	vand.u32 $0xFFFFFFF8, v10;
	v63 =	vadd.s32 v23, v8;
	v8 =	vld [tilespmem:s30+$0xFFFFFA00]  }
0x2c5: {  	v23 =	vadd.s32 v23, v53;
	v53 =	vld [tilespmem:s30+$0x600];
	v50 =	vor.u32 v12, v63;
	v12 =	vadd.s32 v24, v54  }
0x2c6: {  	v10 =	vand.u32 $0x7, v26;
	v57 =	vadd.s32 v28, v57;
	v54 =	vor.u32 v9, v12;
	v9 =	vld [tilespmem:s30+$0xFFFFFC00]  }
0x2c7: {  	v28 =	vadd.s32 v28, v40;
	v60 =	vand.u32 $0x7, v32;
	v12 =	vand.u32 $0xFFFFFFF8, v31;
	v47 =	vld.idx.msk [tilespmem:v47+s14+$0x0], $0xffff  }
0x2c8: {  	v31 =	vand.u32 $0x7, v31;
	v12 =	vadd.s32 v36, v12;
	v52 =	vmul.f32 v52, v7;
	v48 =	vld.idx.msk [tilespmem:v48+s14+$0x0], $0xffff  }
0x2c9: {  	v32 =	vand.u32 $0xFFFFFFF8, v32;
	v28 =	vor.u32 v41, v28;
	v31 =	vor.u32 v31, v12;
	v12 =	vld [tilespmem:s30+$0xFFFFFE00]  }
0x2ca: {  	v24 =	vadd.s32 v24, v45;
	v43 =	vmul.f32 v43, v8;
	v52 =	vadd.f32 $0.0e+00, v52;
	v26 =	vld.idx.msk [tilespmem:v50+s14+$0x0], $0xffff  }
0x2cb: {  	v29 =	vadd.s32 v29, v58;
	v24 =	vor.u32 v46, v24;
	v50 =	vor.u32 v10, v57;
	v10 =	vld [tilespmem:s30+$0x0]  }
0x2cc: {  	v38 =	vadd.s32 v38, v44;
	v63 =	vld [tilespmem:s30+$0x400];
	v43 =	vadd.f32 v43, v52;
	v47 =	vmul.f32 v47, v9  }
0x2cd: {  	v38 =	vor.u32 v51, v38;
	v32 =	vadd.s32 v33, v32;
	v36 =	vadd.s32 v36, v42;
	v59 =	vld.idx.msk [tilespmem:v54+s14+$0x0], $0xffff  }
0x2ce: {  	v28 =	vld.idx.msk [tilespmem:v28+s14+$0x0], $0xffff;
	v36 =	vor.u32 v39, v36;
	v62 =	vmul.f32 v48, v12;
	v43 =	vadd.f32 v47, v43  }
0x2cf: {  	v22 =	vadd.f32 v19, v22;
	v29 =	vor.u32 v56, v29;
	v32 =	vor.u32 v60, v32;
	v31 =	vld.idx.msk [tilespmem:v31+s14+$0x0], $0xffff  }
0x2d0: {  	v57 =	vand.u32 $0xFFFFFFF8, v35;
	v24 =	vld.idx.msk [tilespmem:v24+s14+$0x0], $0xffff;
	v26 =	vmul.f32 v26, v10;
	v48 =	vadd.f32 v62, v43  }
0x2d1: {  	v23 =	vor.u32 v49, v23;
	v35 =	vand.u32 $0x7, v35;
	v57 =	vadd.s32 v37, v57;
	v50 =	vld.idx.msk [tilespmem:v50+s14+$0x0], $0xffff  }
0x2d2: {  	s22 =	simm.s32 $0x230;
	v14 =	vld.idx.msk [tilespmem:v38+s14+$0x0], $0xffff;
	v33 =	vor.u32 v35, v57;
	v54 =	vmul.f32 v59, v61;
	v26 =	vadd.f32 v26, v48  }
0x2d3: {  	v30 =	vmov s22;
	s3 =	simm.s32 $0xC30;
	v19 =	vadd.f32 v20, v27;
	v15 =	vadd.f32 v15, v22;
	v58 =	vld.idx.msk [tilespmem:v36+s14+$0x0], $0xffff  }
0x2d4: {  	s21 =	simm.s32 $0xA30;
	v27 =	vmov s3;
	v16 =	vld.idx.msk [tilespmem:v29+s14+$0x0], $0xffff;
	v31 =	vmul.f32 v31, v63;
	v26 =	vadd.f32 v54, v26  }
0x2d5: {  	s6 =	simm.s32 $0xE30;
	v29 =	vmov s21;
	v22 =	vld.idx.msk [tilespmem:v32+s14+$0x0], $0xffff;
	v32 =	vshll.u32 v27, $0x3;
	v24 =	vmul.f32 v24, v61  }
0x2d6: {  	s7 =	simm.s32 $0x630;
	v18 =	vld.idx.msk [tilespmem:v23+s14+$0x0], $0xffff;
	v61 =	vmov s6;
	v59 =	vmul.f32 v50, v53;
	v26 =	vadd.f32 v31, v26  }
0x2d7: {  	v11 =	vmul.f32 v28, v53;
	v62 =	vmov s7;
	s7 =	simm.s32 $0x3E30;
	v20 =	vld.idx.msk [tilespmem:v33+s14+$0x0], $0xffff;
	v35 =	vshll.u32 v61, $0x3  }
0x2d8: {  	s29 =	simm.s32 $0x16C10;
	s9 =	simm.s32 $0x830;
	s2 =	simm.s32 $0x30;
	v28 =	vld [tilespmem:s7+$0x600];
	v33 =	vshll.u32 v21, $0x3;
	v23 =	vmul.f32 v58, v63;
	v60 =	vadd.f32 v59, v26  }
0x2d9: {  	[tilespmem:s29+$0x0] =	vst v25;
	v63 =	vmov s9;
	v31 =	vshll.u32 v29, $0x3;
	v29 =	vld [tilespmem:s7+$0x400];
	v26 =	vmov s2;
	s2 =	simm.s32 $0x16C20  }
0x2da: {  	s0 =	simm.s32 $0x16C20;
	s22 =	simm.s32 $0x40;
	v25 =	vld [tilespmem:s7+$0xFFFFF800];
	v34 =	vshll.u32 v62, $0x3;
	v36 =	vshll.u32 v63, $0x3;
	v26 =	vshll.u32 v26, $0x3;
	[tilespmem:s2+$0x0] =	vst v60  }
.LBB2_15:
0x2db: {  	p0 =	slt.u32 s22, $0x1F0;
	v27 =	vor.u32 v1, v26;
	v30 =	vshll.u32 v30, $0x3;
	v37 =	vld [tilespmem:s7+$0x200];
	v35 =	vor.u32 v1, v35;
	v21 =	vmovc v5;
	v5 =	vmovc v23  }
0x2dc: {  	v36 =	vor.u32 v1, v36;
	v31 =	vor.u32 v1, v31;
	v32 =	vor.u32 v1, v32;
	v26 =	vmovc v6;
	v38 =	vld [tilespmem:s7+$0xFFFFFA00]  }
0x2dd: {  	v6 =	vmovc v24;
	v23 =	vor.u32 v1, v30;
	v30 =	vor.u32 v1, v33;
	v33 =	vor.u32 v1, v34  }
0x2de: {  	v39 =	vand.u32 $0xFFFFFFF8, v28;
	v40 =	vand.u32 $0x7, v28;
	v24 =	vld [tilespmem:s7+$0xFFFFFC00];
	v34 =	vand.u32 $0x7, v29  }
0x2df: {  	v28 =	vadd.s32 $0x1, v28;
	v43 =	vand.u32 $0xFFFFFFF8, v29;
	v41 =	vadd.s32 $0x1, v25;
	v42 =	vld [tilespmem:s7+$0x0]  }
0x2e0: {  	v29 =	vadd.s32 $0x1, v29;
	v44 =	vand.u32 $0xFFFFFFF8, v41;
	v45 =	vld [tilespmem:s7+$0xFFFFFE00];
	v46 =	vand.u32 $0x7, v37  }
0x2e1: {  	v41 =	vand.u32 $0x7, v41;
	v44 =	vadd.s32 v27, v44;
	v47 =	vadd.s32 $0x1, v38  }
0x2e2: {  	v48 =	vand.u32 $0xFFFFFFF8, v37;
	v41 =	vor.u32 v41, v44;
	v44 =	vand.u32 $0xFFFFFFF8, v47  }
0x2e3: {  	v47 =	vand.u32 $0x7, v47;
	v44 =	vadd.s32 v23, v44;
	v49 =	vadd.s32 $0x1, v24  }
0x2e4: {  	v44 =	vor.u32 v47, v44;
	v47 =	vand.u32 $0xFFFFFFF8, v49;
	v50 =	vand.u32 $0x7, v42  }
0x2e5: {  	v49 =	vand.u32 $0x7, v49;
	v47 =	vadd.s32 v30, v47;
	v51 =	vadd.s32 $0x1, v45  }
0x2e6: {  	v37 =	vadd.s32 $0x1, v37;
	v47 =	vor.u32 v49, v47;
	v49 =	vand.u32 $0xFFFFFFF8, v51  }
0x2e7: {  	s30 =	sadd.s32 $0x10, s30;
	v52 =	vadd.s32 $0x1, v42;
	v51 =	vand.u32 $0x7, v51;
	v41 =	vld.idx.msk [tilespmem:v41+s14+$0x0], $0xffff;
	v49 =	vadd.s32 v33, v49  }
0x2e8: {  	v42 =	vand.u32 $0xFFFFFFF8, v42;
	v53 =	vld [tilespmem:s30+$0xFFFFF800];
	v49 =	vor.u32 v51, v49;
	v51 =	vand.u32 $0xFFFFFFF8, v52  }
0x2e9: {  	v54 =	vand.u32 $0x7, v45;
	v52 =	vand.u32 $0x7, v52;
	v44 =	vld.idx.msk [tilespmem:v44+s14+$0x0], $0xffff;
	v51 =	vadd.s32 v36, v51  }
0x2ea: {  	v45 =	vand.u32 $0xFFFFFFF8, v45;
	v55 =	vld [tilespmem:s30+$0xFFFFFA00];
	v51 =	vor.u32 v52, v51;
	v52 =	vand.u32 $0xFFFFFFF8, v37  }
0x2eb: {  	v56 =	vand.u32 $0x7, v24;
	v37 =	vand.u32 $0x7, v37;
	v47 =	vld.idx.msk [tilespmem:v47+s14+$0x0], $0xffff;
	v52 =	vadd.s32 v31, v52  }
0x2ec: {  	v24 =	vand.u32 $0xFFFFFFF8, v24;
	v57 =	vld [tilespmem:s30+$0xFFFFFC00];
	v37 =	vor.u32 v37, v52;
	v52 =	vand.u32 $0xFFFFFFF8, v29  }
0x2ed: {  	v29 =	vand.u32 $0x7, v29;
	v41 =	vmul.f32 v41, v53;
	v49 =	vld.idx.msk [tilespmem:v49+s14+$0x0], $0xffff;
	v52 =	vadd.s32 v32, v52  }
0x2ee: {  	v58 =	vld [tilespmem:s30+$0xFFFFFE00];
	v29 =	vor.u32 v29, v52;
	v52 =	vand.u32 $0xFFFFFFF8, v28;
	v28 =	vand.u32 $0x7, v28  }
0x2ef: {  	v41 =	vadd.f32 $0.0e+00, v41;
	v44 =	vmul.f32 v44, v55;
	v51 =	vld.idx.msk [tilespmem:v51+s14+$0x0], $0xffff;
	v52 =	vadd.s32 v35, v52  }
0x2f0: {  	v59 =	vand.u32 $0xFFFFFFF8, v38;
	v38 =	vand.u32 $0x7, v38;
	v60 =	vld [tilespmem:s30+$0x0];
	v28 =	vor.u32 v28, v52  }
0x2f1: {  	v52 =	vand.u32 $0x7, v25;
	v41 =	vadd.f32 v44, v41;
	v44 =	vmul.f32 v47, v57;
	v37 =	vld.idx.msk [tilespmem:v37+s14+$0x0], $0xffff  }
0x2f2: {  	v32 =	vadd.s32 v32, v43;
	v35 =	vadd.s32 v35, v39;
	v25 =	vand.u32 $0xFFFFFFF8, v25;
	v47 =	vld [tilespmem:s30+$0x200]  }
0x2f3: {  	v35 =	vor.u32 v40, v35;
	v39 =	vadd.f32 v44, v41;
	v41 =	vmul.f32 v49, v58;
	v29 =	vld.idx.msk [tilespmem:v29+s14+$0x0], $0xffff  }
0x2f4: {  	v36 =	vadd.s32 v36, v42;
	v31 =	vadd.s32 v31, v48;
	v32 =	vor.u32 v34, v32;
	v40 =	vld [tilespmem:s30+$0x400]  }
0x2f5: {  	v31 =	vor.u32 v46, v31;
	v34 =	vadd.f32 v41, v39;
	v39 =	vmul.f32 v51, v60;
	v28 =	vld.idx.msk [tilespmem:v28+s14+$0x0], $0xffff  }
0x2f6: {  	v24 =	vadd.s32 v30, v24;
	v30 =	vadd.s32 v33, v45;
	v33 =	vor.u32 v50, v36;
	v36 =	vld [tilespmem:s30+$0x600]  }
0x2f7: {  	v30 =	vor.u32 v54, v30;
	v34 =	vadd.f32 v39, v34;
	v37 =	vmul.f32 v37, v47  }
0x2f8: {  	v23 =	vadd.s32 v23, v59;
	v24 =	vor.u32 v56, v24;
	v25 =	vadd.s32 v27, v25;
	v27 =	vld.idx.msk [tilespmem:v35+s14+$0x0], $0xffff  }
0x2f9: {  	v23 =	vor.u32 v38, v23;
	v34 =	vadd.f32 v37, v34;
	v32 =	vld.idx.msk [tilespmem:v32+s14+$0x0], $0xffff;
	v29 =	vmul.f32 v29, v40  }
0x2fa: {  	v8 =	vmul.f32 v20, v8;
	v25 =	vor.u32 v52, v25;
	v35 =	vmul.f32 v22, v7;
	v31 =	vld.idx.msk [tilespmem:v31+s14+$0x0], $0xffff  }
0x2fb: {  	v9 =	vmul.f32 v16, v9;
	v33 =	vld.idx.msk [tilespmem:v33+s14+$0x0], $0xffff;
	v20 =	vadd.f32 v29, v34;
	v22 =	vmul.f32 v28, v36  }
0x2fc: {  	v19 =	vadd.f32 v13, v19;
	v13 =	vmul.f32 v14, v12;
	v7 =	vmovc v53;
	v28 =	vadd.f32 $0.0e+00, v35;
	v14 =	vld.idx.msk [tilespmem:v30+s14+$0x0], $0xffff  }
0x2fd: {  	v3 =	vadd.f32 v3, v15;
	v29 =	vmul.f32 v18, v10;
	v16 =	vld.idx.msk [tilespmem:v24+s14+$0x0], $0xffff;
	v12 =	vadd.f32 v22, v20  }
0x2fe: {  	s2 =	sadd.s32 $0x10, s2;
	v15 =	vadd.f32 v17, v19;
	v27 =	vmul.f32 v27, v36;
	v10 =	vadd.f32 v8, v28;
	v20 =	vld.idx.msk [tilespmem:v23+s14+$0x0], $0xffff  }
0x2ff: {  	v2 =	vadd.f32 v2, v3;
	v8 =	vmov v55;
	v23 =	vmul.f32 v32, v40;
	v22 =	vld.idx.msk [tilespmem:v25+s14+$0x0], $0xffff;
	[tilespmem:s2+$0x0] =	vst v12  }
0x300: {  	s1 =	sadd.s32 $0xC00, s22;
	s3 =	sadd.s32 $0xE00, s22;
	s6 =	sadd.s32 $0x600, s22;
	v15 =	vadd.f32 v26, v15;
	v24 =	vmul.f32 v31, v47;
	v19 =	vadd.f32 v9, v10;
	v9 =	vmovc v57  }
.Ltmp6:
0x301: {  	s9 =	sadd.s32 $0x800, s22;
	s21 =	sadd.s32 $0xA00, s22;
	v3 =	vmov s22;
	v34 =	vmov s3;
	v25 =	vmov s1;
	[tilespmem:s28+$0xFFFFFE00] =	vst v2;
	(pc) =	sbr.rel @p0 .LBB2_15-.Ltmp6, $4  }
0x302: {  	s7 =	sadd.s32 $0x10, s7;
	v38 =	vmov s21;
	v37 =	vmov s9;
	s3 =	sadd.s32 $0x400, s22;
	v36 =	vmov s6;
	s1 =	sadd.s32 $0x200, s22;
	v12 =	vmovc v58;
	v10 =	vmovc v60  }
0x303: {  	v26 =	vshll.u32 v3, $0x3;
	v39 =	vmov s3;
	v17 =	vmovc v29;
	v30 =	vmov s1;
	v18 =	vmovc v33;
	s28 =	smov.u32 s29;
	s29 =	smov.u32 s0;
	s0 =	smov.u32 s2;
	v28 =	vld [tilespmem:s7+$0x600]  }
0x304: {  	v35 =	vshll.u32 v34, $0x3;
	v31 =	vshll.u32 v38, $0x3;
	v32 =	vshll.u32 v25, $0x3;
	v2 =	vmovc v4;
	v4 =	vmovc v11;
	v29 =	vld [tilespmem:s7+$0x400]  }
0x305: {  	v3 =	vmovc v21;
	v34 =	vshll.u32 v36, $0x3;
	v36 =	vshll.u32 v37, $0x3;
	s22 =	sadd.s32 $0x10, s22;
	v33 =	vshll.u32 v39, $0x3;
	v11 =	vmovc v27;
	v25 =	vld [tilespmem:s7+$0xFFFFF800]  }
0x306: {  	v21 =	vor.u32 v1, v26;
	v57 =	vshll.u32 v30, $0x3;
	v27 =	vld [tilespmem:s7+$0x200];
	v30 =	vor.u32 v1, v35  }
0x307: {  	v35 =	vld [tilespmem:s7+$0xFFFFFA00];
	v36 =	vor.u32 v1, v36;
	v31 =	vor.u32 v1, v31;
	v32 =	vor.u32 v1, v32  }
0x308: {  	v33 =	vor.u32 v1, v33;
	v34 =	vor.u32 v1, v34;
	v37 =	vld [tilespmem:s7+$0xFFFFFC00];
	v7 =	vmul.f32 v22, v7  }
0x309: {  	v44 =	vld [tilespmem:s7+$0xFFFFFE00];
	v8 =	vmul.f32 v20, v8;
	v9 =	vmul.f32 v16, v9;
	v26 =	vor.u32 v1, v57  }
0x30a: {  	v46 =	vld [tilespmem:s7+$0x0];
	v39 =	vand.u32 $0xFFFFFFF8, v28;
	v40 =	vand.u32 $0x7, v28;
	v38 =	vand.u32 $0x7, v29  }
0x30b: {  	v42 =	vand.u32 $0xFFFFFFF8, v29;
	v29 =	vadd.s32 $0x1, v29;
	v41 =	vadd.s32 $0x1, v25  }
0x30c: {  	v28 =	vadd.s32 $0x1, v28;
	v63 =	vand.u32 $0xFFFFFFF8, v29;
	v43 =	vand.u32 $0xFFFFFFF8, v41  }
0x30d: {  	v45 =	vand.u32 $0x7, v27;
	v41 =	vand.u32 $0x7, v41;
	v47 =	vadd.s32 $0x1, v35  }
0x30e: {  	v48 =	vadd.s32 $0x1, v37;
	v49 =	vand.u32 $0xFFFFFFF8, v27;
	v50 =	vadd.s32 $0x1, v44  }
0x30f: {  	v52 =	vadd.s32 $0x1, v46;
	v27 =	vadd.s32 $0x1, v27;
	v54 =	vand.u32 $0xFFFFFFF8, v44  }
0x310: {  	v56 =	vand.u32 $0x7, v37;
	v37 =	vand.u32 $0xFFFFFFF8, v37;
	v43 =	vadd.s32 v21, v43  }
0x311: {  	v58 =	vand.u32 $0xFFFFFFF8, v47;
	v47 =	vand.u32 $0x7, v47;
	v59 =	vand.u32 $0xFFFFFFF8, v48  }
0x312: {  	v48 =	vand.u32 $0x7, v48;
	v60 =	vand.u32 $0xFFFFFFF8, v50;
	v50 =	vand.u32 $0x7, v50  }
0x313: {  	v61 =	vand.u32 $0xFFFFFFF8, v52;
	v52 =	vand.u32 $0x7, v52;
	v62 =	vand.u32 $0xFFFFFFF8, v27  }
0x314: {  	s22 =	sadd.s32 $0x10, s30;
	v41 =	vor.u32 v41, v43;
	v43 =	vadd.s32 v26, v58;
	v58 =	vand.u32 $0xFFFFFFF8, v25  }
0x315: {  	v53 =	vld [tilespmem:s22+$0xFFFFF800];
	v43 =	vor.u32 v47, v43;
	v47 =	vadd.s32 v33, v59;
	v21 =	vadd.s32 v21, v58  }
0x316: {  	v55 =	vld [tilespmem:s22+$0xFFFFFA00];
	v33 =	vadd.s32 v33, v37;
	v47 =	vor.u32 v48, v47;
	v48 =	vadd.s32 v34, v60  }
0x317: {  	v57 =	vld [tilespmem:s22+$0xFFFFFC00];
	v60 =	vand.u32 $0x7, v25;
	v33 =	vor.u32 v56, v33;
	v56 =	vand.u32 $0x7, v44  }
0x318: {  	v58 =	vld [tilespmem:s22+$0xFFFFFE00];
	v48 =	vor.u32 v50, v48;
	v50 =	vadd.s32 v36, v61;
	v61 =	vand.u32 $0xFFFFFFF8, v35  }
0x319: {  	v44 =	vld [tilespmem:s22+$0x600];
	v21 =	vor.u32 v60, v21;
	v35 =	vand.u32 $0x7, v35;
	v50 =	vor.u32 v52, v50  }
0x31a: {  	v52 =	vadd.s32 v31, v62;
	v62 =	vand.u32 $0xFFFFFFF8, v28;
	v26 =	vadd.s32 v26, v61;
	v41 =	vld.idx.msk [tilespmem:v41+s14+$0x0], $0xffff  }
0x31b: {  	v27 =	vand.u32 $0x7, v27;
	v26 =	vor.u32 v35, v26;
	v25 =	vadd.s32 v30, v62;
	v62 =	vld [tilespmem:s22+$0x400]  }
0x31c: {  	v29 =	vand.u32 $0x7, v29;
	v27 =	vor.u32 v27, v52;
	v52 =	vadd.s32 v32, v63;
	v43 =	vld.idx.msk [tilespmem:v43+s14+$0x0], $0xffff  }
0x31d: {  	v12 =	vmul.f32 v14, v12;
	v51 =	vand.u32 $0x7, v46;
	v29 =	vor.u32 v29, v52;
	v52 =	vld [tilespmem:s22+$0x0]  }
0x31e: {  	v46 =	vand.u32 $0xFFFFFFF8, v46;
	v59 =	vadd.s32 v34, v54;
	v28 =	vand.u32 $0x7, v28;
	v21 =	vld.idx.msk [tilespmem:v21+s14+$0x0], $0xffff  }
0x31f: {  	v36 =	vadd.s32 v36, v46;
	v25 =	vor.u32 v28, v25;
	v28 =	vor.u32 v56, v59;
	v47 =	vld.idx.msk [tilespmem:v47+s14+$0x0], $0xffff  }
0x320: {  	v10 =	vmul.f32 v18, v10;
	v36 =	vor.u32 v51, v36;
	v41 =	vmul.f32 v41, v53;
	v26 =	vld.idx.msk [tilespmem:v26+s14+$0x0], $0xffff  }
0x321: {  	v3 =	vadd.f32 v3, v15;
	v7 =	vadd.f32 $0.0e+00, v7;
	v30 =	vadd.s32 v30, v39;
	v39 =	vld.idx.msk [tilespmem:v33+s14+$0x0], $0xffff  }
0x322: {  	v31 =	vadd.s32 v31, v49;
	v48 =	vld.idx.msk [tilespmem:v48+s14+$0x0], $0xffff;
	v43 =	vmul.f32 v43, v55;
	v41 =	vadd.f32 $0.0e+00, v41  }
0x323: {  	v32 =	vadd.s32 v32, v42;
	v31 =	vor.u32 v45, v31;
	v50 =	vld.idx.msk [tilespmem:v50+s14+$0x0], $0xffff;
	v21 =	vmul.f32 v21, v53  }
0x324: {  	v7 =	vadd.f32 v8, v7;
	v32 =	vor.u32 v38, v32;
	v63 =	vadd.f32 v43, v41;
	v43 =	vld.idx.msk [tilespmem:v28+s14+$0x0], $0xffff  }
0x325: {  	v45 =	vld.idx.msk [tilespmem:v36+s14+$0x0], $0xffff;
	v47 =	vmul.f32 v47, v57;
	v26 =	vmul.f32 v26, v55;
	v21 =	vadd.f32 $0.0e+00, v21  }
0x326: {  	v2 =	vadd.f32 v2, v3;
	v7 =	vadd.f32 v9, v7;
	v46 =	vor.u32 v40, v30;
	v27 =	vld.idx.msk [tilespmem:v27+s14+$0x0], $0xffff  }
0x327: {  	v41 =	vld [tilespmem:s22+$0x200];
	v60 =	vadd.f32 v47, v63;
	v47 =	vmul.f32 v39, v57;
	v21 =	vadd.f32 v26, v21  }
0x328: {  	v7 =	vadd.f32 v12, v7;
	v61 =	vmul.f32 v48, v58;
	v48 =	vld.idx.msk [tilespmem:v31+s14+$0x0], $0xffff;
	v63 =	vmul.f32 v50, v52  }
0x329: {  	v29 =	vld.idx.msk [tilespmem:v29+s14+$0x0], $0xffff;
	v50 =	vadd.f32 v13, v19;
	v51 =	vmul.f32 v43, v58;
	v53 =	vadd.f32 v47, v21  }
0x32a: {  	v7 =	vadd.f32 v10, v7;
	v54 =	vld.idx.msk [tilespmem:v32+s14+$0x0], $0xffff;
	v34 =	vadd.f32 v61, v60  }
0x32b: {  	v25 =	vld.idx.msk [tilespmem:v25+s14+$0x0], $0xffff;
	v56 =	vmul.f32 v45, v52;
	v9 =	vadd.f32 v17, v50;
	v13 =	vadd.f32 v51, v53  }
0x32c: {  	v7 =	vadd.f32 v24, v7;
	v8 =	vld.idx.msk [tilespmem:v46+s14+$0x0], $0xffff;
	v27 =	vmul.f32 v27, v41;
	v42 =	vadd.f32 v63, v34  }
0x32d: {  	v58 =	vmul.f32 v48, v41;
	v6 =	vadd.f32 v6, v9;
	v59 =	vadd.f32 v56, v13  }
0x32e: {  	v3 =	vadd.f32 v23, v7;
	v29 =	vmul.f32 v29, v62;
	v27 =	vadd.f32 v27, v42  }
0x32f: {  	v60 =	vmul.f32 v54, v62;
	v5 =	vadd.f32 v5, v6;
	v61 =	vadd.f32 v58, v59  }
0x330: {  	s25 =	sadd.s32 $0x1, s25;
	[tilespmem:s28+$0xFFFFFE00] =	vst v2;
	v2 =	vadd.f32 v11, v3;
	v55 =	vmul.f32 v25, v44;
	v49 =	vadd.f32 v29, v27  }
0x331: {  	p0 =	sne.s32 s25, $0x10;
	v62 =	vmul.f32 v8, v44;
	v4 =	vadd.f32 v4, v5;
	v63 =	vadd.f32 v60, v61  }
.Ltmp7:
0x332: {  	s30 =	sshll.u32 s26, $0x13;
	[tilespmem:s0+$0xFFFFFE00] =	vst v2;
	v57 =	vadd.f32 v55, v49;
	(pc) =	sbr.rel @p0 .LBB2_5-.Ltmp7, $4  }
0x333: {  	s1 =	sadd.s32 $0x10, s2;
	s2 =	sadd.s32 s24, s30;
	[tilespmem:s29+$0xFFFFFE00] =	vst v4;
	v3 =	vadd.f32 v62, v63  }
0x334: {  	s31 =	sshrl.u32 s2, $0x3;
	[tilespmem:s1+$0x0] =	vst v57  }
0x335: {  	s0 =	sadd.s32 s5, s31;
	[tilespmem:s1+$0xFFFFFE00] =	vst v3  }
0x336: {  	[hbm4b:s0+s16] =	stream.strided.scatter [tilespmem:s20], [sflag:$0x4], $0x400, s8, s16, $0x38;
	[tilespmem:$0x16E00] =	vst v63  }
0x337: {  	s0 =	simm.s32 $0x3;
	s23 =	sadd.s32 $0x1, s23  }
0x338: {  	_ =	swait.ge [sflag:s0], $0x400;
	p0 =	sne.s32 s23, $0x10  }
.Ltmp8:
0x339: {  	[sflag:s0] =	ssyncset.done $0x0;
	(pc) =	sbr.rel @p0 .LBB2_2-.Ltmp8, $4  }
0x33a: {  	[sflag:s0] =	ssyncadd.s32 $0xFFFFFC00  }
0x33b: {  	_ =	swait.ge [sflag:s18], $0x400  }
0x33c: {  	[sflag:s18] =	ssyncset.done $0x0  }
0x33d: {  	[sflag:s18] =	ssyncadd.s32 $0xFFFFFC00  }
0x33e: {  	s1 =	rddreg [dreg:$0x5]  }
0x33f: {  	s0 =	rddreg [dreg:$0x4];
	s1 =	sadd.s32 $0x1, s1  }
0x340: {  	p0 =	sne.s32 s1, s0  }
.Ltmp9:
0x341: {  	_ = 	snop;
	(pc) =	sbr.rel @p0 .LBB2_1-.Ltmp9, $1  }
0x342: {  	_ =	sdelay $0x3  }
0x343: {  	_ =	sfence.sel $0x180000  }
0x344: {  	[bflag:$0x0] =	sbarrier.arrive $0xFFFF  }
0x345: {  	_ =	strace $0x9000004A  }
0x346: {  	s0 =	stileid.u32;
	[bflag:$0x2] =	sbarrier.arrive $0xFFFF  }
0x347: {  	p0 =	sne.s32 s0, $0x0;
	s0 =	rddreg [dreg:$0x1]  }
0x348: {  	s0 =	sadd.s32 @!p0 $0x100000, s0  }
0x349: {  	[sflag:s0] =	ssyncadd.tile.s32 @!p0 $0x1;
	_ =	shalt  }
.Lfunc_end2:
_tile_overlayer_lowered:
.L_overlay_start_2:
0x34a: {  	(tag) =	ssettag $0x2  }
0x34b: {  	s0 =	rddreg [dreg:$0x0];
	s2 =	stileid.u32  }
0x34c: {  	s1 =	rddreg [dreg:$0x1];
	p0 =	sne.s32 s2, $0x0  }
0x34d: {  	s3 =	rddreg [dreg:$0x2];
	[bflag:$0x3] =	sbarrier.arrive $0xFFFF;
	s2 =	simm.s32 @!p0 $0x1C05  }
0x34e: {  	[timem:s3], [sflag:s2] =	dma.local @!p0 [hbm:s0], s1  }
0x34f: {  	s0 =	simm.s32 @!p0 $0x5  }
0x350: {  	_ =	swait.ge @!p0 [sflag:s0], s1  }
0x351: {  	s1 =	ssub.s32 @!p0 $0x0, s1;
	[sflag:s0] =	ssyncset.done @!p0 $0x0  }
0x352: {  	[sflag:s0] =	ssyncadd.s32 @!p0 s1  }
0x353: {  	[bflag:$0x3] =	sbarrier.arrive $0xFFFF  }
0x354: {  	_ =	shalt  }

</sc_bundles>
